<compile_context>
chip_gen: v7x
topology: tpu7x:2x2x1
jax: 0.10.2.dev20260603
libtpu: 0.0.44.dev20260713+nightly
codegen_flags: <defaults>
</compile_context>

<pallas_src>
import jax
import jax.numpy as jnp
from jax import lax
from jax.experimental import pallas as pl
from jax.experimental.pallas import tpu as pltpu
from jax.experimental.pallas import tpu_sc as plsc

_B = 1024
_S = 26
_D = 1000
_K0 = 504
_NC = 2
_NS = 16
_NW = _NC * _NS
_IT = _B // 128
_NU = _S * _IT
_UPW = -(-_NU // _NW)
_L = 16
_GR = 128 // _L
_HALF = ((0, _K0), (_K0, _D - _K0))


def _sc_body(xt_hbm, out_hbm, idx_v, buf0, buf1, isem, sem0, sem1):
    bufs = (buf0, buf1)
    sems = (sem0, sem1)
    wid = lax.axis_index("s") * _NC + lax.axis_index("c")

    def unit(u):
        uid = wid + _NW * u
        return uid, uid // _IT, lax.rem(uid, _IT)

    for u in range(_UPW):
        uid, j, it = unit(u)

        @pl.when(uid < _NU)
        def _prefetch():
            pltpu.async_copy(
                xt_hbm.at[j, pl.ds(it * 128, 128)],
                idx_v.at[pl.ds(u * 128, 128)],
                isem,
            )

    lanes = lax.iota(jnp.int32, _L)
    zeros16 = jnp.zeros((_L,), jnp.float32)
    ones16 = jnp.ones((_L,), jnp.float32)

    def zero_half(h):
        def zrow(r, c):
            for g in range(_GR):
                bufs[h][r, pl.ds(g * _L, _L)] = zeros16
            return c

        lax.fori_loop(0, _HALF[h][1], zrow, 0)

    def drain_idx():
        for u in range(_UPW):
            uid, j, it = unit(u)

            @pl.when(uid < _NU)
            def _drain_idx():
                pltpu.make_async_copy(
                    xt_hbm.at[j, pl.ds(it * 128, 128)],
                    idx_v.at[pl.ds(u * 128, 128)],
                    isem,
                ).wait()

    def scatter(h, u, val16):
        k0, nk = _HALF[h]
        for g in range(_GR):
            xv = idx_v[pl.ds(u * 128 + g * _L, _L)]
            row = xv - k0
            mask = (xv >= k0) & (xv < k0 + nk)
            plsc.store_scatter(bufs[h], [row, g * _L + lanes], val16, mask=mask)

    def dst(h, j, it):
        k0, nk = _HALF[h]
        return out_hbm.at[j, pl.ds(k0, nk), pl.ds(it * 128, 128)]

    zero_half(0)
    drain_idx()
    uid0, j0, it0 = unit(0)
    scatter(0, 0, ones16)
    pltpu.async_copy(bufs[0], dst(0, j0, it0), sems[0])
    zero_half(1)
    scatter(1, 0, ones16)
    pltpu.async_copy(bufs[1], dst(1, j0, it0), sems[1])

    for u in range(1, _UPW):
        uid, j, it = unit(u)

        @pl.when(uid < _NU)
        def _do_unit():
            for h in range(2):
                puid, pj, pit = unit(u - 1)
                pltpu.make_async_copy(
                    bufs[h], dst(h, pj, pit), sems[h]
                ).wait()
                scatter(h, u - 1, zeros16)
                scatter(h, u, ones16)
                pltpu.async_copy(bufs[h], dst(h, j, it), sems[h])

    for u in (_UPW - 2, _UPW - 1):
        uid, j, it = unit(u)
        nxt = unit(u + 1)[0] if u + 1 < _UPW else _NU

        @pl.when((uid < _NU) & (nxt >= _NU))
        def _drain(j=j, it=it):
            for h in range(2):
                pltpu.make_async_copy(bufs[h], dst(h, j, it), sems[h]).wait()


def _one_hot(xt):
    mesh = plsc.VectorSubcoreMesh(core_axis_name="c", subcore_axis_name="s")
    f = pl.kernel(
        _sc_body,
        out_type=jax.ShapeDtypeStruct((_S, _D, _B), jnp.float32),
        mesh=mesh,
        scratch_types=[
            pltpu.VMEM((_UPW * 128,), jnp.int32),
            pltpu.VMEM((_HALF[0][1], 128), jnp.float32),
            pltpu.VMEM((_HALF[1][1], 128), jnp.float32),
            pltpu.SemaphoreType.DMA,
            pltpu.SemaphoreType.DMA,
            pltpu.SemaphoreType.DMA,
        ],
        compiler_params=pltpu.CompilerParams(
            needs_layout_passes=False,
            skip_device_barrier=True,
            disable_semaphore_checks=True,
        ),
    )
    return f(xt)


def kernel(x, ones):
    xt = jnp.transpose(x.astype(jnp.int32))
    out3 = _one_hot(xt)
    return jnp.transpose(out3, (2, 0, 1))

# --- scband reference (transcript-rebuilt; emitter-appended) ---
"""Pipeline reference for scband-one-hot-11038065951541 (READ-ONLY COPY).

The authoritative reference and input builder live on the scoring server;
editing this copy changes nothing except your own understanding.
"""

import jax, jax.numpy as jnp
import numpy as np

def setup_inputs(seed: int = 0) -> dict:
    key = jax.random.key(seed)
    k1, _ = jax.random.split(key)
    depth = 1000
    x = jax.random.randint(k1, (1024, 26), 0, depth, dtype=jnp.int64)
    ones = jnp.eye(depth, dtype=jnp.float32)
    return {"x": x, "ones": ones}

def reference(x, ones):
    depth = ones.shape[0]
    flat = x.reshape(-1)
    gathered = jnp.take(ones, flat, axis=0)
    return gathered.reshape(x.shape + (depth,))

if __name__ == "__main__":
    import jax
    _d = setup_inputs()
    print(jax.jit(kernel)(*tuple(_d.values())))

</pallas_src>

<mosaic_0001>
#map = affine_map<(d0, d1) -> (0, 0)>
#map1 = affine_map<(d0, d1) -> (0, 0, 0)>
module attributes {stable_mosaic.version = 14 : i64} {
  func.func @_sc_body(%arg0: i32, %arg1: i32, %arg2: memref<26x1024xi32, #tpu.memory_space<hbm>>, %arg3: memref<26x1000x1024xf32, #tpu.memory_space<hbm>>, %arg4: memref<896xi32, #tpu.memory_space<vmem>>, %arg5: memref<504x128xf32, #tpu.memory_space<vmem>>, %arg6: memref<496x128xf32, #tpu.memory_space<vmem>>, %arg7: memref<!tpu.dma_semaphore, #tpu.memory_space<semaphore_mem>>, %arg8: memref<!tpu.dma_semaphore, #tpu.memory_space<semaphore_mem>>, %arg9: memref<!tpu.dma_semaphore, #tpu.memory_space<semaphore_mem>>) attributes {dimension_semantics = [#tpu.dimension_semantics<core_parallel>, #tpu.dimension_semantics<subcore_parallel>], iteration_bounds = array<i64: 2, 16>, scalar_prefetch = 0 : i64, scratch_operands = 6 : i64, tpu.core_type = #tpu.core_type<sc_vector_subcore>, window_params = [{transform_indices = #map}, {transform_indices = #map1}]} {
    %mul3A = arith.constant 2 : i32
    %mul3A_0 = arith.muli %arg1, %mul3A : i32
    %add3A = arith.addi %mul3A_0, %arg0 : i32
    %add3A_1 = arith.constant 0 : i32
    %add3A_2 = arith.addi %add3A, %add3A_1 : i32
    %jit3A = arith.constant 8 : i32
    %div3A = arith.divsi %add3A_2, %jit3A : i32
    %sign3A = arith.constant 0 : i32
    %sign3A_3 = arith.cmpi sgt, %add3A_2, %sign3A : i32
    %sign3A_4 = arith.extui %sign3A_3 : i1 to i32
    %sign3A_5 = arith.constant 0 : i32
    %sign3A_6 = arith.cmpi slt, %add3A_2, %sign3A_5 : i32
    %sign3A_7 = arith.extui %sign3A_6 : i1 to i32
    %sign3A_8 = arith.subi %sign3A_4, %sign3A_7 : i32
    %sign3A_9 = arith.constant 0 : i32
    %sign3A_10 = arith.cmpi sgt, %jit3A, %sign3A_9 : i32
    %sign3A_11 = arith.extui %sign3A_10 : i1 to i32
    %sign3A_12 = arith.constant 0 : i32
    %sign3A_13 = arith.cmpi slt, %jit3A, %sign3A_12 : i32
    %sign3A_14 = arith.extui %sign3A_13 : i1 to i32
    %sign3A_15 = arith.subi %sign3A_11, %sign3A_14 : i32
    %ne3A = arith.cmpi ne, %sign3A_8, %sign3A_15 : i32
    %rem3A = arith.remsi %add3A_2, %jit3A : i32
    %ne3A_16 = arith.constant 0 : i32
    %ne3A_17 = arith.cmpi ne, %rem3A, %ne3A_16 : i32
    %and3A = arith.andi %ne3A, %ne3A_17 : i1
    %sub3A = arith.constant 1 : i32
    %sub3A_18 = arith.subi %div3A, %sub3A : i32
    %select_n3A = arith.select %and3A, %sub3A_18, %div3A : i32
    %rem3A_19 = arith.constant 8 : i32
    %rem3A_20 = arith.remsi %add3A_2, %rem3A_19 : i32
    %lt3A = arith.constant 208 : i32
    %lt3A_21 = arith.cmpi slt, %add3A_2, %lt3A : i32
    %convert_element_type3A = arith.extui %lt3A_21 : i1 to i32
    %cond3A = arith.constant 0 : i32
    %cond3A_22 = arith.cmpi ne, %convert_element_type3A, %cond3A : i32
    scf.if %cond3A_22 {
      %mul3A_1044 = arith.constant 128 : i32
      %mul3A_1045 = arith.muli %rem3A_20, %mul3A_1044 : i32
      %dma_start3A_1046 = arith.constant 0 : i32
      %dma_start3A_1047 = tpu.memref_slice %arg4[%dma_start3A_1046] : memref<896xi32, #tpu.memory_space<vmem>> -> memref<128xi32, #tpu.memory_space<vmem>>
      %dma_start3A_1048 = tpu.memref_slice %arg2[%select_n3A, %mul3A_1045] : memref<26x1024xi32, #tpu.memory_space<hbm>> -> memref<1x128xi32, #tpu.memory_space<hbm>>
      %dma_start3A_1049 = tpu.memref_squeeze %dma_start3A_1048 : memref<1x128xi32, #tpu.memory_space<hbm>> -> memref<128xi32, #tpu.memory_space<hbm>>
      %dma_start3A_1050 = arith.constant 0 : i32
      %dma_start3A_1051 = tpu.memref_slice %arg4[%dma_start3A_1050] : memref<896xi32, #tpu.memory_space<vmem>> -> memref<128xi32, #tpu.memory_space<vmem>>
      %dma_start3A_1052 = tpu.memref_slice %arg2[%select_n3A, %mul3A_1045] : memref<26x1024xi32, #tpu.memory_space<hbm>> -> memref<1x128xi32, #tpu.memory_space<hbm>>
      %dma_start3A_1053 = tpu.memref_squeeze %dma_start3A_1052 : memref<1x128xi32, #tpu.memory_space<hbm>> -> memref<128xi32, #tpu.memory_space<hbm>>
      tpu.enqueue_dma source(%dma_start3A_1053 : memref<128xi32, #tpu.memory_space<hbm>>) target(%dma_start3A_1051 : memref<128xi32, #tpu.memory_space<vmem>>) target_semaphore(%arg7 : memref<!tpu.dma_semaphore, #tpu.memory_space<semaphore_mem>>)
    } else {
    }
    %add3A_23 = arith.constant 32 : i32
    %add3A_24 = arith.addi %add3A, %add3A_23 : i32
    %jit3A_25 = arith.constant 8 : i32
    %div3A_26 = arith.divsi %add3A_24, %jit3A_25 : i32
    %sign3A_27 = arith.constant 0 : i32
    %sign3A_28 = arith.cmpi sgt, %add3A_24, %sign3A_27 : i32
    %sign3A_29 = arith.extui %sign3A_28 : i1 to i32
    %sign3A_30 = arith.constant 0 : i32
    %sign3A_31 = arith.cmpi slt, %add3A_24, %sign3A_30 : i32
    %sign3A_32 = arith.extui %sign3A_31 : i1 to i32
    %sign3A_33 = arith.subi %sign3A_29, %sign3A_32 : i32
    %sign3A_34 = arith.constant 0 : i32
    %sign3A_35 = arith.cmpi sgt, %jit3A_25, %sign3A_34 : i32
    %sign3A_36 = arith.extui %sign3A_35 : i1 to i32
    %sign3A_37 = arith.constant 0 : i32
    %sign3A_38 = arith.cmpi slt, %jit3A_25, %sign3A_37 : i32
    %sign3A_39 = arith.extui %sign3A_38 : i1 to i32
    %sign3A_40 = arith.subi %sign3A_36, %sign3A_39 : i32
    %ne3A_41 = arith.cmpi ne, %sign3A_33, %sign3A_40 : i32
    %rem3A_42 = arith.remsi %add3A_24, %jit3A_25 : i32
    %ne3A_43 = arith.constant 0 : i32
    %ne3A_44 = arith.cmpi ne, %rem3A_42, %ne3A_43 : i32
    %and3A_45 = arith.andi %ne3A_41, %ne3A_44 : i1
    %sub3A_46 = arith.constant 1 : i32
    %sub3A_47 = arith.subi %div3A_26, %sub3A_46 : i32
    %select_n3A_48 = arith.select %and3A_45, %sub3A_47, %div3A_26 : i32
    %rem3A_49 = arith.constant 8 : i32
    %rem3A_50 = arith.remsi %add3A_24, %rem3A_49 : i32
    %lt3A_51 = arith.constant 208 : i32
    %lt3A_52 = arith.cmpi slt, %add3A_24, %lt3A_51 : i32
    %convert_element_type3A_53 = arith.extui %lt3A_52 : i1 to i32
    %cond3A_54 = arith.constant 0 : i32
    %cond3A_55 = arith.cmpi ne, %convert_element_type3A_53, %cond3A_54 : i32
    scf.if %cond3A_55 {
      %mul3A_1044 = arith.constant 128 : i32
      %mul3A_1045 = arith.muli %rem3A_50, %mul3A_1044 : i32
      %dma_start3A_1046 = arith.constant 128 : i32
      %dma_start3A_1047 = tpu.memref_slice %arg4[%dma_start3A_1046] : memref<896xi32, #tpu.memory_space<vmem>> -> memref<128xi32, #tpu.memory_space<vmem>>
      %dma_start3A_1048 = tpu.memref_slice %arg2[%select_n3A_48, %mul3A_1045] : memref<26x1024xi32, #tpu.memory_space<hbm>> -> memref<1x128xi32, #tpu.memory_space<hbm>>
      %dma_start3A_1049 = tpu.memref_squeeze %dma_start3A_1048 : memref<1x128xi32, #tpu.memory_space<hbm>> -> memref<128xi32, #tpu.memory_space<hbm>>
      %dma_start3A_1050 = arith.constant 128 : i32
      %dma_start3A_1051 = tpu.memref_slice %arg4[%dma_start3A_1050] : memref<896xi32, #tpu.memory_space<vmem>> -> memref<128xi32, #tpu.memory_space<vmem>>
      %dma_start3A_1052 = tpu.memref_slice %arg2[%select_n3A_48, %mul3A_1045] : memref<26x1024xi32, #tpu.memory_space<hbm>> -> memref<1x128xi32, #tpu.memory_space<hbm>>
      %dma_start3A_1053 = tpu.memref_squeeze %dma_start3A_1052 : memref<1x128xi32, #tpu.memory_space<hbm>> -> memref<128xi32, #tpu.memory_space<hbm>>
      tpu.enqueue_dma source(%dma_start3A_1053 : memref<128xi32, #tpu.memory_space<hbm>>) target(%dma_start3A_1051 : memref<128xi32, #tpu.memory_space<vmem>>) target_semaphore(%arg7 : memref<!tpu.dma_semaphore, #tpu.memory_space<semaphore_mem>>)
    } else {
    }
    %add3A_56 = arith.constant 64 : i32
    %add3A_57 = arith.addi %add3A, %add3A_56 : i32
    %jit3A_58 = arith.constant 8 : i32
    %div3A_59 = arith.divsi %add3A_57, %jit3A_58 : i32
    %sign3A_60 = arith.constant 0 : i32
    %sign3A_61 = arith.cmpi sgt, %add3A_57, %sign3A_60 : i32
    %sign3A_62 = arith.extui %sign3A_61 : i1 to i32
    %sign3A_63 = arith.constant 0 : i32
    %sign3A_64 = arith.cmpi slt, %add3A_57, %sign3A_63 : i32
    %sign3A_65 = arith.extui %sign3A_64 : i1 to i32
    %sign3A_66 = arith.subi %sign3A_62, %sign3A_65 : i32
    %sign3A_67 = arith.constant 0 : i32
    %sign3A_68 = arith.cmpi sgt, %jit3A_58, %sign3A_67 : i32
    %sign3A_69 = arith.extui %sign3A_68 : i1 to i32
    %sign3A_70 = arith.constant 0 : i32
    %sign3A_71 = arith.cmpi slt, %jit3A_58, %sign3A_70 : i32
    %sign3A_72 = arith.extui %sign3A_71 : i1 to i32
    %sign3A_73 = arith.subi %sign3A_69, %sign3A_72 : i32
    %ne3A_74 = arith.cmpi ne, %sign3A_66, %sign3A_73 : i32
    %rem3A_75 = arith.remsi %add3A_57, %jit3A_58 : i32
    %ne3A_76 = arith.constant 0 : i32
    %ne3A_77 = arith.cmpi ne, %rem3A_75, %ne3A_76 : i32
    %and3A_78 = arith.andi %ne3A_74, %ne3A_77 : i1
    %sub3A_79 = arith.constant 1 : i32
    %sub3A_80 = arith.subi %div3A_59, %sub3A_79 : i32
    %select_n3A_81 = arith.select %and3A_78, %sub3A_80, %div3A_59 : i32
    %rem3A_82 = arith.constant 8 : i32
    %rem3A_83 = arith.remsi %add3A_57, %rem3A_82 : i32
    %lt3A_84 = arith.constant 208 : i32
    %lt3A_85 = arith.cmpi slt, %add3A_57, %lt3A_84 : i32
    %convert_element_type3A_86 = arith.extui %lt3A_85 : i1 to i32
    %cond3A_87 = arith.constant 0 : i32
    %cond3A_88 = arith.cmpi ne, %convert_element_type3A_86, %cond3A_87 : i32
    scf.if %cond3A_88 {
      %mul3A_1044 = arith.constant 128 : i32
      %mul3A_1045 = arith.muli %rem3A_83, %mul3A_1044 : i32
      %dma_start3A_1046 = arith.constant 256 : i32
      %dma_start3A_1047 = tpu.memref_slice %arg4[%dma_start3A_1046] : memref<896xi32, #tpu.memory_space<vmem>> -> memref<128xi32, #tpu.memory_space<vmem>>
      %dma_start3A_1048 = tpu.memref_slice %arg2[%select_n3A_81, %mul3A_1045] : memref<26x1024xi32, #tpu.memory_space<hbm>> -> memref<1x128xi32, #tpu.memory_space<hbm>>
      %dma_start3A_1049 = tpu.memref_squeeze %dma_start3A_1048 : memref<1x128xi32, #tpu.memory_space<hbm>> -> memref<128xi32, #tpu.memory_space<hbm>>
      %dma_start3A_1050 = arith.constant 256 : i32
      %dma_start3A_1051 = tpu.memref_slice %arg4[%dma_start3A_1050] : memref<896xi32, #tpu.memory_space<vmem>> -> memref<128xi32, #tpu.memory_space<vmem>>
      %dma_start3A_1052 = tpu.memref_slice %arg2[%select_n3A_81, %mul3A_1045] : memref<26x1024xi32, #tpu.memory_space<hbm>> -> memref<1x128xi32, #tpu.memory_space<hbm>>
      %dma_start3A_1053 = tpu.memref_squeeze %dma_start3A_1052 : memref<1x128xi32, #tpu.memory_space<hbm>> -> memref<128xi32, #tpu.memory_space<hbm>>
      tpu.enqueue_dma source(%dma_start3A_1053 : memref<128xi32, #tpu.memory_space<hbm>>) target(%dma_start3A_1051 : memref<128xi32, #tpu.memory_space<vmem>>) target_semaphore(%arg7 : memref<!tpu.dma_semaphore, #tpu.memory_space<semaphore_mem>>)
    } else {
    }
    %add3A_89 = arith.constant 96 : i32
    %add3A_90 = arith.addi %add3A, %add3A_89 : i32
    %jit3A_91 = arith.constant 8 : i32
    %div3A_92 = arith.divsi %add3A_90, %jit3A_91 : i32
    %sign3A_93 = arith.constant 0 : i32
    %sign3A_94 = arith.cmpi sgt, %add3A_90, %sign3A_93 : i32
    %sign3A_95 = arith.extui %sign3A_94 : i1 to i32
    %sign3A_96 = arith.constant 0 : i32
    %sign3A_97 = arith.cmpi slt, %add3A_90, %sign3A_96 : i32
    %sign3A_98 = arith.extui %sign3A_97 : i1 to i32
    %sign3A_99 = arith.subi %sign3A_95, %sign3A_98 : i32
    %sign3A_100 = arith.constant 0 : i32
    %sign3A_101 = arith.cmpi sgt, %jit3A_91, %sign3A_100 : i32
    %sign3A_102 = arith.extui %sign3A_101 : i1 to i32
    %sign3A_103 = arith.constant 0 : i32
    %sign3A_104 = arith.cmpi slt, %jit3A_91, %sign3A_103 : i32
    %sign3A_105 = arith.extui %sign3A_104 : i1 to i32
    %sign3A_106 = arith.subi %sign3A_102, %sign3A_105 : i32
    %ne3A_107 = arith.cmpi ne, %sign3A_99, %sign3A_106 : i32
    %rem3A_108 = arith.remsi %add3A_90, %jit3A_91 : i32
    %ne3A_109 = arith.constant 0 : i32
    %ne3A_110 = arith.cmpi ne, %rem3A_108, %ne3A_109 : i32
    %and3A_111 = arith.andi %ne3A_107, %ne3A_110 : i1
    %sub3A_112 = arith.constant 1 : i32
    %sub3A_113 = arith.subi %div3A_92, %sub3A_112 : i32
    %select_n3A_114 = arith.select %and3A_111, %sub3A_113, %div3A_92 : i32
    %rem3A_115 = arith.constant 8 : i32
    %rem3A_116 = arith.remsi %add3A_90, %rem3A_115 : i32
    %lt3A_117 = arith.constant 208 : i32
    %lt3A_118 = arith.cmpi slt, %add3A_90, %lt3A_117 : i32
    %convert_element_type3A_119 = arith.extui %lt3A_118 : i1 to i32
    %cond3A_120 = arith.constant 0 : i32
    %cond3A_121 = arith.cmpi ne, %convert_element_type3A_119, %cond3A_120 : i32
    scf.if %cond3A_121 {
      %mul3A_1044 = arith.constant 128 : i32
      %mul3A_1045 = arith.muli %rem3A_116, %mul3A_1044 : i32
      %dma_start3A_1046 = arith.constant 384 : i32
      %dma_start3A_1047 = tpu.memref_slice %arg4[%dma_start3A_1046] : memref<896xi32, #tpu.memory_space<vmem>> -> memref<128xi32, #tpu.memory_space<vmem>>
      %dma_start3A_1048 = tpu.memref_slice %arg2[%select_n3A_114, %mul3A_1045] : memref<26x1024xi32, #tpu.memory_space<hbm>> -> memref<1x128xi32, #tpu.memory_space<hbm>>
      %dma_start3A_1049 = tpu.memref_squeeze %dma_start3A_1048 : memref<1x128xi32, #tpu.memory_space<hbm>> -> memref<128xi32, #tpu.memory_space<hbm>>
      %dma_start3A_1050 = arith.constant 384 : i32
      %dma_start3A_1051 = tpu.memref_slice %arg4[%dma_start3A_1050] : memref<896xi32, #tpu.memory_space<vmem>> -> memref<128xi32, #tpu.memory_space<vmem>>
      %dma_start3A_1052 = tpu.memref_slice %arg2[%select_n3A_114, %mul3A_1045] : memref<26x1024xi32, #tpu.memory_space<hbm>> -> memref<1x128xi32, #tpu.memory_space<hbm>>
      %dma_start3A_1053 = tpu.memref_squeeze %dma_start3A_1052 : memref<1x128xi32, #tpu.memory_space<hbm>> -> memref<128xi32, #tpu.memory_space<hbm>>
      tpu.enqueue_dma source(%dma_start3A_1053 : memref<128xi32, #tpu.memory_space<hbm>>) target(%dma_start3A_1051 : memref<128xi32, #tpu.memory_space<vmem>>) target_semaphore(%arg7 : memref<!tpu.dma_semaphore, #tpu.memory_space<semaphore_mem>>)
    } else {
    }
    %add3A_122 = arith.constant 128 : i32
    %add3A_123 = arith.addi %add3A, %add3A_122 : i32
    %jit3A_124 = arith.constant 8 : i32
    %div3A_125 = arith.divsi %add3A_123, %jit3A_124 : i32
    %sign3A_126 = arith.constant 0 : i32
    %sign3A_127 = arith.cmpi sgt, %add3A_123, %sign3A_126 : i32
    %sign3A_128 = arith.extui %sign3A_127 : i1 to i32
    %sign3A_129 = arith.constant 0 : i32
    %sign3A_130 = arith.cmpi slt, %add3A_123, %sign3A_129 : i32
    %sign3A_131 = arith.extui %sign3A_130 : i1 to i32
    %sign3A_132 = arith.subi %sign3A_128, %sign3A_131 : i32
    %sign3A_133 = arith.constant 0 : i32
    %sign3A_134 = arith.cmpi sgt, %jit3A_124, %sign3A_133 : i32
    %sign3A_135 = arith.extui %sign3A_134 : i1 to i32
    %sign3A_136 = arith.constant 0 : i32
    %sign3A_137 = arith.cmpi slt, %jit3A_124, %sign3A_136 : i32
    %sign3A_138 = arith.extui %sign3A_137 : i1 to i32
    %sign3A_139 = arith.subi %sign3A_135, %sign3A_138 : i32
    %ne3A_140 = arith.cmpi ne, %sign3A_132, %sign3A_139 : i32
    %rem3A_141 = arith.remsi %add3A_123, %jit3A_124 : i32
    %ne3A_142 = arith.constant 0 : i32
    %ne3A_143 = arith.cmpi ne, %rem3A_141, %ne3A_142 : i32
    %and3A_144 = arith.andi %ne3A_140, %ne3A_143 : i1
    %sub3A_145 = arith.constant 1 : i32
    %sub3A_146 = arith.subi %div3A_125, %sub3A_145 : i32
    %select_n3A_147 = arith.select %and3A_144, %sub3A_146, %div3A_125 : i32
    %rem3A_148 = arith.constant 8 : i32
    %rem3A_149 = arith.remsi %add3A_123, %rem3A_148 : i32
    %lt3A_150 = arith.constant 208 : i32
    %lt3A_151 = arith.cmpi slt, %add3A_123, %lt3A_150 : i32
    %convert_element_type3A_152 = arith.extui %lt3A_151 : i1 to i32
    %cond3A_153 = arith.constant 0 : i32
    %cond3A_154 = arith.cmpi ne, %convert_element_type3A_152, %cond3A_153 : i32
    scf.if %cond3A_154 {
      %mul3A_1044 = arith.constant 128 : i32
      %mul3A_1045 = arith.muli %rem3A_149, %mul3A_1044 : i32
      %dma_start3A_1046 = arith.constant 512 : i32
      %dma_start3A_1047 = tpu.memref_slice %arg4[%dma_start3A_1046] : memref<896xi32, #tpu.memory_space<vmem>> -> memref<128xi32, #tpu.memory_space<vmem>>
      %dma_start3A_1048 = tpu.memref_slice %arg2[%select_n3A_147, %mul3A_1045] : memref<26x1024xi32, #tpu.memory_space<hbm>> -> memref<1x128xi32, #tpu.memory_space<hbm>>
      %dma_start3A_1049 = tpu.memref_squeeze %dma_start3A_1048 : memref<1x128xi32, #tpu.memory_space<hbm>> -> memref<128xi32, #tpu.memory_space<hbm>>
      %dma_start3A_1050 = arith.constant 512 : i32
      %dma_start3A_1051 = tpu.memref_slice %arg4[%dma_start3A_1050] : memref<896xi32, #tpu.memory_space<vmem>> -> memref<128xi32, #tpu.memory_space<vmem>>
      %dma_start3A_1052 = tpu.memref_slice %arg2[%select_n3A_147, %mul3A_1045] : memref<26x1024xi32, #tpu.memory_space<hbm>> -> memref<1x128xi32, #tpu.memory_space<hbm>>
      %dma_start3A_1053 = tpu.memref_squeeze %dma_start3A_1052 : memref<1x128xi32, #tpu.memory_space<hbm>> -> memref<128xi32, #tpu.memory_space<hbm>>
      tpu.enqueue_dma source(%dma_start3A_1053 : memref<128xi32, #tpu.memory_space<hbm>>) target(%dma_start3A_1051 : memref<128xi32, #tpu.memory_space<vmem>>) target_semaphore(%arg7 : memref<!tpu.dma_semaphore, #tpu.memory_space<semaphore_mem>>)
    } else {
    }
    %add3A_155 = arith.constant 160 : i32
    %add3A_156 = arith.addi %add3A, %add3A_155 : i32
    %jit3A_157 = arith.constant 8 : i32
    %div3A_158 = arith.divsi %add3A_156, %jit3A_157 : i32
    %sign3A_159 = arith.constant 0 : i32
    %sign3A_160 = arith.cmpi sgt, %add3A_156, %sign3A_159 : i32
    %sign3A_161 = arith.extui %sign3A_160 : i1 to i32
    %sign3A_162 = arith.constant 0 : i32
    %sign3A_163 = arith.cmpi slt, %add3A_156, %sign3A_162 : i32
    %sign3A_164 = arith.extui %sign3A_163 : i1 to i32
    %sign3A_165 = arith.subi %sign3A_161, %sign3A_164 : i32
    %sign3A_166 = arith.constant 0 : i32
    %sign3A_167 = arith.cmpi sgt, %jit3A_157, %sign3A_166 : i32
    %sign3A_168 = arith.extui %sign3A_167 : i1 to i32
    %sign3A_169 = arith.constant 0 : i32
    %sign3A_170 = arith.cmpi slt, %jit3A_157, %sign3A_169 : i32
    %sign3A_171 = arith.extui %sign3A_170 : i1 to i32
    %sign3A_172 = arith.subi %sign3A_168, %sign3A_171 : i32
    %ne3A_173 = arith.cmpi ne, %sign3A_165, %sign3A_172 : i32
    %rem3A_174 = arith.remsi %add3A_156, %jit3A_157 : i32
    %ne3A_175 = arith.constant 0 : i32
    %ne3A_176 = arith.cmpi ne, %rem3A_174, %ne3A_175 : i32
    %and3A_177 = arith.andi %ne3A_173, %ne3A_176 : i1
    %sub3A_178 = arith.constant 1 : i32
    %sub3A_179 = arith.subi %div3A_158, %sub3A_178 : i32
    %select_n3A_180 = arith.select %and3A_177, %sub3A_179, %div3A_158 : i32
    %rem3A_181 = arith.constant 8 : i32
    %rem3A_182 = arith.remsi %add3A_156, %rem3A_181 : i32
    %lt3A_183 = arith.constant 208 : i32
    %lt3A_184 = arith.cmpi slt, %add3A_156, %lt3A_183 : i32
    %convert_element_type3A_185 = arith.extui %lt3A_184 : i1 to i32
    %cond3A_186 = arith.constant 0 : i32
    %cond3A_187 = arith.cmpi ne, %convert_element_type3A_185, %cond3A_186 : i32
    scf.if %cond3A_187 {
      %mul3A_1044 = arith.constant 128 : i32
      %mul3A_1045 = arith.muli %rem3A_182, %mul3A_1044 : i32
      %dma_start3A_1046 = arith.constant 640 : i32
      %dma_start3A_1047 = tpu.memref_slice %arg4[%dma_start3A_1046] : memref<896xi32, #tpu.memory_space<vmem>> -> memref<128xi32, #tpu.memory_space<vmem>>
      %dma_start3A_1048 = tpu.memref_slice %arg2[%select_n3A_180, %mul3A_1045] : memref<26x1024xi32, #tpu.memory_space<hbm>> -> memref<1x128xi32, #tpu.memory_space<hbm>>
      %dma_start3A_1049 = tpu.memref_squeeze %dma_start3A_1048 : memref<1x128xi32, #tpu.memory_space<hbm>> -> memref<128xi32, #tpu.memory_space<hbm>>
      %dma_start3A_1050 = arith.constant 640 : i32
      %dma_start3A_1051 = tpu.memref_slice %arg4[%dma_start3A_1050] : memref<896xi32, #tpu.memory_space<vmem>> -> memref<128xi32, #tpu.memory_space<vmem>>
      %dma_start3A_1052 = tpu.memref_slice %arg2[%select_n3A_180, %mul3A_1045] : memref<26x1024xi32, #tpu.memory_space<hbm>> -> memref<1x128xi32, #tpu.memory_space<hbm>>
      %dma_start3A_1053 = tpu.memref_squeeze %dma_start3A_1052 : memref<1x128xi32, #tpu.memory_space<hbm>> -> memref<128xi32, #tpu.memory_space<hbm>>
      tpu.enqueue_dma source(%dma_start3A_1053 : memref<128xi32, #tpu.memory_space<hbm>>) target(%dma_start3A_1051 : memref<128xi32, #tpu.memory_space<vmem>>) target_semaphore(%arg7 : memref<!tpu.dma_semaphore, #tpu.memory_space<semaphore_mem>>)
    } else {
    }
    %add3A_188 = arith.constant 192 : i32
    %add3A_189 = arith.addi %add3A, %add3A_188 : i32
    %jit3A_190 = arith.constant 8 : i32
    %div3A_191 = arith.divsi %add3A_189, %jit3A_190 : i32
    %sign3A_192 = arith.constant 0 : i32
    %sign3A_193 = arith.cmpi sgt, %add3A_189, %sign3A_192 : i32
    %sign3A_194 = arith.extui %sign3A_193 : i1 to i32
    %sign3A_195 = arith.constant 0 : i32
    %sign3A_196 = arith.cmpi slt, %add3A_189, %sign3A_195 : i32
    %sign3A_197 = arith.extui %sign3A_196 : i1 to i32
    %sign3A_198 = arith.subi %sign3A_194, %sign3A_197 : i32
    %sign3A_199 = arith.constant 0 : i32
    %sign3A_200 = arith.cmpi sgt, %jit3A_190, %sign3A_199 : i32
    %sign3A_201 = arith.extui %sign3A_200 : i1 to i32
    %sign3A_202 = arith.constant 0 : i32
    %sign3A_203 = arith.cmpi slt, %jit3A_190, %sign3A_202 : i32
    %sign3A_204 = arith.extui %sign3A_203 : i1 to i32
    %sign3A_205 = arith.subi %sign3A_201, %sign3A_204 : i32
    %ne3A_206 = arith.cmpi ne, %sign3A_198, %sign3A_205 : i32
    %rem3A_207 = arith.remsi %add3A_189, %jit3A_190 : i32
    %ne3A_208 = arith.constant 0 : i32
    %ne3A_209 = arith.cmpi ne, %rem3A_207, %ne3A_208 : i32
    %and3A_210 = arith.andi %ne3A_206, %ne3A_209 : i1
    %sub3A_211 = arith.constant 1 : i32
    %sub3A_212 = arith.subi %div3A_191, %sub3A_211 : i32
    %select_n3A_213 = arith.select %and3A_210, %sub3A_212, %div3A_191 : i32
    %rem3A_214 = arith.constant 8 : i32
    %rem3A_215 = arith.remsi %add3A_189, %rem3A_214 : i32
    %lt3A_216 = arith.constant 208 : i32
    %lt3A_217 = arith.cmpi slt, %add3A_189, %lt3A_216 : i32
    %convert_element_type3A_218 = arith.extui %lt3A_217 : i1 to i32
    %cond3A_219 = arith.constant 0 : i32
    %cond3A_220 = arith.cmpi ne, %convert_element_type3A_218, %cond3A_219 : i32
    scf.if %cond3A_220 {
      %mul3A_1044 = arith.constant 128 : i32
      %mul3A_1045 = arith.muli %rem3A_215, %mul3A_1044 : i32
      %dma_start3A_1046 = arith.constant 768 : i32
      %dma_start3A_1047 = tpu.memref_slice %arg4[%dma_start3A_1046] : memref<896xi32, #tpu.memory_space<vmem>> -> memref<128xi32, #tpu.memory_space<vmem>>
      %dma_start3A_1048 = tpu.memref_slice %arg2[%select_n3A_213, %mul3A_1045] : memref<26x1024xi32, #tpu.memory_space<hbm>> -> memref<1x128xi32, #tpu.memory_space<hbm>>
      %dma_start3A_1049 = tpu.memref_squeeze %dma_start3A_1048 : memref<1x128xi32, #tpu.memory_space<hbm>> -> memref<128xi32, #tpu.memory_space<hbm>>
      %dma_start3A_1050 = arith.constant 768 : i32
      %dma_start3A_1051 = tpu.memref_slice %arg4[%dma_start3A_1050] : memref<896xi32, #tpu.memory_space<vmem>> -> memref<128xi32, #tpu.memory_space<vmem>>
      %dma_start3A_1052 = tpu.memref_slice %arg2[%select_n3A_213, %mul3A_1045] : memref<26x1024xi32, #tpu.memory_space<hbm>> -> memref<1x128xi32, #tpu.memory_space<hbm>>
      %dma_start3A_1053 = tpu.memref_squeeze %dma_start3A_1052 : memref<1x128xi32, #tpu.memory_space<hbm>> -> memref<128xi32, #tpu.memory_space<hbm>>
      tpu.enqueue_dma source(%dma_start3A_1053 : memref<128xi32, #tpu.memory_space<hbm>>) target(%dma_start3A_1051 : memref<128xi32, #tpu.memory_space<vmem>>) target_semaphore(%arg7 : memref<!tpu.dma_semaphore, #tpu.memory_space<semaphore_mem>>)
    } else {
    }
    %iota3A = tpu.iota {dimensions = array<i32: 0>} : vector<16xi32>
    %broadcast_in_dim3A = arith.constant 0.000000e+00 : f32
    %broadcast_in_dim3A_221 = vector.broadcast %broadcast_in_dim3A : f32 to vector<16xf32>
    %broadcast_in_dim3A_222 = arith.constant 1.000000e+00 : f32
    %broadcast_in_dim3A_223 = vector.broadcast %broadcast_in_dim3A_222 : f32 to vector<16xf32>
    %scan3A = arith.constant 0 : i32
    %scan3A_224 = arith.constant 0 : i32
    %scan3A_225 = arith.constant 504 : i32
    %scan3A_226 = arith.addi %scan3A_224, %scan3A_225 : i32
    %scan3A_227 = arith.constant 1 : i32
    scf.for %scan3A_1044 = %scan3A_224 to %scan3A_226 step %scan3A_227  : i32 {
      %swap3A = arith.index_cast %scan3A_1044 : i32 to index
      %swap3A_1045 = arith.constant 0 : index
      %swap3A_1046 = tpu.vector_load %arg5[%swap3A, %swap3A_1045] {strides = array<i32>} : memref<504x128xf32, #tpu.memory_space<vmem>>, vector<16xf32>,
      tpu.vector_store %arg5[%swap3A, %swap3A_1045], %broadcast_in_dim3A_221 {strides = array<i32>} : memref<504x128xf32, #tpu.memory_space<vmem>>, vector<16xf32>,
      %swap3A_1047 = arith.index_cast %scan3A_1044 : i32 to index
      %swap3A_1048 = arith.constant 16 : index
      %swap3A_1049 = tpu.vector_load %arg5[%swap3A_1047, %swap3A_1048] {strides = array<i32>} : memref<504x128xf32, #tpu.memory_space<vmem>>, vector<16xf32>,
      tpu.vector_store %arg5[%swap3A_1047, %swap3A_1048], %broadcast_in_dim3A_221 {strides = array<i32>} : memref<504x128xf32, #tpu.memory_space<vmem>>, vector<16xf32>,
      %swap3A_1050 = arith.index_cast %scan3A_1044 : i32 to index
      %swap3A_1051 = arith.constant 32 : index
      %swap3A_1052 = tpu.vector_load %arg5[%swap3A_1050, %swap3A_1051] {strides = array<i32>} : memref<504x128xf32, #tpu.memory_space<vmem>>, vector<16xf32>,
      tpu.vector_store %arg5[%swap3A_1050, %swap3A_1051], %broadcast_in_dim3A_221 {strides = array<i32>} : memref<504x128xf32, #tpu.memory_space<vmem>>, vector<16xf32>,
      %swap3A_1053 = arith.index_cast %scan3A_1044 : i32 to index
      %swap3A_1054 = arith.constant 48 : index
      %swap3A_1055 = tpu.vector_load %arg5[%swap3A_1053, %swap3A_1054] {strides = array<i32>} : memref<504x128xf32, #tpu.memory_space<vmem>>, vector<16xf32>,
      tpu.vector_store %arg5[%swap3A_1053, %swap3A_1054], %broadcast_in_dim3A_221 {strides = array<i32>} : memref<504x128xf32, #tpu.memory_space<vmem>>, vector<16xf32>,
      %swap3A_1056 = arith.index_cast %scan3A_1044 : i32 to index
      %swap3A_1057 = arith.constant 64 : index
      %swap3A_1058 = tpu.vector_load %arg5[%swap3A_1056, %swap3A_1057] {strides = array<i32>} : memref<504x128xf32, #tpu.memory_space<vmem>>, vector<16xf32>,
      tpu.vector_store %arg5[%swap3A_1056, %swap3A_1057], %broadcast_in_dim3A_221 {strides = array<i32>} : memref<504x128xf32, #tpu.memory_space<vmem>>, vector<16xf32>,
      %swap3A_1059 = arith.index_cast %scan3A_1044 : i32 to index
      %swap3A_1060 = arith.constant 80 : index
      %swap3A_1061 = tpu.vector_load %arg5[%swap3A_1059, %swap3A_1060] {strides = array<i32>} : memref<504x128xf32, #tpu.memory_space<vmem>>, vector<16xf32>,
      tpu.vector_store %arg5[%swap3A_1059, %swap3A_1060], %broadcast_in_dim3A_221 {strides = array<i32>} : memref<504x128xf32, #tpu.memory_space<vmem>>, vector<16xf32>,
      %swap3A_1062 = arith.index_cast %scan3A_1044 : i32 to index
      %swap3A_1063 = arith.constant 96 : index
      %swap3A_1064 = tpu.vector_load %arg5[%swap3A_1062, %swap3A_1063] {strides = array<i32>} : memref<504x128xf32, #tpu.memory_space<vmem>>, vector<16xf32>,
      tpu.vector_store %arg5[%swap3A_1062, %swap3A_1063], %broadcast_in_dim3A_221 {strides = array<i32>} : memref<504x128xf32, #tpu.memory_space<vmem>>, vector<16xf32>,
      %swap3A_1065 = arith.index_cast %scan3A_1044 : i32 to index
      %swap3A_1066 = arith.constant 112 : index
      %swap3A_1067 = tpu.vector_load %arg5[%swap3A_1065, %swap3A_1066] {strides = array<i32>} : memref<504x128xf32, #tpu.memory_space<vmem>>, vector<16xf32>,
      tpu.vector_store %arg5[%swap3A_1065, %swap3A_1066], %broadcast_in_dim3A_221 {strides = array<i32>} : memref<504x128xf32, #tpu.memory_space<vmem>>, vector<16xf32>,
    }
    %scan3A_228 = arith.constant 504 : i32
    %add3A_229 = arith.constant 0 : i32
    %add3A_230 = arith.addi %add3A, %add3A_229 : i32
    %jit3A_231 = arith.constant 8 : i32
    %div3A_232 = arith.divsi %add3A_230, %jit3A_231 : i32
    %sign3A_233 = arith.constant 0 : i32
    %sign3A_234 = arith.cmpi sgt, %add3A_230, %sign3A_233 : i32
    %sign3A_235 = arith.extui %sign3A_234 : i1 to i32
    %sign3A_236 = arith.constant 0 : i32
    %sign3A_237 = arith.cmpi slt, %add3A_230, %sign3A_236 : i32
    %sign3A_238 = arith.extui %sign3A_237 : i1 to i32
    %sign3A_239 = arith.subi %sign3A_235, %sign3A_238 : i32
    %sign3A_240 = arith.constant 0 : i32
    %sign3A_241 = arith.cmpi sgt, %jit3A_231, %sign3A_240 : i32
    %sign3A_242 = arith.extui %sign3A_241 : i1 to i32
    %sign3A_243 = arith.constant 0 : i32
    %sign3A_244 = arith.cmpi slt, %jit3A_231, %sign3A_243 : i32
    %sign3A_245 = arith.extui %sign3A_244 : i1 to i32
    %sign3A_246 = arith.subi %sign3A_242, %sign3A_245 : i32
    %ne3A_247 = arith.cmpi ne, %sign3A_239, %sign3A_246 : i32
    %rem3A_248 = arith.remsi %add3A_230, %jit3A_231 : i32
    %ne3A_249 = arith.constant 0 : i32
    %ne3A_250 = arith.cmpi ne, %rem3A_248, %ne3A_249 : i32
    %and3A_251 = arith.andi %ne3A_247, %ne3A_250 : i1
    %sub3A_252 = arith.constant 1 : i32
    %sub3A_253 = arith.subi %div3A_232, %sub3A_252 : i32
    %select_n3A_254 = arith.select %and3A_251, %sub3A_253, %div3A_232 : i32
    %rem3A_255 = arith.constant 8 : i32
    %rem3A_256 = arith.remsi %add3A_230, %rem3A_255 : i32
    %lt3A_257 = arith.constant 208 : i32
    %lt3A_258 = arith.cmpi slt, %add3A_230, %lt3A_257 : i32
    %convert_element_type3A_259 = arith.extui %lt3A_258 : i1 to i32
    %cond3A_260 = arith.constant 0 : i32
    %cond3A_261 = arith.cmpi ne, %convert_element_type3A_259, %cond3A_260 : i32
    scf.if %cond3A_261 {
      %mul3A_1044 = arith.constant 128 : i32
      %mul3A_1045 = arith.muli %rem3A_256, %mul3A_1044 : i32
      %dma_wait3A = arith.constant 0 : i32
      %dma_wait3A_1046 = tpu.memref_slice %arg4[%dma_wait3A] : memref<896xi32, #tpu.memory_space<vmem>> -> memref<128xi32, #tpu.memory_space<vmem>>
      %dma_wait3A_1047 = tpu.memref_slice %arg2[%select_n3A_254, %mul3A_1045] : memref<26x1024xi32, #tpu.memory_space<hbm>> -> memref<1x128xi32, #tpu.memory_space<hbm>>
      %dma_wait3A_1048 = tpu.memref_squeeze %dma_wait3A_1047 : memref<1x128xi32, #tpu.memory_space<hbm>> -> memref<128xi32, #tpu.memory_space<hbm>>
      %dma_wait3A_1049 = arith.constant 0 : i32
      %dma_wait3A_1050 = tpu.memref_slice %arg4[%dma_wait3A_1049] : memref<896xi32, #tpu.memory_space<vmem>> -> memref<128xi32, #tpu.memory_space<vmem>>
      %dma_wait3A_1051 = tpu.memref_slice %arg2[%select_n3A_254, %mul3A_1045] : memref<26x1024xi32, #tpu.memory_space<hbm>> -> memref<1x128xi32, #tpu.memory_space<hbm>>
      %dma_wait3A_1052 = tpu.memref_squeeze %dma_wait3A_1051 : memref<1x128xi32, #tpu.memory_space<hbm>> -> memref<128xi32, #tpu.memory_space<hbm>>
      tpu.wait_dma2 semaphore(%arg7 : memref<!tpu.dma_semaphore, #tpu.memory_space<semaphore_mem>>) src(%dma_wait3A_1052 : memref<128xi32, #tpu.memory_space<hbm>>) dst(%dma_wait3A_1050 : memref<128xi32, #tpu.memory_space<vmem>>)
    } else {
    }
    %add3A_262 = arith.constant 32 : i32
    %add3A_263 = arith.addi %add3A, %add3A_262 : i32
    %jit3A_264 = arith.constant 8 : i32
    %div3A_265 = arith.divsi %add3A_263, %jit3A_264 : i32
    %sign3A_266 = arith.constant 0 : i32
    %sign3A_267 = arith.cmpi sgt, %add3A_263, %sign3A_266 : i32
    %sign3A_268 = arith.extui %sign3A_267 : i1 to i32
    %sign3A_269 = arith.constant 0 : i32
    %sign3A_270 = arith.cmpi slt, %add3A_263, %sign3A_269 : i32
    %sign3A_271 = arith.extui %sign3A_270 : i1 to i32
    %sign3A_272 = arith.subi %sign3A_268, %sign3A_271 : i32
    %sign3A_273 = arith.constant 0 : i32
    %sign3A_274 = arith.cmpi sgt, %jit3A_264, %sign3A_273 : i32
    %sign3A_275 = arith.extui %sign3A_274 : i1 to i32
    %sign3A_276 = arith.constant 0 : i32
    %sign3A_277 = arith.cmpi slt, %jit3A_264, %sign3A_276 : i32
    %sign3A_278 = arith.extui %sign3A_277 : i1 to i32
    %sign3A_279 = arith.subi %sign3A_275, %sign3A_278 : i32
    %ne3A_280 = arith.cmpi ne, %sign3A_272, %sign3A_279 : i32
    %rem3A_281 = arith.remsi %add3A_263, %jit3A_264 : i32
    %ne3A_282 = arith.constant 0 : i32
    %ne3A_283 = arith.cmpi ne, %rem3A_281, %ne3A_282 : i32
    %and3A_284 = arith.andi %ne3A_280, %ne3A_283 : i1
    %sub3A_285 = arith.constant 1 : i32
    %sub3A_286 = arith.subi %div3A_265, %sub3A_285 : i32
    %select_n3A_287 = arith.select %and3A_284, %sub3A_286, %div3A_265 : i32
    %rem3A_288 = arith.constant 8 : i32
    %rem3A_289 = arith.remsi %add3A_263, %rem3A_288 : i32
    %lt3A_290 = arith.constant 208 : i32
    %lt3A_291 = arith.cmpi slt, %add3A_263, %lt3A_290 : i32
    %convert_element_type3A_292 = arith.extui %lt3A_291 : i1 to i32
    %cond3A_293 = arith.constant 0 : i32
    %cond3A_294 = arith.cmpi ne, %convert_element_type3A_292, %cond3A_293 : i32
    scf.if %cond3A_294 {
      %mul3A_1044 = arith.constant 128 : i32
      %mul3A_1045 = arith.muli %rem3A_289, %mul3A_1044 : i32
      %dma_wait3A = arith.constant 128 : i32
      %dma_wait3A_1046 = tpu.memref_slice %arg4[%dma_wait3A] : memref<896xi32, #tpu.memory_space<vmem>> -> memref<128xi32, #tpu.memory_space<vmem>>
      %dma_wait3A_1047 = tpu.memref_slice %arg2[%select_n3A_287, %mul3A_1045] : memref<26x1024xi32, #tpu.memory_space<hbm>> -> memref<1x128xi32, #tpu.memory_space<hbm>>
      %dma_wait3A_1048 = tpu.memref_squeeze %dma_wait3A_1047 : memref<1x128xi32, #tpu.memory_space<hbm>> -> memref<128xi32, #tpu.memory_space<hbm>>
      %dma_wait3A_1049 = arith.constant 128 : i32
      %dma_wait3A_1050 = tpu.memref_slice %arg4[%dma_wait3A_1049] : memref<896xi32, #tpu.memory_space<vmem>> -> memref<128xi32, #tpu.memory_space<vmem>>
      %dma_wait3A_1051 = tpu.memref_slice %arg2[%select_n3A_287, %mul3A_1045] : memref<26x1024xi32, #tpu.memory_space<hbm>> -> memref<1x128xi32, #tpu.memory_space<hbm>>
      %dma_wait3A_1052 = tpu.memref_squeeze %dma_wait3A_1051 : memref<1x128xi32, #tpu.memory_space<hbm>> -> memref<128xi32, #tpu.memory_space<hbm>>
      tpu.wait_dma2 semaphore(%arg7 : memref<!tpu.dma_semaphore, #tpu.memory_space<semaphore_mem>>) src(%dma_wait3A_1052 : memref<128xi32, #tpu.memory_space<hbm>>) dst(%dma_wait3A_1050 : memref<128xi32, #tpu.memory_space<vmem>>)
    } else {
    }
    %add3A_295 = arith.constant 64 : i32
    %add3A_296 = arith.addi %add3A, %add3A_295 : i32
    %jit3A_297 = arith.constant 8 : i32
    %div3A_298 = arith.divsi %add3A_296, %jit3A_297 : i32
    %sign3A_299 = arith.constant 0 : i32
    %sign3A_300 = arith.cmpi sgt, %add3A_296, %sign3A_299 : i32
    %sign3A_301 = arith.extui %sign3A_300 : i1 to i32
    %sign3A_302 = arith.constant 0 : i32
    %sign3A_303 = arith.cmpi slt, %add3A_296, %sign3A_302 : i32
    %sign3A_304 = arith.extui %sign3A_303 : i1 to i32
    %sign3A_305 = arith.subi %sign3A_301, %sign3A_304 : i32
    %sign3A_306 = arith.constant 0 : i32
    %sign3A_307 = arith.cmpi sgt, %jit3A_297, %sign3A_306 : i32
    %sign3A_308 = arith.extui %sign3A_307 : i1 to i32
    %sign3A_309 = arith.constant 0 : i32
    %sign3A_310 = arith.cmpi slt, %jit3A_297, %sign3A_309 : i32
    %sign3A_311 = arith.extui %sign3A_310 : i1 to i32
    %sign3A_312 = arith.subi %sign3A_308, %sign3A_311 : i32
    %ne3A_313 = arith.cmpi ne, %sign3A_305, %sign3A_312 : i32
    %rem3A_314 = arith.remsi %add3A_296, %jit3A_297 : i32
    %ne3A_315 = arith.constant 0 : i32
    %ne3A_316 = arith.cmpi ne, %rem3A_314, %ne3A_315 : i32
    %and3A_317 = arith.andi %ne3A_313, %ne3A_316 : i1
    %sub3A_318 = arith.constant 1 : i32
    %sub3A_319 = arith.subi %div3A_298, %sub3A_318 : i32
    %select_n3A_320 = arith.select %and3A_317, %sub3A_319, %div3A_298 : i32
    %rem3A_321 = arith.constant 8 : i32
    %rem3A_322 = arith.remsi %add3A_296, %rem3A_321 : i32
    %lt3A_323 = arith.constant 208 : i32
    %lt3A_324 = arith.cmpi slt, %add3A_296, %lt3A_323 : i32
    %convert_element_type3A_325 = arith.extui %lt3A_324 : i1 to i32
    %cond3A_326 = arith.constant 0 : i32
    %cond3A_327 = arith.cmpi ne, %convert_element_type3A_325, %cond3A_326 : i32
    scf.if %cond3A_327 {
      %mul3A_1044 = arith.constant 128 : i32
      %mul3A_1045 = arith.muli %rem3A_322, %mul3A_1044 : i32
      %dma_wait3A = arith.constant 256 : i32
      %dma_wait3A_1046 = tpu.memref_slice %arg4[%dma_wait3A] : memref<896xi32, #tpu.memory_space<vmem>> -> memref<128xi32, #tpu.memory_space<vmem>>
      %dma_wait3A_1047 = tpu.memref_slice %arg2[%select_n3A_320, %mul3A_1045] : memref<26x1024xi32, #tpu.memory_space<hbm>> -> memref<1x128xi32, #tpu.memory_space<hbm>>
      %dma_wait3A_1048 = tpu.memref_squeeze %dma_wait3A_1047 : memref<1x128xi32, #tpu.memory_space<hbm>> -> memref<128xi32, #tpu.memory_space<hbm>>
      %dma_wait3A_1049 = arith.constant 256 : i32
      %dma_wait3A_1050 = tpu.memref_slice %arg4[%dma_wait3A_1049] : memref<896xi32, #tpu.memory_space<vmem>> -> memref<128xi32, #tpu.memory_space<vmem>>
      %dma_wait3A_1051 = tpu.memref_slice %arg2[%select_n3A_320, %mul3A_1045] : memref<26x1024xi32, #tpu.memory_space<hbm>> -> memref<1x128xi32, #tpu.memory_space<hbm>>
      %dma_wait3A_1052 = tpu.memref_squeeze %dma_wait3A_1051 : memref<1x128xi32, #tpu.memory_space<hbm>> -> memref<128xi32, #tpu.memory_space<hbm>>
      tpu.wait_dma2 semaphore(%arg7 : memref<!tpu.dma_semaphore, #tpu.memory_space<semaphore_mem>>) src(%dma_wait3A_1052 : memref<128xi32, #tpu.memory_space<hbm>>) dst(%dma_wait3A_1050 : memref<128xi32, #tpu.memory_space<vmem>>)
    } else {
    }
    %add3A_328 = arith.constant 96 : i32
    %add3A_329 = arith.addi %add3A, %add3A_328 : i32
    %jit3A_330 = arith.constant 8 : i32
    %div3A_331 = arith.divsi %add3A_329, %jit3A_330 : i32
    %sign3A_332 = arith.constant 0 : i32
    %sign3A_333 = arith.cmpi sgt, %add3A_329, %sign3A_332 : i32
    %sign3A_334 = arith.extui %sign3A_333 : i1 to i32
    %sign3A_335 = arith.constant 0 : i32
    %sign3A_336 = arith.cmpi slt, %add3A_329, %sign3A_335 : i32
    %sign3A_337 = arith.extui %sign3A_336 : i1 to i32
    %sign3A_338 = arith.subi %sign3A_334, %sign3A_337 : i32
    %sign3A_339 = arith.constant 0 : i32
    %sign3A_340 = arith.cmpi sgt, %jit3A_330, %sign3A_339 : i32
    %sign3A_341 = arith.extui %sign3A_340 : i1 to i32
    %sign3A_342 = arith.constant 0 : i32
    %sign3A_343 = arith.cmpi slt, %jit3A_330, %sign3A_342 : i32
    %sign3A_344 = arith.extui %sign3A_343 : i1 to i32
    %sign3A_345 = arith.subi %sign3A_341, %sign3A_344 : i32
    %ne3A_346 = arith.cmpi ne, %sign3A_338, %sign3A_345 : i32
    %rem3A_347 = arith.remsi %add3A_329, %jit3A_330 : i32
    %ne3A_348 = arith.constant 0 : i32
    %ne3A_349 = arith.cmpi ne, %rem3A_347, %ne3A_348 : i32
    %and3A_350 = arith.andi %ne3A_346, %ne3A_349 : i1
    %sub3A_351 = arith.constant 1 : i32
    %sub3A_352 = arith.subi %div3A_331, %sub3A_351 : i32
    %select_n3A_353 = arith.select %and3A_350, %sub3A_352, %div3A_331 : i32
    %rem3A_354 = arith.constant 8 : i32
    %rem3A_355 = arith.remsi %add3A_329, %rem3A_354 : i32
    %lt3A_356 = arith.constant 208 : i32
    %lt3A_357 = arith.cmpi slt, %add3A_329, %lt3A_356 : i32
    %convert_element_type3A_358 = arith.extui %lt3A_357 : i1 to i32
    %cond3A_359 = arith.constant 0 : i32
    %cond3A_360 = arith.cmpi ne, %convert_element_type3A_358, %cond3A_359 : i32
    scf.if %cond3A_360 {
      %mul3A_1044 = arith.constant 128 : i32
      %mul3A_1045 = arith.muli %rem3A_355, %mul3A_1044 : i32
      %dma_wait3A = arith.constant 384 : i32
      %dma_wait3A_1046 = tpu.memref_slice %arg4[%dma_wait3A] : memref<896xi32, #tpu.memory_space<vmem>> -> memref<128xi32, #tpu.memory_space<vmem>>
      %dma_wait3A_1047 = tpu.memref_slice %arg2[%select_n3A_353, %mul3A_1045] : memref<26x1024xi32, #tpu.memory_space<hbm>> -> memref<1x128xi32, #tpu.memory_space<hbm>>
      %dma_wait3A_1048 = tpu.memref_squeeze %dma_wait3A_1047 : memref<1x128xi32, #tpu.memory_space<hbm>> -> memref<128xi32, #tpu.memory_space<hbm>>
      %dma_wait3A_1049 = arith.constant 384 : i32
      %dma_wait3A_1050 = tpu.memref_slice %arg4[%dma_wait3A_1049] : memref<896xi32, #tpu.memory_space<vmem>> -> memref<128xi32, #tpu.memory_space<vmem>>
      %dma_wait3A_1051 = tpu.memref_slice %arg2[%select_n3A_353, %mul3A_1045] : memref<26x1024xi32, #tpu.memory_space<hbm>> -> memref<1x128xi32, #tpu.memory_space<hbm>>
      %dma_wait3A_1052 = tpu.memref_squeeze %dma_wait3A_1051 : memref<1x128xi32, #tpu.memory_space<hbm>> -> memref<128xi32, #tpu.memory_space<hbm>>
      tpu.wait_dma2 semaphore(%arg7 : memref<!tpu.dma_semaphore, #tpu.memory_space<semaphore_mem>>) src(%dma_wait3A_1052 : memref<128xi32, #tpu.memory_space<hbm>>) dst(%dma_wait3A_1050 : memref<128xi32, #tpu.memory_space<vmem>>)
    } else {
    }
    %add3A_361 = arith.constant 128 : i32
    %add3A_362 = arith.addi %add3A, %add3A_361 : i32
    %jit3A_363 = arith.constant 8 : i32
    %div3A_364 = arith.divsi %add3A_362, %jit3A_363 : i32
    %sign3A_365 = arith.constant 0 : i32
    %sign3A_366 = arith.cmpi sgt, %add3A_362, %sign3A_365 : i32
    %sign3A_367 = arith.extui %sign3A_366 : i1 to i32
    %sign3A_368 = arith.constant 0 : i32
    %sign3A_369 = arith.cmpi slt, %add3A_362, %sign3A_368 : i32
    %sign3A_370 = arith.extui %sign3A_369 : i1 to i32
    %sign3A_371 = arith.subi %sign3A_367, %sign3A_370 : i32
    %sign3A_372 = arith.constant 0 : i32
    %sign3A_373 = arith.cmpi sgt, %jit3A_363, %sign3A_372 : i32
    %sign3A_374 = arith.extui %sign3A_373 : i1 to i32
    %sign3A_375 = arith.constant 0 : i32
    %sign3A_376 = arith.cmpi slt, %jit3A_363, %sign3A_375 : i32
    %sign3A_377 = arith.extui %sign3A_376 : i1 to i32
    %sign3A_378 = arith.subi %sign3A_374, %sign3A_377 : i32
    %ne3A_379 = arith.cmpi ne, %sign3A_371, %sign3A_378 : i32
    %rem3A_380 = arith.remsi %add3A_362, %jit3A_363 : i32
    %ne3A_381 = arith.constant 0 : i32
    %ne3A_382 = arith.cmpi ne, %rem3A_380, %ne3A_381 : i32
    %and3A_383 = arith.andi %ne3A_379, %ne3A_382 : i1
    %sub3A_384 = arith.constant 1 : i32
    %sub3A_385 = arith.subi %div3A_364, %sub3A_384 : i32
    %select_n3A_386 = arith.select %and3A_383, %sub3A_385, %div3A_364 : i32
    %rem3A_387 = arith.constant 8 : i32
    %rem3A_388 = arith.remsi %add3A_362, %rem3A_387 : i32
    %lt3A_389 = arith.constant 208 : i32
    %lt3A_390 = arith.cmpi slt, %add3A_362, %lt3A_389 : i32
    %convert_element_type3A_391 = arith.extui %lt3A_390 : i1 to i32
    %cond3A_392 = arith.constant 0 : i32
    %cond3A_393 = arith.cmpi ne, %convert_element_type3A_391, %cond3A_392 : i32
    scf.if %cond3A_393 {
      %mul3A_1044 = arith.constant 128 : i32
      %mul3A_1045 = arith.muli %rem3A_388, %mul3A_1044 : i32
      %dma_wait3A = arith.constant 512 : i32
      %dma_wait3A_1046 = tpu.memref_slice %arg4[%dma_wait3A] : memref<896xi32, #tpu.memory_space<vmem>> -> memref<128xi32, #tpu.memory_space<vmem>>
      %dma_wait3A_1047 = tpu.memref_slice %arg2[%select_n3A_386, %mul3A_1045] : memref<26x1024xi32, #tpu.memory_space<hbm>> -> memref<1x128xi32, #tpu.memory_space<hbm>>
      %dma_wait3A_1048 = tpu.memref_squeeze %dma_wait3A_1047 : memref<1x128xi32, #tpu.memory_space<hbm>> -> memref<128xi32, #tpu.memory_space<hbm>>
      %dma_wait3A_1049 = arith.constant 512 : i32
      %dma_wait3A_1050 = tpu.memref_slice %arg4[%dma_wait3A_1049] : memref<896xi32, #tpu.memory_space<vmem>> -> memref<128xi32, #tpu.memory_space<vmem>>
      %dma_wait3A_1051 = tpu.memref_slice %arg2[%select_n3A_386, %mul3A_1045] : memref<26x1024xi32, #tpu.memory_space<hbm>> -> memref<1x128xi32, #tpu.memory_space<hbm>>
      %dma_wait3A_1052 = tpu.memref_squeeze %dma_wait3A_1051 : memref<1x128xi32, #tpu.memory_space<hbm>> -> memref<128xi32, #tpu.memory_space<hbm>>
      tpu.wait_dma2 semaphore(%arg7 : memref<!tpu.dma_semaphore, #tpu.memory_space<semaphore_mem>>) src(%dma_wait3A_1052 : memref<128xi32, #tpu.memory_space<hbm>>) dst(%dma_wait3A_1050 : memref<128xi32, #tpu.memory_space<vmem>>)
    } else {
    }
    %add3A_394 = arith.constant 160 : i32
    %add3A_395 = arith.addi %add3A, %add3A_394 : i32
    %jit3A_396 = arith.constant 8 : i32
    %div3A_397 = arith.divsi %add3A_395, %jit3A_396 : i32
    %sign3A_398 = arith.constant 0 : i32
    %sign3A_399 = arith.cmpi sgt, %add3A_395, %sign3A_398 : i32
    %sign3A_400 = arith.extui %sign3A_399 : i1 to i32
    %sign3A_401 = arith.constant 0 : i32
    %sign3A_402 = arith.cmpi slt, %add3A_395, %sign3A_401 : i32
    %sign3A_403 = arith.extui %sign3A_402 : i1 to i32
    %sign3A_404 = arith.subi %sign3A_400, %sign3A_403 : i32
    %sign3A_405 = arith.constant 0 : i32
    %sign3A_406 = arith.cmpi sgt, %jit3A_396, %sign3A_405 : i32
    %sign3A_407 = arith.extui %sign3A_406 : i1 to i32
    %sign3A_408 = arith.constant 0 : i32
    %sign3A_409 = arith.cmpi slt, %jit3A_396, %sign3A_408 : i32
    %sign3A_410 = arith.extui %sign3A_409 : i1 to i32
    %sign3A_411 = arith.subi %sign3A_407, %sign3A_410 : i32
    %ne3A_412 = arith.cmpi ne, %sign3A_404, %sign3A_411 : i32
    %rem3A_413 = arith.remsi %add3A_395, %jit3A_396 : i32
    %ne3A_414 = arith.constant 0 : i32
    %ne3A_415 = arith.cmpi ne, %rem3A_413, %ne3A_414 : i32
    %and3A_416 = arith.andi %ne3A_412, %ne3A_415 : i1
    %sub3A_417 = arith.constant 1 : i32
    %sub3A_418 = arith.subi %div3A_397, %sub3A_417 : i32
    %select_n3A_419 = arith.select %and3A_416, %sub3A_418, %div3A_397 : i32
    %rem3A_420 = arith.constant 8 : i32
    %rem3A_421 = arith.remsi %add3A_395, %rem3A_420 : i32
    %lt3A_422 = arith.constant 208 : i32
    %lt3A_423 = arith.cmpi slt, %add3A_395, %lt3A_422 : i32
    %convert_element_type3A_424 = arith.extui %lt3A_423 : i1 to i32
    %cond3A_425 = arith.constant 0 : i32
    %cond3A_426 = arith.cmpi ne, %convert_element_type3A_424, %cond3A_425 : i32
    scf.if %cond3A_426 {
      %mul3A_1044 = arith.constant 128 : i32
      %mul3A_1045 = arith.muli %rem3A_421, %mul3A_1044 : i32
      %dma_wait3A = arith.constant 640 : i32
      %dma_wait3A_1046 = tpu.memref_slice %arg4[%dma_wait3A] : memref<896xi32, #tpu.memory_space<vmem>> -> memref<128xi32, #tpu.memory_space<vmem>>
      %dma_wait3A_1047 = tpu.memref_slice %arg2[%select_n3A_419, %mul3A_1045] : memref<26x1024xi32, #tpu.memory_space<hbm>> -> memref<1x128xi32, #tpu.memory_space<hbm>>
      %dma_wait3A_1048 = tpu.memref_squeeze %dma_wait3A_1047 : memref<1x128xi32, #tpu.memory_space<hbm>> -> memref<128xi32, #tpu.memory_space<hbm>>
      %dma_wait3A_1049 = arith.constant 640 : i32
      %dma_wait3A_1050 = tpu.memref_slice %arg4[%dma_wait3A_1049] : memref<896xi32, #tpu.memory_space<vmem>> -> memref<128xi32, #tpu.memory_space<vmem>>
      %dma_wait3A_1051 = tpu.memref_slice %arg2[%select_n3A_419, %mul3A_1045] : memref<26x1024xi32, #tpu.memory_space<hbm>> -> memref<1x128xi32, #tpu.memory_space<hbm>>
      %dma_wait3A_1052 = tpu.memref_squeeze %dma_wait3A_1051 : memref<1x128xi32, #tpu.memory_space<hbm>> -> memref<128xi32, #tpu.memory_space<hbm>>
      tpu.wait_dma2 semaphore(%arg7 : memref<!tpu.dma_semaphore, #tpu.memory_space<semaphore_mem>>) src(%dma_wait3A_1052 : memref<128xi32, #tpu.memory_space<hbm>>) dst(%dma_wait3A_1050 : memref<128xi32, #tpu.memory_space<vmem>>)
    } else {
    }
    %add3A_427 = arith.constant 192 : i32
    %add3A_428 = arith.addi %add3A, %add3A_427 : i32
    %jit3A_429 = arith.constant 8 : i32
    %div3A_430 = arith.divsi %add3A_428, %jit3A_429 : i32
    %sign3A_431 = arith.constant 0 : i32
    %sign3A_432 = arith.cmpi sgt, %add3A_428, %sign3A_431 : i32
    %sign3A_433 = arith.extui %sign3A_432 : i1 to i32
    %sign3A_434 = arith.constant 0 : i32
    %sign3A_435 = arith.cmpi slt, %add3A_428, %sign3A_434 : i32
    %sign3A_436 = arith.extui %sign3A_435 : i1 to i32
    %sign3A_437 = arith.subi %sign3A_433, %sign3A_436 : i32
    %sign3A_438 = arith.constant 0 : i32
    %sign3A_439 = arith.cmpi sgt, %jit3A_429, %sign3A_438 : i32
    %sign3A_440 = arith.extui %sign3A_439 : i1 to i32
    %sign3A_441 = arith.constant 0 : i32
    %sign3A_442 = arith.cmpi slt, %jit3A_429, %sign3A_441 : i32
    %sign3A_443 = arith.extui %sign3A_442 : i1 to i32
    %sign3A_444 = arith.subi %sign3A_440, %sign3A_443 : i32
    %ne3A_445 = arith.cmpi ne, %sign3A_437, %sign3A_444 : i32
    %rem3A_446 = arith.remsi %add3A_428, %jit3A_429 : i32
    %ne3A_447 = arith.constant 0 : i32
    %ne3A_448 = arith.cmpi ne, %rem3A_446, %ne3A_447 : i32
    %and3A_449 = arith.andi %ne3A_445, %ne3A_448 : i1
    %sub3A_450 = arith.constant 1 : i32
    %sub3A_451 = arith.subi %div3A_430, %sub3A_450 : i32
    %select_n3A_452 = arith.select %and3A_449, %sub3A_451, %div3A_430 : i32
    %rem3A_453 = arith.constant 8 : i32
    %rem3A_454 = arith.remsi %add3A_428, %rem3A_453 : i32
    %lt3A_455 = arith.constant 208 : i32
    %lt3A_456 = arith.cmpi slt, %add3A_428, %lt3A_455 : i32
    %convert_element_type3A_457 = arith.extui %lt3A_456 : i1 to i32
    %cond3A_458 = arith.constant 0 : i32
    %cond3A_459 = arith.cmpi ne, %convert_element_type3A_457, %cond3A_458 : i32
    scf.if %cond3A_459 {
      %mul3A_1044 = arith.constant 128 : i32
      %mul3A_1045 = arith.muli %rem3A_454, %mul3A_1044 : i32
      %dma_wait3A = arith.constant 768 : i32
      %dma_wait3A_1046 = tpu.memref_slice %arg4[%dma_wait3A] : memref<896xi32, #tpu.memory_space<vmem>> -> memref<128xi32, #tpu.memory_space<vmem>>
      %dma_wait3A_1047 = tpu.memref_slice %arg2[%select_n3A_452, %mul3A_1045] : memref<26x1024xi32, #tpu.memory_space<hbm>> -> memref<1x128xi32, #tpu.memory_space<hbm>>
      %dma_wait3A_1048 = tpu.memref_squeeze %dma_wait3A_1047 : memref<1x128xi32, #tpu.memory_space<hbm>> -> memref<128xi32, #tpu.memory_space<hbm>>
      %dma_wait3A_1049 = arith.constant 768 : i32
      %dma_wait3A_1050 = tpu.memref_slice %arg4[%dma_wait3A_1049] : memref<896xi32, #tpu.memory_space<vmem>> -> memref<128xi32, #tpu.memory_space<vmem>>
      %dma_wait3A_1051 = tpu.memref_slice %arg2[%select_n3A_452, %mul3A_1045] : memref<26x1024xi32, #tpu.memory_space<hbm>> -> memref<1x128xi32, #tpu.memory_space<hbm>>
      %dma_wait3A_1052 = tpu.memref_squeeze %dma_wait3A_1051 : memref<1x128xi32, #tpu.memory_space<hbm>> -> memref<128xi32, #tpu.memory_space<hbm>>
      tpu.wait_dma2 semaphore(%arg7 : memref<!tpu.dma_semaphore, #tpu.memory_space<semaphore_mem>>) src(%dma_wait3A_1052 : memref<128xi32, #tpu.memory_space<hbm>>) dst(%dma_wait3A_1050 : memref<128xi32, #tpu.memory_space<vmem>>)
    } else {
    }
    %add3A_460 = arith.constant 0 : i32
    %add3A_461 = arith.addi %add3A, %add3A_460 : i32
    %jit3A_462 = arith.constant 8 : i32
    %div3A_463 = arith.divsi %add3A_461, %jit3A_462 : i32
    %sign3A_464 = arith.constant 0 : i32
    %sign3A_465 = arith.cmpi sgt, %add3A_461, %sign3A_464 : i32
    %sign3A_466 = arith.extui %sign3A_465 : i1 to i32
    %sign3A_467 = arith.constant 0 : i32
    %sign3A_468 = arith.cmpi slt, %add3A_461, %sign3A_467 : i32
    %sign3A_469 = arith.extui %sign3A_468 : i1 to i32
    %sign3A_470 = arith.subi %sign3A_466, %sign3A_469 : i32
    %sign3A_471 = arith.constant 0 : i32
    %sign3A_472 = arith.cmpi sgt, %jit3A_462, %sign3A_471 : i32
    %sign3A_473 = arith.extui %sign3A_472 : i1 to i32
    %sign3A_474 = arith.constant 0 : i32
    %sign3A_475 = arith.cmpi slt, %jit3A_462, %sign3A_474 : i32
    %sign3A_476 = arith.extui %sign3A_475 : i1 to i32
    %sign3A_477 = arith.subi %sign3A_473, %sign3A_476 : i32
    %ne3A_478 = arith.cmpi ne, %sign3A_470, %sign3A_477 : i32
    %rem3A_479 = arith.remsi %add3A_461, %jit3A_462 : i32
    %ne3A_480 = arith.constant 0 : i32
    %ne3A_481 = arith.cmpi ne, %rem3A_479, %ne3A_480 : i32
    %and3A_482 = arith.andi %ne3A_478, %ne3A_481 : i1
    %sub3A_483 = arith.constant 1 : i32
    %sub3A_484 = arith.subi %div3A_463, %sub3A_483 : i32
    %select_n3A_485 = arith.select %and3A_482, %sub3A_484, %div3A_463 : i32
    %rem3A_486 = arith.constant 8 : i32
    %rem3A_487 = arith.remsi %add3A_461, %rem3A_486 : i32
    %get3A = arith.constant 0 : index
    %get3A_488 = tpu.vector_load %arg4[%get3A] {strides = array<i32>} : memref<896xi32, #tpu.memory_space<vmem>>, vector<16xi32>,
    %sub3A_489 = arith.constant 0 : i32
    %sub3A_490 = vector.broadcast %sub3A_489 : i32 to vector<16xi32>
    %sub3A_491 = arith.subi %get3A_488, %sub3A_490 : vector<16xi32>
    %ge3A = arith.constant 0 : i32
    %ge3A_492 = vector.broadcast %ge3A : i32 to vector<16xi32>
    %ge3A_493 = arith.cmpi sge, %get3A_488, %ge3A_492 : vector<16xi32>
    %lt3A_494 = arith.constant 504 : i32
    %lt3A_495 = vector.broadcast %lt3A_494 : i32 to vector<16xi32>
    %lt3A_496 = arith.cmpi slt, %get3A_488, %lt3A_495 : vector<16xi32>
    %and3A_497 = arith.andi %ge3A_493, %lt3A_496 : vector<16xi1>
    %add3A_498 = arith.constant 0 : i32
    %add3A_499 = vector.broadcast %add3A_498 : i32 to vector<16xi32>
    %add3A_500 = arith.addi %add3A_499, %iota3A : vector<16xi32>
    tpu.vector_store_idx %arg5[%sub3A_491, %add3A_500], %broadcast_in_dim3A_223 masked %and3A_497 : memref<504x128xf32, #tpu.memory_space<vmem>>[vector<16xi32>, vector<16xi32>], vector<16xf32>, vector<16xi1>
    %get3A_501 = arith.constant 16 : index
    %get3A_502 = tpu.vector_load %arg4[%get3A_501] {strides = array<i32>} : memref<896xi32, #tpu.memory_space<vmem>>, vector<16xi32>,
    %sub3A_503 = arith.constant 0 : i32
    %sub3A_504 = vector.broadcast %sub3A_503 : i32 to vector<16xi32>
    %sub3A_505 = arith.subi %get3A_502, %sub3A_504 : vector<16xi32>
    %ge3A_506 = arith.constant 0 : i32
    %ge3A_507 = vector.broadcast %ge3A_506 : i32 to vector<16xi32>
    %ge3A_508 = arith.cmpi sge, %get3A_502, %ge3A_507 : vector<16xi32>
    %lt3A_509 = arith.constant 504 : i32
    %lt3A_510 = vector.broadcast %lt3A_509 : i32 to vector<16xi32>
    %lt3A_511 = arith.cmpi slt, %get3A_502, %lt3A_510 : vector<16xi32>
    %and3A_512 = arith.andi %ge3A_508, %lt3A_511 : vector<16xi1>
    %add3A_513 = arith.constant 16 : i32
    %add3A_514 = vector.broadcast %add3A_513 : i32 to vector<16xi32>
    %add3A_515 = arith.addi %add3A_514, %iota3A : vector<16xi32>
    tpu.vector_store_idx %arg5[%sub3A_505, %add3A_515], %broadcast_in_dim3A_223 masked %and3A_512 : memref<504x128xf32, #tpu.memory_space<vmem>>[vector<16xi32>, vector<16xi32>], vector<16xf32>, vector<16xi1>
    %get3A_516 = arith.constant 32 : index
    %get3A_517 = tpu.vector_load %arg4[%get3A_516] {strides = array<i32>} : memref<896xi32, #tpu.memory_space<vmem>>, vector<16xi32>,
    %sub3A_518 = arith.constant 0 : i32
    %sub3A_519 = vector.broadcast %sub3A_518 : i32 to vector<16xi32>
    %sub3A_520 = arith.subi %get3A_517, %sub3A_519 : vector<16xi32>
    %ge3A_521 = arith.constant 0 : i32
    %ge3A_522 = vector.broadcast %ge3A_521 : i32 to vector<16xi32>
    %ge3A_523 = arith.cmpi sge, %get3A_517, %ge3A_522 : vector<16xi32>
    %lt3A_524 = arith.constant 504 : i32
    %lt3A_525 = vector.broadcast %lt3A_524 : i32 to vector<16xi32>
    %lt3A_526 = arith.cmpi slt, %get3A_517, %lt3A_525 : vector<16xi32>
    %and3A_527 = arith.andi %ge3A_523, %lt3A_526 : vector<16xi1>
    %add3A_528 = arith.constant 32 : i32
    %add3A_529 = vector.broadcast %add3A_528 : i32 to vector<16xi32>
    %add3A_530 = arith.addi %add3A_529, %iota3A : vector<16xi32>
    tpu.vector_store_idx %arg5[%sub3A_520, %add3A_530], %broadcast_in_dim3A_223 masked %and3A_527 : memref<504x128xf32, #tpu.memory_space<vmem>>[vector<16xi32>, vector<16xi32>], vector<16xf32>, vector<16xi1>
    %get3A_531 = arith.constant 48 : index
    %get3A_532 = tpu.vector_load %arg4[%get3A_531] {strides = array<i32>} : memref<896xi32, #tpu.memory_space<vmem>>, vector<16xi32>,
    %sub3A_533 = arith.constant 0 : i32
    %sub3A_534 = vector.broadcast %sub3A_533 : i32 to vector<16xi32>
    %sub3A_535 = arith.subi %get3A_532, %sub3A_534 : vector<16xi32>
    %ge3A_536 = arith.constant 0 : i32
    %ge3A_537 = vector.broadcast %ge3A_536 : i32 to vector<16xi32>
    %ge3A_538 = arith.cmpi sge, %get3A_532, %ge3A_537 : vector<16xi32>
    %lt3A_539 = arith.constant 504 : i32
    %lt3A_540 = vector.broadcast %lt3A_539 : i32 to vector<16xi32>
    %lt3A_541 = arith.cmpi slt, %get3A_532, %lt3A_540 : vector<16xi32>
    %and3A_542 = arith.andi %ge3A_538, %lt3A_541 : vector<16xi1>
    %add3A_543 = arith.constant 48 : i32
    %add3A_544 = vector.broadcast %add3A_543 : i32 to vector<16xi32>
    %add3A_545 = arith.addi %add3A_544, %iota3A : vector<16xi32>
    tpu.vector_store_idx %arg5[%sub3A_535, %add3A_545], %broadcast_in_dim3A_223 masked %and3A_542 : memref<504x128xf32, #tpu.memory_space<vmem>>[vector<16xi32>, vector<16xi32>], vector<16xf32>, vector<16xi1>
    %get3A_546 = arith.constant 64 : index
    %get3A_547 = tpu.vector_load %arg4[%get3A_546] {strides = array<i32>} : memref<896xi32, #tpu.memory_space<vmem>>, vector<16xi32>,
    %sub3A_548 = arith.constant 0 : i32
    %sub3A_549 = vector.broadcast %sub3A_548 : i32 to vector<16xi32>
    %sub3A_550 = arith.subi %get3A_547, %sub3A_549 : vector<16xi32>
    %ge3A_551 = arith.constant 0 : i32
    %ge3A_552 = vector.broadcast %ge3A_551 : i32 to vector<16xi32>
    %ge3A_553 = arith.cmpi sge, %get3A_547, %ge3A_552 : vector<16xi32>
    %lt3A_554 = arith.constant 504 : i32
    %lt3A_555 = vector.broadcast %lt3A_554 : i32 to vector<16xi32>
    %lt3A_556 = arith.cmpi slt, %get3A_547, %lt3A_555 : vector<16xi32>
    %and3A_557 = arith.andi %ge3A_553, %lt3A_556 : vector<16xi1>
    %add3A_558 = arith.constant 64 : i32
    %add3A_559 = vector.broadcast %add3A_558 : i32 to vector<16xi32>
    %add3A_560 = arith.addi %add3A_559, %iota3A : vector<16xi32>
    tpu.vector_store_idx %arg5[%sub3A_550, %add3A_560], %broadcast_in_dim3A_223 masked %and3A_557 : memref<504x128xf32, #tpu.memory_space<vmem>>[vector<16xi32>, vector<16xi32>], vector<16xf32>, vector<16xi1>
    %get3A_561 = arith.constant 80 : index
    %get3A_562 = tpu.vector_load %arg4[%get3A_561] {strides = array<i32>} : memref<896xi32, #tpu.memory_space<vmem>>, vector<16xi32>,
    %sub3A_563 = arith.constant 0 : i32
    %sub3A_564 = vector.broadcast %sub3A_563 : i32 to vector<16xi32>
    %sub3A_565 = arith.subi %get3A_562, %sub3A_564 : vector<16xi32>
    %ge3A_566 = arith.constant 0 : i32
    %ge3A_567 = vector.broadcast %ge3A_566 : i32 to vector<16xi32>
    %ge3A_568 = arith.cmpi sge, %get3A_562, %ge3A_567 : vector<16xi32>
    %lt3A_569 = arith.constant 504 : i32
    %lt3A_570 = vector.broadcast %lt3A_569 : i32 to vector<16xi32>
    %lt3A_571 = arith.cmpi slt, %get3A_562, %lt3A_570 : vector<16xi32>
    %and3A_572 = arith.andi %ge3A_568, %lt3A_571 : vector<16xi1>
    %add3A_573 = arith.constant 80 : i32
    %add3A_574 = vector.broadcast %add3A_573 : i32 to vector<16xi32>
    %add3A_575 = arith.addi %add3A_574, %iota3A : vector<16xi32>
    tpu.vector_store_idx %arg5[%sub3A_565, %add3A_575], %broadcast_in_dim3A_223 masked %and3A_572 : memref<504x128xf32, #tpu.memory_space<vmem>>[vector<16xi32>, vector<16xi32>], vector<16xf32>, vector<16xi1>
    %get3A_576 = arith.constant 96 : index
    %get3A_577 = tpu.vector_load %arg4[%get3A_576] {strides = array<i32>} : memref<896xi32, #tpu.memory_space<vmem>>, vector<16xi32>,
    %sub3A_578 = arith.constant 0 : i32
    %sub3A_579 = vector.broadcast %sub3A_578 : i32 to vector<16xi32>
    %sub3A_580 = arith.subi %get3A_577, %sub3A_579 : vector<16xi32>
    %ge3A_581 = arith.constant 0 : i32
    %ge3A_582 = vector.broadcast %ge3A_581 : i32 to vector<16xi32>
    %ge3A_583 = arith.cmpi sge, %get3A_577, %ge3A_582 : vector<16xi32>
    %lt3A_584 = arith.constant 504 : i32
    %lt3A_585 = vector.broadcast %lt3A_584 : i32 to vector<16xi32>
    %lt3A_586 = arith.cmpi slt, %get3A_577, %lt3A_585 : vector<16xi32>
    %and3A_587 = arith.andi %ge3A_583, %lt3A_586 : vector<16xi1>
    %add3A_588 = arith.constant 96 : i32
    %add3A_589 = vector.broadcast %add3A_588 : i32 to vector<16xi32>
    %add3A_590 = arith.addi %add3A_589, %iota3A : vector<16xi32>
    tpu.vector_store_idx %arg5[%sub3A_580, %add3A_590], %broadcast_in_dim3A_223 masked %and3A_587 : memref<504x128xf32, #tpu.memory_space<vmem>>[vector<16xi32>, vector<16xi32>], vector<16xf32>, vector<16xi1>
    %get3A_591 = arith.constant 112 : index
    %get3A_592 = tpu.vector_load %arg4[%get3A_591] {strides = array<i32>} : memref<896xi32, #tpu.memory_space<vmem>>, vector<16xi32>,
    %sub3A_593 = arith.constant 0 : i32
    %sub3A_594 = vector.broadcast %sub3A_593 : i32 to vector<16xi32>
    %sub3A_595 = arith.subi %get3A_592, %sub3A_594 : vector<16xi32>
    %ge3A_596 = arith.constant 0 : i32
    %ge3A_597 = vector.broadcast %ge3A_596 : i32 to vector<16xi32>
    %ge3A_598 = arith.cmpi sge, %get3A_592, %ge3A_597 : vector<16xi32>
    %lt3A_599 = arith.constant 504 : i32
    %lt3A_600 = vector.broadcast %lt3A_599 : i32 to vector<16xi32>
    %lt3A_601 = arith.cmpi slt, %get3A_592, %lt3A_600 : vector<16xi32>
    %and3A_602 = arith.andi %ge3A_598, %lt3A_601 : vector<16xi1>
    %add3A_603 = arith.constant 112 : i32
    %add3A_604 = vector.broadcast %add3A_603 : i32 to vector<16xi32>
    %add3A_605 = arith.addi %add3A_604, %iota3A : vector<16xi32>
    tpu.vector_store_idx %arg5[%sub3A_595, %add3A_605], %broadcast_in_dim3A_223 masked %and3A_602 : memref<504x128xf32, #tpu.memory_space<vmem>>[vector<16xi32>, vector<16xi32>], vector<16xf32>, vector<16xi1>
    %mul3A_606 = arith.constant 128 : i32
    %mul3A_607 = arith.muli %rem3A_487, %mul3A_606 : i32
    %dma_start3A = arith.constant 0 : i32
    %dma_start3A_608 = tpu.memref_slice %arg3[%select_n3A_485, %dma_start3A, %mul3A_607] : memref<26x1000x1024xf32, #tpu.memory_space<hbm>> -> memref<1x504x128xf32, #tpu.memory_space<hbm>>
    %dma_start3A_609 = tpu.memref_squeeze %dma_start3A_608 : memref<1x504x128xf32, #tpu.memory_space<hbm>> -> memref<504x128xf32, #tpu.memory_space<hbm>>
    %dma_start3A_610 = arith.constant 0 : i32
    %dma_start3A_611 = tpu.memref_slice %arg3[%select_n3A_485, %dma_start3A_610, %mul3A_607] : memref<26x1000x1024xf32, #tpu.memory_space<hbm>> -> memref<1x504x128xf32, #tpu.memory_space<hbm>>
    %dma_start3A_612 = tpu.memref_squeeze %dma_start3A_611 : memref<1x504x128xf32, #tpu.memory_space<hbm>> -> memref<504x128xf32, #tpu.memory_space<hbm>>
    tpu.enqueue_dma source(%arg5 : memref<504x128xf32, #tpu.memory_space<vmem>>) target(%dma_start3A_612 : memref<504x128xf32, #tpu.memory_space<hbm>>) target_semaphore(%arg8 : memref<!tpu.dma_semaphore, #tpu.memory_space<semaphore_mem>>)
    %scan3A_613 = arith.constant 0 : i32
    %scan3A_614 = arith.constant 0 : i32
    %scan3A_615 = arith.constant 496 : i32
    %scan3A_616 = arith.addi %scan3A_614, %scan3A_615 : i32
    %scan3A_617 = arith.constant 1 : i32
    scf.for %scan3A_1044 = %scan3A_614 to %scan3A_616 step %scan3A_617  : i32 {
      %swap3A = arith.index_cast %scan3A_1044 : i32 to index
      %swap3A_1045 = arith.constant 0 : index
      %swap3A_1046 = tpu.vector_load %arg6[%swap3A, %swap3A_1045] {strides = array<i32>} : memref<496x128xf32, #tpu.memory_space<vmem>>, vector<16xf32>,
      tpu.vector_store %arg6[%swap3A, %swap3A_1045], %broadcast_in_dim3A_221 {strides = array<i32>} : memref<496x128xf32, #tpu.memory_space<vmem>>, vector<16xf32>,
      %swap3A_1047 = arith.index_cast %scan3A_1044 : i32 to index
      %swap3A_1048 = arith.constant 16 : index
      %swap3A_1049 = tpu.vector_load %arg6[%swap3A_1047, %swap3A_1048] {strides = array<i32>} : memref<496x128xf32, #tpu.memory_space<vmem>>, vector<16xf32>,
      tpu.vector_store %arg6[%swap3A_1047, %swap3A_1048], %broadcast_in_dim3A_221 {strides = array<i32>} : memref<496x128xf32, #tpu.memory_space<vmem>>, vector<16xf32>,
      %swap3A_1050 = arith.index_cast %scan3A_1044 : i32 to index
      %swap3A_1051 = arith.constant 32 : index
      %swap3A_1052 = tpu.vector_load %arg6[%swap3A_1050, %swap3A_1051] {strides = array<i32>} : memref<496x128xf32, #tpu.memory_space<vmem>>, vector<16xf32>,
      tpu.vector_store %arg6[%swap3A_1050, %swap3A_1051], %broadcast_in_dim3A_221 {strides = array<i32>} : memref<496x128xf32, #tpu.memory_space<vmem>>, vector<16xf32>,
      %swap3A_1053 = arith.index_cast %scan3A_1044 : i32 to index
      %swap3A_1054 = arith.constant 48 : index
      %swap3A_1055 = tpu.vector_load %arg6[%swap3A_1053, %swap3A_1054] {strides = array<i32>} : memref<496x128xf32, #tpu.memory_space<vmem>>, vector<16xf32>,
      tpu.vector_store %arg6[%swap3A_1053, %swap3A_1054], %broadcast_in_dim3A_221 {strides = array<i32>} : memref<496x128xf32, #tpu.memory_space<vmem>>, vector<16xf32>,
      %swap3A_1056 = arith.index_cast %scan3A_1044 : i32 to index
      %swap3A_1057 = arith.constant 64 : index
      %swap3A_1058 = tpu.vector_load %arg6[%swap3A_1056, %swap3A_1057] {strides = array<i32>} : memref<496x128xf32, #tpu.memory_space<vmem>>, vector<16xf32>,
      tpu.vector_store %arg6[%swap3A_1056, %swap3A_1057], %broadcast_in_dim3A_221 {strides = array<i32>} : memref<496x128xf32, #tpu.memory_space<vmem>>, vector<16xf32>,
      %swap3A_1059 = arith.index_cast %scan3A_1044 : i32 to index
      %swap3A_1060 = arith.constant 80 : index
      %swap3A_1061 = tpu.vector_load %arg6[%swap3A_1059, %swap3A_1060] {strides = array<i32>} : memref<496x128xf32, #tpu.memory_space<vmem>>, vector<16xf32>,
      tpu.vector_store %arg6[%swap3A_1059, %swap3A_1060], %broadcast_in_dim3A_221 {strides = array<i32>} : memref<496x128xf32, #tpu.memory_space<vmem>>, vector<16xf32>,
      %swap3A_1062 = arith.index_cast %scan3A_1044 : i32 to index
      %swap3A_1063 = arith.constant 96 : index
      %swap3A_1064 = tpu.vector_load %arg6[%swap3A_1062, %swap3A_1063] {strides = array<i32>} : memref<496x128xf32, #tpu.memory_space<vmem>>, vector<16xf32>,
      tpu.vector_store %arg6[%swap3A_1062, %swap3A_1063], %broadcast_in_dim3A_221 {strides = array<i32>} : memref<496x128xf32, #tpu.memory_space<vmem>>, vector<16xf32>,
      %swap3A_1065 = arith.index_cast %scan3A_1044 : i32 to index
      %swap3A_1066 = arith.constant 112 : index
      %swap3A_1067 = tpu.vector_load %arg6[%swap3A_1065, %swap3A_1066] {strides = array<i32>} : memref<496x128xf32, #tpu.memory_space<vmem>>, vector<16xf32>,
      tpu.vector_store %arg6[%swap3A_1065, %swap3A_1066], %broadcast_in_dim3A_221 {strides = array<i32>} : memref<496x128xf32, #tpu.memory_space<vmem>>, vector<16xf32>,
    }
    %scan3A_618 = arith.constant 496 : i32
    %get3A_619 = arith.constant 0 : index
    %get3A_620 = tpu.vector_load %arg4[%get3A_619] {strides = array<i32>} : memref<896xi32, #tpu.memory_space<vmem>>, vector<16xi32>,
    %sub3A_621 = arith.constant 504 : i32
    %sub3A_622 = vector.broadcast %sub3A_621 : i32 to vector<16xi32>
    %sub3A_623 = arith.subi %get3A_620, %sub3A_622 : vector<16xi32>
    %ge3A_624 = arith.constant 504 : i32
    %ge3A_625 = vector.broadcast %ge3A_624 : i32 to vector<16xi32>
    %ge3A_626 = arith.cmpi sge, %get3A_620, %ge3A_625 : vector<16xi32>
    %lt3A_627 = arith.constant 1000 : i32
    %lt3A_628 = vector.broadcast %lt3A_627 : i32 to vector<16xi32>
    %lt3A_629 = arith.cmpi slt, %get3A_620, %lt3A_628 : vector<16xi32>
    %and3A_630 = arith.andi %ge3A_626, %lt3A_629 : vector<16xi1>
    %add3A_631 = arith.constant 0 : i32
    %add3A_632 = vector.broadcast %add3A_631 : i32 to vector<16xi32>
    %add3A_633 = arith.addi %add3A_632, %iota3A : vector<16xi32>
    tpu.vector_store_idx %arg6[%sub3A_623, %add3A_633], %broadcast_in_dim3A_223 masked %and3A_630 : memref<496x128xf32, #tpu.memory_space<vmem>>[vector<16xi32>, vector<16xi32>], vector<16xf32>, vector<16xi1>
    %get3A_634 = arith.constant 16 : index
    %get3A_635 = tpu.vector_load %arg4[%get3A_634] {strides = array<i32>} : memref<896xi32, #tpu.memory_space<vmem>>, vector<16xi32>,
    %sub3A_636 = arith.constant 504 : i32
    %sub3A_637 = vector.broadcast %sub3A_636 : i32 to vector<16xi32>
    %sub3A_638 = arith.subi %get3A_635, %sub3A_637 : vector<16xi32>
    %ge3A_639 = arith.constant 504 : i32
    %ge3A_640 = vector.broadcast %ge3A_639 : i32 to vector<16xi32>
    %ge3A_641 = arith.cmpi sge, %get3A_635, %ge3A_640 : vector<16xi32>
    %lt3A_642 = arith.constant 1000 : i32
    %lt3A_643 = vector.broadcast %lt3A_642 : i32 to vector<16xi32>
    %lt3A_644 = arith.cmpi slt, %get3A_635, %lt3A_643 : vector<16xi32>
    %and3A_645 = arith.andi %ge3A_641, %lt3A_644 : vector<16xi1>
    %add3A_646 = arith.constant 16 : i32
    %add3A_647 = vector.broadcast %add3A_646 : i32 to vector<16xi32>
    %add3A_648 = arith.addi %add3A_647, %iota3A : vector<16xi32>
    tpu.vector_store_idx %arg6[%sub3A_638, %add3A_648], %broadcast_in_dim3A_223 masked %and3A_645 : memref<496x128xf32, #tpu.memory_space<vmem>>[vector<16xi32>, vector<16xi32>], vector<16xf32>, vector<16xi1>
    %get3A_649 = arith.constant 32 : index
    %get3A_650 = tpu.vector_load %arg4[%get3A_649] {strides = array<i32>} : memref<896xi32, #tpu.memory_space<vmem>>, vector<16xi32>,
    %sub3A_651 = arith.constant 504 : i32
    %sub3A_652 = vector.broadcast %sub3A_651 : i32 to vector<16xi32>
    %sub3A_653 = arith.subi %get3A_650, %sub3A_652 : vector<16xi32>
    %ge3A_654 = arith.constant 504 : i32
    %ge3A_655 = vector.broadcast %ge3A_654 : i32 to vector<16xi32>
    %ge3A_656 = arith.cmpi sge, %get3A_650, %ge3A_655 : vector<16xi32>
    %lt3A_657 = arith.constant 1000 : i32
    %lt3A_658 = vector.broadcast %lt3A_657 : i32 to vector<16xi32>
    %lt3A_659 = arith.cmpi slt, %get3A_650, %lt3A_658 : vector<16xi32>
    %and3A_660 = arith.andi %ge3A_656, %lt3A_659 : vector<16xi1>
    %add3A_661 = arith.constant 32 : i32
    %add3A_662 = vector.broadcast %add3A_661 : i32 to vector<16xi32>
    %add3A_663 = arith.addi %add3A_662, %iota3A : vector<16xi32>
    tpu.vector_store_idx %arg6[%sub3A_653, %add3A_663], %broadcast_in_dim3A_223 masked %and3A_660 : memref<496x128xf32, #tpu.memory_space<vmem>>[vector<16xi32>, vector<16xi32>], vector<16xf32>, vector<16xi1>
    %get3A_664 = arith.constant 48 : index
    %get3A_665 = tpu.vector_load %arg4[%get3A_664] {strides = array<i32>} : memref<896xi32, #tpu.memory_space<vmem>>, vector<16xi32>,
    %sub3A_666 = arith.constant 504 : i32
    %sub3A_667 = vector.broadcast %sub3A_666 : i32 to vector<16xi32>
    %sub3A_668 = arith.subi %get3A_665, %sub3A_667 : vector<16xi32>
    %ge3A_669 = arith.constant 504 : i32
    %ge3A_670 = vector.broadcast %ge3A_669 : i32 to vector<16xi32>
    %ge3A_671 = arith.cmpi sge, %get3A_665, %ge3A_670 : vector<16xi32>
    %lt3A_672 = arith.constant 1000 : i32
    %lt3A_673 = vector.broadcast %lt3A_672 : i32 to vector<16xi32>
    %lt3A_674 = arith.cmpi slt, %get3A_665, %lt3A_673 : vector<16xi32>
    %and3A_675 = arith.andi %ge3A_671, %lt3A_674 : vector<16xi1>
    %add3A_676 = arith.constant 48 : i32
    %add3A_677 = vector.broadcast %add3A_676 : i32 to vector<16xi32>
    %add3A_678 = arith.addi %add3A_677, %iota3A : vector<16xi32>
    tpu.vector_store_idx %arg6[%sub3A_668, %add3A_678], %broadcast_in_dim3A_223 masked %and3A_675 : memref<496x128xf32, #tpu.memory_space<vmem>>[vector<16xi32>, vector<16xi32>], vector<16xf32>, vector<16xi1>
    %get3A_679 = arith.constant 64 : index
    %get3A_680 = tpu.vector_load %arg4[%get3A_679] {strides = array<i32>} : memref<896xi32, #tpu.memory_space<vmem>>, vector<16xi32>,
    %sub3A_681 = arith.constant 504 : i32
    %sub3A_682 = vector.broadcast %sub3A_681 : i32 to vector<16xi32>
    %sub3A_683 = arith.subi %get3A_680, %sub3A_682 : vector<16xi32>
    %ge3A_684 = arith.constant 504 : i32
    %ge3A_685 = vector.broadcast %ge3A_684 : i32 to vector<16xi32>
    %ge3A_686 = arith.cmpi sge, %get3A_680, %ge3A_685 : vector<16xi32>
    %lt3A_687 = arith.constant 1000 : i32
    %lt3A_688 = vector.broadcast %lt3A_687 : i32 to vector<16xi32>
    %lt3A_689 = arith.cmpi slt, %get3A_680, %lt3A_688 : vector<16xi32>
    %and3A_690 = arith.andi %ge3A_686, %lt3A_689 : vector<16xi1>
    %add3A_691 = arith.constant 64 : i32
    %add3A_692 = vector.broadcast %add3A_691 : i32 to vector<16xi32>
    %add3A_693 = arith.addi %add3A_692, %iota3A : vector<16xi32>
    tpu.vector_store_idx %arg6[%sub3A_683, %add3A_693], %broadcast_in_dim3A_223 masked %and3A_690 : memref<496x128xf32, #tpu.memory_space<vmem>>[vector<16xi32>, vector<16xi32>], vector<16xf32>, vector<16xi1>
    %get3A_694 = arith.constant 80 : index
    %get3A_695 = tpu.vector_load %arg4[%get3A_694] {strides = array<i32>} : memref<896xi32, #tpu.memory_space<vmem>>, vector<16xi32>,
    %sub3A_696 = arith.constant 504 : i32
    %sub3A_697 = vector.broadcast %sub3A_696 : i32 to vector<16xi32>
    %sub3A_698 = arith.subi %get3A_695, %sub3A_697 : vector<16xi32>
    %ge3A_699 = arith.constant 504 : i32
    %ge3A_700 = vector.broadcast %ge3A_699 : i32 to vector<16xi32>
    %ge3A_701 = arith.cmpi sge, %get3A_695, %ge3A_700 : vector<16xi32>
    %lt3A_702 = arith.constant 1000 : i32
    %lt3A_703 = vector.broadcast %lt3A_702 : i32 to vector<16xi32>
    %lt3A_704 = arith.cmpi slt, %get3A_695, %lt3A_703 : vector<16xi32>
    %and3A_705 = arith.andi %ge3A_701, %lt3A_704 : vector<16xi1>
    %add3A_706 = arith.constant 80 : i32
    %add3A_707 = vector.broadcast %add3A_706 : i32 to vector<16xi32>
    %add3A_708 = arith.addi %add3A_707, %iota3A : vector<16xi32>
    tpu.vector_store_idx %arg6[%sub3A_698, %add3A_708], %broadcast_in_dim3A_223 masked %and3A_705 : memref<496x128xf32, #tpu.memory_space<vmem>>[vector<16xi32>, vector<16xi32>], vector<16xf32>, vector<16xi1>
    %get3A_709 = arith.constant 96 : index
    %get3A_710 = tpu.vector_load %arg4[%get3A_709] {strides = array<i32>} : memref<896xi32, #tpu.memory_space<vmem>>, vector<16xi32>,
    %sub3A_711 = arith.constant 504 : i32
    %sub3A_712 = vector.broadcast %sub3A_711 : i32 to vector<16xi32>
    %sub3A_713 = arith.subi %get3A_710, %sub3A_712 : vector<16xi32>
    %ge3A_714 = arith.constant 504 : i32
    %ge3A_715 = vector.broadcast %ge3A_714 : i32 to vector<16xi32>
    %ge3A_716 = arith.cmpi sge, %get3A_710, %ge3A_715 : vector<16xi32>
    %lt3A_717 = arith.constant 1000 : i32
    %lt3A_718 = vector.broadcast %lt3A_717 : i32 to vector<16xi32>
    %lt3A_719 = arith.cmpi slt, %get3A_710, %lt3A_718 : vector<16xi32>
    %and3A_720 = arith.andi %ge3A_716, %lt3A_719 : vector<16xi1>
    %add3A_721 = arith.constant 96 : i32
    %add3A_722 = vector.broadcast %add3A_721 : i32 to vector<16xi32>
    %add3A_723 = arith.addi %add3A_722, %iota3A : vector<16xi32>
    tpu.vector_store_idx %arg6[%sub3A_713, %add3A_723], %broadcast_in_dim3A_223 masked %and3A_720 : memref<496x128xf32, #tpu.memory_space<vmem>>[vector<16xi32>, vector<16xi32>], vector<16xf32>, vector<16xi1>
    %get3A_724 = arith.constant 112 : index
    %get3A_725 = tpu.vector_load %arg4[%get3A_724] {strides = array<i32>} : memref<896xi32, #tpu.memory_space<vmem>>, vector<16xi32>,
    %sub3A_726 = arith.constant 504 : i32
    %sub3A_727 = vector.broadcast %sub3A_726 : i32 to vector<16xi32>
    %sub3A_728 = arith.subi %get3A_725, %sub3A_727 : vector<16xi32>
    %ge3A_729 = arith.constant 504 : i32
    %ge3A_730 = vector.broadcast %ge3A_729 : i32 to vector<16xi32>
    %ge3A_731 = arith.cmpi sge, %get3A_725, %ge3A_730 : vector<16xi32>
    %lt3A_732 = arith.constant 1000 : i32
    %lt3A_733 = vector.broadcast %lt3A_732 : i32 to vector<16xi32>
    %lt3A_734 = arith.cmpi slt, %get3A_725, %lt3A_733 : vector<16xi32>
    %and3A_735 = arith.andi %ge3A_731, %lt3A_734 : vector<16xi1>
    %add3A_736 = arith.constant 112 : i32
    %add3A_737 = vector.broadcast %add3A_736 : i32 to vector<16xi32>
    %add3A_738 = arith.addi %add3A_737, %iota3A : vector<16xi32>
    tpu.vector_store_idx %arg6[%sub3A_728, %add3A_738], %broadcast_in_dim3A_223 masked %and3A_735 : memref<496x128xf32, #tpu.memory_space<vmem>>[vector<16xi32>, vector<16xi32>], vector<16xf32>, vector<16xi1>
    %mul3A_739 = arith.constant 128 : i32
    %mul3A_740 = arith.muli %rem3A_487, %mul3A_739 : i32
    %dma_start3A_741 = arith.constant 504 : i32
    %dma_start3A_742 = tpu.memref_slice %arg3[%select_n3A_485, %dma_start3A_741, %mul3A_740] : memref<26x1000x1024xf32, #tpu.memory_space<hbm>> -> memref<1x496x128xf32, #tpu.memory_space<hbm>>
    %dma_start3A_743 = tpu.memref_squeeze %dma_start3A_742 : memref<1x496x128xf32, #tpu.memory_space<hbm>> -> memref<496x128xf32, #tpu.memory_space<hbm>>
    %dma_start3A_744 = arith.constant 504 : i32
    %dma_start3A_745 = tpu.memref_slice %arg3[%select_n3A_485, %dma_start3A_744, %mul3A_740] : memref<26x1000x1024xf32, #tpu.memory_space<hbm>> -> memref<1x496x128xf32, #tpu.memory_space<hbm>>
    %dma_start3A_746 = tpu.memref_squeeze %dma_start3A_745 : memref<1x496x128xf32, #tpu.memory_space<hbm>> -> memref<496x128xf32, #tpu.memory_space<hbm>>
    tpu.enqueue_dma source(%arg6 : memref<496x128xf32, #tpu.memory_space<vmem>>) target(%dma_start3A_746 : memref<496x128xf32, #tpu.memory_space<hbm>>) target_semaphore(%arg9 : memref<!tpu.dma_semaphore, #tpu.memory_space<semaphore_mem>>)
    %add3A_747 = arith.constant 32 : i32
    %add3A_748 = arith.addi %add3A, %add3A_747 : i32
    %jit3A_749 = arith.constant 8 : i32
    %div3A_750 = arith.divsi %add3A_748, %jit3A_749 : i32
    %sign3A_751 = arith.constant 0 : i32
    %sign3A_752 = arith.cmpi sgt, %add3A_748, %sign3A_751 : i32
    %sign3A_753 = arith.extui %sign3A_752 : i1 to i32
    %sign3A_754 = arith.constant 0 : i32
    %sign3A_755 = arith.cmpi slt, %add3A_748, %sign3A_754 : i32
    %sign3A_756 = arith.extui %sign3A_755 : i1 to i32
    %sign3A_757 = arith.subi %sign3A_753, %sign3A_756 : i32
    %sign3A_758 = arith.constant 0 : i32
    %sign3A_759 = arith.cmpi sgt, %jit3A_749, %sign3A_758 : i32
    %sign3A_760 = arith.extui %sign3A_759 : i1 to i32
    %sign3A_761 = arith.constant 0 : i32
    %sign3A_762 = arith.cmpi slt, %jit3A_749, %sign3A_761 : i32
    %sign3A_763 = arith.extui %sign3A_762 : i1 to i32
    %sign3A_764 = arith.subi %sign3A_760, %sign3A_763 : i32
    %ne3A_765 = arith.cmpi ne, %sign3A_757, %sign3A_764 : i32
    %rem3A_766 = arith.remsi %add3A_748, %jit3A_749 : i32
    %ne3A_767 = arith.constant 0 : i32
    %ne3A_768 = arith.cmpi ne, %rem3A_766, %ne3A_767 : i32
    %and3A_769 = arith.andi %ne3A_765, %ne3A_768 : i1
    %sub3A_770 = arith.constant 1 : i32
    %sub3A_771 = arith.subi %div3A_750, %sub3A_770 : i32
    %select_n3A_772 = arith.select %and3A_769, %sub3A_771, %div3A_750 : i32
    %rem3A_773 = arith.constant 8 : i32
    %rem3A_774 = arith.remsi %add3A_748, %rem3A_773 : i32
    %lt3A_775 = arith.constant 208 : i32
    %lt3A_776 = arith.cmpi slt, %add3A_748, %lt3A_775 : i32
    %convert_element_type3A_777 = arith.extui %lt3A_776 : i1 to i32
    %cond3A_778 = arith.constant 0 : i32
    %cond3A_779 = arith.cmpi ne, %convert_element_type3A_777, %cond3A_778 : i32
    scf.if %cond3A_779 {
      %add3A_1044 = arith.constant 0 : i32
      %add3A_1045 = arith.addi %add3A, %add3A_1044 : i32
      %jit3A_1046 = arith.constant 8 : i32
      %div3A_1047 = arith.divsi %add3A_1045, %jit3A_1046 : i32
      %sign3A_1048 = arith.constant 0 : i32
      %sign3A_1049 = arith.cmpi sgt, %add3A_1045, %sign3A_1048 : i32
      %sign3A_1050 = arith.extui %sign3A_1049 : i1 to i32
      %sign3A_1051 = arith.constant 0 : i32
      %sign3A_1052 = arith.cmpi slt, %add3A_1045, %sign3A_1051 : i32
      %sign3A_1053 = arith.extui %sign3A_1052 : i1 to i32
      %sign3A_1054 = arith.subi %sign3A_1050, %sign3A_1053 : i32
      %sign3A_1055 = arith.constant 0 : i32
      %sign3A_1056 = arith.cmpi sgt, %jit3A_1046, %sign3A_1055 : i32
      %sign3A_1057 = arith.extui %sign3A_1056 : i1 to i32
      %sign3A_1058 = arith.constant 0 : i32
      %sign3A_1059 = arith.cmpi slt, %jit3A_1046, %sign3A_1058 : i32
      %sign3A_1060 = arith.extui %sign3A_1059 : i1 to i32
      %sign3A_1061 = arith.subi %sign3A_1057, %sign3A_1060 : i32
      %ne3A_1062 = arith.cmpi ne, %sign3A_1054, %sign3A_1061 : i32
      %rem3A_1063 = arith.remsi %add3A_1045, %jit3A_1046 : i32
      %ne3A_1064 = arith.constant 0 : i32
      %ne3A_1065 = arith.cmpi ne, %rem3A_1063, %ne3A_1064 : i32
      %and3A_1066 = arith.andi %ne3A_1062, %ne3A_1065 : i1
      %sub3A_1067 = arith.constant 1 : i32
      %sub3A_1068 = arith.subi %div3A_1047, %sub3A_1067 : i32
      %select_n3A_1069 = arith.select %and3A_1066, %sub3A_1068, %div3A_1047 : i32
      %rem3A_1070 = arith.constant 8 : i32
      %rem3A_1071 = arith.remsi %add3A_1045, %rem3A_1070 : i32
      %mul3A_1072 = arith.constant 128 : i32
      %mul3A_1073 = arith.muli %rem3A_1071, %mul3A_1072 : i32
      %dma_wait3A = arith.constant 0 : i32
      %dma_wait3A_1074 = tpu.memref_slice %arg3[%select_n3A_1069, %dma_wait3A, %mul3A_1073] : memref<26x1000x1024xf32, #tpu.memory_space<hbm>> -> memref<1x504x128xf32, #tpu.memory_space<hbm>>
      %dma_wait3A_1075 = tpu.memref_squeeze %dma_wait3A_1074 : memref<1x504x128xf32, #tpu.memory_space<hbm>> -> memref<504x128xf32, #tpu.memory_space<hbm>>
      %dma_wait3A_1076 = arith.constant 0 : i32
      %dma_wait3A_1077 = tpu.memref_slice %arg3[%select_n3A_1069, %dma_wait3A_1076, %mul3A_1073] : memref<26x1000x1024xf32, #tpu.memory_space<hbm>> -> memref<1x504x128xf32, #tpu.memory_space<hbm>>
      %dma_wait3A_1078 = tpu.memref_squeeze %dma_wait3A_1077 : memref<1x504x128xf32, #tpu.memory_space<hbm>> -> memref<504x128xf32, #tpu.memory_space<hbm>>
      tpu.wait_dma2 semaphore(%arg8 : memref<!tpu.dma_semaphore, #tpu.memory_space<semaphore_mem>>) src(%arg5 : memref<504x128xf32, #tpu.memory_space<vmem>>) dst(%dma_wait3A_1078 : memref<504x128xf32, #tpu.memory_space<hbm>>)
      %get3A_1079 = arith.constant 0 : index
      %get3A_1080 = tpu.vector_load %arg4[%get3A_1079] {strides = array<i32>} : memref<896xi32, #tpu.memory_space<vmem>>, vector<16xi32>,
      %sub3A_1081 = arith.constant 0 : i32
      %sub3A_1082 = vector.broadcast %sub3A_1081 : i32 to vector<16xi32>
      %sub3A_1083 = arith.subi %get3A_1080, %sub3A_1082 : vector<16xi32>
      %ge3A_1084 = arith.constant 0 : i32
      %ge3A_1085 = vector.broadcast %ge3A_1084 : i32 to vector<16xi32>
      %ge3A_1086 = arith.cmpi sge, %get3A_1080, %ge3A_1085 : vector<16xi32>
      %lt3A_1087 = arith.constant 504 : i32
      %lt3A_1088 = vector.broadcast %lt3A_1087 : i32 to vector<16xi32>
      %lt3A_1089 = arith.cmpi slt, %get3A_1080, %lt3A_1088 : vector<16xi32>
      %and3A_1090 = arith.andi %ge3A_1086, %lt3A_1089 : vector<16xi1>
      %add3A_1091 = arith.constant 0 : i32
      %add3A_1092 = vector.broadcast %add3A_1091 : i32 to vector<16xi32>
      %add3A_1093 = arith.addi %add3A_1092, %iota3A : vector<16xi32>
      tpu.vector_store_idx %arg5[%sub3A_1083, %add3A_1093], %broadcast_in_dim3A_221 masked %and3A_1090 : memref<504x128xf32, #tpu.memory_space<vmem>>[vector<16xi32>, vector<16xi32>], vector<16xf32>, vector<16xi1>
      %get3A_1094 = arith.constant 16 : index
      %get3A_1095 = tpu.vector_load %arg4[%get3A_1094] {strides = array<i32>} : memref<896xi32, #tpu.memory_space<vmem>>, vector<16xi32>,
      %sub3A_1096 = arith.constant 0 : i32
      %sub3A_1097 = vector.broadcast %sub3A_1096 : i32 to vector<16xi32>
      %sub3A_1098 = arith.subi %get3A_1095, %sub3A_1097 : vector<16xi32>
      %ge3A_1099 = arith.constant 0 : i32
      %ge3A_1100 = vector.broadcast %ge3A_1099 : i32 to vector<16xi32>
      %ge3A_1101 = arith.cmpi sge, %get3A_1095, %ge3A_1100 : vector<16xi32>
      %lt3A_1102 = arith.constant 504 : i32
      %lt3A_1103 = vector.broadcast %lt3A_1102 : i32 to vector<16xi32>
      %lt3A_1104 = arith.cmpi slt, %get3A_1095, %lt3A_1103 : vector<16xi32>
      %and3A_1105 = arith.andi %ge3A_1101, %lt3A_1104 : vector<16xi1>
      %add3A_1106 = arith.constant 16 : i32
      %add3A_1107 = vector.broadcast %add3A_1106 : i32 to vector<16xi32>
      %add3A_1108 = arith.addi %add3A_1107, %iota3A : vector<16xi32>
      tpu.vector_store_idx %arg5[%sub3A_1098, %add3A_1108], %broadcast_in_dim3A_221 masked %and3A_1105 : memref<504x128xf32, #tpu.memory_space<vmem>>[vector<16xi32>, vector<16xi32>], vector<16xf32>, vector<16xi1>
      %get3A_1109 = arith.constant 32 : index
      %get3A_1110 = tpu.vector_load %arg4[%get3A_1109] {strides = array<i32>} : memref<896xi32, #tpu.memory_space<vmem>>, vector<16xi32>,
      %sub3A_1111 = arith.constant 0 : i32
      %sub3A_1112 = vector.broadcast %sub3A_1111 : i32 to vector<16xi32>
      %sub3A_1113 = arith.subi %get3A_1110, %sub3A_1112 : vector<16xi32>
      %ge3A_1114 = arith.constant 0 : i32
      %ge3A_1115 = vector.broadcast %ge3A_1114 : i32 to vector<16xi32>
      %ge3A_1116 = arith.cmpi sge, %get3A_1110, %ge3A_1115 : vector<16xi32>
      %lt3A_1117 = arith.constant 504 : i32
      %lt3A_1118 = vector.broadcast %lt3A_1117 : i32 to vector<16xi32>
      %lt3A_1119 = arith.cmpi slt, %get3A_1110, %lt3A_1118 : vector<16xi32>
      %and3A_1120 = arith.andi %ge3A_1116, %lt3A_1119 : vector<16xi1>
      %add3A_1121 = arith.constant 32 : i32
      %add3A_1122 = vector.broadcast %add3A_1121 : i32 to vector<16xi32>
      %add3A_1123 = arith.addi %add3A_1122, %iota3A : vector<16xi32>
      tpu.vector_store_idx %arg5[%sub3A_1113, %add3A_1123], %broadcast_in_dim3A_221 masked %and3A_1120 : memref<504x128xf32, #tpu.memory_space<vmem>>[vector<16xi32>, vector<16xi32>], vector<16xf32>, vector<16xi1>
      %get3A_1124 = arith.constant 48 : index
      %get3A_1125 = tpu.vector_load %arg4[%get3A_1124] {strides = array<i32>} : memref<896xi32, #tpu.memory_space<vmem>>, vector<16xi32>,
      %sub3A_1126 = arith.constant 0 : i32
      %sub3A_1127 = vector.broadcast %sub3A_1126 : i32 to vector<16xi32>
      %sub3A_1128 = arith.subi %get3A_1125, %sub3A_1127 : vector<16xi32>
      %ge3A_1129 = arith.constant 0 : i32
      %ge3A_1130 = vector.broadcast %ge3A_1129 : i32 to vector<16xi32>
      %ge3A_1131 = arith.cmpi sge, %get3A_1125, %ge3A_1130 : vector<16xi32>
      %lt3A_1132 = arith.constant 504 : i32
      %lt3A_1133 = vector.broadcast %lt3A_1132 : i32 to vector<16xi32>
      %lt3A_1134 = arith.cmpi slt, %get3A_1125, %lt3A_1133 : vector<16xi32>
      %and3A_1135 = arith.andi %ge3A_1131, %lt3A_1134 : vector<16xi1>
      %add3A_1136 = arith.constant 48 : i32
      %add3A_1137 = vector.broadcast %add3A_1136 : i32 to vector<16xi32>
      %add3A_1138 = arith.addi %add3A_1137, %iota3A : vector<16xi32>
      tpu.vector_store_idx %arg5[%sub3A_1128, %add3A_1138], %broadcast_in_dim3A_221 masked %and3A_1135 : memref<504x128xf32, #tpu.memory_space<vmem>>[vector<16xi32>, vector<16xi32>], vector<16xf32>, vector<16xi1>
      %get3A_1139 = arith.constant 64 : index
      %get3A_1140 = tpu.vector_load %arg4[%get3A_1139] {strides = array<i32>} : memref<896xi32, #tpu.memory_space<vmem>>, vector<16xi32>,
      %sub3A_1141 = arith.constant 0 : i32
      %sub3A_1142 = vector.broadcast %sub3A_1141 : i32 to vector<16xi32>
      %sub3A_1143 = arith.subi %get3A_1140, %sub3A_1142 : vector<16xi32>
      %ge3A_1144 = arith.constant 0 : i32
      %ge3A_1145 = vector.broadcast %ge3A_1144 : i32 to vector<16xi32>
      %ge3A_1146 = arith.cmpi sge, %get3A_1140, %ge3A_1145 : vector<16xi32>
      %lt3A_1147 = arith.constant 504 : i32
      %lt3A_1148 = vector.broadcast %lt3A_1147 : i32 to vector<16xi32>
      %lt3A_1149 = arith.cmpi slt, %get3A_1140, %lt3A_1148 : vector<16xi32>
      %and3A_1150 = arith.andi %ge3A_1146, %lt3A_1149 : vector<16xi1>
      %add3A_1151 = arith.constant 64 : i32
      %add3A_1152 = vector.broadcast %add3A_1151 : i32 to vector<16xi32>
      %add3A_1153 = arith.addi %add3A_1152, %iota3A : vector<16xi32>
      tpu.vector_store_idx %arg5[%sub3A_1143, %add3A_1153], %broadcast_in_dim3A_221 masked %and3A_1150 : memref<504x128xf32, #tpu.memory_space<vmem>>[vector<16xi32>, vector<16xi32>], vector<16xf32>, vector<16xi1>
      %get3A_1154 = arith.constant 80 : index
      %get3A_1155 = tpu.vector_load %arg4[%get3A_1154] {strides = array<i32>} : memref<896xi32, #tpu.memory_space<vmem>>, vector<16xi32>,
      %sub3A_1156 = arith.constant 0 : i32
      %sub3A_1157 = vector.broadcast %sub3A_1156 : i32 to vector<16xi32>
      %sub3A_1158 = arith.subi %get3A_1155, %sub3A_1157 : vector<16xi32>
      %ge3A_1159 = arith.constant 0 : i32
      %ge3A_1160 = vector.broadcast %ge3A_1159 : i32 to vector<16xi32>
      %ge3A_1161 = arith.cmpi sge, %get3A_1155, %ge3A_1160 : vector<16xi32>
      %lt3A_1162 = arith.constant 504 : i32
      %lt3A_1163 = vector.broadcast %lt3A_1162 : i32 to vector<16xi32>
      %lt3A_1164 = arith.cmpi slt, %get3A_1155, %lt3A_1163 : vector<16xi32>
      %and3A_1165 = arith.andi %ge3A_1161, %lt3A_1164 : vector<16xi1>
      %add3A_1166 = arith.constant 80 : i32
      %add3A_1167 = vector.broadcast %add3A_1166 : i32 to vector<16xi32>
      %add3A_1168 = arith.addi %add3A_1167, %iota3A : vector<16xi32>
      tpu.vector_store_idx %arg5[%sub3A_1158, %add3A_1168], %broadcast_in_dim3A_221 masked %and3A_1165 : memref<504x128xf32, #tpu.memory_space<vmem>>[vector<16xi32>, vector<16xi32>], vector<16xf32>, vector<16xi1>
      %get3A_1169 = arith.constant 96 : index
      %get3A_1170 = tpu.vector_load %arg4[%get3A_1169] {strides = array<i32>} : memref<896xi32, #tpu.memory_space<vmem>>, vector<16xi32>,
      %sub3A_1171 = arith.constant 0 : i32
      %sub3A_1172 = vector.broadcast %sub3A_1171 : i32 to vector<16xi32>
      %sub3A_1173 = arith.subi %get3A_1170, %sub3A_1172 : vector<16xi32>
      %ge3A_1174 = arith.constant 0 : i32
      %ge3A_1175 = vector.broadcast %ge3A_1174 : i32 to vector<16xi32>
      %ge3A_1176 = arith.cmpi sge, %get3A_1170, %ge3A_1175 : vector<16xi32>
      %lt3A_1177 = arith.constant 504 : i32
      %lt3A_1178 = vector.broadcast %lt3A_1177 : i32 to vector<16xi32>
      %lt3A_1179 = arith.cmpi slt, %get3A_1170, %lt3A_1178 : vector<16xi32>
      %and3A_1180 = arith.andi %ge3A_1176, %lt3A_1179 : vector<16xi1>
      %add3A_1181 = arith.constant 96 : i32
      %add3A_1182 = vector.broadcast %add3A_1181 : i32 to vector<16xi32>
      %add3A_1183 = arith.addi %add3A_1182, %iota3A : vector<16xi32>
      tpu.vector_store_idx %arg5[%sub3A_1173, %add3A_1183], %broadcast_in_dim3A_221 masked %and3A_1180 : memref<504x128xf32, #tpu.memory_space<vmem>>[vector<16xi32>, vector<16xi32>], vector<16xf32>, vector<16xi1>
      %get3A_1184 = arith.constant 112 : index
      %get3A_1185 = tpu.vector_load %arg4[%get3A_1184] {strides = array<i32>} : memref<896xi32, #tpu.memory_space<vmem>>, vector<16xi32>,
      %sub3A_1186 = arith.constant 0 : i32
      %sub3A_1187 = vector.broadcast %sub3A_1186 : i32 to vector<16xi32>
      %sub3A_1188 = arith.subi %get3A_1185, %sub3A_1187 : vector<16xi32>
      %ge3A_1189 = arith.constant 0 : i32
      %ge3A_1190 = vector.broadcast %ge3A_1189 : i32 to vector<16xi32>
      %ge3A_1191 = arith.cmpi sge, %get3A_1185, %ge3A_1190 : vector<16xi32>
      %lt3A_1192 = arith.constant 504 : i32
      %lt3A_1193 = vector.broadcast %lt3A_1192 : i32 to vector<16xi32>
      %lt3A_1194 = arith.cmpi slt, %get3A_1185, %lt3A_1193 : vector<16xi32>
      %and3A_1195 = arith.andi %ge3A_1191, %lt3A_1194 : vector<16xi1>
      %add3A_1196 = arith.constant 112 : i32
      %add3A_1197 = vector.broadcast %add3A_1196 : i32 to vector<16xi32>
      %add3A_1198 = arith.addi %add3A_1197, %iota3A : vector<16xi32>
      tpu.vector_store_idx %arg5[%sub3A_1188, %add3A_1198], %broadcast_in_dim3A_221 masked %and3A_1195 : memref<504x128xf32, #tpu.memory_space<vmem>>[vector<16xi32>, vector<16xi32>], vector<16xf32>, vector<16xi1>
      %get3A_1199 = arith.constant 128 : index
      %get3A_1200 = tpu.vector_load %arg4[%get3A_1199] {strides = array<i32>} : memref<896xi32, #tpu.memory_space<vmem>>, vector<16xi32>,
      %sub3A_1201 = arith.constant 0 : i32
      %sub3A_1202 = vector.broadcast %sub3A_1201 : i32 to vector<16xi32>
      %sub3A_1203 = arith.subi %get3A_1200, %sub3A_1202 : vector<16xi32>
      %ge3A_1204 = arith.constant 0 : i32
      %ge3A_1205 = vector.broadcast %ge3A_1204 : i32 to vector<16xi32>
      %ge3A_1206 = arith.cmpi sge, %get3A_1200, %ge3A_1205 : vector<16xi32>
      %lt3A_1207 = arith.constant 504 : i32
      %lt3A_1208 = vector.broadcast %lt3A_1207 : i32 to vector<16xi32>
      %lt3A_1209 = arith.cmpi slt, %get3A_1200, %lt3A_1208 : vector<16xi32>
      %and3A_1210 = arith.andi %ge3A_1206, %lt3A_1209 : vector<16xi1>
      %add3A_1211 = arith.constant 0 : i32
      %add3A_1212 = vector.broadcast %add3A_1211 : i32 to vector<16xi32>
      %add3A_1213 = arith.addi %add3A_1212, %iota3A : vector<16xi32>
      tpu.vector_store_idx %arg5[%sub3A_1203, %add3A_1213], %broadcast_in_dim3A_223 masked %and3A_1210 : memref<504x128xf32, #tpu.memory_space<vmem>>[vector<16xi32>, vector<16xi32>], vector<16xf32>, vector<16xi1>
      %get3A_1214 = arith.constant 144 : index
      %get3A_1215 = tpu.vector_load %arg4[%get3A_1214] {strides = array<i32>} : memref<896xi32, #tpu.memory_space<vmem>>, vector<16xi32>,
      %sub3A_1216 = arith.constant 0 : i32
      %sub3A_1217 = vector.broadcast %sub3A_1216 : i32 to vector<16xi32>
      %sub3A_1218 = arith.subi %get3A_1215, %sub3A_1217 : vector<16xi32>
      %ge3A_1219 = arith.constant 0 : i32
      %ge3A_1220 = vector.broadcast %ge3A_1219 : i32 to vector<16xi32>
      %ge3A_1221 = arith.cmpi sge, %get3A_1215, %ge3A_1220 : vector<16xi32>
      %lt3A_1222 = arith.constant 504 : i32
      %lt3A_1223 = vector.broadcast %lt3A_1222 : i32 to vector<16xi32>
      %lt3A_1224 = arith.cmpi slt, %get3A_1215, %lt3A_1223 : vector<16xi32>
      %and3A_1225 = arith.andi %ge3A_1221, %lt3A_1224 : vector<16xi1>
      %add3A_1226 = arith.constant 16 : i32
      %add3A_1227 = vector.broadcast %add3A_1226 : i32 to vector<16xi32>
      %add3A_1228 = arith.addi %add3A_1227, %iota3A : vector<16xi32>
      tpu.vector_store_idx %arg5[%sub3A_1218, %add3A_1228], %broadcast_in_dim3A_223 masked %and3A_1225 : memref<504x128xf32, #tpu.memory_space<vmem>>[vector<16xi32>, vector<16xi32>], vector<16xf32>, vector<16xi1>
      %get3A_1229 = arith.constant 160 : index
      %get3A_1230 = tpu.vector_load %arg4[%get3A_1229] {strides = array<i32>} : memref<896xi32, #tpu.memory_space<vmem>>, vector<16xi32>,
      %sub3A_1231 = arith.constant 0 : i32
      %sub3A_1232 = vector.broadcast %sub3A_1231 : i32 to vector<16xi32>
      %sub3A_1233 = arith.subi %get3A_1230, %sub3A_1232 : vector<16xi32>
      %ge3A_1234 = arith.constant 0 : i32
      %ge3A_1235 = vector.broadcast %ge3A_1234 : i32 to vector<16xi32>
      %ge3A_1236 = arith.cmpi sge, %get3A_1230, %ge3A_1235 : vector<16xi32>
      %lt3A_1237 = arith.constant 504 : i32
      %lt3A_1238 = vector.broadcast %lt3A_1237 : i32 to vector<16xi32>
      %lt3A_1239 = arith.cmpi slt, %get3A_1230, %lt3A_1238 : vector<16xi32>
      %and3A_1240 = arith.andi %ge3A_1236, %lt3A_1239 : vector<16xi1>
      %add3A_1241 = arith.constant 32 : i32
      %add3A_1242 = vector.broadcast %add3A_1241 : i32 to vector<16xi32>
      %add3A_1243 = arith.addi %add3A_1242, %iota3A : vector<16xi32>
      tpu.vector_store_idx %arg5[%sub3A_1233, %add3A_1243], %broadcast_in_dim3A_223 masked %and3A_1240 : memref<504x128xf32, #tpu.memory_space<vmem>>[vector<16xi32>, vector<16xi32>], vector<16xf32>, vector<16xi1>
      %get3A_1244 = arith.constant 176 : index
      %get3A_1245 = tpu.vector_load %arg4[%get3A_1244] {strides = array<i32>} : memref<896xi32, #tpu.memory_space<vmem>>, vector<16xi32>,
      %sub3A_1246 = arith.constant 0 : i32
      %sub3A_1247 = vector.broadcast %sub3A_1246 : i32 to vector<16xi32>
      %sub3A_1248 = arith.subi %get3A_1245, %sub3A_1247 : vector<16xi32>
      %ge3A_1249 = arith.constant 0 : i32
      %ge3A_1250 = vector.broadcast %ge3A_1249 : i32 to vector<16xi32>
      %ge3A_1251 = arith.cmpi sge, %get3A_1245, %ge3A_1250 : vector<16xi32>
      %lt3A_1252 = arith.constant 504 : i32
      %lt3A_1253 = vector.broadcast %lt3A_1252 : i32 to vector<16xi32>
      %lt3A_1254 = arith.cmpi slt, %get3A_1245, %lt3A_1253 : vector<16xi32>
      %and3A_1255 = arith.andi %ge3A_1251, %lt3A_1254 : vector<16xi1>
      %add3A_1256 = arith.constant 48 : i32
      %add3A_1257 = vector.broadcast %add3A_1256 : i32 to vector<16xi32>
      %add3A_1258 = arith.addi %add3A_1257, %iota3A : vector<16xi32>
      tpu.vector_store_idx %arg5[%sub3A_1248, %add3A_1258], %broadcast_in_dim3A_223 masked %and3A_1255 : memref<504x128xf32, #tpu.memory_space<vmem>>[vector<16xi32>, vector<16xi32>], vector<16xf32>, vector<16xi1>
      %get3A_1259 = arith.constant 192 : index
      %get3A_1260 = tpu.vector_load %arg4[%get3A_1259] {strides = array<i32>} : memref<896xi32, #tpu.memory_space<vmem>>, vector<16xi32>,
      %sub3A_1261 = arith.constant 0 : i32
      %sub3A_1262 = vector.broadcast %sub3A_1261 : i32 to vector<16xi32>
      %sub3A_1263 = arith.subi %get3A_1260, %sub3A_1262 : vector<16xi32>
      %ge3A_1264 = arith.constant 0 : i32
      %ge3A_1265 = vector.broadcast %ge3A_1264 : i32 to vector<16xi32>
      %ge3A_1266 = arith.cmpi sge, %get3A_1260, %ge3A_1265 : vector<16xi32>
      %lt3A_1267 = arith.constant 504 : i32
      %lt3A_1268 = vector.broadcast %lt3A_1267 : i32 to vector<16xi32>
      %lt3A_1269 = arith.cmpi slt, %get3A_1260, %lt3A_1268 : vector<16xi32>
      %and3A_1270 = arith.andi %ge3A_1266, %lt3A_1269 : vector<16xi1>
      %add3A_1271 = arith.constant 64 : i32
      %add3A_1272 = vector.broadcast %add3A_1271 : i32 to vector<16xi32>
      %add3A_1273 = arith.addi %add3A_1272, %iota3A : vector<16xi32>
      tpu.vector_store_idx %arg5[%sub3A_1263, %add3A_1273], %broadcast_in_dim3A_223 masked %and3A_1270 : memref<504x128xf32, #tpu.memory_space<vmem>>[vector<16xi32>, vector<16xi32>], vector<16xf32>, vector<16xi1>
      %get3A_1274 = arith.constant 208 : index
      %get3A_1275 = tpu.vector_load %arg4[%get3A_1274] {strides = array<i32>} : memref<896xi32, #tpu.memory_space<vmem>>, vector<16xi32>,
      %sub3A_1276 = arith.constant 0 : i32
      %sub3A_1277 = vector.broadcast %sub3A_1276 : i32 to vector<16xi32>
      %sub3A_1278 = arith.subi %get3A_1275, %sub3A_1277 : vector<16xi32>
      %ge3A_1279 = arith.constant 0 : i32
      %ge3A_1280 = vector.broadcast %ge3A_1279 : i32 to vector<16xi32>
      %ge3A_1281 = arith.cmpi sge, %get3A_1275, %ge3A_1280 : vector<16xi32>
      %lt3A_1282 = arith.constant 504 : i32
      %lt3A_1283 = vector.broadcast %lt3A_1282 : i32 to vector<16xi32>
      %lt3A_1284 = arith.cmpi slt, %get3A_1275, %lt3A_1283 : vector<16xi32>
      %and3A_1285 = arith.andi %ge3A_1281, %lt3A_1284 : vector<16xi1>
      %add3A_1286 = arith.constant 80 : i32
      %add3A_1287 = vector.broadcast %add3A_1286 : i32 to vector<16xi32>
      %add3A_1288 = arith.addi %add3A_1287, %iota3A : vector<16xi32>
      tpu.vector_store_idx %arg5[%sub3A_1278, %add3A_1288], %broadcast_in_dim3A_223 masked %and3A_1285 : memref<504x128xf32, #tpu.memory_space<vmem>>[vector<16xi32>, vector<16xi32>], vector<16xf32>, vector<16xi1>
      %get3A_1289 = arith.constant 224 : index
      %get3A_1290 = tpu.vector_load %arg4[%get3A_1289] {strides = array<i32>} : memref<896xi32, #tpu.memory_space<vmem>>, vector<16xi32>,
      %sub3A_1291 = arith.constant 0 : i32
      %sub3A_1292 = vector.broadcast %sub3A_1291 : i32 to vector<16xi32>
      %sub3A_1293 = arith.subi %get3A_1290, %sub3A_1292 : vector<16xi32>
      %ge3A_1294 = arith.constant 0 : i32
      %ge3A_1295 = vector.broadcast %ge3A_1294 : i32 to vector<16xi32>
      %ge3A_1296 = arith.cmpi sge, %get3A_1290, %ge3A_1295 : vector<16xi32>
      %lt3A_1297 = arith.constant 504 : i32
      %lt3A_1298 = vector.broadcast %lt3A_1297 : i32 to vector<16xi32>
      %lt3A_1299 = arith.cmpi slt, %get3A_1290, %lt3A_1298 : vector<16xi32>
      %and3A_1300 = arith.andi %ge3A_1296, %lt3A_1299 : vector<16xi1>
      %add3A_1301 = arith.constant 96 : i32
      %add3A_1302 = vector.broadcast %add3A_1301 : i32 to vector<16xi32>
      %add3A_1303 = arith.addi %add3A_1302, %iota3A : vector<16xi32>
      tpu.vector_store_idx %arg5[%sub3A_1293, %add3A_1303], %broadcast_in_dim3A_223 masked %and3A_1300 : memref<504x128xf32, #tpu.memory_space<vmem>>[vector<16xi32>, vector<16xi32>], vector<16xf32>, vector<16xi1>
      %get3A_1304 = arith.constant 240 : index
      %get3A_1305 = tpu.vector_load %arg4[%get3A_1304] {strides = array<i32>} : memref<896xi32, #tpu.memory_space<vmem>>, vector<16xi32>,
      %sub3A_1306 = arith.constant 0 : i32
      %sub3A_1307 = vector.broadcast %sub3A_1306 : i32 to vector<16xi32>
      %sub3A_1308 = arith.subi %get3A_1305, %sub3A_1307 : vector<16xi32>
      %ge3A_1309 = arith.constant 0 : i32
      %ge3A_1310 = vector.broadcast %ge3A_1309 : i32 to vector<16xi32>
      %ge3A_1311 = arith.cmpi sge, %get3A_1305, %ge3A_1310 : vector<16xi32>
      %lt3A_1312 = arith.constant 504 : i32
      %lt3A_1313 = vector.broadcast %lt3A_1312 : i32 to vector<16xi32>
      %lt3A_1314 = arith.cmpi slt, %get3A_1305, %lt3A_1313 : vector<16xi32>
      %and3A_1315 = arith.andi %ge3A_1311, %lt3A_1314 : vector<16xi1>
      %add3A_1316 = arith.constant 112 : i32
      %add3A_1317 = vector.broadcast %add3A_1316 : i32 to vector<16xi32>
      %add3A_1318 = arith.addi %add3A_1317, %iota3A : vector<16xi32>
      tpu.vector_store_idx %arg5[%sub3A_1308, %add3A_1318], %broadcast_in_dim3A_223 masked %and3A_1315 : memref<504x128xf32, #tpu.memory_space<vmem>>[vector<16xi32>, vector<16xi32>], vector<16xf32>, vector<16xi1>
      %mul3A_1319 = arith.constant 128 : i32
      %mul3A_1320 = arith.muli %rem3A_774, %mul3A_1319 : i32
      %dma_start3A_1321 = arith.constant 0 : i32
      %dma_start3A_1322 = tpu.memref_slice %arg3[%select_n3A_772, %dma_start3A_1321, %mul3A_1320] : memref<26x1000x1024xf32, #tpu.memory_space<hbm>> -> memref<1x504x128xf32, #tpu.memory_space<hbm>>
      %dma_start3A_1323 = tpu.memref_squeeze %dma_start3A_1322 : memref<1x504x128xf32, #tpu.memory_space<hbm>> -> memref<504x128xf32, #tpu.memory_space<hbm>>
      %dma_start3A_1324 = arith.constant 0 : i32
      %dma_start3A_1325 = tpu.memref_slice %arg3[%select_n3A_772, %dma_start3A_1324, %mul3A_1320] : memref<26x1000x1024xf32, #tpu.memory_space<hbm>> -> memref<1x504x128xf32, #tpu.memory_space<hbm>>
      %dma_start3A_1326 = tpu.memref_squeeze %dma_start3A_1325 : memref<1x504x128xf32, #tpu.memory_space<hbm>> -> memref<504x128xf32, #tpu.memory_space<hbm>>
      tpu.enqueue_dma source(%arg5 : memref<504x128xf32, #tpu.memory_space<vmem>>) target(%dma_start3A_1326 : memref<504x128xf32, #tpu.memory_space<hbm>>) target_semaphore(%arg8 : memref<!tpu.dma_semaphore, #tpu.memory_space<semaphore_mem>>)
      %add3A_1327 = arith.constant 0 : i32
      %add3A_1328 = arith.addi %add3A, %add3A_1327 : i32
      %jit3A_1329 = arith.constant 8 : i32
      %div3A_1330 = arith.divsi %add3A_1328, %jit3A_1329 : i32
      %sign3A_1331 = arith.constant 0 : i32
      %sign3A_1332 = arith.cmpi sgt, %add3A_1328, %sign3A_1331 : i32
      %sign3A_1333 = arith.extui %sign3A_1332 : i1 to i32
      %sign3A_1334 = arith.constant 0 : i32
      %sign3A_1335 = arith.cmpi slt, %add3A_1328, %sign3A_1334 : i32
      %sign3A_1336 = arith.extui %sign3A_1335 : i1 to i32
      %sign3A_1337 = arith.subi %sign3A_1333, %sign3A_1336 : i32
      %sign3A_1338 = arith.constant 0 : i32
      %sign3A_1339 = arith.cmpi sgt, %jit3A_1329, %sign3A_1338 : i32
      %sign3A_1340 = arith.extui %sign3A_1339 : i1 to i32
      %sign3A_1341 = arith.constant 0 : i32
      %sign3A_1342 = arith.cmpi slt, %jit3A_1329, %sign3A_1341 : i32
      %sign3A_1343 = arith.extui %sign3A_1342 : i1 to i32
      %sign3A_1344 = arith.subi %sign3A_1340, %sign3A_1343 : i32
      %ne3A_1345 = arith.cmpi ne, %sign3A_1337, %sign3A_1344 : i32
      %rem3A_1346 = arith.remsi %add3A_1328, %jit3A_1329 : i32
      %ne3A_1347 = arith.constant 0 : i32
      %ne3A_1348 = arith.cmpi ne, %rem3A_1346, %ne3A_1347 : i32
      %and3A_1349 = arith.andi %ne3A_1345, %ne3A_1348 : i1
      %sub3A_1350 = arith.constant 1 : i32
      %sub3A_1351 = arith.subi %div3A_1330, %sub3A_1350 : i32
      %select_n3A_1352 = arith.select %and3A_1349, %sub3A_1351, %div3A_1330 : i32
      %rem3A_1353 = arith.constant 8 : i32
      %rem3A_1354 = arith.remsi %add3A_1328, %rem3A_1353 : i32
      %mul3A_1355 = arith.constant 128 : i32
      %mul3A_1356 = arith.muli %rem3A_1354, %mul3A_1355 : i32
      %dma_wait3A_1357 = arith.constant 504 : i32
      %dma_wait3A_1358 = tpu.memref_slice %arg3[%select_n3A_1352, %dma_wait3A_1357, %mul3A_1356] : memref<26x1000x1024xf32, #tpu.memory_space<hbm>> -> memref<1x496x128xf32, #tpu.memory_space<hbm>>
      %dma_wait3A_1359 = tpu.memref_squeeze %dma_wait3A_1358 : memref<1x496x128xf32, #tpu.memory_space<hbm>> -> memref<496x128xf32, #tpu.memory_space<hbm>>
      %dma_wait3A_1360 = arith.constant 504 : i32
      %dma_wait3A_1361 = tpu.memref_slice %arg3[%select_n3A_1352, %dma_wait3A_1360, %mul3A_1356] : memref<26x1000x1024xf32, #tpu.memory_space<hbm>> -> memref<1x496x128xf32, #tpu.memory_space<hbm>>
      %dma_wait3A_1362 = tpu.memref_squeeze %dma_wait3A_1361 : memref<1x496x128xf32, #tpu.memory_space<hbm>> -> memref<496x128xf32, #tpu.memory_space<hbm>>
      tpu.wait_dma2 semaphore(%arg9 : memref<!tpu.dma_semaphore, #tpu.memory_space<semaphore_mem>>) src(%arg6 : memref<496x128xf32, #tpu.memory_space<vmem>>) dst(%dma_wait3A_1362 : memref<496x128xf32, #tpu.memory_space<hbm>>)
      %get3A_1363 = arith.constant 0 : index
      %get3A_1364 = tpu.vector_load %arg4[%get3A_1363] {strides = array<i32>} : memref<896xi32, #tpu.memory_space<vmem>>, vector<16xi32>,
      %sub3A_1365 = arith.constant 504 : i32
      %sub3A_1366 = vector.broadcast %sub3A_1365 : i32 to vector<16xi32>
      %sub3A_1367 = arith.subi %get3A_1364, %sub3A_1366 : vector<16xi32>
      %ge3A_1368 = arith.constant 504 : i32
      %ge3A_1369 = vector.broadcast %ge3A_1368 : i32 to vector<16xi32>
      %ge3A_1370 = arith.cmpi sge, %get3A_1364, %ge3A_1369 : vector<16xi32>
      %lt3A_1371 = arith.constant 1000 : i32
      %lt3A_1372 = vector.broadcast %lt3A_1371 : i32 to vector<16xi32>
      %lt3A_1373 = arith.cmpi slt, %get3A_1364, %lt3A_1372 : vector<16xi32>
      %and3A_1374 = arith.andi %ge3A_1370, %lt3A_1373 : vector<16xi1>
      %add3A_1375 = arith.constant 0 : i32
      %add3A_1376 = vector.broadcast %add3A_1375 : i32 to vector<16xi32>
      %add3A_1377 = arith.addi %add3A_1376, %iota3A : vector<16xi32>
      tpu.vector_store_idx %arg6[%sub3A_1367, %add3A_1377], %broadcast_in_dim3A_221 masked %and3A_1374 : memref<496x128xf32, #tpu.memory_space<vmem>>[vector<16xi32>, vector<16xi32>], vector<16xf32>, vector<16xi1>
      %get3A_1378 = arith.constant 16 : index
      %get3A_1379 = tpu.vector_load %arg4[%get3A_1378] {strides = array<i32>} : memref<896xi32, #tpu.memory_space<vmem>>, vector<16xi32>,
      %sub3A_1380 = arith.constant 504 : i32
      %sub3A_1381 = vector.broadcast %sub3A_1380 : i32 to vector<16xi32>
      %sub3A_1382 = arith.subi %get3A_1379, %sub3A_1381 : vector<16xi32>
      %ge3A_1383 = arith.constant 504 : i32
      %ge3A_1384 = vector.broadcast %ge3A_1383 : i32 to vector<16xi32>
      %ge3A_1385 = arith.cmpi sge, %get3A_1379, %ge3A_1384 : vector<16xi32>
      %lt3A_1386 = arith.constant 1000 : i32
      %lt3A_1387 = vector.broadcast %lt3A_1386 : i32 to vector<16xi32>
      %lt3A_1388 = arith.cmpi slt, %get3A_1379, %lt3A_1387 : vector<16xi32>
      %and3A_1389 = arith.andi %ge3A_1385, %lt3A_1388 : vector<16xi1>
      %add3A_1390 = arith.constant 16 : i32
      %add3A_1391 = vector.broadcast %add3A_1390 : i32 to vector<16xi32>
      %add3A_1392 = arith.addi %add3A_1391, %iota3A : vector<16xi32>
      tpu.vector_store_idx %arg6[%sub3A_1382, %add3A_1392], %broadcast_in_dim3A_221 masked %and3A_1389 : memref<496x128xf32, #tpu.memory_space<vmem>>[vector<16xi32>, vector<16xi32>], vector<16xf32>, vector<16xi1>
      %get3A_1393 = arith.constant 32 : index
      %get3A_1394 = tpu.vector_load %arg4[%get3A_1393] {strides = array<i32>} : memref<896xi32, #tpu.memory_space<vmem>>, vector<16xi32>,
      %sub3A_1395 = arith.constant 504 : i32
      %sub3A_1396 = vector.broadcast %sub3A_1395 : i32 to vector<16xi32>
      %sub3A_1397 = arith.subi %get3A_1394, %sub3A_1396 : vector<16xi32>
      %ge3A_1398 = arith.constant 504 : i32
      %ge3A_1399 = vector.broadcast %ge3A_1398 : i32 to vector<16xi32>
      %ge3A_1400 = arith.cmpi sge, %get3A_1394, %ge3A_1399 : vector<16xi32>
      %lt3A_1401 = arith.constant 1000 : i32
      %lt3A_1402 = vector.broadcast %lt3A_1401 : i32 to vector<16xi32>
      %lt3A_1403 = arith.cmpi slt, %get3A_1394, %lt3A_1402 : vector<16xi32>
      %and3A_1404 = arith.andi %ge3A_1400, %lt3A_1403 : vector<16xi1>
      %add3A_1405 = arith.constant 32 : i32
      %add3A_1406 = vector.broadcast %add3A_1405 : i32 to vector<16xi32>
      %add3A_1407 = arith.addi %add3A_1406, %iota3A : vector<16xi32>
      tpu.vector_store_idx %arg6[%sub3A_1397, %add3A_1407], %broadcast_in_dim3A_221 masked %and3A_1404 : memref<496x128xf32, #tpu.memory_space<vmem>>[vector<16xi32>, vector<16xi32>], vector<16xf32>, vector<16xi1>
      %get3A_1408 = arith.constant 48 : index
      %get3A_1409 = tpu.vector_load %arg4[%get3A_1408] {strides = array<i32>} : memref<896xi32, #tpu.memory_space<vmem>>, vector<16xi32>,
      %sub3A_1410 = arith.constant 504 : i32
      %sub3A_1411 = vector.broadcast %sub3A_1410 : i32 to vector<16xi32>
      %sub3A_1412 = arith.subi %get3A_1409, %sub3A_1411 : vector<16xi32>
      %ge3A_1413 = arith.constant 504 : i32
      %ge3A_1414 = vector.broadcast %ge3A_1413 : i32 to vector<16xi32>
      %ge3A_1415 = arith.cmpi sge, %get3A_1409, %ge3A_1414 : vector<16xi32>
      %lt3A_1416 = arith.constant 1000 : i32
      %lt3A_1417 = vector.broadcast %lt3A_1416 : i32 to vector<16xi32>
      %lt3A_1418 = arith.cmpi slt, %get3A_1409, %lt3A_1417 : vector<16xi32>
      %and3A_1419 = arith.andi %ge3A_1415, %lt3A_1418 : vector<16xi1>
      %add3A_1420 = arith.constant 48 : i32
      %add3A_1421 = vector.broadcast %add3A_1420 : i32 to vector<16xi32>
      %add3A_1422 = arith.addi %add3A_1421, %iota3A : vector<16xi32>
      tpu.vector_store_idx %arg6[%sub3A_1412, %add3A_1422], %broadcast_in_dim3A_221 masked %and3A_1419 : memref<496x128xf32, #tpu.memory_space<vmem>>[vector<16xi32>, vector<16xi32>], vector<16xf32>, vector<16xi1>
      %get3A_1423 = arith.constant 64 : index
      %get3A_1424 = tpu.vector_load %arg4[%get3A_1423] {strides = array<i32>} : memref<896xi32, #tpu.memory_space<vmem>>, vector<16xi32>,
      %sub3A_1425 = arith.constant 504 : i32
      %sub3A_1426 = vector.broadcast %sub3A_1425 : i32 to vector<16xi32>
      %sub3A_1427 = arith.subi %get3A_1424, %sub3A_1426 : vector<16xi32>
      %ge3A_1428 = arith.constant 504 : i32
      %ge3A_1429 = vector.broadcast %ge3A_1428 : i32 to vector<16xi32>
      %ge3A_1430 = arith.cmpi sge, %get3A_1424, %ge3A_1429 : vector<16xi32>
      %lt3A_1431 = arith.constant 1000 : i32
      %lt3A_1432 = vector.broadcast %lt3A_1431 : i32 to vector<16xi32>
      %lt3A_1433 = arith.cmpi slt, %get3A_1424, %lt3A_1432 : vector<16xi32>
      %and3A_1434 = arith.andi %ge3A_1430, %lt3A_1433 : vector<16xi1>
      %add3A_1435 = arith.constant 64 : i32
      %add3A_1436 = vector.broadcast %add3A_1435 : i32 to vector<16xi32>
      %add3A_1437 = arith.addi %add3A_1436, %iota3A : vector<16xi32>
      tpu.vector_store_idx %arg6[%sub3A_1427, %add3A_1437], %broadcast_in_dim3A_221 masked %and3A_1434 : memref<496x128xf32, #tpu.memory_space<vmem>>[vector<16xi32>, vector<16xi32>], vector<16xf32>, vector<16xi1>
      %get3A_1438 = arith.constant 80 : index
      %get3A_1439 = tpu.vector_load %arg4[%get3A_1438] {strides = array<i32>} : memref<896xi32, #tpu.memory_space<vmem>>, vector<16xi32>,
      %sub3A_1440 = arith.constant 504 : i32
      %sub3A_1441 = vector.broadcast %sub3A_1440 : i32 to vector<16xi32>
      %sub3A_1442 = arith.subi %get3A_1439, %sub3A_1441 : vector<16xi32>
      %ge3A_1443 = arith.constant 504 : i32
      %ge3A_1444 = vector.broadcast %ge3A_1443 : i32 to vector<16xi32>
      %ge3A_1445 = arith.cmpi sge, %get3A_1439, %ge3A_1444 : vector<16xi32>
      %lt3A_1446 = arith.constant 1000 : i32
      %lt3A_1447 = vector.broadcast %lt3A_1446 : i32 to vector<16xi32>
      %lt3A_1448 = arith.cmpi slt, %get3A_1439, %lt3A_1447 : vector<16xi32>
      %and3A_1449 = arith.andi %ge3A_1445, %lt3A_1448 : vector<16xi1>
      %add3A_1450 = arith.constant 80 : i32
      %add3A_1451 = vector.broadcast %add3A_1450 : i32 to vector<16xi32>
      %add3A_1452 = arith.addi %add3A_1451, %iota3A : vector<16xi32>
      tpu.vector_store_idx %arg6[%sub3A_1442, %add3A_1452], %broadcast_in_dim3A_221 masked %and3A_1449 : memref<496x128xf32, #tpu.memory_space<vmem>>[vector<16xi32>, vector<16xi32>], vector<16xf32>, vector<16xi1>
      %get3A_1453 = arith.constant 96 : index
      %get3A_1454 = tpu.vector_load %arg4[%get3A_1453] {strides = array<i32>} : memref<896xi32, #tpu.memory_space<vmem>>, vector<16xi32>,
      %sub3A_1455 = arith.constant 504 : i32
      %sub3A_1456 = vector.broadcast %sub3A_1455 : i32 to vector<16xi32>
      %sub3A_1457 = arith.subi %get3A_1454, %sub3A_1456 : vector<16xi32>
      %ge3A_1458 = arith.constant 504 : i32
      %ge3A_1459 = vector.broadcast %ge3A_1458 : i32 to vector<16xi32>
      %ge3A_1460 = arith.cmpi sge, %get3A_1454, %ge3A_1459 : vector<16xi32>
      %lt3A_1461 = arith.constant 1000 : i32
      %lt3A_1462 = vector.broadcast %lt3A_1461 : i32 to vector<16xi32>
      %lt3A_1463 = arith.cmpi slt, %get3A_1454, %lt3A_1462 : vector<16xi32>
      %and3A_1464 = arith.andi %ge3A_1460, %lt3A_1463 : vector<16xi1>
      %add3A_1465 = arith.constant 96 : i32
      %add3A_1466 = vector.broadcast %add3A_1465 : i32 to vector<16xi32>
      %add3A_1467 = arith.addi %add3A_1466, %iota3A : vector<16xi32>
      tpu.vector_store_idx %arg6[%sub3A_1457, %add3A_1467], %broadcast_in_dim3A_221 masked %and3A_1464 : memref<496x128xf32, #tpu.memory_space<vmem>>[vector<16xi32>, vector<16xi32>], vector<16xf32>, vector<16xi1>
      %get3A_1468 = arith.constant 112 : index
      %get3A_1469 = tpu.vector_load %arg4[%get3A_1468] {strides = array<i32>} : memref<896xi32, #tpu.memory_space<vmem>>, vector<16xi32>,
      %sub3A_1470 = arith.constant 504 : i32
      %sub3A_1471 = vector.broadcast %sub3A_1470 : i32 to vector<16xi32>
      %sub3A_1472 = arith.subi %get3A_1469, %sub3A_1471 : vector<16xi32>
      %ge3A_1473 = arith.constant 504 : i32
      %ge3A_1474 = vector.broadcast %ge3A_1473 : i32 to vector<16xi32>
      %ge3A_1475 = arith.cmpi sge, %get3A_1469, %ge3A_1474 : vector<16xi32>
      %lt3A_1476 = arith.constant 1000 : i32
      %lt3A_1477 = vector.broadcast %lt3A_1476 : i32 to vector<16xi32>
      %lt3A_1478 = arith.cmpi slt, %get3A_1469, %lt3A_1477 : vector<16xi32>
      %and3A_1479 = arith.andi %ge3A_1475, %lt3A_1478 : vector<16xi1>
      %add3A_1480 = arith.constant 112 : i32
      %add3A_1481 = vector.broadcast %add3A_1480 : i32 to vector<16xi32>
      %add3A_1482 = arith.addi %add3A_1481, %iota3A : vector<16xi32>
      tpu.vector_store_idx %arg6[%sub3A_1472, %add3A_1482], %broadcast_in_dim3A_221 masked %and3A_1479 : memref<496x128xf32, #tpu.memory_space<vmem>>[vector<16xi32>, vector<16xi32>], vector<16xf32>, vector<16xi1>
      %get3A_1483 = arith.constant 128 : index
      %get3A_1484 = tpu.vector_load %arg4[%get3A_1483] {strides = array<i32>} : memref<896xi32, #tpu.memory_space<vmem>>, vector<16xi32>,
      %sub3A_1485 = arith.constant 504 : i32
      %sub3A_1486 = vector.broadcast %sub3A_1485 : i32 to vector<16xi32>
      %sub3A_1487 = arith.subi %get3A_1484, %sub3A_1486 : vector<16xi32>
      %ge3A_1488 = arith.constant 504 : i32
      %ge3A_1489 = vector.broadcast %ge3A_1488 : i32 to vector<16xi32>
      %ge3A_1490 = arith.cmpi sge, %get3A_1484, %ge3A_1489 : vector<16xi32>
      %lt3A_1491 = arith.constant 1000 : i32
      %lt3A_1492 = vector.broadcast %lt3A_1491 : i32 to vector<16xi32>
      %lt3A_1493 = arith.cmpi slt, %get3A_1484, %lt3A_1492 : vector<16xi32>
      %and3A_1494 = arith.andi %ge3A_1490, %lt3A_1493 : vector<16xi1>
      %add3A_1495 = arith.constant 0 : i32
      %add3A_1496 = vector.broadcast %add3A_1495 : i32 to vector<16xi32>
      %add3A_1497 = arith.addi %add3A_1496, %iota3A : vector<16xi32>
      tpu.vector_store_idx %arg6[%sub3A_1487, %add3A_1497], %broadcast_in_dim3A_223 masked %and3A_1494 : memref<496x128xf32, #tpu.memory_space<vmem>>[vector<16xi32>, vector<16xi32>], vector<16xf32>, vector<16xi1>
      %get3A_1498 = arith.constant 144 : index
      %get3A_1499 = tpu.vector_load %arg4[%get3A_1498] {strides = array<i32>} : memref<896xi32, #tpu.memory_space<vmem>>, vector<16xi32>,
      %sub3A_1500 = arith.constant 504 : i32
      %sub3A_1501 = vector.broadcast %sub3A_1500 : i32 to vector<16xi32>
      %sub3A_1502 = arith.subi %get3A_1499, %sub3A_1501 : vector<16xi32>
      %ge3A_1503 = arith.constant 504 : i32
      %ge3A_1504 = vector.broadcast %ge3A_1503 : i32 to vector<16xi32>
      %ge3A_1505 = arith.cmpi sge, %get3A_1499, %ge3A_1504 : vector<16xi32>
      %lt3A_1506 = arith.constant 1000 : i32
      %lt3A_1507 = vector.broadcast %lt3A_1506 : i32 to vector<16xi32>
      %lt3A_1508 = arith.cmpi slt, %get3A_1499, %lt3A_1507 : vector<16xi32>
      %and3A_1509 = arith.andi %ge3A_1505, %lt3A_1508 : vector<16xi1>
      %add3A_1510 = arith.constant 16 : i32
      %add3A_1511 = vector.broadcast %add3A_1510 : i32 to vector<16xi32>
      %add3A_1512 = arith.addi %add3A_1511, %iota3A : vector<16xi32>
      tpu.vector_store_idx %arg6[%sub3A_1502, %add3A_1512], %broadcast_in_dim3A_223 masked %and3A_1509 : memref<496x128xf32, #tpu.memory_space<vmem>>[vector<16xi32>, vector<16xi32>], vector<16xf32>, vector<16xi1>
      %get3A_1513 = arith.constant 160 : index
      %get3A_1514 = tpu.vector_load %arg4[%get3A_1513] {strides = array<i32>} : memref<896xi32, #tpu.memory_space<vmem>>, vector<16xi32>,
      %sub3A_1515 = arith.constant 504 : i32
      %sub3A_1516 = vector.broadcast %sub3A_1515 : i32 to vector<16xi32>
      %sub3A_1517 = arith.subi %get3A_1514, %sub3A_1516 : vector<16xi32>
      %ge3A_1518 = arith.constant 504 : i32
      %ge3A_1519 = vector.broadcast %ge3A_1518 : i32 to vector<16xi32>
      %ge3A_1520 = arith.cmpi sge, %get3A_1514, %ge3A_1519 : vector<16xi32>
      %lt3A_1521 = arith.constant 1000 : i32
      %lt3A_1522 = vector.broadcast %lt3A_1521 : i32 to vector<16xi32>
      %lt3A_1523 = arith.cmpi slt, %get3A_1514, %lt3A_1522 : vector<16xi32>
      %and3A_1524 = arith.andi %ge3A_1520, %lt3A_1523 : vector<16xi1>
      %add3A_1525 = arith.constant 32 : i32
      %add3A_1526 = vector.broadcast %add3A_1525 : i32 to vector<16xi32>
      %add3A_1527 = arith.addi %add3A_1526, %iota3A : vector<16xi32>
      tpu.vector_store_idx %arg6[%sub3A_1517, %add3A_1527], %broadcast_in_dim3A_223 masked %and3A_1524 : memref<496x128xf32, #tpu.memory_space<vmem>>[vector<16xi32>, vector<16xi32>], vector<16xf32>, vector<16xi1>
      %get3A_1528 = arith.constant 176 : index
      %get3A_1529 = tpu.vector_load %arg4[%get3A_1528] {strides = array<i32>} : memref<896xi32, #tpu.memory_space<vmem>>, vector<16xi32>,
      %sub3A_1530 = arith.constant 504 : i32
      %sub3A_1531 = vector.broadcast %sub3A_1530 : i32 to vector<16xi32>
      %sub3A_1532 = arith.subi %get3A_1529, %sub3A_1531 : vector<16xi32>
      %ge3A_1533 = arith.constant 504 : i32
      %ge3A_1534 = vector.broadcast %ge3A_1533 : i32 to vector<16xi32>
      %ge3A_1535 = arith.cmpi sge, %get3A_1529, %ge3A_1534 : vector<16xi32>
      %lt3A_1536 = arith.constant 1000 : i32
      %lt3A_1537 = vector.broadcast %lt3A_1536 : i32 to vector<16xi32>
      %lt3A_1538 = arith.cmpi slt, %get3A_1529, %lt3A_1537 : vector<16xi32>
      %and3A_1539 = arith.andi %ge3A_1535, %lt3A_1538 : vector<16xi1>
      %add3A_1540 = arith.constant 48 : i32
      %add3A_1541 = vector.broadcast %add3A_1540 : i32 to vector<16xi32>
      %add3A_1542 = arith.addi %add3A_1541, %iota3A : vector<16xi32>
      tpu.vector_store_idx %arg6[%sub3A_1532, %add3A_1542], %broadcast_in_dim3A_223 masked %and3A_1539 : memref<496x128xf32, #tpu.memory_space<vmem>>[vector<16xi32>, vector<16xi32>], vector<16xf32>, vector<16xi1>
      %get3A_1543 = arith.constant 192 : index
      %get3A_1544 = tpu.vector_load %arg4[%get3A_1543] {strides = array<i32>} : memref<896xi32, #tpu.memory_space<vmem>>, vector<16xi32>,
      %sub3A_1545 = arith.constant 504 : i32
      %sub3A_1546 = vector.broadcast %sub3A_1545 : i32 to vector<16xi32>
      %sub3A_1547 = arith.subi %get3A_1544, %sub3A_1546 : vector<16xi32>
      %ge3A_1548 = arith.constant 504 : i32
      %ge3A_1549 = vector.broadcast %ge3A_1548 : i32 to vector<16xi32>
      %ge3A_1550 = arith.cmpi sge, %get3A_1544, %ge3A_1549 : vector<16xi32>
      %lt3A_1551 = arith.constant 1000 : i32
      %lt3A_1552 = vector.broadcast %lt3A_1551 : i32 to vector<16xi32>
      %lt3A_1553 = arith.cmpi slt, %get3A_1544, %lt3A_1552 : vector<16xi32>
      %and3A_1554 = arith.andi %ge3A_1550, %lt3A_1553 : vector<16xi1>
      %add3A_1555 = arith.constant 64 : i32
      %add3A_1556 = vector.broadcast %add3A_1555 : i32 to vector<16xi32>
      %add3A_1557 = arith.addi %add3A_1556, %iota3A : vector<16xi32>
      tpu.vector_store_idx %arg6[%sub3A_1547, %add3A_1557], %broadcast_in_dim3A_223 masked %and3A_1554 : memref<496x128xf32, #tpu.memory_space<vmem>>[vector<16xi32>, vector<16xi32>], vector<16xf32>, vector<16xi1>
      %get3A_1558 = arith.constant 208 : index
      %get3A_1559 = tpu.vector_load %arg4[%get3A_1558] {strides = array<i32>} : memref<896xi32, #tpu.memory_space<vmem>>, vector<16xi32>,
      %sub3A_1560 = arith.constant 504 : i32
      %sub3A_1561 = vector.broadcast %sub3A_1560 : i32 to vector<16xi32>
      %sub3A_1562 = arith.subi %get3A_1559, %sub3A_1561 : vector<16xi32>
      %ge3A_1563 = arith.constant 504 : i32
      %ge3A_1564 = vector.broadcast %ge3A_1563 : i32 to vector<16xi32>
      %ge3A_1565 = arith.cmpi sge, %get3A_1559, %ge3A_1564 : vector<16xi32>
      %lt3A_1566 = arith.constant 1000 : i32
      %lt3A_1567 = vector.broadcast %lt3A_1566 : i32 to vector<16xi32>
      %lt3A_1568 = arith.cmpi slt, %get3A_1559, %lt3A_1567 : vector<16xi32>
      %and3A_1569 = arith.andi %ge3A_1565, %lt3A_1568 : vector<16xi1>
      %add3A_1570 = arith.constant 80 : i32
      %add3A_1571 = vector.broadcast %add3A_1570 : i32 to vector<16xi32>
      %add3A_1572 = arith.addi %add3A_1571, %iota3A : vector<16xi32>
      tpu.vector_store_idx %arg6[%sub3A_1562, %add3A_1572], %broadcast_in_dim3A_223 masked %and3A_1569 : memref<496x128xf32, #tpu.memory_space<vmem>>[vector<16xi32>, vector<16xi32>], vector<16xf32>, vector<16xi1>
      %get3A_1573 = arith.constant 224 : index
      %get3A_1574 = tpu.vector_load %arg4[%get3A_1573] {strides = array<i32>} : memref<896xi32, #tpu.memory_space<vmem>>, vector<16xi32>,
      %sub3A_1575 = arith.constant 504 : i32
      %sub3A_1576 = vector.broadcast %sub3A_1575 : i32 to vector<16xi32>
      %sub3A_1577 = arith.subi %get3A_1574, %sub3A_1576 : vector<16xi32>
      %ge3A_1578 = arith.constant 504 : i32
      %ge3A_1579 = vector.broadcast %ge3A_1578 : i32 to vector<16xi32>
      %ge3A_1580 = arith.cmpi sge, %get3A_1574, %ge3A_1579 : vector<16xi32>
      %lt3A_1581 = arith.constant 1000 : i32
      %lt3A_1582 = vector.broadcast %lt3A_1581 : i32 to vector<16xi32>
      %lt3A_1583 = arith.cmpi slt, %get3A_1574, %lt3A_1582 : vector<16xi32>
      %and3A_1584 = arith.andi %ge3A_1580, %lt3A_1583 : vector<16xi1>
      %add3A_1585 = arith.constant 96 : i32
      %add3A_1586 = vector.broadcast %add3A_1585 : i32 to vector<16xi32>
      %add3A_1587 = arith.addi %add3A_1586, %iota3A : vector<16xi32>
      tpu.vector_store_idx %arg6[%sub3A_1577, %add3A_1587], %broadcast_in_dim3A_223 masked %and3A_1584 : memref<496x128xf32, #tpu.memory_space<vmem>>[vector<16xi32>, vector<16xi32>], vector<16xf32>, vector<16xi1>
      %get3A_1588 = arith.constant 240 : index
      %get3A_1589 = tpu.vector_load %arg4[%get3A_1588] {strides = array<i32>} : memref<896xi32, #tpu.memory_space<vmem>>, vector<16xi32>,
      %sub3A_1590 = arith.constant 504 : i32
      %sub3A_1591 = vector.broadcast %sub3A_1590 : i32 to vector<16xi32>
      %sub3A_1592 = arith.subi %get3A_1589, %sub3A_1591 : vector<16xi32>
      %ge3A_1593 = arith.constant 504 : i32
      %ge3A_1594 = vector.broadcast %ge3A_1593 : i32 to vector<16xi32>
      %ge3A_1595 = arith.cmpi sge, %get3A_1589, %ge3A_1594 : vector<16xi32>
      %lt3A_1596 = arith.constant 1000 : i32
      %lt3A_1597 = vector.broadcast %lt3A_1596 : i32 to vector<16xi32>
      %lt3A_1598 = arith.cmpi slt, %get3A_1589, %lt3A_1597 : vector<16xi32>
      %and3A_1599 = arith.andi %ge3A_1595, %lt3A_1598 : vector<16xi1>
      %add3A_1600 = arith.constant 112 : i32
      %add3A_1601 = vector.broadcast %add3A_1600 : i32 to vector<16xi32>
      %add3A_1602 = arith.addi %add3A_1601, %iota3A : vector<16xi32>
      tpu.vector_store_idx %arg6[%sub3A_1592, %add3A_1602], %broadcast_in_dim3A_223 masked %and3A_1599 : memref<496x128xf32, #tpu.memory_space<vmem>>[vector<16xi32>, vector<16xi32>], vector<16xf32>, vector<16xi1>
      %mul3A_1603 = arith.constant 128 : i32
      %mul3A_1604 = arith.muli %rem3A_774, %mul3A_1603 : i32
      %dma_start3A_1605 = arith.constant 504 : i32
      %dma_start3A_1606 = tpu.memref_slice %arg3[%select_n3A_772, %dma_start3A_1605, %mul3A_1604] : memref<26x1000x1024xf32, #tpu.memory_space<hbm>> -> memref<1x496x128xf32, #tpu.memory_space<hbm>>
      %dma_start3A_1607 = tpu.memref_squeeze %dma_start3A_1606 : memref<1x496x128xf32, #tpu.memory_space<hbm>> -> memref<496x128xf32, #tpu.memory_space<hbm>>
      %dma_start3A_1608 = arith.constant 504 : i32
      %dma_start3A_1609 = tpu.memref_slice %arg3[%select_n3A_772, %dma_start3A_1608, %mul3A_1604] : memref<26x1000x1024xf32, #tpu.memory_space<hbm>> -> memref<1x496x128xf32, #tpu.memory_space<hbm>>
      %dma_start3A_1610 = tpu.memref_squeeze %dma_start3A_1609 : memref<1x496x128xf32, #tpu.memory_space<hbm>> -> memref<496x128xf32, #tpu.memory_space<hbm>>
      tpu.enqueue_dma source(%arg6 : memref<496x128xf32, #tpu.memory_space<vmem>>) target(%dma_start3A_1610 : memref<496x128xf32, #tpu.memory_space<hbm>>) target_semaphore(%arg9 : memref<!tpu.dma_semaphore, #tpu.memory_space<semaphore_mem>>)
    } else {
    }
    %add3A_780 = arith.constant 64 : i32
    %add3A_781 = arith.addi %add3A, %add3A_780 : i32
    %jit3A_782 = arith.constant 8 : i32
    %div3A_783 = arith.divsi %add3A_781, %jit3A_782 : i32
    %sign3A_784 = arith.constant 0 : i32
    %sign3A_785 = arith.cmpi sgt, %add3A_781, %sign3A_784 : i32
    %sign3A_786 = arith.extui %sign3A_785 : i1 to i32
    %sign3A_787 = arith.constant 0 : i32
    %sign3A_788 = arith.cmpi slt, %add3A_781, %sign3A_787 : i32
    %sign3A_789 = arith.extui %sign3A_788 : i1 to i32
    %sign3A_790 = arith.subi %sign3A_786, %sign3A_789 : i32
    %sign3A_791 = arith.constant 0 : i32
    %sign3A_792 = arith.cmpi sgt, %jit3A_782, %sign3A_791 : i32
    %sign3A_793 = arith.extui %sign3A_792 : i1 to i32
    %sign3A_794 = arith.constant 0 : i32
    %sign3A_795 = arith.cmpi slt, %jit3A_782, %sign3A_794 : i32
    %sign3A_796 = arith.extui %sign3A_795 : i1 to i32
    %sign3A_797 = arith.subi %sign3A_793, %sign3A_796 : i32
    %ne3A_798 = arith.cmpi ne, %sign3A_790, %sign3A_797 : i32
    %rem3A_799 = arith.remsi %add3A_781, %jit3A_782 : i32
    %ne3A_800 = arith.constant 0 : i32
    %ne3A_801 = arith.cmpi ne, %rem3A_799, %ne3A_800 : i32
    %and3A_802 = arith.andi %ne3A_798, %ne3A_801 : i1
    %sub3A_803 = arith.constant 1 : i32
    %sub3A_804 = arith.subi %div3A_783, %sub3A_803 : i32
    %select_n3A_805 = arith.select %and3A_802, %sub3A_804, %div3A_783 : i32
    %rem3A_806 = arith.constant 8 : i32
    %rem3A_807 = arith.remsi %add3A_781, %rem3A_806 : i32
    %lt3A_808 = arith.constant 208 : i32
    %lt3A_809 = arith.cmpi slt, %add3A_781, %lt3A_808 : i32
    %convert_element_type3A_810 = arith.extui %lt3A_809 : i1 to i32
    %cond3A_811 = arith.constant 0 : i32
    %cond3A_812 = arith.cmpi ne, %convert_element_type3A_810, %cond3A_811 : i32
    scf.if %cond3A_812 {
      %add3A_1044 = arith.constant 32 : i32
      %add3A_1045 = arith.addi %add3A, %add3A_1044 : i32
      %jit3A_1046 = arith.constant 8 : i32
      %div3A_1047 = arith.divsi %add3A_1045, %jit3A_1046 : i32
      %sign3A_1048 = arith.constant 0 : i32
      %sign3A_1049 = arith.cmpi sgt, %add3A_1045, %sign3A_1048 : i32
      %sign3A_1050 = arith.extui %sign3A_1049 : i1 to i32
      %sign3A_1051 = arith.constant 0 : i32
      %sign3A_1052 = arith.cmpi slt, %add3A_1045, %sign3A_1051 : i32
      %sign3A_1053 = arith.extui %sign3A_1052 : i1 to i32
      %sign3A_1054 = arith.subi %sign3A_1050, %sign3A_1053 : i32
      %sign3A_1055 = arith.constant 0 : i32
      %sign3A_1056 = arith.cmpi sgt, %jit3A_1046, %sign3A_1055 : i32
      %sign3A_1057 = arith.extui %sign3A_1056 : i1 to i32
      %sign3A_1058 = arith.constant 0 : i32
      %sign3A_1059 = arith.cmpi slt, %jit3A_1046, %sign3A_1058 : i32
      %sign3A_1060 = arith.extui %sign3A_1059 : i1 to i32
      %sign3A_1061 = arith.subi %sign3A_1057, %sign3A_1060 : i32
      %ne3A_1062 = arith.cmpi ne, %sign3A_1054, %sign3A_1061 : i32
      %rem3A_1063 = arith.remsi %add3A_1045, %jit3A_1046 : i32
      %ne3A_1064 = arith.constant 0 : i32
      %ne3A_1065 = arith.cmpi ne, %rem3A_1063, %ne3A_1064 : i32
      %and3A_1066 = arith.andi %ne3A_1062, %ne3A_1065 : i1
      %sub3A_1067 = arith.constant 1 : i32
      %sub3A_1068 = arith.subi %div3A_1047, %sub3A_1067 : i32
      %select_n3A_1069 = arith.select %and3A_1066, %sub3A_1068, %div3A_1047 : i32
      %rem3A_1070 = arith.constant 8 : i32
      %rem3A_1071 = arith.remsi %add3A_1045, %rem3A_1070 : i32
      %mul3A_1072 = arith.constant 128 : i32
      %mul3A_1073 = arith.muli %rem3A_1071, %mul3A_1072 : i32
      %dma_wait3A = arith.constant 0 : i32
      %dma_wait3A_1074 = tpu.memref_slice %arg3[%select_n3A_1069, %dma_wait3A, %mul3A_1073] : memref<26x1000x1024xf32, #tpu.memory_space<hbm>> -> memref<1x504x128xf32, #tpu.memory_space<hbm>>
      %dma_wait3A_1075 = tpu.memref_squeeze %dma_wait3A_1074 : memref<1x504x128xf32, #tpu.memory_space<hbm>> -> memref<504x128xf32, #tpu.memory_space<hbm>>
      %dma_wait3A_1076 = arith.constant 0 : i32
      %dma_wait3A_1077 = tpu.memref_slice %arg3[%select_n3A_1069, %dma_wait3A_1076, %mul3A_1073] : memref<26x1000x1024xf32, #tpu.memory_space<hbm>> -> memref<1x504x128xf32, #tpu.memory_space<hbm>>
      %dma_wait3A_1078 = tpu.memref_squeeze %dma_wait3A_1077 : memref<1x504x128xf32, #tpu.memory_space<hbm>> -> memref<504x128xf32, #tpu.memory_space<hbm>>
      tpu.wait_dma2 semaphore(%arg8 : memref<!tpu.dma_semaphore, #tpu.memory_space<semaphore_mem>>) src(%arg5 : memref<504x128xf32, #tpu.memory_space<vmem>>) dst(%dma_wait3A_1078 : memref<504x128xf32, #tpu.memory_space<hbm>>)
      %get3A_1079 = arith.constant 128 : index
      %get3A_1080 = tpu.vector_load %arg4[%get3A_1079] {strides = array<i32>} : memref<896xi32, #tpu.memory_space<vmem>>, vector<16xi32>,
      %sub3A_1081 = arith.constant 0 : i32
      %sub3A_1082 = vector.broadcast %sub3A_1081 : i32 to vector<16xi32>
      %sub3A_1083 = arith.subi %get3A_1080, %sub3A_1082 : vector<16xi32>
      %ge3A_1084 = arith.constant 0 : i32
      %ge3A_1085 = vector.broadcast %ge3A_1084 : i32 to vector<16xi32>
      %ge3A_1086 = arith.cmpi sge, %get3A_1080, %ge3A_1085 : vector<16xi32>
      %lt3A_1087 = arith.constant 504 : i32
      %lt3A_1088 = vector.broadcast %lt3A_1087 : i32 to vector<16xi32>
      %lt3A_1089 = arith.cmpi slt, %get3A_1080, %lt3A_1088 : vector<16xi32>
      %and3A_1090 = arith.andi %ge3A_1086, %lt3A_1089 : vector<16xi1>
      %add3A_1091 = arith.constant 0 : i32
      %add3A_1092 = vector.broadcast %add3A_1091 : i32 to vector<16xi32>
      %add3A_1093 = arith.addi %add3A_1092, %iota3A : vector<16xi32>
      tpu.vector_store_idx %arg5[%sub3A_1083, %add3A_1093], %broadcast_in_dim3A_221 masked %and3A_1090 : memref<504x128xf32, #tpu.memory_space<vmem>>[vector<16xi32>, vector<16xi32>], vector<16xf32>, vector<16xi1>
      %get3A_1094 = arith.constant 144 : index
      %get3A_1095 = tpu.vector_load %arg4[%get3A_1094] {strides = array<i32>} : memref<896xi32, #tpu.memory_space<vmem>>, vector<16xi32>,
      %sub3A_1096 = arith.constant 0 : i32
      %sub3A_1097 = vector.broadcast %sub3A_1096 : i32 to vector<16xi32>
      %sub3A_1098 = arith.subi %get3A_1095, %sub3A_1097 : vector<16xi32>
      %ge3A_1099 = arith.constant 0 : i32
      %ge3A_1100 = vector.broadcast %ge3A_1099 : i32 to vector<16xi32>
      %ge3A_1101 = arith.cmpi sge, %get3A_1095, %ge3A_1100 : vector<16xi32>
      %lt3A_1102 = arith.constant 504 : i32
      %lt3A_1103 = vector.broadcast %lt3A_1102 : i32 to vector<16xi32>
      %lt3A_1104 = arith.cmpi slt, %get3A_1095, %lt3A_1103 : vector<16xi32>
      %and3A_1105 = arith.andi %ge3A_1101, %lt3A_1104 : vector<16xi1>
      %add3A_1106 = arith.constant 16 : i32
      %add3A_1107 = vector.broadcast %add3A_1106 : i32 to vector<16xi32>
      %add3A_1108 = arith.addi %add3A_1107, %iota3A : vector<16xi32>
      tpu.vector_store_idx %arg5[%sub3A_1098, %add3A_1108], %broadcast_in_dim3A_221 masked %and3A_1105 : memref<504x128xf32, #tpu.memory_space<vmem>>[vector<16xi32>, vector<16xi32>], vector<16xf32>, vector<16xi1>
      %get3A_1109 = arith.constant 160 : index
      %get3A_1110 = tpu.vector_load %arg4[%get3A_1109] {strides = array<i32>} : memref<896xi32, #tpu.memory_space<vmem>>, vector<16xi32>,
      %sub3A_1111 = arith.constant 0 : i32
      %sub3A_1112 = vector.broadcast %sub3A_1111 : i32 to vector<16xi32>
      %sub3A_1113 = arith.subi %get3A_1110, %sub3A_1112 : vector<16xi32>
      %ge3A_1114 = arith.constant 0 : i32
      %ge3A_1115 = vector.broadcast %ge3A_1114 : i32 to vector<16xi32>
      %ge3A_1116 = arith.cmpi sge, %get3A_1110, %ge3A_1115 : vector<16xi32>
      %lt3A_1117 = arith.constant 504 : i32
      %lt3A_1118 = vector.broadcast %lt3A_1117 : i32 to vector<16xi32>
      %lt3A_1119 = arith.cmpi slt, %get3A_1110, %lt3A_1118 : vector<16xi32>
      %and3A_1120 = arith.andi %ge3A_1116, %lt3A_1119 : vector<16xi1>
      %add3A_1121 = arith.constant 32 : i32
      %add3A_1122 = vector.broadcast %add3A_1121 : i32 to vector<16xi32>
      %add3A_1123 = arith.addi %add3A_1122, %iota3A : vector<16xi32>
      tpu.vector_store_idx %arg5[%sub3A_1113, %add3A_1123], %broadcast_in_dim3A_221 masked %and3A_1120 : memref<504x128xf32, #tpu.memory_space<vmem>>[vector<16xi32>, vector<16xi32>], vector<16xf32>, vector<16xi1>
      %get3A_1124 = arith.constant 176 : index
      %get3A_1125 = tpu.vector_load %arg4[%get3A_1124] {strides = array<i32>} : memref<896xi32, #tpu.memory_space<vmem>>, vector<16xi32>,
      %sub3A_1126 = arith.constant 0 : i32
      %sub3A_1127 = vector.broadcast %sub3A_1126 : i32 to vector<16xi32>
      %sub3A_1128 = arith.subi %get3A_1125, %sub3A_1127 : vector<16xi32>
      %ge3A_1129 = arith.constant 0 : i32
      %ge3A_1130 = vector.broadcast %ge3A_1129 : i32 to vector<16xi32>
      %ge3A_1131 = arith.cmpi sge, %get3A_1125, %ge3A_1130 : vector<16xi32>
      %lt3A_1132 = arith.constant 504 : i32
      %lt3A_1133 = vector.broadcast %lt3A_1132 : i32 to vector<16xi32>
      %lt3A_1134 = arith.cmpi slt, %get3A_1125, %lt3A_1133 : vector<16xi32>
      %and3A_1135 = arith.andi %ge3A_1131, %lt3A_1134 : vector<16xi1>
      %add3A_1136 = arith.constant 48 : i32
      %add3A_1137 = vector.broadcast %add3A_1136 : i32 to vector<16xi32>
      %add3A_1138 = arith.addi %add3A_1137, %iota3A : vector<16xi32>
      tpu.vector_store_idx %arg5[%sub3A_1128, %add3A_1138], %broadcast_in_dim3A_221 masked %and3A_1135 : memref<504x128xf32, #tpu.memory_space<vmem>>[vector<16xi32>, vector<16xi32>], vector<16xf32>, vector<16xi1>
      %get3A_1139 = arith.constant 192 : index
      %get3A_1140 = tpu.vector_load %arg4[%get3A_1139] {strides = array<i32>} : memref<896xi32, #tpu.memory_space<vmem>>, vector<16xi32>,
      %sub3A_1141 = arith.constant 0 : i32
      %sub3A_1142 = vector.broadcast %sub3A_1141 : i32 to vector<16xi32>
      %sub3A_1143 = arith.subi %get3A_1140, %sub3A_1142 : vector<16xi32>
      %ge3A_1144 = arith.constant 0 : i32
      %ge3A_1145 = vector.broadcast %ge3A_1144 : i32 to vector<16xi32>
      %ge3A_1146 = arith.cmpi sge, %get3A_1140, %ge3A_1145 : vector<16xi32>
      %lt3A_1147 = arith.constant 504 : i32
      %lt3A_1148 = vector.broadcast %lt3A_1147 : i32 to vector<16xi32>
      %lt3A_1149 = arith.cmpi slt, %get3A_1140, %lt3A_1148 : vector<16xi32>
      %and3A_1150 = arith.andi %ge3A_1146, %lt3A_1149 : vector<16xi1>
      %add3A_1151 = arith.constant 64 : i32
      %add3A_1152 = vector.broadcast %add3A_1151 : i32 to vector<16xi32>
      %add3A_1153 = arith.addi %add3A_1152, %iota3A : vector<16xi32>
      tpu.vector_store_idx %arg5[%sub3A_1143, %add3A_1153], %broadcast_in_dim3A_221 masked %and3A_1150 : memref<504x128xf32, #tpu.memory_space<vmem>>[vector<16xi32>, vector<16xi32>], vector<16xf32>, vector<16xi1>
      %get3A_1154 = arith.constant 208 : index
      %get3A_1155 = tpu.vector_load %arg4[%get3A_1154] {strides = array<i32>} : memref<896xi32, #tpu.memory_space<vmem>>, vector<16xi32>,
      %sub3A_1156 = arith.constant 0 : i32
      %sub3A_1157 = vector.broadcast %sub3A_1156 : i32 to vector<16xi32>
      %sub3A_1158 = arith.subi %get3A_1155, %sub3A_1157 : vector<16xi32>
      %ge3A_1159 = arith.constant 0 : i32
      %ge3A_1160 = vector.broadcast %ge3A_1159 : i32 to vector<16xi32>
      %ge3A_1161 = arith.cmpi sge, %get3A_1155, %ge3A_1160 : vector<16xi32>
      %lt3A_1162 = arith.constant 504 : i32
      %lt3A_1163 = vector.broadcast %lt3A_1162 : i32 to vector<16xi32>
      %lt3A_1164 = arith.cmpi slt, %get3A_1155, %lt3A_1163 : vector<16xi32>
      %and3A_1165 = arith.andi %ge3A_1161, %lt3A_1164 : vector<16xi1>
      %add3A_1166 = arith.constant 80 : i32
      %add3A_1167 = vector.broadcast %add3A_1166 : i32 to vector<16xi32>
      %add3A_1168 = arith.addi %add3A_1167, %iota3A : vector<16xi32>
      tpu.vector_store_idx %arg5[%sub3A_1158, %add3A_1168], %broadcast_in_dim3A_221 masked %and3A_1165 : memref<504x128xf32, #tpu.memory_space<vmem>>[vector<16xi32>, vector<16xi32>], vector<16xf32>, vector<16xi1>
      %get3A_1169 = arith.constant 224 : index
      %get3A_1170 = tpu.vector_load %arg4[%get3A_1169] {strides = array<i32>} : memref<896xi32, #tpu.memory_space<vmem>>, vector<16xi32>,
      %sub3A_1171 = arith.constant 0 : i32
      %sub3A_1172 = vector.broadcast %sub3A_1171 : i32 to vector<16xi32>
      %sub3A_1173 = arith.subi %get3A_1170, %sub3A_1172 : vector<16xi32>
      %ge3A_1174 = arith.constant 0 : i32
      %ge3A_1175 = vector.broadcast %ge3A_1174 : i32 to vector<16xi32>
      %ge3A_1176 = arith.cmpi sge, %get3A_1170, %ge3A_1175 : vector<16xi32>
      %lt3A_1177 = arith.constant 504 : i32
      %lt3A_1178 = vector.broadcast %lt3A_1177 : i32 to vector<16xi32>
      %lt3A_1179 = arith.cmpi slt, %get3A_1170, %lt3A_1178 : vector<16xi32>
      %and3A_1180 = arith.andi %ge3A_1176, %lt3A_1179 : vector<16xi1>
      %add3A_1181 = arith.constant 96 : i32
      %add3A_1182 = vector.broadcast %add3A_1181 : i32 to vector<16xi32>
      %add3A_1183 = arith.addi %add3A_1182, %iota3A : vector<16xi32>
      tpu.vector_store_idx %arg5[%sub3A_1173, %add3A_1183], %broadcast_in_dim3A_221 masked %and3A_1180 : memref<504x128xf32, #tpu.memory_space<vmem>>[vector<16xi32>, vector<16xi32>], vector<16xf32>, vector<16xi1>
      %get3A_1184 = arith.constant 240 : index
      %get3A_1185 = tpu.vector_load %arg4[%get3A_1184] {strides = array<i32>} : memref<896xi32, #tpu.memory_space<vmem>>, vector<16xi32>,
      %sub3A_1186 = arith.constant 0 : i32
      %sub3A_1187 = vector.broadcast %sub3A_1186 : i32 to vector<16xi32>
      %sub3A_1188 = arith.subi %get3A_1185, %sub3A_1187 : vector<16xi32>
      %ge3A_1189 = arith.constant 0 : i32
      %ge3A_1190 = vector.broadcast %ge3A_1189 : i32 to vector<16xi32>
      %ge3A_1191 = arith.cmpi sge, %get3A_1185, %ge3A_1190 : vector<16xi32>
      %lt3A_1192 = arith.constant 504 : i32
      %lt3A_1193 = vector.broadcast %lt3A_1192 : i32 to vector<16xi32>
      %lt3A_1194 = arith.cmpi slt, %get3A_1185, %lt3A_1193 : vector<16xi32>
      %and3A_1195 = arith.andi %ge3A_1191, %lt3A_1194 : vector<16xi1>
      %add3A_1196 = arith.constant 112 : i32
      %add3A_1197 = vector.broadcast %add3A_1196 : i32 to vector<16xi32>
      %add3A_1198 = arith.addi %add3A_1197, %iota3A : vector<16xi32>
      tpu.vector_store_idx %arg5[%sub3A_1188, %add3A_1198], %broadcast_in_dim3A_221 masked %and3A_1195 : memref<504x128xf32, #tpu.memory_space<vmem>>[vector<16xi32>, vector<16xi32>], vector<16xf32>, vector<16xi1>
      %get3A_1199 = arith.constant 256 : index
      %get3A_1200 = tpu.vector_load %arg4[%get3A_1199] {strides = array<i32>} : memref<896xi32, #tpu.memory_space<vmem>>, vector<16xi32>,
      %sub3A_1201 = arith.constant 0 : i32
      %sub3A_1202 = vector.broadcast %sub3A_1201 : i32 to vector<16xi32>
      %sub3A_1203 = arith.subi %get3A_1200, %sub3A_1202 : vector<16xi32>
      %ge3A_1204 = arith.constant 0 : i32
      %ge3A_1205 = vector.broadcast %ge3A_1204 : i32 to vector<16xi32>
      %ge3A_1206 = arith.cmpi sge, %get3A_1200, %ge3A_1205 : vector<16xi32>
      %lt3A_1207 = arith.constant 504 : i32
      %lt3A_1208 = vector.broadcast %lt3A_1207 : i32 to vector<16xi32>
      %lt3A_1209 = arith.cmpi slt, %get3A_1200, %lt3A_1208 : vector<16xi32>
      %and3A_1210 = arith.andi %ge3A_1206, %lt3A_1209 : vector<16xi1>
      %add3A_1211 = arith.constant 0 : i32
      %add3A_1212 = vector.broadcast %add3A_1211 : i32 to vector<16xi32>
      %add3A_1213 = arith.addi %add3A_1212, %iota3A : vector<16xi32>
      tpu.vector_store_idx %arg5[%sub3A_1203, %add3A_1213], %broadcast_in_dim3A_223 masked %and3A_1210 : memref<504x128xf32, #tpu.memory_space<vmem>>[vector<16xi32>, vector<16xi32>], vector<16xf32>, vector<16xi1>
      %get3A_1214 = arith.constant 272 : index
      %get3A_1215 = tpu.vector_load %arg4[%get3A_1214] {strides = array<i32>} : memref<896xi32, #tpu.memory_space<vmem>>, vector<16xi32>,
      %sub3A_1216 = arith.constant 0 : i32
      %sub3A_1217 = vector.broadcast %sub3A_1216 : i32 to vector<16xi32>
      %sub3A_1218 = arith.subi %get3A_1215, %sub3A_1217 : vector<16xi32>
      %ge3A_1219 = arith.constant 0 : i32
      %ge3A_1220 = vector.broadcast %ge3A_1219 : i32 to vector<16xi32>
      %ge3A_1221 = arith.cmpi sge, %get3A_1215, %ge3A_1220 : vector<16xi32>
      %lt3A_1222 = arith.constant 504 : i32
      %lt3A_1223 = vector.broadcast %lt3A_1222 : i32 to vector<16xi32>
      %lt3A_1224 = arith.cmpi slt, %get3A_1215, %lt3A_1223 : vector<16xi32>
      %and3A_1225 = arith.andi %ge3A_1221, %lt3A_1224 : vector<16xi1>
      %add3A_1226 = arith.constant 16 : i32
      %add3A_1227 = vector.broadcast %add3A_1226 : i32 to vector<16xi32>
      %add3A_1228 = arith.addi %add3A_1227, %iota3A : vector<16xi32>
      tpu.vector_store_idx %arg5[%sub3A_1218, %add3A_1228], %broadcast_in_dim3A_223 masked %and3A_1225 : memref<504x128xf32, #tpu.memory_space<vmem>>[vector<16xi32>, vector<16xi32>], vector<16xf32>, vector<16xi1>
      %get3A_1229 = arith.constant 288 : index
      %get3A_1230 = tpu.vector_load %arg4[%get3A_1229] {strides = array<i32>} : memref<896xi32, #tpu.memory_space<vmem>>, vector<16xi32>,
      %sub3A_1231 = arith.constant 0 : i32
      %sub3A_1232 = vector.broadcast %sub3A_1231 : i32 to vector<16xi32>
      %sub3A_1233 = arith.subi %get3A_1230, %sub3A_1232 : vector<16xi32>
      %ge3A_1234 = arith.constant 0 : i32
      %ge3A_1235 = vector.broadcast %ge3A_1234 : i32 to vector<16xi32>
      %ge3A_1236 = arith.cmpi sge, %get3A_1230, %ge3A_1235 : vector<16xi32>
      %lt3A_1237 = arith.constant 504 : i32
      %lt3A_1238 = vector.broadcast %lt3A_1237 : i32 to vector<16xi32>
      %lt3A_1239 = arith.cmpi slt, %get3A_1230, %lt3A_1238 : vector<16xi32>
      %and3A_1240 = arith.andi %ge3A_1236, %lt3A_1239 : vector<16xi1>
      %add3A_1241 = arith.constant 32 : i32
      %add3A_1242 = vector.broadcast %add3A_1241 : i32 to vector<16xi32>
      %add3A_1243 = arith.addi %add3A_1242, %iota3A : vector<16xi32>
      tpu.vector_store_idx %arg5[%sub3A_1233, %add3A_1243], %broadcast_in_dim3A_223 masked %and3A_1240 : memref<504x128xf32, #tpu.memory_space<vmem>>[vector<16xi32>, vector<16xi32>], vector<16xf32>, vector<16xi1>
      %get3A_1244 = arith.constant 304 : index
      %get3A_1245 = tpu.vector_load %arg4[%get3A_1244] {strides = array<i32>} : memref<896xi32, #tpu.memory_space<vmem>>, vector<16xi32>,
      %sub3A_1246 = arith.constant 0 : i32
      %sub3A_1247 = vector.broadcast %sub3A_1246 : i32 to vector<16xi32>
      %sub3A_1248 = arith.subi %get3A_1245, %sub3A_1247 : vector<16xi32>
      %ge3A_1249 = arith.constant 0 : i32
      %ge3A_1250 = vector.broadcast %ge3A_1249 : i32 to vector<16xi32>
      %ge3A_1251 = arith.cmpi sge, %get3A_1245, %ge3A_1250 : vector<16xi32>
      %lt3A_1252 = arith.constant 504 : i32
      %lt3A_1253 = vector.broadcast %lt3A_1252 : i32 to vector<16xi32>
      %lt3A_1254 = arith.cmpi slt, %get3A_1245, %lt3A_1253 : vector<16xi32>
      %and3A_1255 = arith.andi %ge3A_1251, %lt3A_1254 : vector<16xi1>
      %add3A_1256 = arith.constant 48 : i32
      %add3A_1257 = vector.broadcast %add3A_1256 : i32 to vector<16xi32>
      %add3A_1258 = arith.addi %add3A_1257, %iota3A : vector<16xi32>
      tpu.vector_store_idx %arg5[%sub3A_1248, %add3A_1258], %broadcast_in_dim3A_223 masked %and3A_1255 : memref<504x128xf32, #tpu.memory_space<vmem>>[vector<16xi32>, vector<16xi32>], vector<16xf32>, vector<16xi1>
      %get3A_1259 = arith.constant 320 : index
      %get3A_1260 = tpu.vector_load %arg4[%get3A_1259] {strides = array<i32>} : memref<896xi32, #tpu.memory_space<vmem>>, vector<16xi32>,
      %sub3A_1261 = arith.constant 0 : i32
      %sub3A_1262 = vector.broadcast %sub3A_1261 : i32 to vector<16xi32>
      %sub3A_1263 = arith.subi %get3A_1260, %sub3A_1262 : vector<16xi32>
      %ge3A_1264 = arith.constant 0 : i32
      %ge3A_1265 = vector.broadcast %ge3A_1264 : i32 to vector<16xi32>
      %ge3A_1266 = arith.cmpi sge, %get3A_1260, %ge3A_1265 : vector<16xi32>
      %lt3A_1267 = arith.constant 504 : i32
      %lt3A_1268 = vector.broadcast %lt3A_1267 : i32 to vector<16xi32>
      %lt3A_1269 = arith.cmpi slt, %get3A_1260, %lt3A_1268 : vector<16xi32>
      %and3A_1270 = arith.andi %ge3A_1266, %lt3A_1269 : vector<16xi1>
      %add3A_1271 = arith.constant 64 : i32
      %add3A_1272 = vector.broadcast %add3A_1271 : i32 to vector<16xi32>
      %add3A_1273 = arith.addi %add3A_1272, %iota3A : vector<16xi32>
      tpu.vector_store_idx %arg5[%sub3A_1263, %add3A_1273], %broadcast_in_dim3A_223 masked %and3A_1270 : memref<504x128xf32, #tpu.memory_space<vmem>>[vector<16xi32>, vector<16xi32>], vector<16xf32>, vector<16xi1>
      %get3A_1274 = arith.constant 336 : index
      %get3A_1275 = tpu.vector_load %arg4[%get3A_1274] {strides = array<i32>} : memref<896xi32, #tpu.memory_space<vmem>>, vector<16xi32>,
      %sub3A_1276 = arith.constant 0 : i32
      %sub3A_1277 = vector.broadcast %sub3A_1276 : i32 to vector<16xi32>
      %sub3A_1278 = arith.subi %get3A_1275, %sub3A_1277 : vector<16xi32>
      %ge3A_1279 = arith.constant 0 : i32
      %ge3A_1280 = vector.broadcast %ge3A_1279 : i32 to vector<16xi32>
      %ge3A_1281 = arith.cmpi sge, %get3A_1275, %ge3A_1280 : vector<16xi32>
      %lt3A_1282 = arith.constant 504 : i32
      %lt3A_1283 = vector.broadcast %lt3A_1282 : i32 to vector<16xi32>
      %lt3A_1284 = arith.cmpi slt, %get3A_1275, %lt3A_1283 : vector<16xi32>
      %and3A_1285 = arith.andi %ge3A_1281, %lt3A_1284 : vector<16xi1>
      %add3A_1286 = arith.constant 80 : i32
      %add3A_1287 = vector.broadcast %add3A_1286 : i32 to vector<16xi32>
      %add3A_1288 = arith.addi %add3A_1287, %iota3A : vector<16xi32>
      tpu.vector_store_idx %arg5[%sub3A_1278, %add3A_1288], %broadcast_in_dim3A_223 masked %and3A_1285 : memref<504x128xf32, #tpu.memory_space<vmem>>[vector<16xi32>, vector<16xi32>], vector<16xf32>, vector<16xi1>
      %get3A_1289 = arith.constant 352 : index
      %get3A_1290 = tpu.vector_load %arg4[%get3A_1289] {strides = array<i32>} : memref<896xi32, #tpu.memory_space<vmem>>, vector<16xi32>,
      %sub3A_1291 = arith.constant 0 : i32
      %sub3A_1292 = vector.broadcast %sub3A_1291 : i32 to vector<16xi32>
      %sub3A_1293 = arith.subi %get3A_1290, %sub3A_1292 : vector<16xi32>
      %ge3A_1294 = arith.constant 0 : i32
      %ge3A_1295 = vector.broadcast %ge3A_1294 : i32 to vector<16xi32>
      %ge3A_1296 = arith.cmpi sge, %get3A_1290, %ge3A_1295 : vector<16xi32>
      %lt3A_1297 = arith.constant 504 : i32
      %lt3A_1298 = vector.broadcast %lt3A_1297 : i32 to vector<16xi32>
      %lt3A_1299 = arith.cmpi slt, %get3A_1290, %lt3A_1298 : vector<16xi32>
      %and3A_1300 = arith.andi %ge3A_1296, %lt3A_1299 : vector<16xi1>
      %add3A_1301 = arith.constant 96 : i32
      %add3A_1302 = vector.broadcast %add3A_1301 : i32 to vector<16xi32>
      %add3A_1303 = arith.addi %add3A_1302, %iota3A : vector<16xi32>
      tpu.vector_store_idx %arg5[%sub3A_1293, %add3A_1303], %broadcast_in_dim3A_223 masked %and3A_1300 : memref<504x128xf32, #tpu.memory_space<vmem>>[vector<16xi32>, vector<16xi32>], vector<16xf32>, vector<16xi1>
      %get3A_1304 = arith.constant 368 : index
      %get3A_1305 = tpu.vector_load %arg4[%get3A_1304] {strides = array<i32>} : memref<896xi32, #tpu.memory_space<vmem>>, vector<16xi32>,
      %sub3A_1306 = arith.constant 0 : i32
      %sub3A_1307 = vector.broadcast %sub3A_1306 : i32 to vector<16xi32>
      %sub3A_1308 = arith.subi %get3A_1305, %sub3A_1307 : vector<16xi32>
      %ge3A_1309 = arith.constant 0 : i32
      %ge3A_1310 = vector.broadcast %ge3A_1309 : i32 to vector<16xi32>
      %ge3A_1311 = arith.cmpi sge, %get3A_1305, %ge3A_1310 : vector<16xi32>
      %lt3A_1312 = arith.constant 504 : i32
      %lt3A_1313 = vector.broadcast %lt3A_1312 : i32 to vector<16xi32>
      %lt3A_1314 = arith.cmpi slt, %get3A_1305, %lt3A_1313 : vector<16xi32>
      %and3A_1315 = arith.andi %ge3A_1311, %lt3A_1314 : vector<16xi1>
      %add3A_1316 = arith.constant 112 : i32
      %add3A_1317 = vector.broadcast %add3A_1316 : i32 to vector<16xi32>
      %add3A_1318 = arith.addi %add3A_1317, %iota3A : vector<16xi32>
      tpu.vector_store_idx %arg5[%sub3A_1308, %add3A_1318], %broadcast_in_dim3A_223 masked %and3A_1315 : memref<504x128xf32, #tpu.memory_space<vmem>>[vector<16xi32>, vector<16xi32>], vector<16xf32>, vector<16xi1>
      %mul3A_1319 = arith.constant 128 : i32
      %mul3A_1320 = arith.muli %rem3A_807, %mul3A_1319 : i32
      %dma_start3A_1321 = arith.constant 0 : i32
      %dma_start3A_1322 = tpu.memref_slice %arg3[%select_n3A_805, %dma_start3A_1321, %mul3A_1320] : memref<26x1000x1024xf32, #tpu.memory_space<hbm>> -> memref<1x504x128xf32, #tpu.memory_space<hbm>>
      %dma_start3A_1323 = tpu.memref_squeeze %dma_start3A_1322 : memref<1x504x128xf32, #tpu.memory_space<hbm>> -> memref<504x128xf32, #tpu.memory_space<hbm>>
      %dma_start3A_1324 = arith.constant 0 : i32
      %dma_start3A_1325 = tpu.memref_slice %arg3[%select_n3A_805, %dma_start3A_1324, %mul3A_1320] : memref<26x1000x1024xf32, #tpu.memory_space<hbm>> -> memref<1x504x128xf32, #tpu.memory_space<hbm>>
      %dma_start3A_1326 = tpu.memref_squeeze %dma_start3A_1325 : memref<1x504x128xf32, #tpu.memory_space<hbm>> -> memref<504x128xf32, #tpu.memory_space<hbm>>
      tpu.enqueue_dma source(%arg5 : memref<504x128xf32, #tpu.memory_space<vmem>>) target(%dma_start3A_1326 : memref<504x128xf32, #tpu.memory_space<hbm>>) target_semaphore(%arg8 : memref<!tpu.dma_semaphore, #tpu.memory_space<semaphore_mem>>)
      %add3A_1327 = arith.constant 32 : i32
      %add3A_1328 = arith.addi %add3A, %add3A_1327 : i32
      %jit3A_1329 = arith.constant 8 : i32
      %div3A_1330 = arith.divsi %add3A_1328, %jit3A_1329 : i32
      %sign3A_1331 = arith.constant 0 : i32
      %sign3A_1332 = arith.cmpi sgt, %add3A_1328, %sign3A_1331 : i32
      %sign3A_1333 = arith.extui %sign3A_1332 : i1 to i32
      %sign3A_1334 = arith.constant 0 : i32
      %sign3A_1335 = arith.cmpi slt, %add3A_1328, %sign3A_1334 : i32
      %sign3A_1336 = arith.extui %sign3A_1335 : i1 to i32
      %sign3A_1337 = arith.subi %sign3A_1333, %sign3A_1336 : i32
      %sign3A_1338 = arith.constant 0 : i32
      %sign3A_1339 = arith.cmpi sgt, %jit3A_1329, %sign3A_1338 : i32
      %sign3A_1340 = arith.extui %sign3A_1339 : i1 to i32
      %sign3A_1341 = arith.constant 0 : i32
      %sign3A_1342 = arith.cmpi slt, %jit3A_1329, %sign3A_1341 : i32
      %sign3A_1343 = arith.extui %sign3A_1342 : i1 to i32
      %sign3A_1344 = arith.subi %sign3A_1340, %sign3A_1343 : i32
      %ne3A_1345 = arith.cmpi ne, %sign3A_1337, %sign3A_1344 : i32
      %rem3A_1346 = arith.remsi %add3A_1328, %jit3A_1329 : i32
      %ne3A_1347 = arith.constant 0 : i32
      %ne3A_1348 = arith.cmpi ne, %rem3A_1346, %ne3A_1347 : i32
      %and3A_1349 = arith.andi %ne3A_1345, %ne3A_1348 : i1
      %sub3A_1350 = arith.constant 1 : i32
      %sub3A_1351 = arith.subi %div3A_1330, %sub3A_1350 : i32
      %select_n3A_1352 = arith.select %and3A_1349, %sub3A_1351, %div3A_1330 : i32
      %rem3A_1353 = arith.constant 8 : i32
      %rem3A_1354 = arith.remsi %add3A_1328, %rem3A_1353 : i32
      %mul3A_1355 = arith.constant 128 : i32
      %mul3A_1356 = arith.muli %rem3A_1354, %mul3A_1355 : i32
      %dma_wait3A_1357 = arith.constant 504 : i32
      %dma_wait3A_1358 = tpu.memref_slice %arg3[%select_n3A_1352, %dma_wait3A_1357, %mul3A_1356] : memref<26x1000x1024xf32, #tpu.memory_space<hbm>> -> memref<1x496x128xf32, #tpu.memory_space<hbm>>
      %dma_wait3A_1359 = tpu.memref_squeeze %dma_wait3A_1358 : memref<1x496x128xf32, #tpu.memory_space<hbm>> -> memref<496x128xf32, #tpu.memory_space<hbm>>
      %dma_wait3A_1360 = arith.constant 504 : i32
      %dma_wait3A_1361 = tpu.memref_slice %arg3[%select_n3A_1352, %dma_wait3A_1360, %mul3A_1356] : memref<26x1000x1024xf32, #tpu.memory_space<hbm>> -> memref<1x496x128xf32, #tpu.memory_space<hbm>>
      %dma_wait3A_1362 = tpu.memref_squeeze %dma_wait3A_1361 : memref<1x496x128xf32, #tpu.memory_space<hbm>> -> memref<496x128xf32, #tpu.memory_space<hbm>>
      tpu.wait_dma2 semaphore(%arg9 : memref<!tpu.dma_semaphore, #tpu.memory_space<semaphore_mem>>) src(%arg6 : memref<496x128xf32, #tpu.memory_space<vmem>>) dst(%dma_wait3A_1362 : memref<496x128xf32, #tpu.memory_space<hbm>>)
      %get3A_1363 = arith.constant 128 : index
      %get3A_1364 = tpu.vector_load %arg4[%get3A_1363] {strides = array<i32>} : memref<896xi32, #tpu.memory_space<vmem>>, vector<16xi32>,
      %sub3A_1365 = arith.constant 504 : i32
      %sub3A_1366 = vector.broadcast %sub3A_1365 : i32 to vector<16xi32>
      %sub3A_1367 = arith.subi %get3A_1364, %sub3A_1366 : vector<16xi32>
      %ge3A_1368 = arith.constant 504 : i32
      %ge3A_1369 = vector.broadcast %ge3A_1368 : i32 to vector<16xi32>
      %ge3A_1370 = arith.cmpi sge, %get3A_1364, %ge3A_1369 : vector<16xi32>
      %lt3A_1371 = arith.constant 1000 : i32
      %lt3A_1372 = vector.broadcast %lt3A_1371 : i32 to vector<16xi32>
      %lt3A_1373 = arith.cmpi slt, %get3A_1364, %lt3A_1372 : vector<16xi32>
      %and3A_1374 = arith.andi %ge3A_1370, %lt3A_1373 : vector<16xi1>
      %add3A_1375 = arith.constant 0 : i32
      %add3A_1376 = vector.broadcast %add3A_1375 : i32 to vector<16xi32>
      %add3A_1377 = arith.addi %add3A_1376, %iota3A : vector<16xi32>
      tpu.vector_store_idx %arg6[%sub3A_1367, %add3A_1377], %broadcast_in_dim3A_221 masked %and3A_1374 : memref<496x128xf32, #tpu.memory_space<vmem>>[vector<16xi32>, vector<16xi32>], vector<16xf32>, vector<16xi1>
      %get3A_1378 = arith.constant 144 : index
      %get3A_1379 = tpu.vector_load %arg4[%get3A_1378] {strides = array<i32>} : memref<896xi32, #tpu.memory_space<vmem>>, vector<16xi32>,
      %sub3A_1380 = arith.constant 504 : i32
      %sub3A_1381 = vector.broadcast %sub3A_1380 : i32 to vector<16xi32>
      %sub3A_1382 = arith.subi %get3A_1379, %sub3A_1381 : vector<16xi32>
      %ge3A_1383 = arith.constant 504 : i32
      %ge3A_1384 = vector.broadcast %ge3A_1383 : i32 to vector<16xi32>
      %ge3A_1385 = arith.cmpi sge, %get3A_1379, %ge3A_1384 : vector<16xi32>
      %lt3A_1386 = arith.constant 1000 : i32
      %lt3A_1387 = vector.broadcast %lt3A_1386 : i32 to vector<16xi32>
      %lt3A_1388 = arith.cmpi slt, %get3A_1379, %lt3A_1387 : vector<16xi32>
      %and3A_1389 = arith.andi %ge3A_1385, %lt3A_1388 : vector<16xi1>
      %add3A_1390 = arith.constant 16 : i32
      %add3A_1391 = vector.broadcast %add3A_1390 : i32 to vector<16xi32>
      %add3A_1392 = arith.addi %add3A_1391, %iota3A : vector<16xi32>
      tpu.vector_store_idx %arg6[%sub3A_1382, %add3A_1392], %broadcast_in_dim3A_221 masked %and3A_1389 : memref<496x128xf32, #tpu.memory_space<vmem>>[vector<16xi32>, vector<16xi32>], vector<16xf32>, vector<16xi1>
      %get3A_1393 = arith.constant 160 : index
      %get3A_1394 = tpu.vector_load %arg4[%get3A_1393] {strides = array<i32>} : memref<896xi32, #tpu.memory_space<vmem>>, vector<16xi32>,
      %sub3A_1395 = arith.constant 504 : i32
      %sub3A_1396 = vector.broadcast %sub3A_1395 : i32 to vector<16xi32>
      %sub3A_1397 = arith.subi %get3A_1394, %sub3A_1396 : vector<16xi32>
      %ge3A_1398 = arith.constant 504 : i32
      %ge3A_1399 = vector.broadcast %ge3A_1398 : i32 to vector<16xi32>
      %ge3A_1400 = arith.cmpi sge, %get3A_1394, %ge3A_1399 : vector<16xi32>
      %lt3A_1401 = arith.constant 1000 : i32
      %lt3A_1402 = vector.broadcast %lt3A_1401 : i32 to vector<16xi32>
      %lt3A_1403 = arith.cmpi slt, %get3A_1394, %lt3A_1402 : vector<16xi32>
      %and3A_1404 = arith.andi %ge3A_1400, %lt3A_1403 : vector<16xi1>
      %add3A_1405 = arith.constant 32 : i32
      %add3A_1406 = vector.broadcast %add3A_1405 : i32 to vector<16xi32>
      %add3A_1407 = arith.addi %add3A_1406, %iota3A : vector<16xi32>
      tpu.vector_store_idx %arg6[%sub3A_1397, %add3A_1407], %broadcast_in_dim3A_221 masked %and3A_1404 : memref<496x128xf32, #tpu.memory_space<vmem>>[vector<16xi32>, vector<16xi32>], vector<16xf32>, vector<16xi1>
      %get3A_1408 = arith.constant 176 : index
      %get3A_1409 = tpu.vector_load %arg4[%get3A_1408] {strides = array<i32>} : memref<896xi32, #tpu.memory_space<vmem>>, vector<16xi32>,
      %sub3A_1410 = arith.constant 504 : i32
      %sub3A_1411 = vector.broadcast %sub3A_1410 : i32 to vector<16xi32>
      %sub3A_1412 = arith.subi %get3A_1409, %sub3A_1411 : vector<16xi32>
      %ge3A_1413 = arith.constant 504 : i32
      %ge3A_1414 = vector.broadcast %ge3A_1413 : i32 to vector<16xi32>
      %ge3A_1415 = arith.cmpi sge, %get3A_1409, %ge3A_1414 : vector<16xi32>
      %lt3A_1416 = arith.constant 1000 : i32
      %lt3A_1417 = vector.broadcast %lt3A_1416 : i32 to vector<16xi32>
      %lt3A_1418 = arith.cmpi slt, %get3A_1409, %lt3A_1417 : vector<16xi32>
      %and3A_1419 = arith.andi %ge3A_1415, %lt3A_1418 : vector<16xi1>
      %add3A_1420 = arith.constant 48 : i32
      %add3A_1421 = vector.broadcast %add3A_1420 : i32 to vector<16xi32>
      %add3A_1422 = arith.addi %add3A_1421, %iota3A : vector<16xi32>
      tpu.vector_store_idx %arg6[%sub3A_1412, %add3A_1422], %broadcast_in_dim3A_221 masked %and3A_1419 : memref<496x128xf32, #tpu.memory_space<vmem>>[vector<16xi32>, vector<16xi32>], vector<16xf32>, vector<16xi1>
      %get3A_1423 = arith.constant 192 : index
      %get3A_1424 = tpu.vector_load %arg4[%get3A_1423] {strides = array<i32>} : memref<896xi32, #tpu.memory_space<vmem>>, vector<16xi32>,
      %sub3A_1425 = arith.constant 504 : i32
      %sub3A_1426 = vector.broadcast %sub3A_1425 : i32 to vector<16xi32>
      %sub3A_1427 = arith.subi %get3A_1424, %sub3A_1426 : vector<16xi32>
      %ge3A_1428 = arith.constant 504 : i32
      %ge3A_1429 = vector.broadcast %ge3A_1428 : i32 to vector<16xi32>
      %ge3A_1430 = arith.cmpi sge, %get3A_1424, %ge3A_1429 : vector<16xi32>
      %lt3A_1431 = arith.constant 1000 : i32
      %lt3A_1432 = vector.broadcast %lt3A_1431 : i32 to vector<16xi32>
      %lt3A_1433 = arith.cmpi slt, %get3A_1424, %lt3A_1432 : vector<16xi32>
      %and3A_1434 = arith.andi %ge3A_1430, %lt3A_1433 : vector<16xi1>
      %add3A_1435 = arith.constant 64 : i32
      %add3A_1436 = vector.broadcast %add3A_1435 : i32 to vector<16xi32>
      %add3A_1437 = arith.addi %add3A_1436, %iota3A : vector<16xi32>
      tpu.vector_store_idx %arg6[%sub3A_1427, %add3A_1437], %broadcast_in_dim3A_221 masked %and3A_1434 : memref<496x128xf32, #tpu.memory_space<vmem>>[vector<16xi32>, vector<16xi32>], vector<16xf32>, vector<16xi1>
      %get3A_1438 = arith.constant 208 : index
      %get3A_1439 = tpu.vector_load %arg4[%get3A_1438] {strides = array<i32>} : memref<896xi32, #tpu.memory_space<vmem>>, vector<16xi32>,
      %sub3A_1440 = arith.constant 504 : i32
      %sub3A_1441 = vector.broadcast %sub3A_1440 : i32 to vector<16xi32>
      %sub3A_1442 = arith.subi %get3A_1439, %sub3A_1441 : vector<16xi32>
      %ge3A_1443 = arith.constant 504 : i32
      %ge3A_1444 = vector.broadcast %ge3A_1443 : i32 to vector<16xi32>
      %ge3A_1445 = arith.cmpi sge, %get3A_1439, %ge3A_1444 : vector<16xi32>
      %lt3A_1446 = arith.constant 1000 : i32
      %lt3A_1447 = vector.broadcast %lt3A_1446 : i32 to vector<16xi32>
      %lt3A_1448 = arith.cmpi slt, %get3A_1439, %lt3A_1447 : vector<16xi32>
      %and3A_1449 = arith.andi %ge3A_1445, %lt3A_1448 : vector<16xi1>
      %add3A_1450 = arith.constant 80 : i32
      %add3A_1451 = vector.broadcast %add3A_1450 : i32 to vector<16xi32>
      %add3A_1452 = arith.addi %add3A_1451, %iota3A : vector<16xi32>
      tpu.vector_store_idx %arg6[%sub3A_1442, %add3A_1452], %broadcast_in_dim3A_221 masked %and3A_1449 : memref<496x128xf32, #tpu.memory_space<vmem>>[vector<16xi32>, vector<16xi32>], vector<16xf32>, vector<16xi1>
      %get3A_1453 = arith.constant 224 : index
      %get3A_1454 = tpu.vector_load %arg4[%get3A_1453] {strides = array<i32>} : memref<896xi32, #tpu.memory_space<vmem>>, vector<16xi32>,
      %sub3A_1455 = arith.constant 504 : i32
      %sub3A_1456 = vector.broadcast %sub3A_1455 : i32 to vector<16xi32>
      %sub3A_1457 = arith.subi %get3A_1454, %sub3A_1456 : vector<16xi32>
      %ge3A_1458 = arith.constant 504 : i32
      %ge3A_1459 = vector.broadcast %ge3A_1458 : i32 to vector<16xi32>
      %ge3A_1460 = arith.cmpi sge, %get3A_1454, %ge3A_1459 : vector<16xi32>
      %lt3A_1461 = arith.constant 1000 : i32
      %lt3A_1462 = vector.broadcast %lt3A_1461 : i32 to vector<16xi32>
      %lt3A_1463 = arith.cmpi slt, %get3A_1454, %lt3A_1462 : vector<16xi32>
      %and3A_1464 = arith.andi %ge3A_1460, %lt3A_1463 : vector<16xi1>
      %add3A_1465 = arith.constant 96 : i32
      %add3A_1466 = vector.broadcast %add3A_1465 : i32 to vector<16xi32>
      %add3A_1467 = arith.addi %add3A_1466, %iota3A : vector<16xi32>
      tpu.vector_store_idx %arg6[%sub3A_1457, %add3A_1467], %broadcast_in_dim3A_221 masked %and3A_1464 : memref<496x128xf32, #tpu.memory_space<vmem>>[vector<16xi32>, vector<16xi32>], vector<16xf32>, vector<16xi1>
      %get3A_1468 = arith.constant 240 : index
      %get3A_1469 = tpu.vector_load %arg4[%get3A_1468] {strides = array<i32>} : memref<896xi32, #tpu.memory_space<vmem>>, vector<16xi32>,
      %sub3A_1470 = arith.constant 504 : i32
      %sub3A_1471 = vector.broadcast %sub3A_1470 : i32 to vector<16xi32>
      %sub3A_1472 = arith.subi %get3A_1469, %sub3A_1471 : vector<16xi32>
      %ge3A_1473 = arith.constant 504 : i32
      %ge3A_1474 = vector.broadcast %ge3A_1473 : i32 to vector<16xi32>
      %ge3A_1475 = arith.cmpi sge, %get3A_1469, %ge3A_1474 : vector<16xi32>
      %lt3A_1476 = arith.constant 1000 : i32
      %lt3A_1477 = vector.broadcast %lt3A_1476 : i32 to vector<16xi32>
      %lt3A_1478 = arith.cmpi slt, %get3A_1469, %lt3A_1477 : vector<16xi32>
      %and3A_1479 = arith.andi %ge3A_1475, %lt3A_1478 : vector<16xi1>
      %add3A_1480 = arith.constant 112 : i32
      %add3A_1481 = vector.broadcast %add3A_1480 : i32 to vector<16xi32>
      %add3A_1482 = arith.addi %add3A_1481, %iota3A : vector<16xi32>
      tpu.vector_store_idx %arg6[%sub3A_1472, %add3A_1482], %broadcast_in_dim3A_221 masked %and3A_1479 : memref<496x128xf32, #tpu.memory_space<vmem>>[vector<16xi32>, vector<16xi32>], vector<16xf32>, vector<16xi1>
      %get3A_1483 = arith.constant 256 : index
      %get3A_1484 = tpu.vector_load %arg4[%get3A_1483] {strides = array<i32>} : memref<896xi32, #tpu.memory_space<vmem>>, vector<16xi32>,
      %sub3A_1485 = arith.constant 504 : i32
      %sub3A_1486 = vector.broadcast %sub3A_1485 : i32 to vector<16xi32>
      %sub3A_1487 = arith.subi %get3A_1484, %sub3A_1486 : vector<16xi32>
      %ge3A_1488 = arith.constant 504 : i32
      %ge3A_1489 = vector.broadcast %ge3A_1488 : i32 to vector<16xi32>
      %ge3A_1490 = arith.cmpi sge, %get3A_1484, %ge3A_1489 : vector<16xi32>
      %lt3A_1491 = arith.constant 1000 : i32
      %lt3A_1492 = vector.broadcast %lt3A_1491 : i32 to vector<16xi32>
      %lt3A_1493 = arith.cmpi slt, %get3A_1484, %lt3A_1492 : vector<16xi32>
      %and3A_1494 = arith.andi %ge3A_1490, %lt3A_1493 : vector<16xi1>
      %add3A_1495 = arith.constant 0 : i32
      %add3A_1496 = vector.broadcast %add3A_1495 : i32 to vector<16xi32>
      %add3A_1497 = arith.addi %add3A_1496, %iota3A : vector<16xi32>
      tpu.vector_store_idx %arg6[%sub3A_1487, %add3A_1497], %broadcast_in_dim3A_223 masked %and3A_1494 : memref<496x128xf32, #tpu.memory_space<vmem>>[vector<16xi32>, vector<16xi32>], vector<16xf32>, vector<16xi1>
      %get3A_1498 = arith.constant 272 : index
      %get3A_1499 = tpu.vector_load %arg4[%get3A_1498] {strides = array<i32>} : memref<896xi32, #tpu.memory_space<vmem>>, vector<16xi32>,
      %sub3A_1500 = arith.constant 504 : i32
      %sub3A_1501 = vector.broadcast %sub3A_1500 : i32 to vector<16xi32>
      %sub3A_1502 = arith.subi %get3A_1499, %sub3A_1501 : vector<16xi32>
      %ge3A_1503 = arith.constant 504 : i32
      %ge3A_1504 = vector.broadcast %ge3A_1503 : i32 to vector<16xi32>
      %ge3A_1505 = arith.cmpi sge, %get3A_1499, %ge3A_1504 : vector<16xi32>
      %lt3A_1506 = arith.constant 1000 : i32
      %lt3A_1507 = vector.broadcast %lt3A_1506 : i32 to vector<16xi32>
      %lt3A_1508 = arith.cmpi slt, %get3A_1499, %lt3A_1507 : vector<16xi32>
      %and3A_1509 = arith.andi %ge3A_1505, %lt3A_1508 : vector<16xi1>
      %add3A_1510 = arith.constant 16 : i32
      %add3A_1511 = vector.broadcast %add3A_1510 : i32 to vector<16xi32>
      %add3A_1512 = arith.addi %add3A_1511, %iota3A : vector<16xi32>
      tpu.vector_store_idx %arg6[%sub3A_1502, %add3A_1512], %broadcast_in_dim3A_223 masked %and3A_1509 : memref<496x128xf32, #tpu.memory_space<vmem>>[vector<16xi32>, vector<16xi32>], vector<16xf32>, vector<16xi1>
      %get3A_1513 = arith.constant 288 : index
      %get3A_1514 = tpu.vector_load %arg4[%get3A_1513] {strides = array<i32>} : memref<896xi32, #tpu.memory_space<vmem>>, vector<16xi32>,
      %sub3A_1515 = arith.constant 504 : i32
      %sub3A_1516 = vector.broadcast %sub3A_1515 : i32 to vector<16xi32>
      %sub3A_1517 = arith.subi %get3A_1514, %sub3A_1516 : vector<16xi32>
      %ge3A_1518 = arith.constant 504 : i32
      %ge3A_1519 = vector.broadcast %ge3A_1518 : i32 to vector<16xi32>
      %ge3A_1520 = arith.cmpi sge, %get3A_1514, %ge3A_1519 : vector<16xi32>
      %lt3A_1521 = arith.constant 1000 : i32
      %lt3A_1522 = vector.broadcast %lt3A_1521 : i32 to vector<16xi32>
      %lt3A_1523 = arith.cmpi slt, %get3A_1514, %lt3A_1522 : vector<16xi32>
      %and3A_1524 = arith.andi %ge3A_1520, %lt3A_1523 : vector<16xi1>
      %add3A_1525 = arith.constant 32 : i32
      %add3A_1526 = vector.broadcast %add3A_1525 : i32 to vector<16xi32>
      %add3A_1527 = arith.addi %add3A_1526, %iota3A : vector<16xi32>
      tpu.vector_store_idx %arg6[%sub3A_1517, %add3A_1527], %broadcast_in_dim3A_223 masked %and3A_1524 : memref<496x128xf32, #tpu.memory_space<vmem>>[vector<16xi32>, vector<16xi32>], vector<16xf32>, vector<16xi1>
      %get3A_1528 = arith.constant 304 : index
      %get3A_1529 = tpu.vector_load %arg4[%get3A_1528] {strides = array<i32>} : memref<896xi32, #tpu.memory_space<vmem>>, vector<16xi32>,
      %sub3A_1530 = arith.constant 504 : i32
      %sub3A_1531 = vector.broadcast %sub3A_1530 : i32 to vector<16xi32>
      %sub3A_1532 = arith.subi %get3A_1529, %sub3A_1531 : vector<16xi32>
      %ge3A_1533 = arith.constant 504 : i32
      %ge3A_1534 = vector.broadcast %ge3A_1533 : i32 to vector<16xi32>
      %ge3A_1535 = arith.cmpi sge, %get3A_1529, %ge3A_1534 : vector<16xi32>
      %lt3A_1536 = arith.constant 1000 : i32
      %lt3A_1537 = vector.broadcast %lt3A_1536 : i32 to vector<16xi32>
      %lt3A_1538 = arith.cmpi slt, %get3A_1529, %lt3A_1537 : vector<16xi32>
      %and3A_1539 = arith.andi %ge3A_1535, %lt3A_1538 : vector<16xi1>
      %add3A_1540 = arith.constant 48 : i32
      %add3A_1541 = vector.broadcast %add3A_1540 : i32 to vector<16xi32>
      %add3A_1542 = arith.addi %add3A_1541, %iota3A : vector<16xi32>
      tpu.vector_store_idx %arg6[%sub3A_1532, %add3A_1542], %broadcast_in_dim3A_223 masked %and3A_1539 : memref<496x128xf32, #tpu.memory_space<vmem>>[vector<16xi32>, vector<16xi32>], vector<16xf32>, vector<16xi1>
      %get3A_1543 = arith.constant 320 : index
      %get3A_1544 = tpu.vector_load %arg4[%get3A_1543] {strides = array<i32>} : memref<896xi32, #tpu.memory_space<vmem>>, vector<16xi32>,
      %sub3A_1545 = arith.constant 504 : i32
      %sub3A_1546 = vector.broadcast %sub3A_1545 : i32 to vector<16xi32>
      %sub3A_1547 = arith.subi %get3A_1544, %sub3A_1546 : vector<16xi32>
      %ge3A_1548 = arith.constant 504 : i32
      %ge3A_1549 = vector.broadcast %ge3A_1548 : i32 to vector<16xi32>
      %ge3A_1550 = arith.cmpi sge, %get3A_1544, %ge3A_1549 : vector<16xi32>
      %lt3A_1551 = arith.constant 1000 : i32
      %lt3A_1552 = vector.broadcast %lt3A_1551 : i32 to vector<16xi32>
      %lt3A_1553 = arith.cmpi slt, %get3A_1544, %lt3A_1552 : vector<16xi32>
      %and3A_1554 = arith.andi %ge3A_1550, %lt3A_1553 : vector<16xi1>
      %add3A_1555 = arith.constant 64 : i32
      %add3A_1556 = vector.broadcast %add3A_1555 : i32 to vector<16xi32>
      %add3A_1557 = arith.addi %add3A_1556, %iota3A : vector<16xi32>
      tpu.vector_store_idx %arg6[%sub3A_1547, %add3A_1557], %broadcast_in_dim3A_223 masked %and3A_1554 : memref<496x128xf32, #tpu.memory_space<vmem>>[vector<16xi32>, vector<16xi32>], vector<16xf32>, vector<16xi1>
      %get3A_1558 = arith.constant 336 : index
      %get3A_1559 = tpu.vector_load %arg4[%get3A_1558] {strides = array<i32>} : memref<896xi32, #tpu.memory_space<vmem>>, vector<16xi32>,
      %sub3A_1560 = arith.constant 504 : i32
      %sub3A_1561 = vector.broadcast %sub3A_1560 : i32 to vector<16xi32>
      %sub3A_1562 = arith.subi %get3A_1559, %sub3A_1561 : vector<16xi32>
      %ge3A_1563 = arith.constant 504 : i32
      %ge3A_1564 = vector.broadcast %ge3A_1563 : i32 to vector<16xi32>
      %ge3A_1565 = arith.cmpi sge, %get3A_1559, %ge3A_1564 : vector<16xi32>
      %lt3A_1566 = arith.constant 1000 : i32
      %lt3A_1567 = vector.broadcast %lt3A_1566 : i32 to vector<16xi32>
      %lt3A_1568 = arith.cmpi slt, %get3A_1559, %lt3A_1567 : vector<16xi32>
      %and3A_1569 = arith.andi %ge3A_1565, %lt3A_1568 : vector<16xi1>
      %add3A_1570 = arith.constant 80 : i32
      %add3A_1571 = vector.broadcast %add3A_1570 : i32 to vector<16xi32>
      %add3A_1572 = arith.addi %add3A_1571, %iota3A : vector<16xi32>
      tpu.vector_store_idx %arg6[%sub3A_1562, %add3A_1572], %broadcast_in_dim3A_223 masked %and3A_1569 : memref<496x128xf32, #tpu.memory_space<vmem>>[vector<16xi32>, vector<16xi32>], vector<16xf32>, vector<16xi1>
      %get3A_1573 = arith.constant 352 : index
      %get3A_1574 = tpu.vector_load %arg4[%get3A_1573] {strides = array<i32>} : memref<896xi32, #tpu.memory_space<vmem>>, vector<16xi32>,
      %sub3A_1575 = arith.constant 504 : i32
      %sub3A_1576 = vector.broadcast %sub3A_1575 : i32 to vector<16xi32>
      %sub3A_1577 = arith.subi %get3A_1574, %sub3A_1576 : vector<16xi32>
      %ge3A_1578 = arith.constant 504 : i32
      %ge3A_1579 = vector.broadcast %ge3A_1578 : i32 to vector<16xi32>
      %ge3A_1580 = arith.cmpi sge, %get3A_1574, %ge3A_1579 : vector<16xi32>
      %lt3A_1581 = arith.constant 1000 : i32
      %lt3A_1582 = vector.broadcast %lt3A_1581 : i32 to vector<16xi32>
      %lt3A_1583 = arith.cmpi slt, %get3A_1574, %lt3A_1582 : vector<16xi32>
      %and3A_1584 = arith.andi %ge3A_1580, %lt3A_1583 : vector<16xi1>
      %add3A_1585 = arith.constant 96 : i32
      %add3A_1586 = vector.broadcast %add3A_1585 : i32 to vector<16xi32>
      %add3A_1587 = arith.addi %add3A_1586, %iota3A : vector<16xi32>
      tpu.vector_store_idx %arg6[%sub3A_1577, %add3A_1587], %broadcast_in_dim3A_223 masked %and3A_1584 : memref<496x128xf32, #tpu.memory_space<vmem>>[vector<16xi32>, vector<16xi32>], vector<16xf32>, vector<16xi1>
      %get3A_1588 = arith.constant 368 : index
      %get3A_1589 = tpu.vector_load %arg4[%get3A_1588] {strides = array<i32>} : memref<896xi32, #tpu.memory_space<vmem>>, vector<16xi32>,
      %sub3A_1590 = arith.constant 504 : i32
      %sub3A_1591 = vector.broadcast %sub3A_1590 : i32 to vector<16xi32>
      %sub3A_1592 = arith.subi %get3A_1589, %sub3A_1591 : vector<16xi32>
      %ge3A_1593 = arith.constant 504 : i32
      %ge3A_1594 = vector.broadcast %ge3A_1593 : i32 to vector<16xi32>
      %ge3A_1595 = arith.cmpi sge, %get3A_1589, %ge3A_1594 : vector<16xi32>
      %lt3A_1596 = arith.constant 1000 : i32
      %lt3A_1597 = vector.broadcast %lt3A_1596 : i32 to vector<16xi32>
      %lt3A_1598 = arith.cmpi slt, %get3A_1589, %lt3A_1597 : vector<16xi32>
      %and3A_1599 = arith.andi %ge3A_1595, %lt3A_1598 : vector<16xi1>
      %add3A_1600 = arith.constant 112 : i32
      %add3A_1601 = vector.broadcast %add3A_1600 : i32 to vector<16xi32>
      %add3A_1602 = arith.addi %add3A_1601, %iota3A : vector<16xi32>
      tpu.vector_store_idx %arg6[%sub3A_1592, %add3A_1602], %broadcast_in_dim3A_223 masked %and3A_1599 : memref<496x128xf32, #tpu.memory_space<vmem>>[vector<16xi32>, vector<16xi32>], vector<16xf32>, vector<16xi1>
      %mul3A_1603 = arith.constant 128 : i32
      %mul3A_1604 = arith.muli %rem3A_807, %mul3A_1603 : i32
      %dma_start3A_1605 = arith.constant 504 : i32
      %dma_start3A_1606 = tpu.memref_slice %arg3[%select_n3A_805, %dma_start3A_1605, %mul3A_1604] : memref<26x1000x1024xf32, #tpu.memory_space<hbm>> -> memref<1x496x128xf32, #tpu.memory_space<hbm>>
      %dma_start3A_1607 = tpu.memref_squeeze %dma_start3A_1606 : memref<1x496x128xf32, #tpu.memory_space<hbm>> -> memref<496x128xf32, #tpu.memory_space<hbm>>
      %dma_start3A_1608 = arith.constant 504 : i32
      %dma_start3A_1609 = tpu.memref_slice %arg3[%select_n3A_805, %dma_start3A_1608, %mul3A_1604] : memref<26x1000x1024xf32, #tpu.memory_space<hbm>> -> memref<1x496x128xf32, #tpu.memory_space<hbm>>
      %dma_start3A_1610 = tpu.memref_squeeze %dma_start3A_1609 : memref<1x496x128xf32, #tpu.memory_space<hbm>> -> memref<496x128xf32, #tpu.memory_space<hbm>>
      tpu.enqueue_dma source(%arg6 : memref<496x128xf32, #tpu.memory_space<vmem>>) target(%dma_start3A_1610 : memref<496x128xf32, #tpu.memory_space<hbm>>) target_semaphore(%arg9 : memref<!tpu.dma_semaphore, #tpu.memory_space<semaphore_mem>>)
    } else {
    }
    %add3A_813 = arith.constant 96 : i32
    %add3A_814 = arith.addi %add3A, %add3A_813 : i32
    %jit3A_815 = arith.constant 8 : i32
    %div3A_816 = arith.divsi %add3A_814, %jit3A_815 : i32
    %sign3A_817 = arith.constant 0 : i32
    %sign3A_818 = arith.cmpi sgt, %add3A_814, %sign3A_817 : i32
    %sign3A_819 = arith.extui %sign3A_818 : i1 to i32
    %sign3A_820 = arith.constant 0 : i32
    %sign3A_821 = arith.cmpi slt, %add3A_814, %sign3A_820 : i32
    %sign3A_822 = arith.extui %sign3A_821 : i1 to i32
    %sign3A_823 = arith.subi %sign3A_819, %sign3A_822 : i32
    %sign3A_824 = arith.constant 0 : i32
    %sign3A_825 = arith.cmpi sgt, %jit3A_815, %sign3A_824 : i32
    %sign3A_826 = arith.extui %sign3A_825 : i1 to i32
    %sign3A_827 = arith.constant 0 : i32
    %sign3A_828 = arith.cmpi slt, %jit3A_815, %sign3A_827 : i32
    %sign3A_829 = arith.extui %sign3A_828 : i1 to i32
    %sign3A_830 = arith.subi %sign3A_826, %sign3A_829 : i32
    %ne3A_831 = arith.cmpi ne, %sign3A_823, %sign3A_830 : i32
    %rem3A_832 = arith.remsi %add3A_814, %jit3A_815 : i32
    %ne3A_833 = arith.constant 0 : i32
    %ne3A_834 = arith.cmpi ne, %rem3A_832, %ne3A_833 : i32
    %and3A_835 = arith.andi %ne3A_831, %ne3A_834 : i1
    %sub3A_836 = arith.constant 1 : i32
    %sub3A_837 = arith.subi %div3A_816, %sub3A_836 : i32
    %select_n3A_838 = arith.select %and3A_835, %sub3A_837, %div3A_816 : i32
    %rem3A_839 = arith.constant 8 : i32
    %rem3A_840 = arith.remsi %add3A_814, %rem3A_839 : i32
    %lt3A_841 = arith.constant 208 : i32
    %lt3A_842 = arith.cmpi slt, %add3A_814, %lt3A_841 : i32
    %convert_element_type3A_843 = arith.extui %lt3A_842 : i1 to i32
    %cond3A_844 = arith.constant 0 : i32
    %cond3A_845 = arith.cmpi ne, %convert_element_type3A_843, %cond3A_844 : i32
    scf.if %cond3A_845 {
      %add3A_1044 = arith.constant 64 : i32
      %add3A_1045 = arith.addi %add3A, %add3A_1044 : i32
      %jit3A_1046 = arith.constant 8 : i32
      %div3A_1047 = arith.divsi %add3A_1045, %jit3A_1046 : i32
      %sign3A_1048 = arith.constant 0 : i32
      %sign3A_1049 = arith.cmpi sgt, %add3A_1045, %sign3A_1048 : i32
      %sign3A_1050 = arith.extui %sign3A_1049 : i1 to i32
      %sign3A_1051 = arith.constant 0 : i32
      %sign3A_1052 = arith.cmpi slt, %add3A_1045, %sign3A_1051 : i32
      %sign3A_1053 = arith.extui %sign3A_1052 : i1 to i32
      %sign3A_1054 = arith.subi %sign3A_1050, %sign3A_1053 : i32
      %sign3A_1055 = arith.constant 0 : i32
      %sign3A_1056 = arith.cmpi sgt, %jit3A_1046, %sign3A_1055 : i32
      %sign3A_1057 = arith.extui %sign3A_1056 : i1 to i32
      %sign3A_1058 = arith.constant 0 : i32
      %sign3A_1059 = arith.cmpi slt, %jit3A_1046, %sign3A_1058 : i32
      %sign3A_1060 = arith.extui %sign3A_1059 : i1 to i32
      %sign3A_1061 = arith.subi %sign3A_1057, %sign3A_1060 : i32
      %ne3A_1062 = arith.cmpi ne, %sign3A_1054, %sign3A_1061 : i32
      %rem3A_1063 = arith.remsi %add3A_1045, %jit3A_1046 : i32
      %ne3A_1064 = arith.constant 0 : i32
      %ne3A_1065 = arith.cmpi ne, %rem3A_1063, %ne3A_1064 : i32
      %and3A_1066 = arith.andi %ne3A_1062, %ne3A_1065 : i1
      %sub3A_1067 = arith.constant 1 : i32
      %sub3A_1068 = arith.subi %div3A_1047, %sub3A_1067 : i32
      %select_n3A_1069 = arith.select %and3A_1066, %sub3A_1068, %div3A_1047 : i32
      %rem3A_1070 = arith.constant 8 : i32
      %rem3A_1071 = arith.remsi %add3A_1045, %rem3A_1070 : i32
      %mul3A_1072 = arith.constant 128 : i32
      %mul3A_1073 = arith.muli %rem3A_1071, %mul3A_1072 : i32
      %dma_wait3A = arith.constant 0 : i32
      %dma_wait3A_1074 = tpu.memref_slice %arg3[%select_n3A_1069, %dma_wait3A, %mul3A_1073] : memref<26x1000x1024xf32, #tpu.memory_space<hbm>> -> memref<1x504x128xf32, #tpu.memory_space<hbm>>
      %dma_wait3A_1075 = tpu.memref_squeeze %dma_wait3A_1074 : memref<1x504x128xf32, #tpu.memory_space<hbm>> -> memref<504x128xf32, #tpu.memory_space<hbm>>
      %dma_wait3A_1076 = arith.constant 0 : i32
      %dma_wait3A_1077 = tpu.memref_slice %arg3[%select_n3A_1069, %dma_wait3A_1076, %mul3A_1073] : memref<26x1000x1024xf32, #tpu.memory_space<hbm>> -> memref<1x504x128xf32, #tpu.memory_space<hbm>>
      %dma_wait3A_1078 = tpu.memref_squeeze %dma_wait3A_1077 : memref<1x504x128xf32, #tpu.memory_space<hbm>> -> memref<504x128xf32, #tpu.memory_space<hbm>>
      tpu.wait_dma2 semaphore(%arg8 : memref<!tpu.dma_semaphore, #tpu.memory_space<semaphore_mem>>) src(%arg5 : memref<504x128xf32, #tpu.memory_space<vmem>>) dst(%dma_wait3A_1078 : memref<504x128xf32, #tpu.memory_space<hbm>>)
      %get3A_1079 = arith.constant 256 : index
      %get3A_1080 = tpu.vector_load %arg4[%get3A_1079] {strides = array<i32>} : memref<896xi32, #tpu.memory_space<vmem>>, vector<16xi32>,
      %sub3A_1081 = arith.constant 0 : i32
      %sub3A_1082 = vector.broadcast %sub3A_1081 : i32 to vector<16xi32>
      %sub3A_1083 = arith.subi %get3A_1080, %sub3A_1082 : vector<16xi32>
      %ge3A_1084 = arith.constant 0 : i32
      %ge3A_1085 = vector.broadcast %ge3A_1084 : i32 to vector<16xi32>
      %ge3A_1086 = arith.cmpi sge, %get3A_1080, %ge3A_1085 : vector<16xi32>
      %lt3A_1087 = arith.constant 504 : i32
      %lt3A_1088 = vector.broadcast %lt3A_1087 : i32 to vector<16xi32>
      %lt3A_1089 = arith.cmpi slt, %get3A_1080, %lt3A_1088 : vector<16xi32>
      %and3A_1090 = arith.andi %ge3A_1086, %lt3A_1089 : vector<16xi1>
      %add3A_1091 = arith.constant 0 : i32
      %add3A_1092 = vector.broadcast %add3A_1091 : i32 to vector<16xi32>
      %add3A_1093 = arith.addi %add3A_1092, %iota3A : vector<16xi32>
      tpu.vector_store_idx %arg5[%sub3A_1083, %add3A_1093], %broadcast_in_dim3A_221 masked %and3A_1090 : memref<504x128xf32, #tpu.memory_space<vmem>>[vector<16xi32>, vector<16xi32>], vector<16xf32>, vector<16xi1>
      %get3A_1094 = arith.constant 272 : index
      %get3A_1095 = tpu.vector_load %arg4[%get3A_1094] {strides = array<i32>} : memref<896xi32, #tpu.memory_space<vmem>>, vector<16xi32>,
      %sub3A_1096 = arith.constant 0 : i32
      %sub3A_1097 = vector.broadcast %sub3A_1096 : i32 to vector<16xi32>
      %sub3A_1098 = arith.subi %get3A_1095, %sub3A_1097 : vector<16xi32>
      %ge3A_1099 = arith.constant 0 : i32
      %ge3A_1100 = vector.broadcast %ge3A_1099 : i32 to vector<16xi32>
      %ge3A_1101 = arith.cmpi sge, %get3A_1095, %ge3A_1100 : vector<16xi32>
      %lt3A_1102 = arith.constant 504 : i32
      %lt3A_1103 = vector.broadcast %lt3A_1102 : i32 to vector<16xi32>
      %lt3A_1104 = arith.cmpi slt, %get3A_1095, %lt3A_1103 : vector<16xi32>
      %and3A_1105 = arith.andi %ge3A_1101, %lt3A_1104 : vector<16xi1>
      %add3A_1106 = arith.constant 16 : i32
      %add3A_1107 = vector.broadcast %add3A_1106 : i32 to vector<16xi32>
      %add3A_1108 = arith.addi %add3A_1107, %iota3A : vector<16xi32>
      tpu.vector_store_idx %arg5[%sub3A_1098, %add3A_1108], %broadcast_in_dim3A_221 masked %and3A_1105 : memref<504x128xf32, #tpu.memory_space<vmem>>[vector<16xi32>, vector<16xi32>], vector<16xf32>, vector<16xi1>
      %get3A_1109 = arith.constant 288 : index
      %get3A_1110 = tpu.vector_load %arg4[%get3A_1109] {strides = array<i32>} : memref<896xi32, #tpu.memory_space<vmem>>, vector<16xi32>,
      %sub3A_1111 = arith.constant 0 : i32
      %sub3A_1112 = vector.broadcast %sub3A_1111 : i32 to vector<16xi32>
      %sub3A_1113 = arith.subi %get3A_1110, %sub3A_1112 : vector<16xi32>
      %ge3A_1114 = arith.constant 0 : i32
      %ge3A_1115 = vector.broadcast %ge3A_1114 : i32 to vector<16xi32>
      %ge3A_1116 = arith.cmpi sge, %get3A_1110, %ge3A_1115 : vector<16xi32>
      %lt3A_1117 = arith.constant 504 : i32
      %lt3A_1118 = vector.broadcast %lt3A_1117 : i32 to vector<16xi32>
      %lt3A_1119 = arith.cmpi slt, %get3A_1110, %lt3A_1118 : vector<16xi32>
      %and3A_1120 = arith.andi %ge3A_1116, %lt3A_1119 : vector<16xi1>
      %add3A_1121 = arith.constant 32 : i32
      %add3A_1122 = vector.broadcast %add3A_1121 : i32 to vector<16xi32>
      %add3A_1123 = arith.addi %add3A_1122, %iota3A : vector<16xi32>
      tpu.vector_store_idx %arg5[%sub3A_1113, %add3A_1123], %broadcast_in_dim3A_221 masked %and3A_1120 : memref<504x128xf32, #tpu.memory_space<vmem>>[vector<16xi32>, vector<16xi32>], vector<16xf32>, vector<16xi1>
      %get3A_1124 = arith.constant 304 : index
      %get3A_1125 = tpu.vector_load %arg4[%get3A_1124] {strides = array<i32>} : memref<896xi32, #tpu.memory_space<vmem>>, vector<16xi32>,
      %sub3A_1126 = arith.constant 0 : i32
      %sub3A_1127 = vector.broadcast %sub3A_1126 : i32 to vector<16xi32>
      %sub3A_1128 = arith.subi %get3A_1125, %sub3A_1127 : vector<16xi32>
      %ge3A_1129 = arith.constant 0 : i32
      %ge3A_1130 = vector.broadcast %ge3A_1129 : i32 to vector<16xi32>
      %ge3A_1131 = arith.cmpi sge, %get3A_1125, %ge3A_1130 : vector<16xi32>
      %lt3A_1132 = arith.constant 504 : i32
      %lt3A_1133 = vector.broadcast %lt3A_1132 : i32 to vector<16xi32>
      %lt3A_1134 = arith.cmpi slt, %get3A_1125, %lt3A_1133 : vector<16xi32>
      %and3A_1135 = arith.andi %ge3A_1131, %lt3A_1134 : vector<16xi1>
      %add3A_1136 = arith.constant 48 : i32
      %add3A_1137 = vector.broadcast %add3A_1136 : i32 to vector<16xi32>
      %add3A_1138 = arith.addi %add3A_1137, %iota3A : vector<16xi32>
      tpu.vector_store_idx %arg5[%sub3A_1128, %add3A_1138], %broadcast_in_dim3A_221 masked %and3A_1135 : memref<504x128xf32, #tpu.memory_space<vmem>>[vector<16xi32>, vector<16xi32>], vector<16xf32>, vector<16xi1>
      %get3A_1139 = arith.constant 320 : index
      %get3A_1140 = tpu.vector_load %arg4[%get3A_1139] {strides = array<i32>} : memref<896xi32, #tpu.memory_space<vmem>>, vector<16xi32>,
      %sub3A_1141 = arith.constant 0 : i32
      %sub3A_1142 = vector.broadcast %sub3A_1141 : i32 to vector<16xi32>
      %sub3A_1143 = arith.subi %get3A_1140, %sub3A_1142 : vector<16xi32>
      %ge3A_1144 = arith.constant 0 : i32
      %ge3A_1145 = vector.broadcast %ge3A_1144 : i32 to vector<16xi32>
      %ge3A_1146 = arith.cmpi sge, %get3A_1140, %ge3A_1145 : vector<16xi32>
      %lt3A_1147 = arith.constant 504 : i32
      %lt3A_1148 = vector.broadcast %lt3A_1147 : i32 to vector<16xi32>
      %lt3A_1149 = arith.cmpi slt, %get3A_1140, %lt3A_1148 : vector<16xi32>
      %and3A_1150 = arith.andi %ge3A_1146, %lt3A_1149 : vector<16xi1>
      %add3A_1151 = arith.constant 64 : i32
      %add3A_1152 = vector.broadcast %add3A_1151 : i32 to vector<16xi32>
      %add3A_1153 = arith.addi %add3A_1152, %iota3A : vector<16xi32>
      tpu.vector_store_idx %arg5[%sub3A_1143, %add3A_1153], %broadcast_in_dim3A_221 masked %and3A_1150 : memref<504x128xf32, #tpu.memory_space<vmem>>[vector<16xi32>, vector<16xi32>], vector<16xf32>, vector<16xi1>
      %get3A_1154 = arith.constant 336 : index
      %get3A_1155 = tpu.vector_load %arg4[%get3A_1154] {strides = array<i32>} : memref<896xi32, #tpu.memory_space<vmem>>, vector<16xi32>,
      %sub3A_1156 = arith.constant 0 : i32
      %sub3A_1157 = vector.broadcast %sub3A_1156 : i32 to vector<16xi32>
      %sub3A_1158 = arith.subi %get3A_1155, %sub3A_1157 : vector<16xi32>
      %ge3A_1159 = arith.constant 0 : i32
      %ge3A_1160 = vector.broadcast %ge3A_1159 : i32 to vector<16xi32>
      %ge3A_1161 = arith.cmpi sge, %get3A_1155, %ge3A_1160 : vector<16xi32>
      %lt3A_1162 = arith.constant 504 : i32
      %lt3A_1163 = vector.broadcast %lt3A_1162 : i32 to vector<16xi32>
      %lt3A_1164 = arith.cmpi slt, %get3A_1155, %lt3A_1163 : vector<16xi32>
      %and3A_1165 = arith.andi %ge3A_1161, %lt3A_1164 : vector<16xi1>
      %add3A_1166 = arith.constant 80 : i32
      %add3A_1167 = vector.broadcast %add3A_1166 : i32 to vector<16xi32>
      %add3A_1168 = arith.addi %add3A_1167, %iota3A : vector<16xi32>
      tpu.vector_store_idx %arg5[%sub3A_1158, %add3A_1168], %broadcast_in_dim3A_221 masked %and3A_1165 : memref<504x128xf32, #tpu.memory_space<vmem>>[vector<16xi32>, vector<16xi32>], vector<16xf32>, vector<16xi1>
      %get3A_1169 = arith.constant 352 : index
      %get3A_1170 = tpu.vector_load %arg4[%get3A_1169] {strides = array<i32>} : memref<896xi32, #tpu.memory_space<vmem>>, vector<16xi32>,
      %sub3A_1171 = arith.constant 0 : i32
      %sub3A_1172 = vector.broadcast %sub3A_1171 : i32 to vector<16xi32>
      %sub3A_1173 = arith.subi %get3A_1170, %sub3A_1172 : vector<16xi32>
      %ge3A_1174 = arith.constant 0 : i32
      %ge3A_1175 = vector.broadcast %ge3A_1174 : i32 to vector<16xi32>
      %ge3A_1176 = arith.cmpi sge, %get3A_1170, %ge3A_1175 : vector<16xi32>
      %lt3A_1177 = arith.constant 504 : i32
      %lt3A_1178 = vector.broadcast %lt3A_1177 : i32 to vector<16xi32>
      %lt3A_1179 = arith.cmpi slt, %get3A_1170, %lt3A_1178 : vector<16xi32>
      %and3A_1180 = arith.andi %ge3A_1176, %lt3A_1179 : vector<16xi1>
      %add3A_1181 = arith.constant 96 : i32
      %add3A_1182 = vector.broadcast %add3A_1181 : i32 to vector<16xi32>
      %add3A_1183 = arith.addi %add3A_1182, %iota3A : vector<16xi32>
      tpu.vector_store_idx %arg5[%sub3A_1173, %add3A_1183], %broadcast_in_dim3A_221 masked %and3A_1180 : memref<504x128xf32, #tpu.memory_space<vmem>>[vector<16xi32>, vector<16xi32>], vector<16xf32>, vector<16xi1>
      %get3A_1184 = arith.constant 368 : index
      %get3A_1185 = tpu.vector_load %arg4[%get3A_1184] {strides = array<i32>} : memref<896xi32, #tpu.memory_space<vmem>>, vector<16xi32>,
      %sub3A_1186 = arith.constant 0 : i32
      %sub3A_1187 = vector.broadcast %sub3A_1186 : i32 to vector<16xi32>
      %sub3A_1188 = arith.subi %get3A_1185, %sub3A_1187 : vector<16xi32>
      %ge3A_1189 = arith.constant 0 : i32
      %ge3A_1190 = vector.broadcast %ge3A_1189 : i32 to vector<16xi32>
      %ge3A_1191 = arith.cmpi sge, %get3A_1185, %ge3A_1190 : vector<16xi32>
      %lt3A_1192 = arith.constant 504 : i32
      %lt3A_1193 = vector.broadcast %lt3A_1192 : i32 to vector<16xi32>
      %lt3A_1194 = arith.cmpi slt, %get3A_1185, %lt3A_1193 : vector<16xi32>
      %and3A_1195 = arith.andi %ge3A_1191, %lt3A_1194 : vector<16xi1>
      %add3A_1196 = arith.constant 112 : i32
      %add3A_1197 = vector.broadcast %add3A_1196 : i32 to vector<16xi32>
      %add3A_1198 = arith.addi %add3A_1197, %iota3A : vector<16xi32>
      tpu.vector_store_idx %arg5[%sub3A_1188, %add3A_1198], %broadcast_in_dim3A_221 masked %and3A_1195 : memref<504x128xf32, #tpu.memory_space<vmem>>[vector<16xi32>, vector<16xi32>], vector<16xf32>, vector<16xi1>
      %get3A_1199 = arith.constant 384 : index
      %get3A_1200 = tpu.vector_load %arg4[%get3A_1199] {strides = array<i32>} : memref<896xi32, #tpu.memory_space<vmem>>, vector<16xi32>,
      %sub3A_1201 = arith.constant 0 : i32
      %sub3A_1202 = vector.broadcast %sub3A_1201 : i32 to vector<16xi32>
      %sub3A_1203 = arith.subi %get3A_1200, %sub3A_1202 : vector<16xi32>
      %ge3A_1204 = arith.constant 0 : i32
      %ge3A_1205 = vector.broadcast %ge3A_1204 : i32 to vector<16xi32>
      %ge3A_1206 = arith.cmpi sge, %get3A_1200, %ge3A_1205 : vector<16xi32>
      %lt3A_1207 = arith.constant 504 : i32
      %lt3A_1208 = vector.broadcast %lt3A_1207 : i32 to vector<16xi32>
      %lt3A_1209 = arith.cmpi slt, %get3A_1200, %lt3A_1208 : vector<16xi32>
      %and3A_1210 = arith.andi %ge3A_1206, %lt3A_1209 : vector<16xi1>
      %add3A_1211 = arith.constant 0 : i32
      %add3A_1212 = vector.broadcast %add3A_1211 : i32 to vector<16xi32>
      %add3A_1213 = arith.addi %add3A_1212, %iota3A : vector<16xi32>
      tpu.vector_store_idx %arg5[%sub3A_1203, %add3A_1213], %broadcast_in_dim3A_223 masked %and3A_1210 : memref<504x128xf32, #tpu.memory_space<vmem>>[vector<16xi32>, vector<16xi32>], vector<16xf32>, vector<16xi1>
      %get3A_1214 = arith.constant 400 : index
      %get3A_1215 = tpu.vector_load %arg4[%get3A_1214] {strides = array<i32>} : memref<896xi32, #tpu.memory_space<vmem>>, vector<16xi32>,
      %sub3A_1216 = arith.constant 0 : i32
      %sub3A_1217 = vector.broadcast %sub3A_1216 : i32 to vector<16xi32>
      %sub3A_1218 = arith.subi %get3A_1215, %sub3A_1217 : vector<16xi32>
      %ge3A_1219 = arith.constant 0 : i32
      %ge3A_1220 = vector.broadcast %ge3A_1219 : i32 to vector<16xi32>
      %ge3A_1221 = arith.cmpi sge, %get3A_1215, %ge3A_1220 : vector<16xi32>
      %lt3A_1222 = arith.constant 504 : i32
      %lt3A_1223 = vector.broadcast %lt3A_1222 : i32 to vector<16xi32>
      %lt3A_1224 = arith.cmpi slt, %get3A_1215, %lt3A_1223 : vector<16xi32>
      %and3A_1225 = arith.andi %ge3A_1221, %lt3A_1224 : vector<16xi1>
      %add3A_1226 = arith.constant 16 : i32
      %add3A_1227 = vector.broadcast %add3A_1226 : i32 to vector<16xi32>
      %add3A_1228 = arith.addi %add3A_1227, %iota3A : vector<16xi32>
      tpu.vector_store_idx %arg5[%sub3A_1218, %add3A_1228], %broadcast_in_dim3A_223 masked %and3A_1225 : memref<504x128xf32, #tpu.memory_space<vmem>>[vector<16xi32>, vector<16xi32>], vector<16xf32>, vector<16xi1>
      %get3A_1229 = arith.constant 416 : index
      %get3A_1230 = tpu.vector_load %arg4[%get3A_1229] {strides = array<i32>} : memref<896xi32, #tpu.memory_space<vmem>>, vector<16xi32>,
      %sub3A_1231 = arith.constant 0 : i32
      %sub3A_1232 = vector.broadcast %sub3A_1231 : i32 to vector<16xi32>
      %sub3A_1233 = arith.subi %get3A_1230, %sub3A_1232 : vector<16xi32>
      %ge3A_1234 = arith.constant 0 : i32
      %ge3A_1235 = vector.broadcast %ge3A_1234 : i32 to vector<16xi32>
      %ge3A_1236 = arith.cmpi sge, %get3A_1230, %ge3A_1235 : vector<16xi32>
      %lt3A_1237 = arith.constant 504 : i32
      %lt3A_1238 = vector.broadcast %lt3A_1237 : i32 to vector<16xi32>
      %lt3A_1239 = arith.cmpi slt, %get3A_1230, %lt3A_1238 : vector<16xi32>
      %and3A_1240 = arith.andi %ge3A_1236, %lt3A_1239 : vector<16xi1>
      %add3A_1241 = arith.constant 32 : i32
      %add3A_1242 = vector.broadcast %add3A_1241 : i32 to vector<16xi32>
      %add3A_1243 = arith.addi %add3A_1242, %iota3A : vector<16xi32>
      tpu.vector_store_idx %arg5[%sub3A_1233, %add3A_1243], %broadcast_in_dim3A_223 masked %and3A_1240 : memref<504x128xf32, #tpu.memory_space<vmem>>[vector<16xi32>, vector<16xi32>], vector<16xf32>, vector<16xi1>
      %get3A_1244 = arith.constant 432 : index
      %get3A_1245 = tpu.vector_load %arg4[%get3A_1244] {strides = array<i32>} : memref<896xi32, #tpu.memory_space<vmem>>, vector<16xi32>,
      %sub3A_1246 = arith.constant 0 : i32
      %sub3A_1247 = vector.broadcast %sub3A_1246 : i32 to vector<16xi32>
      %sub3A_1248 = arith.subi %get3A_1245, %sub3A_1247 : vector<16xi32>
      %ge3A_1249 = arith.constant 0 : i32
      %ge3A_1250 = vector.broadcast %ge3A_1249 : i32 to vector<16xi32>
      %ge3A_1251 = arith.cmpi sge, %get3A_1245, %ge3A_1250 : vector<16xi32>
      %lt3A_1252 = arith.constant 504 : i32
      %lt3A_1253 = vector.broadcast %lt3A_1252 : i32 to vector<16xi32>
      %lt3A_1254 = arith.cmpi slt, %get3A_1245, %lt3A_1253 : vector<16xi32>
      %and3A_1255 = arith.andi %ge3A_1251, %lt3A_1254 : vector<16xi1>
      %add3A_1256 = arith.constant 48 : i32
      %add3A_1257 = vector.broadcast %add3A_1256 : i32 to vector<16xi32>
      %add3A_1258 = arith.addi %add3A_1257, %iota3A : vector<16xi32>
      tpu.vector_store_idx %arg5[%sub3A_1248, %add3A_1258], %broadcast_in_dim3A_223 masked %and3A_1255 : memref<504x128xf32, #tpu.memory_space<vmem>>[vector<16xi32>, vector<16xi32>], vector<16xf32>, vector<16xi1>
      %get3A_1259 = arith.constant 448 : index
      %get3A_1260 = tpu.vector_load %arg4[%get3A_1259] {strides = array<i32>} : memref<896xi32, #tpu.memory_space<vmem>>, vector<16xi32>,
      %sub3A_1261 = arith.constant 0 : i32
      %sub3A_1262 = vector.broadcast %sub3A_1261 : i32 to vector<16xi32>
      %sub3A_1263 = arith.subi %get3A_1260, %sub3A_1262 : vector<16xi32>
      %ge3A_1264 = arith.constant 0 : i32
      %ge3A_1265 = vector.broadcast %ge3A_1264 : i32 to vector<16xi32>
      %ge3A_1266 = arith.cmpi sge, %get3A_1260, %ge3A_1265 : vector<16xi32>
      %lt3A_1267 = arith.constant 504 : i32
      %lt3A_1268 = vector.broadcast %lt3A_1267 : i32 to vector<16xi32>
      %lt3A_1269 = arith.cmpi slt, %get3A_1260, %lt3A_1268 : vector<16xi32>
      %and3A_1270 = arith.andi %ge3A_1266, %lt3A_1269 : vector<16xi1>
      %add3A_1271 = arith.constant 64 : i32
      %add3A_1272 = vector.broadcast %add3A_1271 : i32 to vector<16xi32>
      %add3A_1273 = arith.addi %add3A_1272, %iota3A : vector<16xi32>
      tpu.vector_store_idx %arg5[%sub3A_1263, %add3A_1273], %broadcast_in_dim3A_223 masked %and3A_1270 : memref<504x128xf32, #tpu.memory_space<vmem>>[vector<16xi32>, vector<16xi32>], vector<16xf32>, vector<16xi1>
      %get3A_1274 = arith.constant 464 : index
      %get3A_1275 = tpu.vector_load %arg4[%get3A_1274] {strides = array<i32>} : memref<896xi32, #tpu.memory_space<vmem>>, vector<16xi32>,
      %sub3A_1276 = arith.constant 0 : i32
      %sub3A_1277 = vector.broadcast %sub3A_1276 : i32 to vector<16xi32>
      %sub3A_1278 = arith.subi %get3A_1275, %sub3A_1277 : vector<16xi32>
      %ge3A_1279 = arith.constant 0 : i32
      %ge3A_1280 = vector.broadcast %ge3A_1279 : i32 to vector<16xi32>
      %ge3A_1281 = arith.cmpi sge, %get3A_1275, %ge3A_1280 : vector<16xi32>
      %lt3A_1282 = arith.constant 504 : i32
      %lt3A_1283 = vector.broadcast %lt3A_1282 : i32 to vector<16xi32>
      %lt3A_1284 = arith.cmpi slt, %get3A_1275, %lt3A_1283 : vector<16xi32>
      %and3A_1285 = arith.andi %ge3A_1281, %lt3A_1284 : vector<16xi1>
      %add3A_1286 = arith.constant 80 : i32
      %add3A_1287 = vector.broadcast %add3A_1286 : i32 to vector<16xi32>
      %add3A_1288 = arith.addi %add3A_1287, %iota3A : vector<16xi32>
      tpu.vector_store_idx %arg5[%sub3A_1278, %add3A_1288], %broadcast_in_dim3A_223 masked %and3A_1285 : memref<504x128xf32, #tpu.memory_space<vmem>>[vector<16xi32>, vector<16xi32>], vector<16xf32>, vector<16xi1>
      %get3A_1289 = arith.constant 480 : index
      %get3A_1290 = tpu.vector_load %arg4[%get3A_1289] {strides = array<i32>} : memref<896xi32, #tpu.memory_space<vmem>>, vector<16xi32>,
      %sub3A_1291 = arith.constant 0 : i32
      %sub3A_1292 = vector.broadcast %sub3A_1291 : i32 to vector<16xi32>
      %sub3A_1293 = arith.subi %get3A_1290, %sub3A_1292 : vector<16xi32>
      %ge3A_1294 = arith.constant 0 : i32
      %ge3A_1295 = vector.broadcast %ge3A_1294 : i32 to vector<16xi32>
      %ge3A_1296 = arith.cmpi sge, %get3A_1290, %ge3A_1295 : vector<16xi32>
      %lt3A_1297 = arith.constant 504 : i32
      %lt3A_1298 = vector.broadcast %lt3A_1297 : i32 to vector<16xi32>
      %lt3A_1299 = arith.cmpi slt, %get3A_1290, %lt3A_1298 : vector<16xi32>
      %and3A_1300 = arith.andi %ge3A_1296, %lt3A_1299 : vector<16xi1>
      %add3A_1301 = arith.constant 96 : i32
      %add3A_1302 = vector.broadcast %add3A_1301 : i32 to vector<16xi32>
      %add3A_1303 = arith.addi %add3A_1302, %iota3A : vector<16xi32>
      tpu.vector_store_idx %arg5[%sub3A_1293, %add3A_1303], %broadcast_in_dim3A_223 masked %and3A_1300 : memref<504x128xf32, #tpu.memory_space<vmem>>[vector<16xi32>, vector<16xi32>], vector<16xf32>, vector<16xi1>
      %get3A_1304 = arith.constant 496 : index
      %get3A_1305 = tpu.vector_load %arg4[%get3A_1304] {strides = array<i32>} : memref<896xi32, #tpu.memory_space<vmem>>, vector<16xi32>,
      %sub3A_1306 = arith.constant 0 : i32
      %sub3A_1307 = vector.broadcast %sub3A_1306 : i32 to vector<16xi32>
      %sub3A_1308 = arith.subi %get3A_1305, %sub3A_1307 : vector<16xi32>
      %ge3A_1309 = arith.constant 0 : i32
      %ge3A_1310 = vector.broadcast %ge3A_1309 : i32 to vector<16xi32>
      %ge3A_1311 = arith.cmpi sge, %get3A_1305, %ge3A_1310 : vector<16xi32>
      %lt3A_1312 = arith.constant 504 : i32
      %lt3A_1313 = vector.broadcast %lt3A_1312 : i32 to vector<16xi32>
      %lt3A_1314 = arith.cmpi slt, %get3A_1305, %lt3A_1313 : vector<16xi32>
      %and3A_1315 = arith.andi %ge3A_1311, %lt3A_1314 : vector<16xi1>
      %add3A_1316 = arith.constant 112 : i32
      %add3A_1317 = vector.broadcast %add3A_1316 : i32 to vector<16xi32>
      %add3A_1318 = arith.addi %add3A_1317, %iota3A : vector<16xi32>
      tpu.vector_store_idx %arg5[%sub3A_1308, %add3A_1318], %broadcast_in_dim3A_223 masked %and3A_1315 : memref<504x128xf32, #tpu.memory_space<vmem>>[vector<16xi32>, vector<16xi32>], vector<16xf32>, vector<16xi1>
      %mul3A_1319 = arith.constant 128 : i32
      %mul3A_1320 = arith.muli %rem3A_840, %mul3A_1319 : i32
      %dma_start3A_1321 = arith.constant 0 : i32
      %dma_start3A_1322 = tpu.memref_slice %arg3[%select_n3A_838, %dma_start3A_1321, %mul3A_1320] : memref<26x1000x1024xf32, #tpu.memory_space<hbm>> -> memref<1x504x128xf32, #tpu.memory_space<hbm>>
      %dma_start3A_1323 = tpu.memref_squeeze %dma_start3A_1322 : memref<1x504x128xf32, #tpu.memory_space<hbm>> -> memref<504x128xf32, #tpu.memory_space<hbm>>
      %dma_start3A_1324 = arith.constant 0 : i32
      %dma_start3A_1325 = tpu.memref_slice %arg3[%select_n3A_838, %dma_start3A_1324, %mul3A_1320] : memref<26x1000x1024xf32, #tpu.memory_space<hbm>> -> memref<1x504x128xf32, #tpu.memory_space<hbm>>
      %dma_start3A_1326 = tpu.memref_squeeze %dma_start3A_1325 : memref<1x504x128xf32, #tpu.memory_space<hbm>> -> memref<504x128xf32, #tpu.memory_space<hbm>>
      tpu.enqueue_dma source(%arg5 : memref<504x128xf32, #tpu.memory_space<vmem>>) target(%dma_start3A_1326 : memref<504x128xf32, #tpu.memory_space<hbm>>) target_semaphore(%arg8 : memref<!tpu.dma_semaphore, #tpu.memory_space<semaphore_mem>>)
      %add3A_1327 = arith.constant 64 : i32
      %add3A_1328 = arith.addi %add3A, %add3A_1327 : i32
      %jit3A_1329 = arith.constant 8 : i32
      %div3A_1330 = arith.divsi %add3A_1328, %jit3A_1329 : i32
      %sign3A_1331 = arith.constant 0 : i32
      %sign3A_1332 = arith.cmpi sgt, %add3A_1328, %sign3A_1331 : i32
      %sign3A_1333 = arith.extui %sign3A_1332 : i1 to i32
      %sign3A_1334 = arith.constant 0 : i32
      %sign3A_1335 = arith.cmpi slt, %add3A_1328, %sign3A_1334 : i32
      %sign3A_1336 = arith.extui %sign3A_1335 : i1 to i32
      %sign3A_1337 = arith.subi %sign3A_1333, %sign3A_1336 : i32
      %sign3A_1338 = arith.constant 0 : i32
      %sign3A_1339 = arith.cmpi sgt, %jit3A_1329, %sign3A_1338 : i32
      %sign3A_1340 = arith.extui %sign3A_1339 : i1 to i32
      %sign3A_1341 = arith.constant 0 : i32
      %sign3A_1342 = arith.cmpi slt, %jit3A_1329, %sign3A_1341 : i32
      %sign3A_1343 = arith.extui %sign3A_1342 : i1 to i32
      %sign3A_1344 = arith.subi %sign3A_1340, %sign3A_1343 : i32
      %ne3A_1345 = arith.cmpi ne, %sign3A_1337, %sign3A_1344 : i32
      %rem3A_1346 = arith.remsi %add3A_1328, %jit3A_1329 : i32
      %ne3A_1347 = arith.constant 0 : i32
      %ne3A_1348 = arith.cmpi ne, %rem3A_1346, %ne3A_1347 : i32
      %and3A_1349 = arith.andi %ne3A_1345, %ne3A_1348 : i1
      %sub3A_1350 = arith.constant 1 : i32
      %sub3A_1351 = arith.subi %div3A_1330, %sub3A_1350 : i32
      %select_n3A_1352 = arith.select %and3A_1349, %sub3A_1351, %div3A_1330 : i32
      %rem3A_1353 = arith.constant 8 : i32
      %rem3A_1354 = arith.remsi %add3A_1328, %rem3A_1353 : i32
      %mul3A_1355 = arith.constant 128 : i32
      %mul3A_1356 = arith.muli %rem3A_1354, %mul3A_1355 : i32
      %dma_wait3A_1357 = arith.constant 504 : i32
      %dma_wait3A_1358 = tpu.memref_slice %arg3[%select_n3A_1352, %dma_wait3A_1357, %mul3A_1356] : memref<26x1000x1024xf32, #tpu.memory_space<hbm>> -> memref<1x496x128xf32, #tpu.memory_space<hbm>>
      %dma_wait3A_1359 = tpu.memref_squeeze %dma_wait3A_1358 : memref<1x496x128xf32, #tpu.memory_space<hbm>> -> memref<496x128xf32, #tpu.memory_space<hbm>>
      %dma_wait3A_1360 = arith.constant 504 : i32
      %dma_wait3A_1361 = tpu.memref_slice %arg3[%select_n3A_1352, %dma_wait3A_1360, %mul3A_1356] : memref<26x1000x1024xf32, #tpu.memory_space<hbm>> -> memref<1x496x128xf32, #tpu.memory_space<hbm>>
      %dma_wait3A_1362 = tpu.memref_squeeze %dma_wait3A_1361 : memref<1x496x128xf32, #tpu.memory_space<hbm>> -> memref<496x128xf32, #tpu.memory_space<hbm>>
      tpu.wait_dma2 semaphore(%arg9 : memref<!tpu.dma_semaphore, #tpu.memory_space<semaphore_mem>>) src(%arg6 : memref<496x128xf32, #tpu.memory_space<vmem>>) dst(%dma_wait3A_1362 : memref<496x128xf32, #tpu.memory_space<hbm>>)
      %get3A_1363 = arith.constant 256 : index
      %get3A_1364 = tpu.vector_load %arg4[%get3A_1363] {strides = array<i32>} : memref<896xi32, #tpu.memory_space<vmem>>, vector<16xi32>,
      %sub3A_1365 = arith.constant 504 : i32
      %sub3A_1366 = vector.broadcast %sub3A_1365 : i32 to vector<16xi32>
      %sub3A_1367 = arith.subi %get3A_1364, %sub3A_1366 : vector<16xi32>
      %ge3A_1368 = arith.constant 504 : i32
      %ge3A_1369 = vector.broadcast %ge3A_1368 : i32 to vector<16xi32>
      %ge3A_1370 = arith.cmpi sge, %get3A_1364, %ge3A_1369 : vector<16xi32>
      %lt3A_1371 = arith.constant 1000 : i32
      %lt3A_1372 = vector.broadcast %lt3A_1371 : i32 to vector<16xi32>
      %lt3A_1373 = arith.cmpi slt, %get3A_1364, %lt3A_1372 : vector<16xi32>
      %and3A_1374 = arith.andi %ge3A_1370, %lt3A_1373 : vector<16xi1>
      %add3A_1375 = arith.constant 0 : i32
      %add3A_1376 = vector.broadcast %add3A_1375 : i32 to vector<16xi32>
      %add3A_1377 = arith.addi %add3A_1376, %iota3A : vector<16xi32>
      tpu.vector_store_idx %arg6[%sub3A_1367, %add3A_1377], %broadcast_in_dim3A_221 masked %and3A_1374 : memref<496x128xf32, #tpu.memory_space<vmem>>[vector<16xi32>, vector<16xi32>], vector<16xf32>, vector<16xi1>
      %get3A_1378 = arith.constant 272 : index
      %get3A_1379 = tpu.vector_load %arg4[%get3A_1378] {strides = array<i32>} : memref<896xi32, #tpu.memory_space<vmem>>, vector<16xi32>,
      %sub3A_1380 = arith.constant 504 : i32
      %sub3A_1381 = vector.broadcast %sub3A_1380 : i32 to vector<16xi32>
      %sub3A_1382 = arith.subi %get3A_1379, %sub3A_1381 : vector<16xi32>
      %ge3A_1383 = arith.constant 504 : i32
      %ge3A_1384 = vector.broadcast %ge3A_1383 : i32 to vector<16xi32>
      %ge3A_1385 = arith.cmpi sge, %get3A_1379, %ge3A_1384 : vector<16xi32>
      %lt3A_1386 = arith.constant 1000 : i32
      %lt3A_1387 = vector.broadcast %lt3A_1386 : i32 to vector<16xi32>
      %lt3A_1388 = arith.cmpi slt, %get3A_1379, %lt3A_1387 : vector<16xi32>
      %and3A_1389 = arith.andi %ge3A_1385, %lt3A_1388 : vector<16xi1>
      %add3A_1390 = arith.constant 16 : i32
      %add3A_1391 = vector.broadcast %add3A_1390 : i32 to vector<16xi32>
      %add3A_1392 = arith.addi %add3A_1391, %iota3A : vector<16xi32>
      tpu.vector_store_idx %arg6[%sub3A_1382, %add3A_1392], %broadcast_in_dim3A_221 masked %and3A_1389 : memref<496x128xf32, #tpu.memory_space<vmem>>[vector<16xi32>, vector<16xi32>], vector<16xf32>, vector<16xi1>
      %get3A_1393 = arith.constant 288 : index
      %get3A_1394 = tpu.vector_load %arg4[%get3A_1393] {strides = array<i32>} : memref<896xi32, #tpu.memory_space<vmem>>, vector<16xi32>,
      %sub3A_1395 = arith.constant 504 : i32
      %sub3A_1396 = vector.broadcast %sub3A_1395 : i32 to vector<16xi32>
      %sub3A_1397 = arith.subi %get3A_1394, %sub3A_1396 : vector<16xi32>
      %ge3A_1398 = arith.constant 504 : i32
      %ge3A_1399 = vector.broadcast %ge3A_1398 : i32 to vector<16xi32>
      %ge3A_1400 = arith.cmpi sge, %get3A_1394, %ge3A_1399 : vector<16xi32>
      %lt3A_1401 = arith.constant 1000 : i32
      %lt3A_1402 = vector.broadcast %lt3A_1401 : i32 to vector<16xi32>
      %lt3A_1403 = arith.cmpi slt, %get3A_1394, %lt3A_1402 : vector<16xi32>
      %and3A_1404 = arith.andi %ge3A_1400, %lt3A_1403 : vector<16xi1>
      %add3A_1405 = arith.constant 32 : i32
      %add3A_1406 = vector.broadcast %add3A_1405 : i32 to vector<16xi32>
      %add3A_1407 = arith.addi %add3A_1406, %iota3A : vector<16xi32>
      tpu.vector_store_idx %arg6[%sub3A_1397, %add3A_1407], %broadcast_in_dim3A_221 masked %and3A_1404 : memref<496x128xf32, #tpu.memory_space<vmem>>[vector<16xi32>, vector<16xi32>], vector<16xf32>, vector<16xi1>
      %get3A_1408 = arith.constant 304 : index
      %get3A_1409 = tpu.vector_load %arg4[%get3A_1408] {strides = array<i32>} : memref<896xi32, #tpu.memory_space<vmem>>, vector<16xi32>,
      %sub3A_1410 = arith.constant 504 : i32
      %sub3A_1411 = vector.broadcast %sub3A_1410 : i32 to vector<16xi32>
      %sub3A_1412 = arith.subi %get3A_1409, %sub3A_1411 : vector<16xi32>
      %ge3A_1413 = arith.constant 504 : i32
      %ge3A_1414 = vector.broadcast %ge3A_1413 : i32 to vector<16xi32>
      %ge3A_1415 = arith.cmpi sge, %get3A_1409, %ge3A_1414 : vector<16xi32>
      %lt3A_1416 = arith.constant 1000 : i32
      %lt3A_1417 = vector.broadcast %lt3A_1416 : i32 to vector<16xi32>
      %lt3A_1418 = arith.cmpi slt, %get3A_1409, %lt3A_1417 : vector<16xi32>
      %and3A_1419 = arith.andi %ge3A_1415, %lt3A_1418 : vector<16xi1>
      %add3A_1420 = arith.constant 48 : i32
      %add3A_1421 = vector.broadcast %add3A_1420 : i32 to vector<16xi32>
      %add3A_1422 = arith.addi %add3A_1421, %iota3A : vector<16xi32>
      tpu.vector_store_idx %arg6[%sub3A_1412, %add3A_1422], %broadcast_in_dim3A_221 masked %and3A_1419 : memref<496x128xf32, #tpu.memory_space<vmem>>[vector<16xi32>, vector<16xi32>], vector<16xf32>, vector<16xi1>
      %get3A_1423 = arith.constant 320 : index
      %get3A_1424 = tpu.vector_load %arg4[%get3A_1423] {strides = array<i32>} : memref<896xi32, #tpu.memory_space<vmem>>, vector<16xi32>,
      %sub3A_1425 = arith.constant 504 : i32
      %sub3A_1426 = vector.broadcast %sub3A_1425 : i32 to vector<16xi32>
      %sub3A_1427 = arith.subi %get3A_1424, %sub3A_1426 : vector<16xi32>
      %ge3A_1428 = arith.constant 504 : i32
      %ge3A_1429 = vector.broadcast %ge3A_1428 : i32 to vector<16xi32>
      %ge3A_1430 = arith.cmpi sge, %get3A_1424, %ge3A_1429 : vector<16xi32>
      %lt3A_1431 = arith.constant 1000 : i32
      %lt3A_1432 = vector.broadcast %lt3A_1431 : i32 to vector<16xi32>
      %lt3A_1433 = arith.cmpi slt, %get3A_1424, %lt3A_1432 : vector<16xi32>
      %and3A_1434 = arith.andi %ge3A_1430, %lt3A_1433 : vector<16xi1>
      %add3A_1435 = arith.constant 64 : i32
      %add3A_1436 = vector.broadcast %add3A_1435 : i32 to vector<16xi32>
      %add3A_1437 = arith.addi %add3A_1436, %iota3A : vector<16xi32>
      tpu.vector_store_idx %arg6[%sub3A_1427, %add3A_1437], %broadcast_in_dim3A_221 masked %and3A_1434 : memref<496x128xf32, #tpu.memory_space<vmem>>[vector<16xi32>, vector<16xi32>], vector<16xf32>, vector<16xi1>
      %get3A_1438 = arith.constant 336 : index
      %get3A_1439 = tpu.vector_load %arg4[%get3A_1438] {strides = array<i32>} : memref<896xi32, #tpu.memory_space<vmem>>, vector<16xi32>,
      %sub3A_1440 = arith.constant 504 : i32
      %sub3A_1441 = vector.broadcast %sub3A_1440 : i32 to vector<16xi32>
      %sub3A_1442 = arith.subi %get3A_1439, %sub3A_1441 : vector<16xi32>
      %ge3A_1443 = arith.constant 504 : i32
      %ge3A_1444 = vector.broadcast %ge3A_1443 : i32 to vector<16xi32>
      %ge3A_1445 = arith.cmpi sge, %get3A_1439, %ge3A_1444 : vector<16xi32>
      %lt3A_1446 = arith.constant 1000 : i32
      %lt3A_1447 = vector.broadcast %lt3A_1446 : i32 to vector<16xi32>
      %lt3A_1448 = arith.cmpi slt, %get3A_1439, %lt3A_1447 : vector<16xi32>
      %and3A_1449 = arith.andi %ge3A_1445, %lt3A_1448 : vector<16xi1>
      %add3A_1450 = arith.constant 80 : i32
      %add3A_1451 = vector.broadcast %add3A_1450 : i32 to vector<16xi32>
      %add3A_1452 = arith.addi %add3A_1451, %iota3A : vector<16xi32>
      tpu.vector_store_idx %arg6[%sub3A_1442, %add3A_1452], %broadcast_in_dim3A_221 masked %and3A_1449 : memref<496x128xf32, #tpu.memory_space<vmem>>[vector<16xi32>, vector<16xi32>], vector<16xf32>, vector<16xi1>
      %get3A_1453 = arith.constant 352 : index
      %get3A_1454 = tpu.vector_load %arg4[%get3A_1453] {strides = array<i32>} : memref<896xi32, #tpu.memory_space<vmem>>, vector<16xi32>,
      %sub3A_1455 = arith.constant 504 : i32
      %sub3A_1456 = vector.broadcast %sub3A_1455 : i32 to vector<16xi32>
      %sub3A_1457 = arith.subi %get3A_1454, %sub3A_1456 : vector<16xi32>
      %ge3A_1458 = arith.constant 504 : i32
      %ge3A_1459 = vector.broadcast %ge3A_1458 : i32 to vector<16xi32>
      %ge3A_1460 = arith.cmpi sge, %get3A_1454, %ge3A_1459 : vector<16xi32>
      %lt3A_1461 = arith.constant 1000 : i32
      %lt3A_1462 = vector.broadcast %lt3A_1461 : i32 to vector<16xi32>
      %lt3A_1463 = arith.cmpi slt, %get3A_1454, %lt3A_1462 : vector<16xi32>
      %and3A_1464 = arith.andi %ge3A_1460, %lt3A_1463 : vector<16xi1>
      %add3A_1465 = arith.constant 96 : i32
      %add3A_1466 = vector.broadcast %add3A_1465 : i32 to vector<16xi32>
      %add3A_1467 = arith.addi %add3A_1466, %iota3A : vector<16xi32>
      tpu.vector_store_idx %arg6[%sub3A_1457, %add3A_1467], %broadcast_in_dim3A_221 masked %and3A_1464 : memref<496x128xf32, #tpu.memory_space<vmem>>[vector<16xi32>, vector<16xi32>], vector<16xf32>, vector<16xi1>
      %get3A_1468 = arith.constant 368 : index
      %get3A_1469 = tpu.vector_load %arg4[%get3A_1468] {strides = array<i32>} : memref<896xi32, #tpu.memory_space<vmem>>, vector<16xi32>,
      %sub3A_1470 = arith.constant 504 : i32
      %sub3A_1471 = vector.broadcast %sub3A_1470 : i32 to vector<16xi32>
      %sub3A_1472 = arith.subi %get3A_1469, %sub3A_1471 : vector<16xi32>
      %ge3A_1473 = arith.constant 504 : i32
      %ge3A_1474 = vector.broadcast %ge3A_1473 : i32 to vector<16xi32>
      %ge3A_1475 = arith.cmpi sge, %get3A_1469, %ge3A_1474 : vector<16xi32>
      %lt3A_1476 = arith.constant 1000 : i32
      %lt3A_1477 = vector.broadcast %lt3A_1476 : i32 to vector<16xi32>
      %lt3A_1478 = arith.cmpi slt, %get3A_1469, %lt3A_1477 : vector<16xi32>
      %and3A_1479 = arith.andi %ge3A_1475, %lt3A_1478 : vector<16xi1>
      %add3A_1480 = arith.constant 112 : i32
      %add3A_1481 = vector.broadcast %add3A_1480 : i32 to vector<16xi32>
      %add3A_1482 = arith.addi %add3A_1481, %iota3A : vector<16xi32>
      tpu.vector_store_idx %arg6[%sub3A_1472, %add3A_1482], %broadcast_in_dim3A_221 masked %and3A_1479 : memref<496x128xf32, #tpu.memory_space<vmem>>[vector<16xi32>, vector<16xi32>], vector<16xf32>, vector<16xi1>
      %get3A_1483 = arith.constant 384 : index
      %get3A_1484 = tpu.vector_load %arg4[%get3A_1483] {strides = array<i32>} : memref<896xi32, #tpu.memory_space<vmem>>, vector<16xi32>,
      %sub3A_1485 = arith.constant 504 : i32
      %sub3A_1486 = vector.broadcast %sub3A_1485 : i32 to vector<16xi32>
      %sub3A_1487 = arith.subi %get3A_1484, %sub3A_1486 : vector<16xi32>
      %ge3A_1488 = arith.constant 504 : i32
      %ge3A_1489 = vector.broadcast %ge3A_1488 : i32 to vector<16xi32>
      %ge3A_1490 = arith.cmpi sge, %get3A_1484, %ge3A_1489 : vector<16xi32>
      %lt3A_1491 = arith.constant 1000 : i32
      %lt3A_1492 = vector.broadcast %lt3A_1491 : i32 to vector<16xi32>
      %lt3A_1493 = arith.cmpi slt, %get3A_1484, %lt3A_1492 : vector<16xi32>
      %and3A_1494 = arith.andi %ge3A_1490, %lt3A_1493 : vector<16xi1>
      %add3A_1495 = arith.constant 0 : i32
      %add3A_1496 = vector.broadcast %add3A_1495 : i32 to vector<16xi32>
      %add3A_1497 = arith.addi %add3A_1496, %iota3A : vector<16xi32>
      tpu.vector_store_idx %arg6[%sub3A_1487, %add3A_1497], %broadcast_in_dim3A_223 masked %and3A_1494 : memref<496x128xf32, #tpu.memory_space<vmem>>[vector<16xi32>, vector<16xi32>], vector<16xf32>, vector<16xi1>
      %get3A_1498 = arith.constant 400 : index
      %get3A_1499 = tpu.vector_load %arg4[%get3A_1498] {strides = array<i32>} : memref<896xi32, #tpu.memory_space<vmem>>, vector<16xi32>,
      %sub3A_1500 = arith.constant 504 : i32
      %sub3A_1501 = vector.broadcast %sub3A_1500 : i32 to vector<16xi32>
      %sub3A_1502 = arith.subi %get3A_1499, %sub3A_1501 : vector<16xi32>
      %ge3A_1503 = arith.constant 504 : i32
      %ge3A_1504 = vector.broadcast %ge3A_1503 : i32 to vector<16xi32>
      %ge3A_1505 = arith.cmpi sge, %get3A_1499, %ge3A_1504 : vector<16xi32>
      %lt3A_1506 = arith.constant 1000 : i32
      %lt3A_1507 = vector.broadcast %lt3A_1506 : i32 to vector<16xi32>
      %lt3A_1508 = arith.cmpi slt, %get3A_1499, %lt3A_1507 : vector<16xi32>
      %and3A_1509 = arith.andi %ge3A_1505, %lt3A_1508 : vector<16xi1>
      %add3A_1510 = arith.constant 16 : i32
      %add3A_1511 = vector.broadcast %add3A_1510 : i32 to vector<16xi32>
      %add3A_1512 = arith.addi %add3A_1511, %iota3A : vector<16xi32>
      tpu.vector_store_idx %arg6[%sub3A_1502, %add3A_1512], %broadcast_in_dim3A_223 masked %and3A_1509 : memref<496x128xf32, #tpu.memory_space<vmem>>[vector<16xi32>, vector<16xi32>], vector<16xf32>, vector<16xi1>
      %get3A_1513 = arith.constant 416 : index
      %get3A_1514 = tpu.vector_load %arg4[%get3A_1513] {strides = array<i32>} : memref<896xi32, #tpu.memory_space<vmem>>, vector<16xi32>,
      %sub3A_1515 = arith.constant 504 : i32
      %sub3A_1516 = vector.broadcast %sub3A_1515 : i32 to vector<16xi32>
      %sub3A_1517 = arith.subi %get3A_1514, %sub3A_1516 : vector<16xi32>
      %ge3A_1518 = arith.constant 504 : i32
      %ge3A_1519 = vector.broadcast %ge3A_1518 : i32 to vector<16xi32>
      %ge3A_1520 = arith.cmpi sge, %get3A_1514, %ge3A_1519 : vector<16xi32>
      %lt3A_1521 = arith.constant 1000 : i32
      %lt3A_1522 = vector.broadcast %lt3A_1521 : i32 to vector<16xi32>
      %lt3A_1523 = arith.cmpi slt, %get3A_1514, %lt3A_1522 : vector<16xi32>
      %and3A_1524 = arith.andi %ge3A_1520, %lt3A_1523 : vector<16xi1>
      %add3A_1525 = arith.constant 32 : i32
      %add3A_1526 = vector.broadcast %add3A_1525 : i32 to vector<16xi32>
      %add3A_1527 = arith.addi %add3A_1526, %iota3A : vector<16xi32>
      tpu.vector_store_idx %arg6[%sub3A_1517, %add3A_1527], %broadcast_in_dim3A_223 masked %and3A_1524 : memref<496x128xf32, #tpu.memory_space<vmem>>[vector<16xi32>, vector<16xi32>], vector<16xf32>, vector<16xi1>
      %get3A_1528 = arith.constant 432 : index
      %get3A_1529 = tpu.vector_load %arg4[%get3A_1528] {strides = array<i32>} : memref<896xi32, #tpu.memory_space<vmem>>, vector<16xi32>,
      %sub3A_1530 = arith.constant 504 : i32
      %sub3A_1531 = vector.broadcast %sub3A_1530 : i32 to vector<16xi32>
      %sub3A_1532 = arith.subi %get3A_1529, %sub3A_1531 : vector<16xi32>
      %ge3A_1533 = arith.constant 504 : i32
      %ge3A_1534 = vector.broadcast %ge3A_1533 : i32 to vector<16xi32>
      %ge3A_1535 = arith.cmpi sge, %get3A_1529, %ge3A_1534 : vector<16xi32>
      %lt3A_1536 = arith.constant 1000 : i32
      %lt3A_1537 = vector.broadcast %lt3A_1536 : i32 to vector<16xi32>
      %lt3A_1538 = arith.cmpi slt, %get3A_1529, %lt3A_1537 : vector<16xi32>
      %and3A_1539 = arith.andi %ge3A_1535, %lt3A_1538 : vector<16xi1>
      %add3A_1540 = arith.constant 48 : i32
      %add3A_1541 = vector.broadcast %add3A_1540 : i32 to vector<16xi32>
      %add3A_1542 = arith.addi %add3A_1541, %iota3A : vector<16xi32>
      tpu.vector_store_idx %arg6[%sub3A_1532, %add3A_1542], %broadcast_in_dim3A_223 masked %and3A_1539 : memref<496x128xf32, #tpu.memory_space<vmem>>[vector<16xi32>, vector<16xi32>], vector<16xf32>, vector<16xi1>
      %get3A_1543 = arith.constant 448 : index
      %get3A_1544 = tpu.vector_load %arg4[%get3A_1543] {strides = array<i32>} : memref<896xi32, #tpu.memory_space<vmem>>, vector<16xi32>,
      %sub3A_1545 = arith.constant 504 : i32
      %sub3A_1546 = vector.broadcast %sub3A_1545 : i32 to vector<16xi32>
      %sub3A_1547 = arith.subi %get3A_1544, %sub3A_1546 : vector<16xi32>
      %ge3A_1548 = arith.constant 504 : i32
      %ge3A_1549 = vector.broadcast %ge3A_1548 : i32 to vector<16xi32>
      %ge3A_1550 = arith.cmpi sge, %get3A_1544, %ge3A_1549 : vector<16xi32>
      %lt3A_1551 = arith.constant 1000 : i32
      %lt3A_1552 = vector.broadcast %lt3A_1551 : i32 to vector<16xi32>
      %lt3A_1553 = arith.cmpi slt, %get3A_1544, %lt3A_1552 : vector<16xi32>
      %and3A_1554 = arith.andi %ge3A_1550, %lt3A_1553 : vector<16xi1>
      %add3A_1555 = arith.constant 64 : i32
      %add3A_1556 = vector.broadcast %add3A_1555 : i32 to vector<16xi32>
      %add3A_1557 = arith.addi %add3A_1556, %iota3A : vector<16xi32>
      tpu.vector_store_idx %arg6[%sub3A_1547, %add3A_1557], %broadcast_in_dim3A_223 masked %and3A_1554 : memref<496x128xf32, #tpu.memory_space<vmem>>[vector<16xi32>, vector<16xi32>], vector<16xf32>, vector<16xi1>
      %get3A_1558 = arith.constant 464 : index
      %get3A_1559 = tpu.vector_load %arg4[%get3A_1558] {strides = array<i32>} : memref<896xi32, #tpu.memory_space<vmem>>, vector<16xi32>,
      %sub3A_1560 = arith.constant 504 : i32
      %sub3A_1561 = vector.broadcast %sub3A_1560 : i32 to vector<16xi32>
      %sub3A_1562 = arith.subi %get3A_1559, %sub3A_1561 : vector<16xi32>
      %ge3A_1563 = arith.constant 504 : i32
      %ge3A_1564 = vector.broadcast %ge3A_1563 : i32 to vector<16xi32>
      %ge3A_1565 = arith.cmpi sge, %get3A_1559, %ge3A_1564 : vector<16xi32>
      %lt3A_1566 = arith.constant 1000 : i32
      %lt3A_1567 = vector.broadcast %lt3A_1566 : i32 to vector<16xi32>
      %lt3A_1568 = arith.cmpi slt, %get3A_1559, %lt3A_1567 : vector<16xi32>
      %and3A_1569 = arith.andi %ge3A_1565, %lt3A_1568 : vector<16xi1>
      %add3A_1570 = arith.constant 80 : i32
      %add3A_1571 = vector.broadcast %add3A_1570 : i32 to vector<16xi32>
      %add3A_1572 = arith.addi %add3A_1571, %iota3A : vector<16xi32>
      tpu.vector_store_idx %arg6[%sub3A_1562, %add3A_1572], %broadcast_in_dim3A_223 masked %and3A_1569 : memref<496x128xf32, #tpu.memory_space<vmem>>[vector<16xi32>, vector<16xi32>], vector<16xf32>, vector<16xi1>
      %get3A_1573 = arith.constant 480 : index
      %get3A_1574 = tpu.vector_load %arg4[%get3A_1573] {strides = array<i32>} : memref<896xi32, #tpu.memory_space<vmem>>, vector<16xi32>,
      %sub3A_1575 = arith.constant 504 : i32
      %sub3A_1576 = vector.broadcast %sub3A_1575 : i32 to vector<16xi32>
      %sub3A_1577 = arith.subi %get3A_1574, %sub3A_1576 : vector<16xi32>
      %ge3A_1578 = arith.constant 504 : i32
      %ge3A_1579 = vector.broadcast %ge3A_1578 : i32 to vector<16xi32>
      %ge3A_1580 = arith.cmpi sge, %get3A_1574, %ge3A_1579 : vector<16xi32>
      %lt3A_1581 = arith.constant 1000 : i32
      %lt3A_1582 = vector.broadcast %lt3A_1581 : i32 to vector<16xi32>
      %lt3A_1583 = arith.cmpi slt, %get3A_1574, %lt3A_1582 : vector<16xi32>
      %and3A_1584 = arith.andi %ge3A_1580, %lt3A_1583 : vector<16xi1>
      %add3A_1585 = arith.constant 96 : i32
      %add3A_1586 = vector.broadcast %add3A_1585 : i32 to vector<16xi32>
      %add3A_1587 = arith.addi %add3A_1586, %iota3A : vector<16xi32>
      tpu.vector_store_idx %arg6[%sub3A_1577, %add3A_1587], %broadcast_in_dim3A_223 masked %and3A_1584 : memref<496x128xf32, #tpu.memory_space<vmem>>[vector<16xi32>, vector<16xi32>], vector<16xf32>, vector<16xi1>
      %get3A_1588 = arith.constant 496 : index
      %get3A_1589 = tpu.vector_load %arg4[%get3A_1588] {strides = array<i32>} : memref<896xi32, #tpu.memory_space<vmem>>, vector<16xi32>,
      %sub3A_1590 = arith.constant 504 : i32
      %sub3A_1591 = vector.broadcast %sub3A_1590 : i32 to vector<16xi32>
      %sub3A_1592 = arith.subi %get3A_1589, %sub3A_1591 : vector<16xi32>
      %ge3A_1593 = arith.constant 504 : i32
      %ge3A_1594 = vector.broadcast %ge3A_1593 : i32 to vector<16xi32>
      %ge3A_1595 = arith.cmpi sge, %get3A_1589, %ge3A_1594 : vector<16xi32>
      %lt3A_1596 = arith.constant 1000 : i32
      %lt3A_1597 = vector.broadcast %lt3A_1596 : i32 to vector<16xi32>
      %lt3A_1598 = arith.cmpi slt, %get3A_1589, %lt3A_1597 : vector<16xi32>
      %and3A_1599 = arith.andi %ge3A_1595, %lt3A_1598 : vector<16xi1>
      %add3A_1600 = arith.constant 112 : i32
      %add3A_1601 = vector.broadcast %add3A_1600 : i32 to vector<16xi32>
      %add3A_1602 = arith.addi %add3A_1601, %iota3A : vector<16xi32>
      tpu.vector_store_idx %arg6[%sub3A_1592, %add3A_1602], %broadcast_in_dim3A_223 masked %and3A_1599 : memref<496x128xf32, #tpu.memory_space<vmem>>[vector<16xi32>, vector<16xi32>], vector<16xf32>, vector<16xi1>
      %mul3A_1603 = arith.constant 128 : i32
      %mul3A_1604 = arith.muli %rem3A_840, %mul3A_1603 : i32
      %dma_start3A_1605 = arith.constant 504 : i32
      %dma_start3A_1606 = tpu.memref_slice %arg3[%select_n3A_838, %dma_start3A_1605, %mul3A_1604] : memref<26x1000x1024xf32, #tpu.memory_space<hbm>> -> memref<1x496x128xf32, #tpu.memory_space<hbm>>
      %dma_start3A_1607 = tpu.memref_squeeze %dma_start3A_1606 : memref<1x496x128xf32, #tpu.memory_space<hbm>> -> memref<496x128xf32, #tpu.memory_space<hbm>>
      %dma_start3A_1608 = arith.constant 504 : i32
      %dma_start3A_1609 = tpu.memref_slice %arg3[%select_n3A_838, %dma_start3A_1608, %mul3A_1604] : memref<26x1000x1024xf32, #tpu.memory_space<hbm>> -> memref<1x496x128xf32, #tpu.memory_space<hbm>>
      %dma_start3A_1610 = tpu.memref_squeeze %dma_start3A_1609 : memref<1x496x128xf32, #tpu.memory_space<hbm>> -> memref<496x128xf32, #tpu.memory_space<hbm>>
      tpu.enqueue_dma source(%arg6 : memref<496x128xf32, #tpu.memory_space<vmem>>) target(%dma_start3A_1610 : memref<496x128xf32, #tpu.memory_space<hbm>>) target_semaphore(%arg9 : memref<!tpu.dma_semaphore, #tpu.memory_space<semaphore_mem>>)
    } else {
    }
    %add3A_846 = arith.constant 128 : i32
    %add3A_847 = arith.addi %add3A, %add3A_846 : i32
    %jit3A_848 = arith.constant 8 : i32
    %div3A_849 = arith.divsi %add3A_847, %jit3A_848 : i32
    %sign3A_850 = arith.constant 0 : i32
    %sign3A_851 = arith.cmpi sgt, %add3A_847, %sign3A_850 : i32
    %sign3A_852 = arith.extui %sign3A_851 : i1 to i32
    %sign3A_853 = arith.constant 0 : i32
    %sign3A_854 = arith.cmpi slt, %add3A_847, %sign3A_853 : i32
    %sign3A_855 = arith.extui %sign3A_854 : i1 to i32
    %sign3A_856 = arith.subi %sign3A_852, %sign3A_855 : i32
    %sign3A_857 = arith.constant 0 : i32
    %sign3A_858 = arith.cmpi sgt, %jit3A_848, %sign3A_857 : i32
    %sign3A_859 = arith.extui %sign3A_858 : i1 to i32
    %sign3A_860 = arith.constant 0 : i32
    %sign3A_861 = arith.cmpi slt, %jit3A_848, %sign3A_860 : i32
    %sign3A_862 = arith.extui %sign3A_861 : i1 to i32
    %sign3A_863 = arith.subi %sign3A_859, %sign3A_862 : i32
    %ne3A_864 = arith.cmpi ne, %sign3A_856, %sign3A_863 : i32
    %rem3A_865 = arith.remsi %add3A_847, %jit3A_848 : i32
    %ne3A_866 = arith.constant 0 : i32
    %ne3A_867 = arith.cmpi ne, %rem3A_865, %ne3A_866 : i32
    %and3A_868 = arith.andi %ne3A_864, %ne3A_867 : i1
    %sub3A_869 = arith.constant 1 : i32
    %sub3A_870 = arith.subi %div3A_849, %sub3A_869 : i32
    %select_n3A_871 = arith.select %and3A_868, %sub3A_870, %div3A_849 : i32
    %rem3A_872 = arith.constant 8 : i32
    %rem3A_873 = arith.remsi %add3A_847, %rem3A_872 : i32
    %lt3A_874 = arith.constant 208 : i32
    %lt3A_875 = arith.cmpi slt, %add3A_847, %lt3A_874 : i32
    %convert_element_type3A_876 = arith.extui %lt3A_875 : i1 to i32
    %cond3A_877 = arith.constant 0 : i32
    %cond3A_878 = arith.cmpi ne, %convert_element_type3A_876, %cond3A_877 : i32
    scf.if %cond3A_878 {
      %add3A_1044 = arith.constant 96 : i32
      %add3A_1045 = arith.addi %add3A, %add3A_1044 : i32
      %jit3A_1046 = arith.constant 8 : i32
      %div3A_1047 = arith.divsi %add3A_1045, %jit3A_1046 : i32
      %sign3A_1048 = arith.constant 0 : i32
      %sign3A_1049 = arith.cmpi sgt, %add3A_1045, %sign3A_1048 : i32
      %sign3A_1050 = arith.extui %sign3A_1049 : i1 to i32
      %sign3A_1051 = arith.constant 0 : i32
      %sign3A_1052 = arith.cmpi slt, %add3A_1045, %sign3A_1051 : i32
      %sign3A_1053 = arith.extui %sign3A_1052 : i1 to i32
      %sign3A_1054 = arith.subi %sign3A_1050, %sign3A_1053 : i32
      %sign3A_1055 = arith.constant 0 : i32
      %sign3A_1056 = arith.cmpi sgt, %jit3A_1046, %sign3A_1055 : i32
      %sign3A_1057 = arith.extui %sign3A_1056 : i1 to i32
      %sign3A_1058 = arith.constant 0 : i32
      %sign3A_1059 = arith.cmpi slt, %jit3A_1046, %sign3A_1058 : i32
      %sign3A_1060 = arith.extui %sign3A_1059 : i1 to i32
      %sign3A_1061 = arith.subi %sign3A_1057, %sign3A_1060 : i32
      %ne3A_1062 = arith.cmpi ne, %sign3A_1054, %sign3A_1061 : i32
      %rem3A_1063 = arith.remsi %add3A_1045, %jit3A_1046 : i32
      %ne3A_1064 = arith.constant 0 : i32
      %ne3A_1065 = arith.cmpi ne, %rem3A_1063, %ne3A_1064 : i32
      %and3A_1066 = arith.andi %ne3A_1062, %ne3A_1065 : i1
      %sub3A_1067 = arith.constant 1 : i32
      %sub3A_1068 = arith.subi %div3A_1047, %sub3A_1067 : i32
      %select_n3A_1069 = arith.select %and3A_1066, %sub3A_1068, %div3A_1047 : i32
      %rem3A_1070 = arith.constant 8 : i32
      %rem3A_1071 = arith.remsi %add3A_1045, %rem3A_1070 : i32
      %mul3A_1072 = arith.constant 128 : i32
      %mul3A_1073 = arith.muli %rem3A_1071, %mul3A_1072 : i32
      %dma_wait3A = arith.constant 0 : i32
      %dma_wait3A_1074 = tpu.memref_slice %arg3[%select_n3A_1069, %dma_wait3A, %mul3A_1073] : memref<26x1000x1024xf32, #tpu.memory_space<hbm>> -> memref<1x504x128xf32, #tpu.memory_space<hbm>>
      %dma_wait3A_1075 = tpu.memref_squeeze %dma_wait3A_1074 : memref<1x504x128xf32, #tpu.memory_space<hbm>> -> memref<504x128xf32, #tpu.memory_space<hbm>>
      %dma_wait3A_1076 = arith.constant 0 : i32
      %dma_wait3A_1077 = tpu.memref_slice %arg3[%select_n3A_1069, %dma_wait3A_1076, %mul3A_1073] : memref<26x1000x1024xf32, #tpu.memory_space<hbm>> -> memref<1x504x128xf32, #tpu.memory_space<hbm>>
      %dma_wait3A_1078 = tpu.memref_squeeze %dma_wait3A_1077 : memref<1x504x128xf32, #tpu.memory_space<hbm>> -> memref<504x128xf32, #tpu.memory_space<hbm>>
      tpu.wait_dma2 semaphore(%arg8 : memref<!tpu.dma_semaphore, #tpu.memory_space<semaphore_mem>>) src(%arg5 : memref<504x128xf32, #tpu.memory_space<vmem>>) dst(%dma_wait3A_1078 : memref<504x128xf32, #tpu.memory_space<hbm>>)
      %get3A_1079 = arith.constant 384 : index
      %get3A_1080 = tpu.vector_load %arg4[%get3A_1079] {strides = array<i32>} : memref<896xi32, #tpu.memory_space<vmem>>, vector<16xi32>,
      %sub3A_1081 = arith.constant 0 : i32
      %sub3A_1082 = vector.broadcast %sub3A_1081 : i32 to vector<16xi32>
      %sub3A_1083 = arith.subi %get3A_1080, %sub3A_1082 : vector<16xi32>
      %ge3A_1084 = arith.constant 0 : i32
      %ge3A_1085 = vector.broadcast %ge3A_1084 : i32 to vector<16xi32>
      %ge3A_1086 = arith.cmpi sge, %get3A_1080, %ge3A_1085 : vector<16xi32>
      %lt3A_1087 = arith.constant 504 : i32
      %lt3A_1088 = vector.broadcast %lt3A_1087 : i32 to vector<16xi32>
      %lt3A_1089 = arith.cmpi slt, %get3A_1080, %lt3A_1088 : vector<16xi32>
      %and3A_1090 = arith.andi %ge3A_1086, %lt3A_1089 : vector<16xi1>
      %add3A_1091 = arith.constant 0 : i32
      %add3A_1092 = vector.broadcast %add3A_1091 : i32 to vector<16xi32>
      %add3A_1093 = arith.addi %add3A_1092, %iota3A : vector<16xi32>
      tpu.vector_store_idx %arg5[%sub3A_1083, %add3A_1093], %broadcast_in_dim3A_221 masked %and3A_1090 : memref<504x128xf32, #tpu.memory_space<vmem>>[vector<16xi32>, vector<16xi32>], vector<16xf32>, vector<16xi1>
      %get3A_1094 = arith.constant 400 : index
      %get3A_1095 = tpu.vector_load %arg4[%get3A_1094] {strides = array<i32>} : memref<896xi32, #tpu.memory_space<vmem>>, vector<16xi32>,
      %sub3A_1096 = arith.constant 0 : i32
      %sub3A_1097 = vector.broadcast %sub3A_1096 : i32 to vector<16xi32>
      %sub3A_1098 = arith.subi %get3A_1095, %sub3A_1097 : vector<16xi32>
      %ge3A_1099 = arith.constant 0 : i32
      %ge3A_1100 = vector.broadcast %ge3A_1099 : i32 to vector<16xi32>
      %ge3A_1101 = arith.cmpi sge, %get3A_1095, %ge3A_1100 : vector<16xi32>
      %lt3A_1102 = arith.constant 504 : i32
      %lt3A_1103 = vector.broadcast %lt3A_1102 : i32 to vector<16xi32>
      %lt3A_1104 = arith.cmpi slt, %get3A_1095, %lt3A_1103 : vector<16xi32>
      %and3A_1105 = arith.andi %ge3A_1101, %lt3A_1104 : vector<16xi1>
      %add3A_1106 = arith.constant 16 : i32
      %add3A_1107 = vector.broadcast %add3A_1106 : i32 to vector<16xi32>
      %add3A_1108 = arith.addi %add3A_1107, %iota3A : vector<16xi32>
      tpu.vector_store_idx %arg5[%sub3A_1098, %add3A_1108], %broadcast_in_dim3A_221 masked %and3A_1105 : memref<504x128xf32, #tpu.memory_space<vmem>>[vector<16xi32>, vector<16xi32>], vector<16xf32>, vector<16xi1>
      %get3A_1109 = arith.constant 416 : index
      %get3A_1110 = tpu.vector_load %arg4[%get3A_1109] {strides = array<i32>} : memref<896xi32, #tpu.memory_space<vmem>>, vector<16xi32>,
      %sub3A_1111 = arith.constant 0 : i32
      %sub3A_1112 = vector.broadcast %sub3A_1111 : i32 to vector<16xi32>
      %sub3A_1113 = arith.subi %get3A_1110, %sub3A_1112 : vector<16xi32>
      %ge3A_1114 = arith.constant 0 : i32
      %ge3A_1115 = vector.broadcast %ge3A_1114 : i32 to vector<16xi32>
      %ge3A_1116 = arith.cmpi sge, %get3A_1110, %ge3A_1115 : vector<16xi32>
      %lt3A_1117 = arith.constant 504 : i32
      %lt3A_1118 = vector.broadcast %lt3A_1117 : i32 to vector<16xi32>
      %lt3A_1119 = arith.cmpi slt, %get3A_1110, %lt3A_1118 : vector<16xi32>
      %and3A_1120 = arith.andi %ge3A_1116, %lt3A_1119 : vector<16xi1>
      %add3A_1121 = arith.constant 32 : i32
      %add3A_1122 = vector.broadcast %add3A_1121 : i32 to vector<16xi32>
      %add3A_1123 = arith.addi %add3A_1122, %iota3A : vector<16xi32>
      tpu.vector_store_idx %arg5[%sub3A_1113, %add3A_1123], %broadcast_in_dim3A_221 masked %and3A_1120 : memref<504x128xf32, #tpu.memory_space<vmem>>[vector<16xi32>, vector<16xi32>], vector<16xf32>, vector<16xi1>
      %get3A_1124 = arith.constant 432 : index
      %get3A_1125 = tpu.vector_load %arg4[%get3A_1124] {strides = array<i32>} : memref<896xi32, #tpu.memory_space<vmem>>, vector<16xi32>,
      %sub3A_1126 = arith.constant 0 : i32
      %sub3A_1127 = vector.broadcast %sub3A_1126 : i32 to vector<16xi32>
      %sub3A_1128 = arith.subi %get3A_1125, %sub3A_1127 : vector<16xi32>
      %ge3A_1129 = arith.constant 0 : i32
      %ge3A_1130 = vector.broadcast %ge3A_1129 : i32 to vector<16xi32>
      %ge3A_1131 = arith.cmpi sge, %get3A_1125, %ge3A_1130 : vector<16xi32>
      %lt3A_1132 = arith.constant 504 : i32
      %lt3A_1133 = vector.broadcast %lt3A_1132 : i32 to vector<16xi32>
      %lt3A_1134 = arith.cmpi slt, %get3A_1125, %lt3A_1133 : vector<16xi32>
      %and3A_1135 = arith.andi %ge3A_1131, %lt3A_1134 : vector<16xi1>
      %add3A_1136 = arith.constant 48 : i32
      %add3A_1137 = vector.broadcast %add3A_1136 : i32 to vector<16xi32>
      %add3A_1138 = arith.addi %add3A_1137, %iota3A : vector<16xi32>
      tpu.vector_store_idx %arg5[%sub3A_1128, %add3A_1138], %broadcast_in_dim3A_221 masked %and3A_1135 : memref<504x128xf32, #tpu.memory_space<vmem>>[vector<16xi32>, vector<16xi32>], vector<16xf32>, vector<16xi1>
      %get3A_1139 = arith.constant 448 : index
      %get3A_1140 = tpu.vector_load %arg4[%get3A_1139] {strides = array<i32>} : memref<896xi32, #tpu.memory_space<vmem>>, vector<16xi32>,
      %sub3A_1141 = arith.constant 0 : i32
      %sub3A_1142 = vector.broadcast %sub3A_1141 : i32 to vector<16xi32>
      %sub3A_1143 = arith.subi %get3A_1140, %sub3A_1142 : vector<16xi32>
      %ge3A_1144 = arith.constant 0 : i32
      %ge3A_1145 = vector.broadcast %ge3A_1144 : i32 to vector<16xi32>
      %ge3A_1146 = arith.cmpi sge, %get3A_1140, %ge3A_1145 : vector<16xi32>
      %lt3A_1147 = arith.constant 504 : i32
      %lt3A_1148 = vector.broadcast %lt3A_1147 : i32 to vector<16xi32>
      %lt3A_1149 = arith.cmpi slt, %get3A_1140, %lt3A_1148 : vector<16xi32>
      %and3A_1150 = arith.andi %ge3A_1146, %lt3A_1149 : vector<16xi1>
      %add3A_1151 = arith.constant 64 : i32
      %add3A_1152 = vector.broadcast %add3A_1151 : i32 to vector<16xi32>
      %add3A_1153 = arith.addi %add3A_1152, %iota3A : vector<16xi32>
      tpu.vector_store_idx %arg5[%sub3A_1143, %add3A_1153], %broadcast_in_dim3A_221 masked %and3A_1150 : memref<504x128xf32, #tpu.memory_space<vmem>>[vector<16xi32>, vector<16xi32>], vector<16xf32>, vector<16xi1>
      %get3A_1154 = arith.constant 464 : index
      %get3A_1155 = tpu.vector_load %arg4[%get3A_1154] {strides = array<i32>} : memref<896xi32, #tpu.memory_space<vmem>>, vector<16xi32>,
      %sub3A_1156 = arith.constant 0 : i32
      %sub3A_1157 = vector.broadcast %sub3A_1156 : i32 to vector<16xi32>
      %sub3A_1158 = arith.subi %get3A_1155, %sub3A_1157 : vector<16xi32>
      %ge3A_1159 = arith.constant 0 : i32
      %ge3A_1160 = vector.broadcast %ge3A_1159 : i32 to vector<16xi32>
      %ge3A_1161 = arith.cmpi sge, %get3A_1155, %ge3A_1160 : vector<16xi32>
      %lt3A_1162 = arith.constant 504 : i32
      %lt3A_1163 = vector.broadcast %lt3A_1162 : i32 to vector<16xi32>
      %lt3A_1164 = arith.cmpi slt, %get3A_1155, %lt3A_1163 : vector<16xi32>
      %and3A_1165 = arith.andi %ge3A_1161, %lt3A_1164 : vector<16xi1>
      %add3A_1166 = arith.constant 80 : i32
      %add3A_1167 = vector.broadcast %add3A_1166 : i32 to vector<16xi32>
      %add3A_1168 = arith.addi %add3A_1167, %iota3A : vector<16xi32>
      tpu.vector_store_idx %arg5[%sub3A_1158, %add3A_1168], %broadcast_in_dim3A_221 masked %and3A_1165 : memref<504x128xf32, #tpu.memory_space<vmem>>[vector<16xi32>, vector<16xi32>], vector<16xf32>, vector<16xi1>
      %get3A_1169 = arith.constant 480 : index
      %get3A_1170 = tpu.vector_load %arg4[%get3A_1169] {strides = array<i32>} : memref<896xi32, #tpu.memory_space<vmem>>, vector<16xi32>,
      %sub3A_1171 = arith.constant 0 : i32
      %sub3A_1172 = vector.broadcast %sub3A_1171 : i32 to vector<16xi32>
      %sub3A_1173 = arith.subi %get3A_1170, %sub3A_1172 : vector<16xi32>
      %ge3A_1174 = arith.constant 0 : i32
      %ge3A_1175 = vector.broadcast %ge3A_1174 : i32 to vector<16xi32>
      %ge3A_1176 = arith.cmpi sge, %get3A_1170, %ge3A_1175 : vector<16xi32>
      %lt3A_1177 = arith.constant 504 : i32
      %lt3A_1178 = vector.broadcast %lt3A_1177 : i32 to vector<16xi32>
      %lt3A_1179 = arith.cmpi slt, %get3A_1170, %lt3A_1178 : vector<16xi32>
      %and3A_1180 = arith.andi %ge3A_1176, %lt3A_1179 : vector<16xi1>
      %add3A_1181 = arith.constant 96 : i32
      %add3A_1182 = vector.broadcast %add3A_1181 : i32 to vector<16xi32>
      %add3A_1183 = arith.addi %add3A_1182, %iota3A : vector<16xi32>
      tpu.vector_store_idx %arg5[%sub3A_1173, %add3A_1183], %broadcast_in_dim3A_221 masked %and3A_1180 : memref<504x128xf32, #tpu.memory_space<vmem>>[vector<16xi32>, vector<16xi32>], vector<16xf32>, vector<16xi1>
      %get3A_1184 = arith.constant 496 : index
      %get3A_1185 = tpu.vector_load %arg4[%get3A_1184] {strides = array<i32>} : memref<896xi32, #tpu.memory_space<vmem>>, vector<16xi32>,
      %sub3A_1186 = arith.constant 0 : i32
      %sub3A_1187 = vector.broadcast %sub3A_1186 : i32 to vector<16xi32>
      %sub3A_1188 = arith.subi %get3A_1185, %sub3A_1187 : vector<16xi32>
      %ge3A_1189 = arith.constant 0 : i32
      %ge3A_1190 = vector.broadcast %ge3A_1189 : i32 to vector<16xi32>
      %ge3A_1191 = arith.cmpi sge, %get3A_1185, %ge3A_1190 : vector<16xi32>
      %lt3A_1192 = arith.constant 504 : i32
      %lt3A_1193 = vector.broadcast %lt3A_1192 : i32 to vector<16xi32>
      %lt3A_1194 = arith.cmpi slt, %get3A_1185, %lt3A_1193 : vector<16xi32>
      %and3A_1195 = arith.andi %ge3A_1191, %lt3A_1194 : vector<16xi1>
      %add3A_1196 = arith.constant 112 : i32
      %add3A_1197 = vector.broadcast %add3A_1196 : i32 to vector<16xi32>
      %add3A_1198 = arith.addi %add3A_1197, %iota3A : vector<16xi32>
      tpu.vector_store_idx %arg5[%sub3A_1188, %add3A_1198], %broadcast_in_dim3A_221 masked %and3A_1195 : memref<504x128xf32, #tpu.memory_space<vmem>>[vector<16xi32>, vector<16xi32>], vector<16xf32>, vector<16xi1>
      %get3A_1199 = arith.constant 512 : index
      %get3A_1200 = tpu.vector_load %arg4[%get3A_1199] {strides = array<i32>} : memref<896xi32, #tpu.memory_space<vmem>>, vector<16xi32>,
      %sub3A_1201 = arith.constant 0 : i32
      %sub3A_1202 = vector.broadcast %sub3A_1201 : i32 to vector<16xi32>
      %sub3A_1203 = arith.subi %get3A_1200, %sub3A_1202 : vector<16xi32>
      %ge3A_1204 = arith.constant 0 : i32
      %ge3A_1205 = vector.broadcast %ge3A_1204 : i32 to vector<16xi32>
      %ge3A_1206 = arith.cmpi sge, %get3A_1200, %ge3A_1205 : vector<16xi32>
      %lt3A_1207 = arith.constant 504 : i32
      %lt3A_1208 = vector.broadcast %lt3A_1207 : i32 to vector<16xi32>
      %lt3A_1209 = arith.cmpi slt, %get3A_1200, %lt3A_1208 : vector<16xi32>
      %and3A_1210 = arith.andi %ge3A_1206, %lt3A_1209 : vector<16xi1>
      %add3A_1211 = arith.constant 0 : i32
      %add3A_1212 = vector.broadcast %add3A_1211 : i32 to vector<16xi32>
      %add3A_1213 = arith.addi %add3A_1212, %iota3A : vector<16xi32>
      tpu.vector_store_idx %arg5[%sub3A_1203, %add3A_1213], %broadcast_in_dim3A_223 masked %and3A_1210 : memref<504x128xf32, #tpu.memory_space<vmem>>[vector<16xi32>, vector<16xi32>], vector<16xf32>, vector<16xi1>
      %get3A_1214 = arith.constant 528 : index
      %get3A_1215 = tpu.vector_load %arg4[%get3A_1214] {strides = array<i32>} : memref<896xi32, #tpu.memory_space<vmem>>, vector<16xi32>,
      %sub3A_1216 = arith.constant 0 : i32
      %sub3A_1217 = vector.broadcast %sub3A_1216 : i32 to vector<16xi32>
      %sub3A_1218 = arith.subi %get3A_1215, %sub3A_1217 : vector<16xi32>
      %ge3A_1219 = arith.constant 0 : i32
      %ge3A_1220 = vector.broadcast %ge3A_1219 : i32 to vector<16xi32>
      %ge3A_1221 = arith.cmpi sge, %get3A_1215, %ge3A_1220 : vector<16xi32>
      %lt3A_1222 = arith.constant 504 : i32
      %lt3A_1223 = vector.broadcast %lt3A_1222 : i32 to vector<16xi32>
      %lt3A_1224 = arith.cmpi slt, %get3A_1215, %lt3A_1223 : vector<16xi32>
      %and3A_1225 = arith.andi %ge3A_1221, %lt3A_1224 : vector<16xi1>
      %add3A_1226 = arith.constant 16 : i32
      %add3A_1227 = vector.broadcast %add3A_1226 : i32 to vector<16xi32>
      %add3A_1228 = arith.addi %add3A_1227, %iota3A : vector<16xi32>
      tpu.vector_store_idx %arg5[%sub3A_1218, %add3A_1228], %broadcast_in_dim3A_223 masked %and3A_1225 : memref<504x128xf32, #tpu.memory_space<vmem>>[vector<16xi32>, vector<16xi32>], vector<16xf32>, vector<16xi1>
      %get3A_1229 = arith.constant 544 : index
      %get3A_1230 = tpu.vector_load %arg4[%get3A_1229] {strides = array<i32>} : memref<896xi32, #tpu.memory_space<vmem>>, vector<16xi32>,
      %sub3A_1231 = arith.constant 0 : i32
      %sub3A_1232 = vector.broadcast %sub3A_1231 : i32 to vector<16xi32>
      %sub3A_1233 = arith.subi %get3A_1230, %sub3A_1232 : vector<16xi32>
      %ge3A_1234 = arith.constant 0 : i32
      %ge3A_1235 = vector.broadcast %ge3A_1234 : i32 to vector<16xi32>
      %ge3A_1236 = arith.cmpi sge, %get3A_1230, %ge3A_1235 : vector<16xi32>
      %lt3A_1237 = arith.constant 504 : i32
      %lt3A_1238 = vector.broadcast %lt3A_1237 : i32 to vector<16xi32>
      %lt3A_1239 = arith.cmpi slt, %get3A_1230, %lt3A_1238 : vector<16xi32>
      %and3A_1240 = arith.andi %ge3A_1236, %lt3A_1239 : vector<16xi1>
      %add3A_1241 = arith.constant 32 : i32
      %add3A_1242 = vector.broadcast %add3A_1241 : i32 to vector<16xi32>
      %add3A_1243 = arith.addi %add3A_1242, %iota3A : vector<16xi32>
      tpu.vector_store_idx %arg5[%sub3A_1233, %add3A_1243], %broadcast_in_dim3A_223 masked %and3A_1240 : memref<504x128xf32, #tpu.memory_space<vmem>>[vector<16xi32>, vector<16xi32>], vector<16xf32>, vector<16xi1>
      %get3A_1244 = arith.constant 560 : index
      %get3A_1245 = tpu.vector_load %arg4[%get3A_1244] {strides = array<i32>} : memref<896xi32, #tpu.memory_space<vmem>>, vector<16xi32>,
      %sub3A_1246 = arith.constant 0 : i32
      %sub3A_1247 = vector.broadcast %sub3A_1246 : i32 to vector<16xi32>
      %sub3A_1248 = arith.subi %get3A_1245, %sub3A_1247 : vector<16xi32>
      %ge3A_1249 = arith.constant 0 : i32
      %ge3A_1250 = vector.broadcast %ge3A_1249 : i32 to vector<16xi32>
      %ge3A_1251 = arith.cmpi sge, %get3A_1245, %ge3A_1250 : vector<16xi32>
      %lt3A_1252 = arith.constant 504 : i32
      %lt3A_1253 = vector.broadcast %lt3A_1252 : i32 to vector<16xi32>
      %lt3A_1254 = arith.cmpi slt, %get3A_1245, %lt3A_1253 : vector<16xi32>
      %and3A_1255 = arith.andi %ge3A_1251, %lt3A_1254 : vector<16xi1>
      %add3A_1256 = arith.constant 48 : i32
      %add3A_1257 = vector.broadcast %add3A_1256 : i32 to vector<16xi32>
      %add3A_1258 = arith.addi %add3A_1257, %iota3A : vector<16xi32>
      tpu.vector_store_idx %arg5[%sub3A_1248, %add3A_1258], %broadcast_in_dim3A_223 masked %and3A_1255 : memref<504x128xf32, #tpu.memory_space<vmem>>[vector<16xi32>, vector<16xi32>], vector<16xf32>, vector<16xi1>
      %get3A_1259 = arith.constant 576 : index
      %get3A_1260 = tpu.vector_load %arg4[%get3A_1259] {strides = array<i32>} : memref<896xi32, #tpu.memory_space<vmem>>, vector<16xi32>,
      %sub3A_1261 = arith.constant 0 : i32
      %sub3A_1262 = vector.broadcast %sub3A_1261 : i32 to vector<16xi32>
      %sub3A_1263 = arith.subi %get3A_1260, %sub3A_1262 : vector<16xi32>
      %ge3A_1264 = arith.constant 0 : i32
      %ge3A_1265 = vector.broadcast %ge3A_1264 : i32 to vector<16xi32>
      %ge3A_1266 = arith.cmpi sge, %get3A_1260, %ge3A_1265 : vector<16xi32>
      %lt3A_1267 = arith.constant 504 : i32
      %lt3A_1268 = vector.broadcast %lt3A_1267 : i32 to vector<16xi32>
      %lt3A_1269 = arith.cmpi slt, %get3A_1260, %lt3A_1268 : vector<16xi32>
      %and3A_1270 = arith.andi %ge3A_1266, %lt3A_1269 : vector<16xi1>
      %add3A_1271 = arith.constant 64 : i32
      %add3A_1272 = vector.broadcast %add3A_1271 : i32 to vector<16xi32>
      %add3A_1273 = arith.addi %add3A_1272, %iota3A : vector<16xi32>
      tpu.vector_store_idx %arg5[%sub3A_1263, %add3A_1273], %broadcast_in_dim3A_223 masked %and3A_1270 : memref<504x128xf32, #tpu.memory_space<vmem>>[vector<16xi32>, vector<16xi32>], vector<16xf32>, vector<16xi1>
      %get3A_1274 = arith.constant 592 : index
      %get3A_1275 = tpu.vector_load %arg4[%get3A_1274] {strides = array<i32>} : memref<896xi32, #tpu.memory_space<vmem>>, vector<16xi32>,
      %sub3A_1276 = arith.constant 0 : i32
      %sub3A_1277 = vector.broadcast %sub3A_1276 : i32 to vector<16xi32>
      %sub3A_1278 = arith.subi %get3A_1275, %sub3A_1277 : vector<16xi32>
      %ge3A_1279 = arith.constant 0 : i32
      %ge3A_1280 = vector.broadcast %ge3A_1279 : i32 to vector<16xi32>
      %ge3A_1281 = arith.cmpi sge, %get3A_1275, %ge3A_1280 : vector<16xi32>
      %lt3A_1282 = arith.constant 504 : i32
      %lt3A_1283 = vector.broadcast %lt3A_1282 : i32 to vector<16xi32>
      %lt3A_1284 = arith.cmpi slt, %get3A_1275, %lt3A_1283 : vector<16xi32>
      %and3A_1285 = arith.andi %ge3A_1281, %lt3A_1284 : vector<16xi1>
      %add3A_1286 = arith.constant 80 : i32
      %add3A_1287 = vector.broadcast %add3A_1286 : i32 to vector<16xi32>
      %add3A_1288 = arith.addi %add3A_1287, %iota3A : vector<16xi32>
      tpu.vector_store_idx %arg5[%sub3A_1278, %add3A_1288], %broadcast_in_dim3A_223 masked %and3A_1285 : memref<504x128xf32, #tpu.memory_space<vmem>>[vector<16xi32>, vector<16xi32>], vector<16xf32>, vector<16xi1>
      %get3A_1289 = arith.constant 608 : index
      %get3A_1290 = tpu.vector_load %arg4[%get3A_1289] {strides = array<i32>} : memref<896xi32, #tpu.memory_space<vmem>>, vector<16xi32>,
      %sub3A_1291 = arith.constant 0 : i32
      %sub3A_1292 = vector.broadcast %sub3A_1291 : i32 to vector<16xi32>
      %sub3A_1293 = arith.subi %get3A_1290, %sub3A_1292 : vector<16xi32>
      %ge3A_1294 = arith.constant 0 : i32
      %ge3A_1295 = vector.broadcast %ge3A_1294 : i32 to vector<16xi32>
      %ge3A_1296 = arith.cmpi sge, %get3A_1290, %ge3A_1295 : vector<16xi32>
      %lt3A_1297 = arith.constant 504 : i32
      %lt3A_1298 = vector.broadcast %lt3A_1297 : i32 to vector<16xi32>
      %lt3A_1299 = arith.cmpi slt, %get3A_1290, %lt3A_1298 : vector<16xi32>
      %and3A_1300 = arith.andi %ge3A_1296, %lt3A_1299 : vector<16xi1>
      %add3A_1301 = arith.constant 96 : i32
      %add3A_1302 = vector.broadcast %add3A_1301 : i32 to vector<16xi32>
      %add3A_1303 = arith.addi %add3A_1302, %iota3A : vector<16xi32>
      tpu.vector_store_idx %arg5[%sub3A_1293, %add3A_1303], %broadcast_in_dim3A_223 masked %and3A_1300 : memref<504x128xf32, #tpu.memory_space<vmem>>[vector<16xi32>, vector<16xi32>], vector<16xf32>, vector<16xi1>
      %get3A_1304 = arith.constant 624 : index
      %get3A_1305 = tpu.vector_load %arg4[%get3A_1304] {strides = array<i32>} : memref<896xi32, #tpu.memory_space<vmem>>, vector<16xi32>,
      %sub3A_1306 = arith.constant 0 : i32
      %sub3A_1307 = vector.broadcast %sub3A_1306 : i32 to vector<16xi32>
      %sub3A_1308 = arith.subi %get3A_1305, %sub3A_1307 : vector<16xi32>
      %ge3A_1309 = arith.constant 0 : i32
      %ge3A_1310 = vector.broadcast %ge3A_1309 : i32 to vector<16xi32>
      %ge3A_1311 = arith.cmpi sge, %get3A_1305, %ge3A_1310 : vector<16xi32>
      %lt3A_1312 = arith.constant 504 : i32
      %lt3A_1313 = vector.broadcast %lt3A_1312 : i32 to vector<16xi32>
      %lt3A_1314 = arith.cmpi slt, %get3A_1305, %lt3A_1313 : vector<16xi32>
      %and3A_1315 = arith.andi %ge3A_1311, %lt3A_1314 : vector<16xi1>
      %add3A_1316 = arith.constant 112 : i32
      %add3A_1317 = vector.broadcast %add3A_1316 : i32 to vector<16xi32>
      %add3A_1318 = arith.addi %add3A_1317, %iota3A : vector<16xi32>
      tpu.vector_store_idx %arg5[%sub3A_1308, %add3A_1318], %broadcast_in_dim3A_223 masked %and3A_1315 : memref<504x128xf32, #tpu.memory_space<vmem>>[vector<16xi32>, vector<16xi32>], vector<16xf32>, vector<16xi1>
      %mul3A_1319 = arith.constant 128 : i32
      %mul3A_1320 = arith.muli %rem3A_873, %mul3A_1319 : i32
      %dma_start3A_1321 = arith.constant 0 : i32
      %dma_start3A_1322 = tpu.memref_slice %arg3[%select_n3A_871, %dma_start3A_1321, %mul3A_1320] : memref<26x1000x1024xf32, #tpu.memory_space<hbm>> -> memref<1x504x128xf32, #tpu.memory_space<hbm>>
      %dma_start3A_1323 = tpu.memref_squeeze %dma_start3A_1322 : memref<1x504x128xf32, #tpu.memory_space<hbm>> -> memref<504x128xf32, #tpu.memory_space<hbm>>
      %dma_start3A_1324 = arith.constant 0 : i32
      %dma_start3A_1325 = tpu.memref_slice %arg3[%select_n3A_871, %dma_start3A_1324, %mul3A_1320] : memref<26x1000x1024xf32, #tpu.memory_space<hbm>> -> memref<1x504x128xf32, #tpu.memory_space<hbm>>
      %dma_start3A_1326 = tpu.memref_squeeze %dma_start3A_1325 : memref<1x504x128xf32, #tpu.memory_space<hbm>> -> memref<504x128xf32, #tpu.memory_space<hbm>>
      tpu.enqueue_dma source(%arg5 : memref<504x128xf32, #tpu.memory_space<vmem>>) target(%dma_start3A_1326 : memref<504x128xf32, #tpu.memory_space<hbm>>) target_semaphore(%arg8 : memref<!tpu.dma_semaphore, #tpu.memory_space<semaphore_mem>>)
      %add3A_1327 = arith.constant 96 : i32
      %add3A_1328 = arith.addi %add3A, %add3A_1327 : i32
      %jit3A_1329 = arith.constant 8 : i32
      %div3A_1330 = arith.divsi %add3A_1328, %jit3A_1329 : i32
      %sign3A_1331 = arith.constant 0 : i32
      %sign3A_1332 = arith.cmpi sgt, %add3A_1328, %sign3A_1331 : i32
      %sign3A_1333 = arith.extui %sign3A_1332 : i1 to i32
      %sign3A_1334 = arith.constant 0 : i32
      %sign3A_1335 = arith.cmpi slt, %add3A_1328, %sign3A_1334 : i32
      %sign3A_1336 = arith.extui %sign3A_1335 : i1 to i32
      %sign3A_1337 = arith.subi %sign3A_1333, %sign3A_1336 : i32
      %sign3A_1338 = arith.constant 0 : i32
      %sign3A_1339 = arith.cmpi sgt, %jit3A_1329, %sign3A_1338 : i32
      %sign3A_1340 = arith.extui %sign3A_1339 : i1 to i32
      %sign3A_1341 = arith.constant 0 : i32
      %sign3A_1342 = arith.cmpi slt, %jit3A_1329, %sign3A_1341 : i32
      %sign3A_1343 = arith.extui %sign3A_1342 : i1 to i32
      %sign3A_1344 = arith.subi %sign3A_1340, %sign3A_1343 : i32
      %ne3A_1345 = arith.cmpi ne, %sign3A_1337, %sign3A_1344 : i32
      %rem3A_1346 = arith.remsi %add3A_1328, %jit3A_1329 : i32
      %ne3A_1347 = arith.constant 0 : i32
      %ne3A_1348 = arith.cmpi ne, %rem3A_1346, %ne3A_1347 : i32
      %and3A_1349 = arith.andi %ne3A_1345, %ne3A_1348 : i1
      %sub3A_1350 = arith.constant 1 : i32
      %sub3A_1351 = arith.subi %div3A_1330, %sub3A_1350 : i32
      %select_n3A_1352 = arith.select %and3A_1349, %sub3A_1351, %div3A_1330 : i32
      %rem3A_1353 = arith.constant 8 : i32
      %rem3A_1354 = arith.remsi %add3A_1328, %rem3A_1353 : i32
      %mul3A_1355 = arith.constant 128 : i32
      %mul3A_1356 = arith.muli %rem3A_1354, %mul3A_1355 : i32
      %dma_wait3A_1357 = arith.constant 504 : i32
      %dma_wait3A_1358 = tpu.memref_slice %arg3[%select_n3A_1352, %dma_wait3A_1357, %mul3A_1356] : memref<26x1000x1024xf32, #tpu.memory_space<hbm>> -> memref<1x496x128xf32, #tpu.memory_space<hbm>>
      %dma_wait3A_1359 = tpu.memref_squeeze %dma_wait3A_1358 : memref<1x496x128xf32, #tpu.memory_space<hbm>> -> memref<496x128xf32, #tpu.memory_space<hbm>>
      %dma_wait3A_1360 = arith.constant 504 : i32
      %dma_wait3A_1361 = tpu.memref_slice %arg3[%select_n3A_1352, %dma_wait3A_1360, %mul3A_1356] : memref<26x1000x1024xf32, #tpu.memory_space<hbm>> -> memref<1x496x128xf32, #tpu.memory_space<hbm>>
      %dma_wait3A_1362 = tpu.memref_squeeze %dma_wait3A_1361 : memref<1x496x128xf32, #tpu.memory_space<hbm>> -> memref<496x128xf32, #tpu.memory_space<hbm>>
      tpu.wait_dma2 semaphore(%arg9 : memref<!tpu.dma_semaphore, #tpu.memory_space<semaphore_mem>>) src(%arg6 : memref<496x128xf32, #tpu.memory_space<vmem>>) dst(%dma_wait3A_1362 : memref<496x128xf32, #tpu.memory_space<hbm>>)
      %get3A_1363 = arith.constant 384 : index
      %get3A_1364 = tpu.vector_load %arg4[%get3A_1363] {strides = array<i32>} : memref<896xi32, #tpu.memory_space<vmem>>, vector<16xi32>,
      %sub3A_1365 = arith.constant 504 : i32
      %sub3A_1366 = vector.broadcast %sub3A_1365 : i32 to vector<16xi32>
      %sub3A_1367 = arith.subi %get3A_1364, %sub3A_1366 : vector<16xi32>
      %ge3A_1368 = arith.constant 504 : i32
      %ge3A_1369 = vector.broadcast %ge3A_1368 : i32 to vector<16xi32>
      %ge3A_1370 = arith.cmpi sge, %get3A_1364, %ge3A_1369 : vector<16xi32>
      %lt3A_1371 = arith.constant 1000 : i32
      %lt3A_1372 = vector.broadcast %lt3A_1371 : i32 to vector<16xi32>
      %lt3A_1373 = arith.cmpi slt, %get3A_1364, %lt3A_1372 : vector<16xi32>
      %and3A_1374 = arith.andi %ge3A_1370, %lt3A_1373 : vector<16xi1>
      %add3A_1375 = arith.constant 0 : i32
      %add3A_1376 = vector.broadcast %add3A_1375 : i32 to vector<16xi32>
      %add3A_1377 = arith.addi %add3A_1376, %iota3A : vector<16xi32>
      tpu.vector_store_idx %arg6[%sub3A_1367, %add3A_1377], %broadcast_in_dim3A_221 masked %and3A_1374 : memref<496x128xf32, #tpu.memory_space<vmem>>[vector<16xi32>, vector<16xi32>], vector<16xf32>, vector<16xi1>
      %get3A_1378 = arith.constant 400 : index
      %get3A_1379 = tpu.vector_load %arg4[%get3A_1378] {strides = array<i32>} : memref<896xi32, #tpu.memory_space<vmem>>, vector<16xi32>,
      %sub3A_1380 = arith.constant 504 : i32
      %sub3A_1381 = vector.broadcast %sub3A_1380 : i32 to vector<16xi32>
      %sub3A_1382 = arith.subi %get3A_1379, %sub3A_1381 : vector<16xi32>
      %ge3A_1383 = arith.constant 504 : i32
      %ge3A_1384 = vector.broadcast %ge3A_1383 : i32 to vector<16xi32>
      %ge3A_1385 = arith.cmpi sge, %get3A_1379, %ge3A_1384 : vector<16xi32>
      %lt3A_1386 = arith.constant 1000 : i32
      %lt3A_1387 = vector.broadcast %lt3A_1386 : i32 to vector<16xi32>
      %lt3A_1388 = arith.cmpi slt, %get3A_1379, %lt3A_1387 : vector<16xi32>
      %and3A_1389 = arith.andi %ge3A_1385, %lt3A_1388 : vector<16xi1>
      %add3A_1390 = arith.constant 16 : i32
      %add3A_1391 = vector.broadcast %add3A_1390 : i32 to vector<16xi32>
      %add3A_1392 = arith.addi %add3A_1391, %iota3A : vector<16xi32>
      tpu.vector_store_idx %arg6[%sub3A_1382, %add3A_1392], %broadcast_in_dim3A_221 masked %and3A_1389 : memref<496x128xf32, #tpu.memory_space<vmem>>[vector<16xi32>, vector<16xi32>], vector<16xf32>, vector<16xi1>
      %get3A_1393 = arith.constant 416 : index
      %get3A_1394 = tpu.vector_load %arg4[%get3A_1393] {strides = array<i32>} : memref<896xi32, #tpu.memory_space<vmem>>, vector<16xi32>,
      %sub3A_1395 = arith.constant 504 : i32
      %sub3A_1396 = vector.broadcast %sub3A_1395 : i32 to vector<16xi32>
      %sub3A_1397 = arith.subi %get3A_1394, %sub3A_1396 : vector<16xi32>
      %ge3A_1398 = arith.constant 504 : i32
      %ge3A_1399 = vector.broadcast %ge3A_1398 : i32 to vector<16xi32>
      %ge3A_1400 = arith.cmpi sge, %get3A_1394, %ge3A_1399 : vector<16xi32>
      %lt3A_1401 = arith.constant 1000 : i32
      %lt3A_1402 = vector.broadcast %lt3A_1401 : i32 to vector<16xi32>
      %lt3A_1403 = arith.cmpi slt, %get3A_1394, %lt3A_1402 : vector<16xi32>
      %and3A_1404 = arith.andi %ge3A_1400, %lt3A_1403 : vector<16xi1>
      %add3A_1405 = arith.constant 32 : i32
      %add3A_1406 = vector.broadcast %add3A_1405 : i32 to vector<16xi32>
      %add3A_1407 = arith.addi %add3A_1406, %iota3A : vector<16xi32>
      tpu.vector_store_idx %arg6[%sub3A_1397, %add3A_1407], %broadcast_in_dim3A_221 masked %and3A_1404 : memref<496x128xf32, #tpu.memory_space<vmem>>[vector<16xi32>, vector<16xi32>], vector<16xf32>, vector<16xi1>
      %get3A_1408 = arith.constant 432 : index
      %get3A_1409 = tpu.vector_load %arg4[%get3A_1408] {strides = array<i32>} : memref<896xi32, #tpu.memory_space<vmem>>, vector<16xi32>,
      %sub3A_1410 = arith.constant 504 : i32
      %sub3A_1411 = vector.broadcast %sub3A_1410 : i32 to vector<16xi32>
      %sub3A_1412 = arith.subi %get3A_1409, %sub3A_1411 : vector<16xi32>
      %ge3A_1413 = arith.constant 504 : i32
      %ge3A_1414 = vector.broadcast %ge3A_1413 : i32 to vector<16xi32>
      %ge3A_1415 = arith.cmpi sge, %get3A_1409, %ge3A_1414 : vector<16xi32>
      %lt3A_1416 = arith.constant 1000 : i32
      %lt3A_1417 = vector.broadcast %lt3A_1416 : i32 to vector<16xi32>
      %lt3A_1418 = arith.cmpi slt, %get3A_1409, %lt3A_1417 : vector<16xi32>
      %and3A_1419 = arith.andi %ge3A_1415, %lt3A_1418 : vector<16xi1>
      %add3A_1420 = arith.constant 48 : i32
      %add3A_1421 = vector.broadcast %add3A_1420 : i32 to vector<16xi32>
      %add3A_1422 = arith.addi %add3A_1421, %iota3A : vector<16xi32>
      tpu.vector_store_idx %arg6[%sub3A_1412, %add3A_1422], %broadcast_in_dim3A_221 masked %and3A_1419 : memref<496x128xf32, #tpu.memory_space<vmem>>[vector<16xi32>, vector<16xi32>], vector<16xf32>, vector<16xi1>
      %get3A_1423 = arith.constant 448 : index
      %get3A_1424 = tpu.vector_load %arg4[%get3A_1423] {strides = array<i32>} : memref<896xi32, #tpu.memory_space<vmem>>, vector<16xi32>,
      %sub3A_1425 = arith.constant 504 : i32
      %sub3A_1426 = vector.broadcast %sub3A_1425 : i32 to vector<16xi32>
      %sub3A_1427 = arith.subi %get3A_1424, %sub3A_1426 : vector<16xi32>
      %ge3A_1428 = arith.constant 504 : i32
      %ge3A_1429 = vector.broadcast %ge3A_1428 : i32 to vector<16xi32>
      %ge3A_1430 = arith.cmpi sge, %get3A_1424, %ge3A_1429 : vector<16xi32>
      %lt3A_1431 = arith.constant 1000 : i32
      %lt3A_1432 = vector.broadcast %lt3A_1431 : i32 to vector<16xi32>
      %lt3A_1433 = arith.cmpi slt, %get3A_1424, %lt3A_1432 : vector<16xi32>
      %and3A_1434 = arith.andi %ge3A_1430, %lt3A_1433 : vector<16xi1>
      %add3A_1435 = arith.constant 64 : i32
      %add3A_1436 = vector.broadcast %add3A_1435 : i32 to vector<16xi32>
      %add3A_1437 = arith.addi %add3A_1436, %iota3A : vector<16xi32>
      tpu.vector_store_idx %arg6[%sub3A_1427, %add3A_1437], %broadcast_in_dim3A_221 masked %and3A_1434 : memref<496x128xf32, #tpu.memory_space<vmem>>[vector<16xi32>, vector<16xi32>], vector<16xf32>, vector<16xi1>
      %get3A_1438 = arith.constant 464 : index
      %get3A_1439 = tpu.vector_load %arg4[%get3A_1438] {strides = array<i32>} : memref<896xi32, #tpu.memory_space<vmem>>, vector<16xi32>,
      %sub3A_1440 = arith.constant 504 : i32
      %sub3A_1441 = vector.broadcast %sub3A_1440 : i32 to vector<16xi32>
      %sub3A_1442 = arith.subi %get3A_1439, %sub3A_1441 : vector<16xi32>
      %ge3A_1443 = arith.constant 504 : i32
      %ge3A_1444 = vector.broadcast %ge3A_1443 : i32 to vector<16xi32>
      %ge3A_1445 = arith.cmpi sge, %get3A_1439, %ge3A_1444 : vector<16xi32>
      %lt3A_1446 = arith.constant 1000 : i32
      %lt3A_1447 = vector.broadcast %lt3A_1446 : i32 to vector<16xi32>
      %lt3A_1448 = arith.cmpi slt, %get3A_1439, %lt3A_1447 : vector<16xi32>
      %and3A_1449 = arith.andi %ge3A_1445, %lt3A_1448 : vector<16xi1>
      %add3A_1450 = arith.constant 80 : i32
      %add3A_1451 = vector.broadcast %add3A_1450 : i32 to vector<16xi32>
      %add3A_1452 = arith.addi %add3A_1451, %iota3A : vector<16xi32>
      tpu.vector_store_idx %arg6[%sub3A_1442, %add3A_1452], %broadcast_in_dim3A_221 masked %and3A_1449 : memref<496x128xf32, #tpu.memory_space<vmem>>[vector<16xi32>, vector<16xi32>], vector<16xf32>, vector<16xi1>
      %get3A_1453 = arith.constant 480 : index
      %get3A_1454 = tpu.vector_load %arg4[%get3A_1453] {strides = array<i32>} : memref<896xi32, #tpu.memory_space<vmem>>, vector<16xi32>,
      %sub3A_1455 = arith.constant 504 : i32
      %sub3A_1456 = vector.broadcast %sub3A_1455 : i32 to vector<16xi32>
      %sub3A_1457 = arith.subi %get3A_1454, %sub3A_1456 : vector<16xi32>
      %ge3A_1458 = arith.constant 504 : i32
      %ge3A_1459 = vector.broadcast %ge3A_1458 : i32 to vector<16xi32>
      %ge3A_1460 = arith.cmpi sge, %get3A_1454, %ge3A_1459 : vector<16xi32>
      %lt3A_1461 = arith.constant 1000 : i32
      %lt3A_1462 = vector.broadcast %lt3A_1461 : i32 to vector<16xi32>
      %lt3A_1463 = arith.cmpi slt, %get3A_1454, %lt3A_1462 : vector<16xi32>
      %and3A_1464 = arith.andi %ge3A_1460, %lt3A_1463 : vector<16xi1>
      %add3A_1465 = arith.constant 96 : i32
      %add3A_1466 = vector.broadcast %add3A_1465 : i32 to vector<16xi32>
      %add3A_1467 = arith.addi %add3A_1466, %iota3A : vector<16xi32>
      tpu.vector_store_idx %arg6[%sub3A_1457, %add3A_1467], %broadcast_in_dim3A_221 masked %and3A_1464 : memref<496x128xf32, #tpu.memory_space<vmem>>[vector<16xi32>, vector<16xi32>], vector<16xf32>, vector<16xi1>
      %get3A_1468 = arith.constant 496 : index
      %get3A_1469 = tpu.vector_load %arg4[%get3A_1468] {strides = array<i32>} : memref<896xi32, #tpu.memory_space<vmem>>, vector<16xi32>,
      %sub3A_1470 = arith.constant 504 : i32
      %sub3A_1471 = vector.broadcast %sub3A_1470 : i32 to vector<16xi32>
      %sub3A_1472 = arith.subi %get3A_1469, %sub3A_1471 : vector<16xi32>
      %ge3A_1473 = arith.constant 504 : i32
      %ge3A_1474 = vector.broadcast %ge3A_1473 : i32 to vector<16xi32>
      %ge3A_1475 = arith.cmpi sge, %get3A_1469, %ge3A_1474 : vector<16xi32>
      %lt3A_1476 = arith.constant 1000 : i32
      %lt3A_1477 = vector.broadcast %lt3A_1476 : i32 to vector<16xi32>
      %lt3A_1478 = arith.cmpi slt, %get3A_1469, %lt3A_1477 : vector<16xi32>
      %and3A_1479 = arith.andi %ge3A_1475, %lt3A_1478 : vector<16xi1>
      %add3A_1480 = arith.constant 112 : i32
      %add3A_1481 = vector.broadcast %add3A_1480 : i32 to vector<16xi32>
      %add3A_1482 = arith.addi %add3A_1481, %iota3A : vector<16xi32>
      tpu.vector_store_idx %arg6[%sub3A_1472, %add3A_1482], %broadcast_in_dim3A_221 masked %and3A_1479 : memref<496x128xf32, #tpu.memory_space<vmem>>[vector<16xi32>, vector<16xi32>], vector<16xf32>, vector<16xi1>
      %get3A_1483 = arith.constant 512 : index
      %get3A_1484 = tpu.vector_load %arg4[%get3A_1483] {strides = array<i32>} : memref<896xi32, #tpu.memory_space<vmem>>, vector<16xi32>,
      %sub3A_1485 = arith.constant 504 : i32
      %sub3A_1486 = vector.broadcast %sub3A_1485 : i32 to vector<16xi32>
      %sub3A_1487 = arith.subi %get3A_1484, %sub3A_1486 : vector<16xi32>
      %ge3A_1488 = arith.constant 504 : i32
      %ge3A_1489 = vector.broadcast %ge3A_1488 : i32 to vector<16xi32>
      %ge3A_1490 = arith.cmpi sge, %get3A_1484, %ge3A_1489 : vector<16xi32>
      %lt3A_1491 = arith.constant 1000 : i32
      %lt3A_1492 = vector.broadcast %lt3A_1491 : i32 to vector<16xi32>
      %lt3A_1493 = arith.cmpi slt, %get3A_1484, %lt3A_1492 : vector<16xi32>
      %and3A_1494 = arith.andi %ge3A_1490, %lt3A_1493 : vector<16xi1>
      %add3A_1495 = arith.constant 0 : i32
      %add3A_1496 = vector.broadcast %add3A_1495 : i32 to vector<16xi32>
      %add3A_1497 = arith.addi %add3A_1496, %iota3A : vector<16xi32>
      tpu.vector_store_idx %arg6[%sub3A_1487, %add3A_1497], %broadcast_in_dim3A_223 masked %and3A_1494 : memref<496x128xf32, #tpu.memory_space<vmem>>[vector<16xi32>, vector<16xi32>], vector<16xf32>, vector<16xi1>
      %get3A_1498 = arith.constant 528 : index
      %get3A_1499 = tpu.vector_load %arg4[%get3A_1498] {strides = array<i32>} : memref<896xi32, #tpu.memory_space<vmem>>, vector<16xi32>,
      %sub3A_1500 = arith.constant 504 : i32
      %sub3A_1501 = vector.broadcast %sub3A_1500 : i32 to vector<16xi32>
      %sub3A_1502 = arith.subi %get3A_1499, %sub3A_1501 : vector<16xi32>
      %ge3A_1503 = arith.constant 504 : i32
      %ge3A_1504 = vector.broadcast %ge3A_1503 : i32 to vector<16xi32>
      %ge3A_1505 = arith.cmpi sge, %get3A_1499, %ge3A_1504 : vector<16xi32>
      %lt3A_1506 = arith.constant 1000 : i32
      %lt3A_1507 = vector.broadcast %lt3A_1506 : i32 to vector<16xi32>
      %lt3A_1508 = arith.cmpi slt, %get3A_1499, %lt3A_1507 : vector<16xi32>
      %and3A_1509 = arith.andi %ge3A_1505, %lt3A_1508 : vector<16xi1>
      %add3A_1510 = arith.constant 16 : i32
      %add3A_1511 = vector.broadcast %add3A_1510 : i32 to vector<16xi32>
      %add3A_1512 = arith.addi %add3A_1511, %iota3A : vector<16xi32>
      tpu.vector_store_idx %arg6[%sub3A_1502, %add3A_1512], %broadcast_in_dim3A_223 masked %and3A_1509 : memref<496x128xf32, #tpu.memory_space<vmem>>[vector<16xi32>, vector<16xi32>], vector<16xf32>, vector<16xi1>
      %get3A_1513 = arith.constant 544 : index
      %get3A_1514 = tpu.vector_load %arg4[%get3A_1513] {strides = array<i32>} : memref<896xi32, #tpu.memory_space<vmem>>, vector<16xi32>,
      %sub3A_1515 = arith.constant 504 : i32
      %sub3A_1516 = vector.broadcast %sub3A_1515 : i32 to vector<16xi32>
      %sub3A_1517 = arith.subi %get3A_1514, %sub3A_1516 : vector<16xi32>
      %ge3A_1518 = arith.constant 504 : i32
      %ge3A_1519 = vector.broadcast %ge3A_1518 : i32 to vector<16xi32>
      %ge3A_1520 = arith.cmpi sge, %get3A_1514, %ge3A_1519 : vector<16xi32>
      %lt3A_1521 = arith.constant 1000 : i32
      %lt3A_1522 = vector.broadcast %lt3A_1521 : i32 to vector<16xi32>
      %lt3A_1523 = arith.cmpi slt, %get3A_1514, %lt3A_1522 : vector<16xi32>
      %and3A_1524 = arith.andi %ge3A_1520, %lt3A_1523 : vector<16xi1>
      %add3A_1525 = arith.constant 32 : i32
      %add3A_1526 = vector.broadcast %add3A_1525 : i32 to vector<16xi32>
      %add3A_1527 = arith.addi %add3A_1526, %iota3A : vector<16xi32>
      tpu.vector_store_idx %arg6[%sub3A_1517, %add3A_1527], %broadcast_in_dim3A_223 masked %and3A_1524 : memref<496x128xf32, #tpu.memory_space<vmem>>[vector<16xi32>, vector<16xi32>], vector<16xf32>, vector<16xi1>
      %get3A_1528 = arith.constant 560 : index
      %get3A_1529 = tpu.vector_load %arg4[%get3A_1528] {strides = array<i32>} : memref<896xi32, #tpu.memory_space<vmem>>, vector<16xi32>,
      %sub3A_1530 = arith.constant 504 : i32
      %sub3A_1531 = vector.broadcast %sub3A_1530 : i32 to vector<16xi32>
      %sub3A_1532 = arith.subi %get3A_1529, %sub3A_1531 : vector<16xi32>
      %ge3A_1533 = arith.constant 504 : i32
      %ge3A_1534 = vector.broadcast %ge3A_1533 : i32 to vector<16xi32>
      %ge3A_1535 = arith.cmpi sge, %get3A_1529, %ge3A_1534 : vector<16xi32>
      %lt3A_1536 = arith.constant 1000 : i32
      %lt3A_1537 = vector.broadcast %lt3A_1536 : i32 to vector<16xi32>
      %lt3A_1538 = arith.cmpi slt, %get3A_1529, %lt3A_1537 : vector<16xi32>
      %and3A_1539 = arith.andi %ge3A_1535, %lt3A_1538 : vector<16xi1>
      %add3A_1540 = arith.constant 48 : i32
      %add3A_1541 = vector.broadcast %add3A_1540 : i32 to vector<16xi32>
      %add3A_1542 = arith.addi %add3A_1541, %iota3A : vector<16xi32>
      tpu.vector_store_idx %arg6[%sub3A_1532, %add3A_1542], %broadcast_in_dim3A_223 masked %and3A_1539 : memref<496x128xf32, #tpu.memory_space<vmem>>[vector<16xi32>, vector<16xi32>], vector<16xf32>, vector<16xi1>
      %get3A_1543 = arith.constant 576 : index
      %get3A_1544 = tpu.vector_load %arg4[%get3A_1543] {strides = array<i32>} : memref<896xi32, #tpu.memory_space<vmem>>, vector<16xi32>,
      %sub3A_1545 = arith.constant 504 : i32
      %sub3A_1546 = vector.broadcast %sub3A_1545 : i32 to vector<16xi32>
      %sub3A_1547 = arith.subi %get3A_1544, %sub3A_1546 : vector<16xi32>
      %ge3A_1548 = arith.constant 504 : i32
      %ge3A_1549 = vector.broadcast %ge3A_1548 : i32 to vector<16xi32>
      %ge3A_1550 = arith.cmpi sge, %get3A_1544, %ge3A_1549 : vector<16xi32>
      %lt3A_1551 = arith.constant 1000 : i32
      %lt3A_1552 = vector.broadcast %lt3A_1551 : i32 to vector<16xi32>
      %lt3A_1553 = arith.cmpi slt, %get3A_1544, %lt3A_1552 : vector<16xi32>
      %and3A_1554 = arith.andi %ge3A_1550, %lt3A_1553 : vector<16xi1>
      %add3A_1555 = arith.constant 64 : i32
      %add3A_1556 = vector.broadcast %add3A_1555 : i32 to vector<16xi32>
      %add3A_1557 = arith.addi %add3A_1556, %iota3A : vector<16xi32>
      tpu.vector_store_idx %arg6[%sub3A_1547, %add3A_1557], %broadcast_in_dim3A_223 masked %and3A_1554 : memref<496x128xf32, #tpu.memory_space<vmem>>[vector<16xi32>, vector<16xi32>], vector<16xf32>, vector<16xi1>
      %get3A_1558 = arith.constant 592 : index
      %get3A_1559 = tpu.vector_load %arg4[%get3A_1558] {strides = array<i32>} : memref<896xi32, #tpu.memory_space<vmem>>, vector<16xi32>,
      %sub3A_1560 = arith.constant 504 : i32
      %sub3A_1561 = vector.broadcast %sub3A_1560 : i32 to vector<16xi32>
      %sub3A_1562 = arith.subi %get3A_1559, %sub3A_1561 : vector<16xi32>
      %ge3A_1563 = arith.constant 504 : i32
      %ge3A_1564 = vector.broadcast %ge3A_1563 : i32 to vector<16xi32>
      %ge3A_1565 = arith.cmpi sge, %get3A_1559, %ge3A_1564 : vector<16xi32>
      %lt3A_1566 = arith.constant 1000 : i32
      %lt3A_1567 = vector.broadcast %lt3A_1566 : i32 to vector<16xi32>
      %lt3A_1568 = arith.cmpi slt, %get3A_1559, %lt3A_1567 : vector<16xi32>
      %and3A_1569 = arith.andi %ge3A_1565, %lt3A_1568 : vector<16xi1>
      %add3A_1570 = arith.constant 80 : i32
      %add3A_1571 = vector.broadcast %add3A_1570 : i32 to vector<16xi32>
      %add3A_1572 = arith.addi %add3A_1571, %iota3A : vector<16xi32>
      tpu.vector_store_idx %arg6[%sub3A_1562, %add3A_1572], %broadcast_in_dim3A_223 masked %and3A_1569 : memref<496x128xf32, #tpu.memory_space<vmem>>[vector<16xi32>, vector<16xi32>], vector<16xf32>, vector<16xi1>
      %get3A_1573 = arith.constant 608 : index
      %get3A_1574 = tpu.vector_load %arg4[%get3A_1573] {strides = array<i32>} : memref<896xi32, #tpu.memory_space<vmem>>, vector<16xi32>,
      %sub3A_1575 = arith.constant 504 : i32
      %sub3A_1576 = vector.broadcast %sub3A_1575 : i32 to vector<16xi32>
      %sub3A_1577 = arith.subi %get3A_1574, %sub3A_1576 : vector<16xi32>
      %ge3A_1578 = arith.constant 504 : i32
      %ge3A_1579 = vector.broadcast %ge3A_1578 : i32 to vector<16xi32>
      %ge3A_1580 = arith.cmpi sge, %get3A_1574, %ge3A_1579 : vector<16xi32>
      %lt3A_1581 = arith.constant 1000 : i32
      %lt3A_1582 = vector.broadcast %lt3A_1581 : i32 to vector<16xi32>
      %lt3A_1583 = arith.cmpi slt, %get3A_1574, %lt3A_1582 : vector<16xi32>
      %and3A_1584 = arith.andi %ge3A_1580, %lt3A_1583 : vector<16xi1>
      %add3A_1585 = arith.constant 96 : i32
      %add3A_1586 = vector.broadcast %add3A_1585 : i32 to vector<16xi32>
      %add3A_1587 = arith.addi %add3A_1586, %iota3A : vector<16xi32>
      tpu.vector_store_idx %arg6[%sub3A_1577, %add3A_1587], %broadcast_in_dim3A_223 masked %and3A_1584 : memref<496x128xf32, #tpu.memory_space<vmem>>[vector<16xi32>, vector<16xi32>], vector<16xf32>, vector<16xi1>
      %get3A_1588 = arith.constant 624 : index
      %get3A_1589 = tpu.vector_load %arg4[%get3A_1588] {strides = array<i32>} : memref<896xi32, #tpu.memory_space<vmem>>, vector<16xi32>,
      %sub3A_1590 = arith.constant 504 : i32
      %sub3A_1591 = vector.broadcast %sub3A_1590 : i32 to vector<16xi32>
      %sub3A_1592 = arith.subi %get3A_1589, %sub3A_1591 : vector<16xi32>
      %ge3A_1593 = arith.constant 504 : i32
      %ge3A_1594 = vector.broadcast %ge3A_1593 : i32 to vector<16xi32>
      %ge3A_1595 = arith.cmpi sge, %get3A_1589, %ge3A_1594 : vector<16xi32>
      %lt3A_1596 = arith.constant 1000 : i32
      %lt3A_1597 = vector.broadcast %lt3A_1596 : i32 to vector<16xi32>
      %lt3A_1598 = arith.cmpi slt, %get3A_1589, %lt3A_1597 : vector<16xi32>
      %and3A_1599 = arith.andi %ge3A_1595, %lt3A_1598 : vector<16xi1>
      %add3A_1600 = arith.constant 112 : i32
      %add3A_1601 = vector.broadcast %add3A_1600 : i32 to vector<16xi32>
      %add3A_1602 = arith.addi %add3A_1601, %iota3A : vector<16xi32>
      tpu.vector_store_idx %arg6[%sub3A_1592, %add3A_1602], %broadcast_in_dim3A_223 masked %and3A_1599 : memref<496x128xf32, #tpu.memory_space<vmem>>[vector<16xi32>, vector<16xi32>], vector<16xf32>, vector<16xi1>
      %mul3A_1603 = arith.constant 128 : i32
      %mul3A_1604 = arith.muli %rem3A_873, %mul3A_1603 : i32
      %dma_start3A_1605 = arith.constant 504 : i32
      %dma_start3A_1606 = tpu.memref_slice %arg3[%select_n3A_871, %dma_start3A_1605, %mul3A_1604] : memref<26x1000x1024xf32, #tpu.memory_space<hbm>> -> memref<1x496x128xf32, #tpu.memory_space<hbm>>
      %dma_start3A_1607 = tpu.memref_squeeze %dma_start3A_1606 : memref<1x496x128xf32, #tpu.memory_space<hbm>> -> memref<496x128xf32, #tpu.memory_space<hbm>>
      %dma_start3A_1608 = arith.constant 504 : i32
      %dma_start3A_1609 = tpu.memref_slice %arg3[%select_n3A_871, %dma_start3A_1608, %mul3A_1604] : memref<26x1000x1024xf32, #tpu.memory_space<hbm>> -> memref<1x496x128xf32, #tpu.memory_space<hbm>>
      %dma_start3A_1610 = tpu.memref_squeeze %dma_start3A_1609 : memref<1x496x128xf32, #tpu.memory_space<hbm>> -> memref<496x128xf32, #tpu.memory_space<hbm>>
      tpu.enqueue_dma source(%arg6 : memref<496x128xf32, #tpu.memory_space<vmem>>) target(%dma_start3A_1610 : memref<496x128xf32, #tpu.memory_space<hbm>>) target_semaphore(%arg9 : memref<!tpu.dma_semaphore, #tpu.memory_space<semaphore_mem>>)
    } else {
    }
    %add3A_879 = arith.constant 160 : i32
    %add3A_880 = arith.addi %add3A, %add3A_879 : i32
    %jit3A_881 = arith.constant 8 : i32
    %div3A_882 = arith.divsi %add3A_880, %jit3A_881 : i32
    %sign3A_883 = arith.constant 0 : i32
    %sign3A_884 = arith.cmpi sgt, %add3A_880, %sign3A_883 : i32
    %sign3A_885 = arith.extui %sign3A_884 : i1 to i32
    %sign3A_886 = arith.constant 0 : i32
    %sign3A_887 = arith.cmpi slt, %add3A_880, %sign3A_886 : i32
    %sign3A_888 = arith.extui %sign3A_887 : i1 to i32
    %sign3A_889 = arith.subi %sign3A_885, %sign3A_888 : i32
    %sign3A_890 = arith.constant 0 : i32
    %sign3A_891 = arith.cmpi sgt, %jit3A_881, %sign3A_890 : i32
    %sign3A_892 = arith.extui %sign3A_891 : i1 to i32
    %sign3A_893 = arith.constant 0 : i32
    %sign3A_894 = arith.cmpi slt, %jit3A_881, %sign3A_893 : i32
    %sign3A_895 = arith.extui %sign3A_894 : i1 to i32
    %sign3A_896 = arith.subi %sign3A_892, %sign3A_895 : i32
    %ne3A_897 = arith.cmpi ne, %sign3A_889, %sign3A_896 : i32
    %rem3A_898 = arith.remsi %add3A_880, %jit3A_881 : i32
    %ne3A_899 = arith.constant 0 : i32
    %ne3A_900 = arith.cmpi ne, %rem3A_898, %ne3A_899 : i32
    %and3A_901 = arith.andi %ne3A_897, %ne3A_900 : i1
    %sub3A_902 = arith.constant 1 : i32
    %sub3A_903 = arith.subi %div3A_882, %sub3A_902 : i32
    %select_n3A_904 = arith.select %and3A_901, %sub3A_903, %div3A_882 : i32
    %rem3A_905 = arith.constant 8 : i32
    %rem3A_906 = arith.remsi %add3A_880, %rem3A_905 : i32
    %lt3A_907 = arith.constant 208 : i32
    %lt3A_908 = arith.cmpi slt, %add3A_880, %lt3A_907 : i32
    %convert_element_type3A_909 = arith.extui %lt3A_908 : i1 to i32
    %cond3A_910 = arith.constant 0 : i32
    %cond3A_911 = arith.cmpi ne, %convert_element_type3A_909, %cond3A_910 : i32
    scf.if %cond3A_911 {
      %add3A_1044 = arith.constant 128 : i32
      %add3A_1045 = arith.addi %add3A, %add3A_1044 : i32
      %jit3A_1046 = arith.constant 8 : i32
      %div3A_1047 = arith.divsi %add3A_1045, %jit3A_1046 : i32
      %sign3A_1048 = arith.constant 0 : i32
      %sign3A_1049 = arith.cmpi sgt, %add3A_1045, %sign3A_1048 : i32
      %sign3A_1050 = arith.extui %sign3A_1049 : i1 to i32
      %sign3A_1051 = arith.constant 0 : i32
      %sign3A_1052 = arith.cmpi slt, %add3A_1045, %sign3A_1051 : i32
      %sign3A_1053 = arith.extui %sign3A_1052 : i1 to i32
      %sign3A_1054 = arith.subi %sign3A_1050, %sign3A_1053 : i32
      %sign3A_1055 = arith.constant 0 : i32
      %sign3A_1056 = arith.cmpi sgt, %jit3A_1046, %sign3A_1055 : i32
      %sign3A_1057 = arith.extui %sign3A_1056 : i1 to i32
      %sign3A_1058 = arith.constant 0 : i32
      %sign3A_1059 = arith.cmpi slt, %jit3A_1046, %sign3A_1058 : i32
      %sign3A_1060 = arith.extui %sign3A_1059 : i1 to i32
      %sign3A_1061 = arith.subi %sign3A_1057, %sign3A_1060 : i32
      %ne3A_1062 = arith.cmpi ne, %sign3A_1054, %sign3A_1061 : i32
      %rem3A_1063 = arith.remsi %add3A_1045, %jit3A_1046 : i32
      %ne3A_1064 = arith.constant 0 : i32
      %ne3A_1065 = arith.cmpi ne, %rem3A_1063, %ne3A_1064 : i32
      %and3A_1066 = arith.andi %ne3A_1062, %ne3A_1065 : i1
      %sub3A_1067 = arith.constant 1 : i32
      %sub3A_1068 = arith.subi %div3A_1047, %sub3A_1067 : i32
      %select_n3A_1069 = arith.select %and3A_1066, %sub3A_1068, %div3A_1047 : i32
      %rem3A_1070 = arith.constant 8 : i32
      %rem3A_1071 = arith.remsi %add3A_1045, %rem3A_1070 : i32
      %mul3A_1072 = arith.constant 128 : i32
      %mul3A_1073 = arith.muli %rem3A_1071, %mul3A_1072 : i32
      %dma_wait3A = arith.constant 0 : i32
      %dma_wait3A_1074 = tpu.memref_slice %arg3[%select_n3A_1069, %dma_wait3A, %mul3A_1073] : memref<26x1000x1024xf32, #tpu.memory_space<hbm>> -> memref<1x504x128xf32, #tpu.memory_space<hbm>>
      %dma_wait3A_1075 = tpu.memref_squeeze %dma_wait3A_1074 : memref<1x504x128xf32, #tpu.memory_space<hbm>> -> memref<504x128xf32, #tpu.memory_space<hbm>>
      %dma_wait3A_1076 = arith.constant 0 : i32
      %dma_wait3A_1077 = tpu.memref_slice %arg3[%select_n3A_1069, %dma_wait3A_1076, %mul3A_1073] : memref<26x1000x1024xf32, #tpu.memory_space<hbm>> -> memref<1x504x128xf32, #tpu.memory_space<hbm>>
      %dma_wait3A_1078 = tpu.memref_squeeze %dma_wait3A_1077 : memref<1x504x128xf32, #tpu.memory_space<hbm>> -> memref<504x128xf32, #tpu.memory_space<hbm>>
      tpu.wait_dma2 semaphore(%arg8 : memref<!tpu.dma_semaphore, #tpu.memory_space<semaphore_mem>>) src(%arg5 : memref<504x128xf32, #tpu.memory_space<vmem>>) dst(%dma_wait3A_1078 : memref<504x128xf32, #tpu.memory_space<hbm>>)
      %get3A_1079 = arith.constant 512 : index
      %get3A_1080 = tpu.vector_load %arg4[%get3A_1079] {strides = array<i32>} : memref<896xi32, #tpu.memory_space<vmem>>, vector<16xi32>,
      %sub3A_1081 = arith.constant 0 : i32
      %sub3A_1082 = vector.broadcast %sub3A_1081 : i32 to vector<16xi32>
      %sub3A_1083 = arith.subi %get3A_1080, %sub3A_1082 : vector<16xi32>
      %ge3A_1084 = arith.constant 0 : i32
      %ge3A_1085 = vector.broadcast %ge3A_1084 : i32 to vector<16xi32>
      %ge3A_1086 = arith.cmpi sge, %get3A_1080, %ge3A_1085 : vector<16xi32>
      %lt3A_1087 = arith.constant 504 : i32
      %lt3A_1088 = vector.broadcast %lt3A_1087 : i32 to vector<16xi32>
      %lt3A_1089 = arith.cmpi slt, %get3A_1080, %lt3A_1088 : vector<16xi32>
      %and3A_1090 = arith.andi %ge3A_1086, %lt3A_1089 : vector<16xi1>
      %add3A_1091 = arith.constant 0 : i32
      %add3A_1092 = vector.broadcast %add3A_1091 : i32 to vector<16xi32>
      %add3A_1093 = arith.addi %add3A_1092, %iota3A : vector<16xi32>
      tpu.vector_store_idx %arg5[%sub3A_1083, %add3A_1093], %broadcast_in_dim3A_221 masked %and3A_1090 : memref<504x128xf32, #tpu.memory_space<vmem>>[vector<16xi32>, vector<16xi32>], vector<16xf32>, vector<16xi1>
      %get3A_1094 = arith.constant 528 : index
      %get3A_1095 = tpu.vector_load %arg4[%get3A_1094] {strides = array<i32>} : memref<896xi32, #tpu.memory_space<vmem>>, vector<16xi32>,
      %sub3A_1096 = arith.constant 0 : i32
      %sub3A_1097 = vector.broadcast %sub3A_1096 : i32 to vector<16xi32>
      %sub3A_1098 = arith.subi %get3A_1095, %sub3A_1097 : vector<16xi32>
      %ge3A_1099 = arith.constant 0 : i32
      %ge3A_1100 = vector.broadcast %ge3A_1099 : i32 to vector<16xi32>
      %ge3A_1101 = arith.cmpi sge, %get3A_1095, %ge3A_1100 : vector<16xi32>
      %lt3A_1102 = arith.constant 504 : i32
      %lt3A_1103 = vector.broadcast %lt3A_1102 : i32 to vector<16xi32>
      %lt3A_1104 = arith.cmpi slt, %get3A_1095, %lt3A_1103 : vector<16xi32>
      %and3A_1105 = arith.andi %ge3A_1101, %lt3A_1104 : vector<16xi1>
      %add3A_1106 = arith.constant 16 : i32
      %add3A_1107 = vector.broadcast %add3A_1106 : i32 to vector<16xi32>
      %add3A_1108 = arith.addi %add3A_1107, %iota3A : vector<16xi32>
      tpu.vector_store_idx %arg5[%sub3A_1098, %add3A_1108], %broadcast_in_dim3A_221 masked %and3A_1105 : memref<504x128xf32, #tpu.memory_space<vmem>>[vector<16xi32>, vector<16xi32>], vector<16xf32>, vector<16xi1>
      %get3A_1109 = arith.constant 544 : index
      %get3A_1110 = tpu.vector_load %arg4[%get3A_1109] {strides = array<i32>} : memref<896xi32, #tpu.memory_space<vmem>>, vector<16xi32>,
      %sub3A_1111 = arith.constant 0 : i32
      %sub3A_1112 = vector.broadcast %sub3A_1111 : i32 to vector<16xi32>
      %sub3A_1113 = arith.subi %get3A_1110, %sub3A_1112 : vector<16xi32>
      %ge3A_1114 = arith.constant 0 : i32
      %ge3A_1115 = vector.broadcast %ge3A_1114 : i32 to vector<16xi32>
      %ge3A_1116 = arith.cmpi sge, %get3A_1110, %ge3A_1115 : vector<16xi32>
      %lt3A_1117 = arith.constant 504 : i32
      %lt3A_1118 = vector.broadcast %lt3A_1117 : i32 to vector<16xi32>
      %lt3A_1119 = arith.cmpi slt, %get3A_1110, %lt3A_1118 : vector<16xi32>
      %and3A_1120 = arith.andi %ge3A_1116, %lt3A_1119 : vector<16xi1>
      %add3A_1121 = arith.constant 32 : i32
      %add3A_1122 = vector.broadcast %add3A_1121 : i32 to vector<16xi32>
      %add3A_1123 = arith.addi %add3A_1122, %iota3A : vector<16xi32>
      tpu.vector_store_idx %arg5[%sub3A_1113, %add3A_1123], %broadcast_in_dim3A_221 masked %and3A_1120 : memref<504x128xf32, #tpu.memory_space<vmem>>[vector<16xi32>, vector<16xi32>], vector<16xf32>, vector<16xi1>
      %get3A_1124 = arith.constant 560 : index
      %get3A_1125 = tpu.vector_load %arg4[%get3A_1124] {strides = array<i32>} : memref<896xi32, #tpu.memory_space<vmem>>, vector<16xi32>,
      %sub3A_1126 = arith.constant 0 : i32
      %sub3A_1127 = vector.broadcast %sub3A_1126 : i32 to vector<16xi32>
      %sub3A_1128 = arith.subi %get3A_1125, %sub3A_1127 : vector<16xi32>
      %ge3A_1129 = arith.constant 0 : i32
      %ge3A_1130 = vector.broadcast %ge3A_1129 : i32 to vector<16xi32>
      %ge3A_1131 = arith.cmpi sge, %get3A_1125, %ge3A_1130 : vector<16xi32>
      %lt3A_1132 = arith.constant 504 : i32
      %lt3A_1133 = vector.broadcast %lt3A_1132 : i32 to vector<16xi32>
      %lt3A_1134 = arith.cmpi slt, %get3A_1125, %lt3A_1133 : vector<16xi32>
      %and3A_1135 = arith.andi %ge3A_1131, %lt3A_1134 : vector<16xi1>
      %add3A_1136 = arith.constant 48 : i32
      %add3A_1137 = vector.broadcast %add3A_1136 : i32 to vector<16xi32>
      %add3A_1138 = arith.addi %add3A_1137, %iota3A : vector<16xi32>
      tpu.vector_store_idx %arg5[%sub3A_1128, %add3A_1138], %broadcast_in_dim3A_221 masked %and3A_1135 : memref<504x128xf32, #tpu.memory_space<vmem>>[vector<16xi32>, vector<16xi32>], vector<16xf32>, vector<16xi1>
      %get3A_1139 = arith.constant 576 : index
      %get3A_1140 = tpu.vector_load %arg4[%get3A_1139] {strides = array<i32>} : memref<896xi32, #tpu.memory_space<vmem>>, vector<16xi32>,
      %sub3A_1141 = arith.constant 0 : i32
      %sub3A_1142 = vector.broadcast %sub3A_1141 : i32 to vector<16xi32>
      %sub3A_1143 = arith.subi %get3A_1140, %sub3A_1142 : vector<16xi32>
      %ge3A_1144 = arith.constant 0 : i32
      %ge3A_1145 = vector.broadcast %ge3A_1144 : i32 to vector<16xi32>
      %ge3A_1146 = arith.cmpi sge, %get3A_1140, %ge3A_1145 : vector<16xi32>
      %lt3A_1147 = arith.constant 504 : i32
      %lt3A_1148 = vector.broadcast %lt3A_1147 : i32 to vector<16xi32>
      %lt3A_1149 = arith.cmpi slt, %get3A_1140, %lt3A_1148 : vector<16xi32>
      %and3A_1150 = arith.andi %ge3A_1146, %lt3A_1149 : vector<16xi1>
      %add3A_1151 = arith.constant 64 : i32
      %add3A_1152 = vector.broadcast %add3A_1151 : i32 to vector<16xi32>
      %add3A_1153 = arith.addi %add3A_1152, %iota3A : vector<16xi32>
      tpu.vector_store_idx %arg5[%sub3A_1143, %add3A_1153], %broadcast_in_dim3A_221 masked %and3A_1150 : memref<504x128xf32, #tpu.memory_space<vmem>>[vector<16xi32>, vector<16xi32>], vector<16xf32>, vector<16xi1>
      %get3A_1154 = arith.constant 592 : index
      %get3A_1155 = tpu.vector_load %arg4[%get3A_1154] {strides = array<i32>} : memref<896xi32, #tpu.memory_space<vmem>>, vector<16xi32>,
      %sub3A_1156 = arith.constant 0 : i32
      %sub3A_1157 = vector.broadcast %sub3A_1156 : i32 to vector<16xi32>
      %sub3A_1158 = arith.subi %get3A_1155, %sub3A_1157 : vector<16xi32>
      %ge3A_1159 = arith.constant 0 : i32
      %ge3A_1160 = vector.broadcast %ge3A_1159 : i32 to vector<16xi32>
      %ge3A_1161 = arith.cmpi sge, %get3A_1155, %ge3A_1160 : vector<16xi32>
      %lt3A_1162 = arith.constant 504 : i32
      %lt3A_1163 = vector.broadcast %lt3A_1162 : i32 to vector<16xi32>
      %lt3A_1164 = arith.cmpi slt, %get3A_1155, %lt3A_1163 : vector<16xi32>
      %and3A_1165 = arith.andi %ge3A_1161, %lt3A_1164 : vector<16xi1>
      %add3A_1166 = arith.constant 80 : i32
      %add3A_1167 = vector.broadcast %add3A_1166 : i32 to vector<16xi32>
      %add3A_1168 = arith.addi %add3A_1167, %iota3A : vector<16xi32>
      tpu.vector_store_idx %arg5[%sub3A_1158, %add3A_1168], %broadcast_in_dim3A_221 masked %and3A_1165 : memref<504x128xf32, #tpu.memory_space<vmem>>[vector<16xi32>, vector<16xi32>], vector<16xf32>, vector<16xi1>
      %get3A_1169 = arith.constant 608 : index
      %get3A_1170 = tpu.vector_load %arg4[%get3A_1169] {strides = array<i32>} : memref<896xi32, #tpu.memory_space<vmem>>, vector<16xi32>,
      %sub3A_1171 = arith.constant 0 : i32
      %sub3A_1172 = vector.broadcast %sub3A_1171 : i32 to vector<16xi32>
      %sub3A_1173 = arith.subi %get3A_1170, %sub3A_1172 : vector<16xi32>
      %ge3A_1174 = arith.constant 0 : i32
      %ge3A_1175 = vector.broadcast %ge3A_1174 : i32 to vector<16xi32>
      %ge3A_1176 = arith.cmpi sge, %get3A_1170, %ge3A_1175 : vector<16xi32>
      %lt3A_1177 = arith.constant 504 : i32
      %lt3A_1178 = vector.broadcast %lt3A_1177 : i32 to vector<16xi32>
      %lt3A_1179 = arith.cmpi slt, %get3A_1170, %lt3A_1178 : vector<16xi32>
      %and3A_1180 = arith.andi %ge3A_1176, %lt3A_1179 : vector<16xi1>
      %add3A_1181 = arith.constant 96 : i32
      %add3A_1182 = vector.broadcast %add3A_1181 : i32 to vector<16xi32>
      %add3A_1183 = arith.addi %add3A_1182, %iota3A : vector<16xi32>
      tpu.vector_store_idx %arg5[%sub3A_1173, %add3A_1183], %broadcast_in_dim3A_221 masked %and3A_1180 : memref<504x128xf32, #tpu.memory_space<vmem>>[vector<16xi32>, vector<16xi32>], vector<16xf32>, vector<16xi1>
      %get3A_1184 = arith.constant 624 : index
      %get3A_1185 = tpu.vector_load %arg4[%get3A_1184] {strides = array<i32>} : memref<896xi32, #tpu.memory_space<vmem>>, vector<16xi32>,
      %sub3A_1186 = arith.constant 0 : i32
      %sub3A_1187 = vector.broadcast %sub3A_1186 : i32 to vector<16xi32>
      %sub3A_1188 = arith.subi %get3A_1185, %sub3A_1187 : vector<16xi32>
      %ge3A_1189 = arith.constant 0 : i32
      %ge3A_1190 = vector.broadcast %ge3A_1189 : i32 to vector<16xi32>
      %ge3A_1191 = arith.cmpi sge, %get3A_1185, %ge3A_1190 : vector<16xi32>
      %lt3A_1192 = arith.constant 504 : i32
      %lt3A_1193 = vector.broadcast %lt3A_1192 : i32 to vector<16xi32>
      %lt3A_1194 = arith.cmpi slt, %get3A_1185, %lt3A_1193 : vector<16xi32>
      %and3A_1195 = arith.andi %ge3A_1191, %lt3A_1194 : vector<16xi1>
      %add3A_1196 = arith.constant 112 : i32
      %add3A_1197 = vector.broadcast %add3A_1196 : i32 to vector<16xi32>
      %add3A_1198 = arith.addi %add3A_1197, %iota3A : vector<16xi32>
      tpu.vector_store_idx %arg5[%sub3A_1188, %add3A_1198], %broadcast_in_dim3A_221 masked %and3A_1195 : memref<504x128xf32, #tpu.memory_space<vmem>>[vector<16xi32>, vector<16xi32>], vector<16xf32>, vector<16xi1>
      %get3A_1199 = arith.constant 640 : index
      %get3A_1200 = tpu.vector_load %arg4[%get3A_1199] {strides = array<i32>} : memref<896xi32, #tpu.memory_space<vmem>>, vector<16xi32>,
      %sub3A_1201 = arith.constant 0 : i32
      %sub3A_1202 = vector.broadcast %sub3A_1201 : i32 to vector<16xi32>
      %sub3A_1203 = arith.subi %get3A_1200, %sub3A_1202 : vector<16xi32>
      %ge3A_1204 = arith.constant 0 : i32
      %ge3A_1205 = vector.broadcast %ge3A_1204 : i32 to vector<16xi32>
      %ge3A_1206 = arith.cmpi sge, %get3A_1200, %ge3A_1205 : vector<16xi32>
      %lt3A_1207 = arith.constant 504 : i32
      %lt3A_1208 = vector.broadcast %lt3A_1207 : i32 to vector<16xi32>
      %lt3A_1209 = arith.cmpi slt, %get3A_1200, %lt3A_1208 : vector<16xi32>
      %and3A_1210 = arith.andi %ge3A_1206, %lt3A_1209 : vector<16xi1>
      %add3A_1211 = arith.constant 0 : i32
      %add3A_1212 = vector.broadcast %add3A_1211 : i32 to vector<16xi32>
      %add3A_1213 = arith.addi %add3A_1212, %iota3A : vector<16xi32>
      tpu.vector_store_idx %arg5[%sub3A_1203, %add3A_1213], %broadcast_in_dim3A_223 masked %and3A_1210 : memref<504x128xf32, #tpu.memory_space<vmem>>[vector<16xi32>, vector<16xi32>], vector<16xf32>, vector<16xi1>
      %get3A_1214 = arith.constant 656 : index
      %get3A_1215 = tpu.vector_load %arg4[%get3A_1214] {strides = array<i32>} : memref<896xi32, #tpu.memory_space<vmem>>, vector<16xi32>,
      %sub3A_1216 = arith.constant 0 : i32
      %sub3A_1217 = vector.broadcast %sub3A_1216 : i32 to vector<16xi32>
      %sub3A_1218 = arith.subi %get3A_1215, %sub3A_1217 : vector<16xi32>
      %ge3A_1219 = arith.constant 0 : i32
      %ge3A_1220 = vector.broadcast %ge3A_1219 : i32 to vector<16xi32>
      %ge3A_1221 = arith.cmpi sge, %get3A_1215, %ge3A_1220 : vector<16xi32>
      %lt3A_1222 = arith.constant 504 : i32
      %lt3A_1223 = vector.broadcast %lt3A_1222 : i32 to vector<16xi32>
      %lt3A_1224 = arith.cmpi slt, %get3A_1215, %lt3A_1223 : vector<16xi32>
      %and3A_1225 = arith.andi %ge3A_1221, %lt3A_1224 : vector<16xi1>
      %add3A_1226 = arith.constant 16 : i32
      %add3A_1227 = vector.broadcast %add3A_1226 : i32 to vector<16xi32>
      %add3A_1228 = arith.addi %add3A_1227, %iota3A : vector<16xi32>
      tpu.vector_store_idx %arg5[%sub3A_1218, %add3A_1228], %broadcast_in_dim3A_223 masked %and3A_1225 : memref<504x128xf32, #tpu.memory_space<vmem>>[vector<16xi32>, vector<16xi32>], vector<16xf32>, vector<16xi1>
      %get3A_1229 = arith.constant 672 : index
      %get3A_1230 = tpu.vector_load %arg4[%get3A_1229] {strides = array<i32>} : memref<896xi32, #tpu.memory_space<vmem>>, vector<16xi32>,
      %sub3A_1231 = arith.constant 0 : i32
      %sub3A_1232 = vector.broadcast %sub3A_1231 : i32 to vector<16xi32>
      %sub3A_1233 = arith.subi %get3A_1230, %sub3A_1232 : vector<16xi32>
      %ge3A_1234 = arith.constant 0 : i32
      %ge3A_1235 = vector.broadcast %ge3A_1234 : i32 to vector<16xi32>
      %ge3A_1236 = arith.cmpi sge, %get3A_1230, %ge3A_1235 : vector<16xi32>
      %lt3A_1237 = arith.constant 504 : i32
      %lt3A_1238 = vector.broadcast %lt3A_1237 : i32 to vector<16xi32>
      %lt3A_1239 = arith.cmpi slt, %get3A_1230, %lt3A_1238 : vector<16xi32>
      %and3A_1240 = arith.andi %ge3A_1236, %lt3A_1239 : vector<16xi1>
      %add3A_1241 = arith.constant 32 : i32
      %add3A_1242 = vector.broadcast %add3A_1241 : i32 to vector<16xi32>
      %add3A_1243 = arith.addi %add3A_1242, %iota3A : vector<16xi32>
      tpu.vector_store_idx %arg5[%sub3A_1233, %add3A_1243], %broadcast_in_dim3A_223 masked %and3A_1240 : memref<504x128xf32, #tpu.memory_space<vmem>>[vector<16xi32>, vector<16xi32>], vector<16xf32>, vector<16xi1>
      %get3A_1244 = arith.constant 688 : index
      %get3A_1245 = tpu.vector_load %arg4[%get3A_1244] {strides = array<i32>} : memref<896xi32, #tpu.memory_space<vmem>>, vector<16xi32>,
      %sub3A_1246 = arith.constant 0 : i32
      %sub3A_1247 = vector.broadcast %sub3A_1246 : i32 to vector<16xi32>
      %sub3A_1248 = arith.subi %get3A_1245, %sub3A_1247 : vector<16xi32>
      %ge3A_1249 = arith.constant 0 : i32
      %ge3A_1250 = vector.broadcast %ge3A_1249 : i32 to vector<16xi32>
      %ge3A_1251 = arith.cmpi sge, %get3A_1245, %ge3A_1250 : vector<16xi32>
      %lt3A_1252 = arith.constant 504 : i32
      %lt3A_1253 = vector.broadcast %lt3A_1252 : i32 to vector<16xi32>
      %lt3A_1254 = arith.cmpi slt, %get3A_1245, %lt3A_1253 : vector<16xi32>
      %and3A_1255 = arith.andi %ge3A_1251, %lt3A_1254 : vector<16xi1>
      %add3A_1256 = arith.constant 48 : i32
      %add3A_1257 = vector.broadcast %add3A_1256 : i32 to vector<16xi32>
      %add3A_1258 = arith.addi %add3A_1257, %iota3A : vector<16xi32>
      tpu.vector_store_idx %arg5[%sub3A_1248, %add3A_1258], %broadcast_in_dim3A_223 masked %and3A_1255 : memref<504x128xf32, #tpu.memory_space<vmem>>[vector<16xi32>, vector<16xi32>], vector<16xf32>, vector<16xi1>
      %get3A_1259 = arith.constant 704 : index
      %get3A_1260 = tpu.vector_load %arg4[%get3A_1259] {strides = array<i32>} : memref<896xi32, #tpu.memory_space<vmem>>, vector<16xi32>,
      %sub3A_1261 = arith.constant 0 : i32
      %sub3A_1262 = vector.broadcast %sub3A_1261 : i32 to vector<16xi32>
      %sub3A_1263 = arith.subi %get3A_1260, %sub3A_1262 : vector<16xi32>
      %ge3A_1264 = arith.constant 0 : i32
      %ge3A_1265 = vector.broadcast %ge3A_1264 : i32 to vector<16xi32>
      %ge3A_1266 = arith.cmpi sge, %get3A_1260, %ge3A_1265 : vector<16xi32>
      %lt3A_1267 = arith.constant 504 : i32
      %lt3A_1268 = vector.broadcast %lt3A_1267 : i32 to vector<16xi32>
      %lt3A_1269 = arith.cmpi slt, %get3A_1260, %lt3A_1268 : vector<16xi32>
      %and3A_1270 = arith.andi %ge3A_1266, %lt3A_1269 : vector<16xi1>
      %add3A_1271 = arith.constant 64 : i32
      %add3A_1272 = vector.broadcast %add3A_1271 : i32 to vector<16xi32>
      %add3A_1273 = arith.addi %add3A_1272, %iota3A : vector<16xi32>
      tpu.vector_store_idx %arg5[%sub3A_1263, %add3A_1273], %broadcast_in_dim3A_223 masked %and3A_1270 : memref<504x128xf32, #tpu.memory_space<vmem>>[vector<16xi32>, vector<16xi32>], vector<16xf32>, vector<16xi1>
      %get3A_1274 = arith.constant 720 : index
      %get3A_1275 = tpu.vector_load %arg4[%get3A_1274] {strides = array<i32>} : memref<896xi32, #tpu.memory_space<vmem>>, vector<16xi32>,
      %sub3A_1276 = arith.constant 0 : i32
      %sub3A_1277 = vector.broadcast %sub3A_1276 : i32 to vector<16xi32>
      %sub3A_1278 = arith.subi %get3A_1275, %sub3A_1277 : vector<16xi32>
      %ge3A_1279 = arith.constant 0 : i32
      %ge3A_1280 = vector.broadcast %ge3A_1279 : i32 to vector<16xi32>
      %ge3A_1281 = arith.cmpi sge, %get3A_1275, %ge3A_1280 : vector<16xi32>
      %lt3A_1282 = arith.constant 504 : i32
      %lt3A_1283 = vector.broadcast %lt3A_1282 : i32 to vector<16xi32>
      %lt3A_1284 = arith.cmpi slt, %get3A_1275, %lt3A_1283 : vector<16xi32>
      %and3A_1285 = arith.andi %ge3A_1281, %lt3A_1284 : vector<16xi1>
      %add3A_1286 = arith.constant 80 : i32
      %add3A_1287 = vector.broadcast %add3A_1286 : i32 to vector<16xi32>
      %add3A_1288 = arith.addi %add3A_1287, %iota3A : vector<16xi32>
      tpu.vector_store_idx %arg5[%sub3A_1278, %add3A_1288], %broadcast_in_dim3A_223 masked %and3A_1285 : memref<504x128xf32, #tpu.memory_space<vmem>>[vector<16xi32>, vector<16xi32>], vector<16xf32>, vector<16xi1>
      %get3A_1289 = arith.constant 736 : index
      %get3A_1290 = tpu.vector_load %arg4[%get3A_1289] {strides = array<i32>} : memref<896xi32, #tpu.memory_space<vmem>>, vector<16xi32>,
      %sub3A_1291 = arith.constant 0 : i32
      %sub3A_1292 = vector.broadcast %sub3A_1291 : i32 to vector<16xi32>
      %sub3A_1293 = arith.subi %get3A_1290, %sub3A_1292 : vector<16xi32>
      %ge3A_1294 = arith.constant 0 : i32
      %ge3A_1295 = vector.broadcast %ge3A_1294 : i32 to vector<16xi32>
      %ge3A_1296 = arith.cmpi sge, %get3A_1290, %ge3A_1295 : vector<16xi32>
      %lt3A_1297 = arith.constant 504 : i32
      %lt3A_1298 = vector.broadcast %lt3A_1297 : i32 to vector<16xi32>
      %lt3A_1299 = arith.cmpi slt, %get3A_1290, %lt3A_1298 : vector<16xi32>
      %and3A_1300 = arith.andi %ge3A_1296, %lt3A_1299 : vector<16xi1>
      %add3A_1301 = arith.constant 96 : i32
      %add3A_1302 = vector.broadcast %add3A_1301 : i32 to vector<16xi32>
      %add3A_1303 = arith.addi %add3A_1302, %iota3A : vector<16xi32>
      tpu.vector_store_idx %arg5[%sub3A_1293, %add3A_1303], %broadcast_in_dim3A_223 masked %and3A_1300 : memref<504x128xf32, #tpu.memory_space<vmem>>[vector<16xi32>, vector<16xi32>], vector<16xf32>, vector<16xi1>
      %get3A_1304 = arith.constant 752 : index
      %get3A_1305 = tpu.vector_load %arg4[%get3A_1304] {strides = array<i32>} : memref<896xi32, #tpu.memory_space<vmem>>, vector<16xi32>,
      %sub3A_1306 = arith.constant 0 : i32
      %sub3A_1307 = vector.broadcast %sub3A_1306 : i32 to vector<16xi32>
      %sub3A_1308 = arith.subi %get3A_1305, %sub3A_1307 : vector<16xi32>
      %ge3A_1309 = arith.constant 0 : i32
      %ge3A_1310 = vector.broadcast %ge3A_1309 : i32 to vector<16xi32>
      %ge3A_1311 = arith.cmpi sge, %get3A_1305, %ge3A_1310 : vector<16xi32>
      %lt3A_1312 = arith.constant 504 : i32
      %lt3A_1313 = vector.broadcast %lt3A_1312 : i32 to vector<16xi32>
      %lt3A_1314 = arith.cmpi slt, %get3A_1305, %lt3A_1313 : vector<16xi32>
      %and3A_1315 = arith.andi %ge3A_1311, %lt3A_1314 : vector<16xi1>
      %add3A_1316 = arith.constant 112 : i32
      %add3A_1317 = vector.broadcast %add3A_1316 : i32 to vector<16xi32>
      %add3A_1318 = arith.addi %add3A_1317, %iota3A : vector<16xi32>
      tpu.vector_store_idx %arg5[%sub3A_1308, %add3A_1318], %broadcast_in_dim3A_223 masked %and3A_1315 : memref<504x128xf32, #tpu.memory_space<vmem>>[vector<16xi32>, vector<16xi32>], vector<16xf32>, vector<16xi1>
      %mul3A_1319 = arith.constant 128 : i32
      %mul3A_1320 = arith.muli %rem3A_906, %mul3A_1319 : i32
      %dma_start3A_1321 = arith.constant 0 : i32
      %dma_start3A_1322 = tpu.memref_slice %arg3[%select_n3A_904, %dma_start3A_1321, %mul3A_1320] : memref<26x1000x1024xf32, #tpu.memory_space<hbm>> -> memref<1x504x128xf32, #tpu.memory_space<hbm>>
      %dma_start3A_1323 = tpu.memref_squeeze %dma_start3A_1322 : memref<1x504x128xf32, #tpu.memory_space<hbm>> -> memref<504x128xf32, #tpu.memory_space<hbm>>
      %dma_start3A_1324 = arith.constant 0 : i32
      %dma_start3A_1325 = tpu.memref_slice %arg3[%select_n3A_904, %dma_start3A_1324, %mul3A_1320] : memref<26x1000x1024xf32, #tpu.memory_space<hbm>> -> memref<1x504x128xf32, #tpu.memory_space<hbm>>
      %dma_start3A_1326 = tpu.memref_squeeze %dma_start3A_1325 : memref<1x504x128xf32, #tpu.memory_space<hbm>> -> memref<504x128xf32, #tpu.memory_space<hbm>>
      tpu.enqueue_dma source(%arg5 : memref<504x128xf32, #tpu.memory_space<vmem>>) target(%dma_start3A_1326 : memref<504x128xf32, #tpu.memory_space<hbm>>) target_semaphore(%arg8 : memref<!tpu.dma_semaphore, #tpu.memory_space<semaphore_mem>>)
      %add3A_1327 = arith.constant 128 : i32
      %add3A_1328 = arith.addi %add3A, %add3A_1327 : i32
      %jit3A_1329 = arith.constant 8 : i32
      %div3A_1330 = arith.divsi %add3A_1328, %jit3A_1329 : i32
      %sign3A_1331 = arith.constant 0 : i32
      %sign3A_1332 = arith.cmpi sgt, %add3A_1328, %sign3A_1331 : i32
      %sign3A_1333 = arith.extui %sign3A_1332 : i1 to i32
      %sign3A_1334 = arith.constant 0 : i32
      %sign3A_1335 = arith.cmpi slt, %add3A_1328, %sign3A_1334 : i32
      %sign3A_1336 = arith.extui %sign3A_1335 : i1 to i32
      %sign3A_1337 = arith.subi %sign3A_1333, %sign3A_1336 : i32
      %sign3A_1338 = arith.constant 0 : i32
      %sign3A_1339 = arith.cmpi sgt, %jit3A_1329, %sign3A_1338 : i32
      %sign3A_1340 = arith.extui %sign3A_1339 : i1 to i32
      %sign3A_1341 = arith.constant 0 : i32
      %sign3A_1342 = arith.cmpi slt, %jit3A_1329, %sign3A_1341 : i32
      %sign3A_1343 = arith.extui %sign3A_1342 : i1 to i32
      %sign3A_1344 = arith.subi %sign3A_1340, %sign3A_1343 : i32
      %ne3A_1345 = arith.cmpi ne, %sign3A_1337, %sign3A_1344 : i32
      %rem3A_1346 = arith.remsi %add3A_1328, %jit3A_1329 : i32
      %ne3A_1347 = arith.constant 0 : i32
      %ne3A_1348 = arith.cmpi ne, %rem3A_1346, %ne3A_1347 : i32
      %and3A_1349 = arith.andi %ne3A_1345, %ne3A_1348 : i1
      %sub3A_1350 = arith.constant 1 : i32
      %sub3A_1351 = arith.subi %div3A_1330, %sub3A_1350 : i32
      %select_n3A_1352 = arith.select %and3A_1349, %sub3A_1351, %div3A_1330 : i32
      %rem3A_1353 = arith.constant 8 : i32
      %rem3A_1354 = arith.remsi %add3A_1328, %rem3A_1353 : i32
      %mul3A_1355 = arith.constant 128 : i32
      %mul3A_1356 = arith.muli %rem3A_1354, %mul3A_1355 : i32
      %dma_wait3A_1357 = arith.constant 504 : i32
      %dma_wait3A_1358 = tpu.memref_slice %arg3[%select_n3A_1352, %dma_wait3A_1357, %mul3A_1356] : memref<26x1000x1024xf32, #tpu.memory_space<hbm>> -> memref<1x496x128xf32, #tpu.memory_space<hbm>>
      %dma_wait3A_1359 = tpu.memref_squeeze %dma_wait3A_1358 : memref<1x496x128xf32, #tpu.memory_space<hbm>> -> memref<496x128xf32, #tpu.memory_space<hbm>>
      %dma_wait3A_1360 = arith.constant 504 : i32
      %dma_wait3A_1361 = tpu.memref_slice %arg3[%select_n3A_1352, %dma_wait3A_1360, %mul3A_1356] : memref<26x1000x1024xf32, #tpu.memory_space<hbm>> -> memref<1x496x128xf32, #tpu.memory_space<hbm>>
      %dma_wait3A_1362 = tpu.memref_squeeze %dma_wait3A_1361 : memref<1x496x128xf32, #tpu.memory_space<hbm>> -> memref<496x128xf32, #tpu.memory_space<hbm>>
      tpu.wait_dma2 semaphore(%arg9 : memref<!tpu.dma_semaphore, #tpu.memory_space<semaphore_mem>>) src(%arg6 : memref<496x128xf32, #tpu.memory_space<vmem>>) dst(%dma_wait3A_1362 : memref<496x128xf32, #tpu.memory_space<hbm>>)
      %get3A_1363 = arith.constant 512 : index
      %get3A_1364 = tpu.vector_load %arg4[%get3A_1363] {strides = array<i32>} : memref<896xi32, #tpu.memory_space<vmem>>, vector<16xi32>,
      %sub3A_1365 = arith.constant 504 : i32
      %sub3A_1366 = vector.broadcast %sub3A_1365 : i32 to vector<16xi32>
      %sub3A_1367 = arith.subi %get3A_1364, %sub3A_1366 : vector<16xi32>
      %ge3A_1368 = arith.constant 504 : i32
      %ge3A_1369 = vector.broadcast %ge3A_1368 : i32 to vector<16xi32>
      %ge3A_1370 = arith.cmpi sge, %get3A_1364, %ge3A_1369 : vector<16xi32>
      %lt3A_1371 = arith.constant 1000 : i32
      %lt3A_1372 = vector.broadcast %lt3A_1371 : i32 to vector<16xi32>
      %lt3A_1373 = arith.cmpi slt, %get3A_1364, %lt3A_1372 : vector<16xi32>
      %and3A_1374 = arith.andi %ge3A_1370, %lt3A_1373 : vector<16xi1>
      %add3A_1375 = arith.constant 0 : i32
      %add3A_1376 = vector.broadcast %add3A_1375 : i32 to vector<16xi32>
      %add3A_1377 = arith.addi %add3A_1376, %iota3A : vector<16xi32>
      tpu.vector_store_idx %arg6[%sub3A_1367, %add3A_1377], %broadcast_in_dim3A_221 masked %and3A_1374 : memref<496x128xf32, #tpu.memory_space<vmem>>[vector<16xi32>, vector<16xi32>], vector<16xf32>, vector<16xi1>
      %get3A_1378 = arith.constant 528 : index
      %get3A_1379 = tpu.vector_load %arg4[%get3A_1378] {strides = array<i32>} : memref<896xi32, #tpu.memory_space<vmem>>, vector<16xi32>,
      %sub3A_1380 = arith.constant 504 : i32
      %sub3A_1381 = vector.broadcast %sub3A_1380 : i32 to vector<16xi32>
      %sub3A_1382 = arith.subi %get3A_1379, %sub3A_1381 : vector<16xi32>
      %ge3A_1383 = arith.constant 504 : i32
      %ge3A_1384 = vector.broadcast %ge3A_1383 : i32 to vector<16xi32>
      %ge3A_1385 = arith.cmpi sge, %get3A_1379, %ge3A_1384 : vector<16xi32>
      %lt3A_1386 = arith.constant 1000 : i32
      %lt3A_1387 = vector.broadcast %lt3A_1386 : i32 to vector<16xi32>
      %lt3A_1388 = arith.cmpi slt, %get3A_1379, %lt3A_1387 : vector<16xi32>
      %and3A_1389 = arith.andi %ge3A_1385, %lt3A_1388 : vector<16xi1>
      %add3A_1390 = arith.constant 16 : i32
      %add3A_1391 = vector.broadcast %add3A_1390 : i32 to vector<16xi32>
      %add3A_1392 = arith.addi %add3A_1391, %iota3A : vector<16xi32>
      tpu.vector_store_idx %arg6[%sub3A_1382, %add3A_1392], %broadcast_in_dim3A_221 masked %and3A_1389 : memref<496x128xf32, #tpu.memory_space<vmem>>[vector<16xi32>, vector<16xi32>], vector<16xf32>, vector<16xi1>
      %get3A_1393 = arith.constant 544 : index
      %get3A_1394 = tpu.vector_load %arg4[%get3A_1393] {strides = array<i32>} : memref<896xi32, #tpu.memory_space<vmem>>, vector<16xi32>,
      %sub3A_1395 = arith.constant 504 : i32
      %sub3A_1396 = vector.broadcast %sub3A_1395 : i32 to vector<16xi32>
      %sub3A_1397 = arith.subi %get3A_1394, %sub3A_1396 : vector<16xi32>
      %ge3A_1398 = arith.constant 504 : i32
      %ge3A_1399 = vector.broadcast %ge3A_1398 : i32 to vector<16xi32>
      %ge3A_1400 = arith.cmpi sge, %get3A_1394, %ge3A_1399 : vector<16xi32>
      %lt3A_1401 = arith.constant 1000 : i32
      %lt3A_1402 = vector.broadcast %lt3A_1401 : i32 to vector<16xi32>
      %lt3A_1403 = arith.cmpi slt, %get3A_1394, %lt3A_1402 : vector<16xi32>
      %and3A_1404 = arith.andi %ge3A_1400, %lt3A_1403 : vector<16xi1>
      %add3A_1405 = arith.constant 32 : i32
      %add3A_1406 = vector.broadcast %add3A_1405 : i32 to vector<16xi32>
      %add3A_1407 = arith.addi %add3A_1406, %iota3A : vector<16xi32>
      tpu.vector_store_idx %arg6[%sub3A_1397, %add3A_1407], %broadcast_in_dim3A_221 masked %and3A_1404 : memref<496x128xf32, #tpu.memory_space<vmem>>[vector<16xi32>, vector<16xi32>], vector<16xf32>, vector<16xi1>
      %get3A_1408 = arith.constant 560 : index
      %get3A_1409 = tpu.vector_load %arg4[%get3A_1408] {strides = array<i32>} : memref<896xi32, #tpu.memory_space<vmem>>, vector<16xi32>,
      %sub3A_1410 = arith.constant 504 : i32
      %sub3A_1411 = vector.broadcast %sub3A_1410 : i32 to vector<16xi32>
      %sub3A_1412 = arith.subi %get3A_1409, %sub3A_1411 : vector<16xi32>
      %ge3A_1413 = arith.constant 504 : i32
      %ge3A_1414 = vector.broadcast %ge3A_1413 : i32 to vector<16xi32>
      %ge3A_1415 = arith.cmpi sge, %get3A_1409, %ge3A_1414 : vector<16xi32>
      %lt3A_1416 = arith.constant 1000 : i32
      %lt3A_1417 = vector.broadcast %lt3A_1416 : i32 to vector<16xi32>
      %lt3A_1418 = arith.cmpi slt, %get3A_1409, %lt3A_1417 : vector<16xi32>
      %and3A_1419 = arith.andi %ge3A_1415, %lt3A_1418 : vector<16xi1>
      %add3A_1420 = arith.constant 48 : i32
      %add3A_1421 = vector.broadcast %add3A_1420 : i32 to vector<16xi32>
      %add3A_1422 = arith.addi %add3A_1421, %iota3A : vector<16xi32>
      tpu.vector_store_idx %arg6[%sub3A_1412, %add3A_1422], %broadcast_in_dim3A_221 masked %and3A_1419 : memref<496x128xf32, #tpu.memory_space<vmem>>[vector<16xi32>, vector<16xi32>], vector<16xf32>, vector<16xi1>
      %get3A_1423 = arith.constant 576 : index
      %get3A_1424 = tpu.vector_load %arg4[%get3A_1423] {strides = array<i32>} : memref<896xi32, #tpu.memory_space<vmem>>, vector<16xi32>,
      %sub3A_1425 = arith.constant 504 : i32
      %sub3A_1426 = vector.broadcast %sub3A_1425 : i32 to vector<16xi32>
      %sub3A_1427 = arith.subi %get3A_1424, %sub3A_1426 : vector<16xi32>
      %ge3A_1428 = arith.constant 504 : i32
      %ge3A_1429 = vector.broadcast %ge3A_1428 : i32 to vector<16xi32>
      %ge3A_1430 = arith.cmpi sge, %get3A_1424, %ge3A_1429 : vector<16xi32>
      %lt3A_1431 = arith.constant 1000 : i32
      %lt3A_1432 = vector.broadcast %lt3A_1431 : i32 to vector<16xi32>
      %lt3A_1433 = arith.cmpi slt, %get3A_1424, %lt3A_1432 : vector<16xi32>
      %and3A_1434 = arith.andi %ge3A_1430, %lt3A_1433 : vector<16xi1>
      %add3A_1435 = arith.constant 64 : i32
      %add3A_1436 = vector.broadcast %add3A_1435 : i32 to vector<16xi32>
      %add3A_1437 = arith.addi %add3A_1436, %iota3A : vector<16xi32>
      tpu.vector_store_idx %arg6[%sub3A_1427, %add3A_1437], %broadcast_in_dim3A_221 masked %and3A_1434 : memref<496x128xf32, #tpu.memory_space<vmem>>[vector<16xi32>, vector<16xi32>], vector<16xf32>, vector<16xi1>
      %get3A_1438 = arith.constant 592 : index
      %get3A_1439 = tpu.vector_load %arg4[%get3A_1438] {strides = array<i32>} : memref<896xi32, #tpu.memory_space<vmem>>, vector<16xi32>,
      %sub3A_1440 = arith.constant 504 : i32
      %sub3A_1441 = vector.broadcast %sub3A_1440 : i32 to vector<16xi32>
      %sub3A_1442 = arith.subi %get3A_1439, %sub3A_1441 : vector<16xi32>
      %ge3A_1443 = arith.constant 504 : i32
      %ge3A_1444 = vector.broadcast %ge3A_1443 : i32 to vector<16xi32>
      %ge3A_1445 = arith.cmpi sge, %get3A_1439, %ge3A_1444 : vector<16xi32>
      %lt3A_1446 = arith.constant 1000 : i32
      %lt3A_1447 = vector.broadcast %lt3A_1446 : i32 to vector<16xi32>
      %lt3A_1448 = arith.cmpi slt, %get3A_1439, %lt3A_1447 : vector<16xi32>
      %and3A_1449 = arith.andi %ge3A_1445, %lt3A_1448 : vector<16xi1>
      %add3A_1450 = arith.constant 80 : i32
      %add3A_1451 = vector.broadcast %add3A_1450 : i32 to vector<16xi32>
      %add3A_1452 = arith.addi %add3A_1451, %iota3A : vector<16xi32>
      tpu.vector_store_idx %arg6[%sub3A_1442, %add3A_1452], %broadcast_in_dim3A_221 masked %and3A_1449 : memref<496x128xf32, #tpu.memory_space<vmem>>[vector<16xi32>, vector<16xi32>], vector<16xf32>, vector<16xi1>
      %get3A_1453 = arith.constant 608 : index
      %get3A_1454 = tpu.vector_load %arg4[%get3A_1453] {strides = array<i32>} : memref<896xi32, #tpu.memory_space<vmem>>, vector<16xi32>,
      %sub3A_1455 = arith.constant 504 : i32
      %sub3A_1456 = vector.broadcast %sub3A_1455 : i32 to vector<16xi32>
      %sub3A_1457 = arith.subi %get3A_1454, %sub3A_1456 : vector<16xi32>
      %ge3A_1458 = arith.constant 504 : i32
      %ge3A_1459 = vector.broadcast %ge3A_1458 : i32 to vector<16xi32>
      %ge3A_1460 = arith.cmpi sge, %get3A_1454, %ge3A_1459 : vector<16xi32>
      %lt3A_1461 = arith.constant 1000 : i32
      %lt3A_1462 = vector.broadcast %lt3A_1461 : i32 to vector<16xi32>
      %lt3A_1463 = arith.cmpi slt, %get3A_1454, %lt3A_1462 : vector<16xi32>
      %and3A_1464 = arith.andi %ge3A_1460, %lt3A_1463 : vector<16xi1>
      %add3A_1465 = arith.constant 96 : i32
      %add3A_1466 = vector.broadcast %add3A_1465 : i32 to vector<16xi32>
      %add3A_1467 = arith.addi %add3A_1466, %iota3A : vector<16xi32>
      tpu.vector_store_idx %arg6[%sub3A_1457, %add3A_1467], %broadcast_in_dim3A_221 masked %and3A_1464 : memref<496x128xf32, #tpu.memory_space<vmem>>[vector<16xi32>, vector<16xi32>], vector<16xf32>, vector<16xi1>
      %get3A_1468 = arith.constant 624 : index
      %get3A_1469 = tpu.vector_load %arg4[%get3A_1468] {strides = array<i32>} : memref<896xi32, #tpu.memory_space<vmem>>, vector<16xi32>,
      %sub3A_1470 = arith.constant 504 : i32
      %sub3A_1471 = vector.broadcast %sub3A_1470 : i32 to vector<16xi32>
      %sub3A_1472 = arith.subi %get3A_1469, %sub3A_1471 : vector<16xi32>
      %ge3A_1473 = arith.constant 504 : i32
      %ge3A_1474 = vector.broadcast %ge3A_1473 : i32 to vector<16xi32>
      %ge3A_1475 = arith.cmpi sge, %get3A_1469, %ge3A_1474 : vector<16xi32>
      %lt3A_1476 = arith.constant 1000 : i32
      %lt3A_1477 = vector.broadcast %lt3A_1476 : i32 to vector<16xi32>
      %lt3A_1478 = arith.cmpi slt, %get3A_1469, %lt3A_1477 : vector<16xi32>
      %and3A_1479 = arith.andi %ge3A_1475, %lt3A_1478 : vector<16xi1>
      %add3A_1480 = arith.constant 112 : i32
      %add3A_1481 = vector.broadcast %add3A_1480 : i32 to vector<16xi32>
      %add3A_1482 = arith.addi %add3A_1481, %iota3A : vector<16xi32>
      tpu.vector_store_idx %arg6[%sub3A_1472, %add3A_1482], %broadcast_in_dim3A_221 masked %and3A_1479 : memref<496x128xf32, #tpu.memory_space<vmem>>[vector<16xi32>, vector<16xi32>], vector<16xf32>, vector<16xi1>
      %get3A_1483 = arith.constant 640 : index
      %get3A_1484 = tpu.vector_load %arg4[%get3A_1483] {strides = array<i32>} : memref<896xi32, #tpu.memory_space<vmem>>, vector<16xi32>,
      %sub3A_1485 = arith.constant 504 : i32
      %sub3A_1486 = vector.broadcast %sub3A_1485 : i32 to vector<16xi32>
      %sub3A_1487 = arith.subi %get3A_1484, %sub3A_1486 : vector<16xi32>
      %ge3A_1488 = arith.constant 504 : i32
      %ge3A_1489 = vector.broadcast %ge3A_1488 : i32 to vector<16xi32>
      %ge3A_1490 = arith.cmpi sge, %get3A_1484, %ge3A_1489 : vector<16xi32>
      %lt3A_1491 = arith.constant 1000 : i32
      %lt3A_1492 = vector.broadcast %lt3A_1491 : i32 to vector<16xi32>
      %lt3A_1493 = arith.cmpi slt, %get3A_1484, %lt3A_1492 : vector<16xi32>
      %and3A_1494 = arith.andi %ge3A_1490, %lt3A_1493 : vector<16xi1>
      %add3A_1495 = arith.constant 0 : i32
      %add3A_1496 = vector.broadcast %add3A_1495 : i32 to vector<16xi32>
      %add3A_1497 = arith.addi %add3A_1496, %iota3A : vector<16xi32>
      tpu.vector_store_idx %arg6[%sub3A_1487, %add3A_1497], %broadcast_in_dim3A_223 masked %and3A_1494 : memref<496x128xf32, #tpu.memory_space<vmem>>[vector<16xi32>, vector<16xi32>], vector<16xf32>, vector<16xi1>
      %get3A_1498 = arith.constant 656 : index
      %get3A_1499 = tpu.vector_load %arg4[%get3A_1498] {strides = array<i32>} : memref<896xi32, #tpu.memory_space<vmem>>, vector<16xi32>,
      %sub3A_1500 = arith.constant 504 : i32
      %sub3A_1501 = vector.broadcast %sub3A_1500 : i32 to vector<16xi32>
      %sub3A_1502 = arith.subi %get3A_1499, %sub3A_1501 : vector<16xi32>
      %ge3A_1503 = arith.constant 504 : i32
      %ge3A_1504 = vector.broadcast %ge3A_1503 : i32 to vector<16xi32>
      %ge3A_1505 = arith.cmpi sge, %get3A_1499, %ge3A_1504 : vector<16xi32>
      %lt3A_1506 = arith.constant 1000 : i32
      %lt3A_1507 = vector.broadcast %lt3A_1506 : i32 to vector<16xi32>
      %lt3A_1508 = arith.cmpi slt, %get3A_1499, %lt3A_1507 : vector<16xi32>
      %and3A_1509 = arith.andi %ge3A_1505, %lt3A_1508 : vector<16xi1>
      %add3A_1510 = arith.constant 16 : i32
      %add3A_1511 = vector.broadcast %add3A_1510 : i32 to vector<16xi32>
      %add3A_1512 = arith.addi %add3A_1511, %iota3A : vector<16xi32>
      tpu.vector_store_idx %arg6[%sub3A_1502, %add3A_1512], %broadcast_in_dim3A_223 masked %and3A_1509 : memref<496x128xf32, #tpu.memory_space<vmem>>[vector<16xi32>, vector<16xi32>], vector<16xf32>, vector<16xi1>
      %get3A_1513 = arith.constant 672 : index
      %get3A_1514 = tpu.vector_load %arg4[%get3A_1513] {strides = array<i32>} : memref<896xi32, #tpu.memory_space<vmem>>, vector<16xi32>,
      %sub3A_1515 = arith.constant 504 : i32
      %sub3A_1516 = vector.broadcast %sub3A_1515 : i32 to vector<16xi32>
      %sub3A_1517 = arith.subi %get3A_1514, %sub3A_1516 : vector<16xi32>
      %ge3A_1518 = arith.constant 504 : i32
      %ge3A_1519 = vector.broadcast %ge3A_1518 : i32 to vector<16xi32>
      %ge3A_1520 = arith.cmpi sge, %get3A_1514, %ge3A_1519 : vector<16xi32>
      %lt3A_1521 = arith.constant 1000 : i32
      %lt3A_1522 = vector.broadcast %lt3A_1521 : i32 to vector<16xi32>
      %lt3A_1523 = arith.cmpi slt, %get3A_1514, %lt3A_1522 : vector<16xi32>
      %and3A_1524 = arith.andi %ge3A_1520, %lt3A_1523 : vector<16xi1>
      %add3A_1525 = arith.constant 32 : i32
      %add3A_1526 = vector.broadcast %add3A_1525 : i32 to vector<16xi32>
      %add3A_1527 = arith.addi %add3A_1526, %iota3A : vector<16xi32>
      tpu.vector_store_idx %arg6[%sub3A_1517, %add3A_1527], %broadcast_in_dim3A_223 masked %and3A_1524 : memref<496x128xf32, #tpu.memory_space<vmem>>[vector<16xi32>, vector<16xi32>], vector<16xf32>, vector<16xi1>
      %get3A_1528 = arith.constant 688 : index
      %get3A_1529 = tpu.vector_load %arg4[%get3A_1528] {strides = array<i32>} : memref<896xi32, #tpu.memory_space<vmem>>, vector<16xi32>,
      %sub3A_1530 = arith.constant 504 : i32
      %sub3A_1531 = vector.broadcast %sub3A_1530 : i32 to vector<16xi32>
      %sub3A_1532 = arith.subi %get3A_1529, %sub3A_1531 : vector<16xi32>
      %ge3A_1533 = arith.constant 504 : i32
      %ge3A_1534 = vector.broadcast %ge3A_1533 : i32 to vector<16xi32>
      %ge3A_1535 = arith.cmpi sge, %get3A_1529, %ge3A_1534 : vector<16xi32>
      %lt3A_1536 = arith.constant 1000 : i32
      %lt3A_1537 = vector.broadcast %lt3A_1536 : i32 to vector<16xi32>
      %lt3A_1538 = arith.cmpi slt, %get3A_1529, %lt3A_1537 : vector<16xi32>
      %and3A_1539 = arith.andi %ge3A_1535, %lt3A_1538 : vector<16xi1>
      %add3A_1540 = arith.constant 48 : i32
      %add3A_1541 = vector.broadcast %add3A_1540 : i32 to vector<16xi32>
      %add3A_1542 = arith.addi %add3A_1541, %iota3A : vector<16xi32>
      tpu.vector_store_idx %arg6[%sub3A_1532, %add3A_1542], %broadcast_in_dim3A_223 masked %and3A_1539 : memref<496x128xf32, #tpu.memory_space<vmem>>[vector<16xi32>, vector<16xi32>], vector<16xf32>, vector<16xi1>
      %get3A_1543 = arith.constant 704 : index
      %get3A_1544 = tpu.vector_load %arg4[%get3A_1543] {strides = array<i32>} : memref<896xi32, #tpu.memory_space<vmem>>, vector<16xi32>,
      %sub3A_1545 = arith.constant 504 : i32
      %sub3A_1546 = vector.broadcast %sub3A_1545 : i32 to vector<16xi32>
      %sub3A_1547 = arith.subi %get3A_1544, %sub3A_1546 : vector<16xi32>
      %ge3A_1548 = arith.constant 504 : i32
      %ge3A_1549 = vector.broadcast %ge3A_1548 : i32 to vector<16xi32>
      %ge3A_1550 = arith.cmpi sge, %get3A_1544, %ge3A_1549 : vector<16xi32>
      %lt3A_1551 = arith.constant 1000 : i32
      %lt3A_1552 = vector.broadcast %lt3A_1551 : i32 to vector<16xi32>
      %lt3A_1553 = arith.cmpi slt, %get3A_1544, %lt3A_1552 : vector<16xi32>
      %and3A_1554 = arith.andi %ge3A_1550, %lt3A_1553 : vector<16xi1>
      %add3A_1555 = arith.constant 64 : i32
      %add3A_1556 = vector.broadcast %add3A_1555 : i32 to vector<16xi32>
      %add3A_1557 = arith.addi %add3A_1556, %iota3A : vector<16xi32>
      tpu.vector_store_idx %arg6[%sub3A_1547, %add3A_1557], %broadcast_in_dim3A_223 masked %and3A_1554 : memref<496x128xf32, #tpu.memory_space<vmem>>[vector<16xi32>, vector<16xi32>], vector<16xf32>, vector<16xi1>
      %get3A_1558 = arith.constant 720 : index
      %get3A_1559 = tpu.vector_load %arg4[%get3A_1558] {strides = array<i32>} : memref<896xi32, #tpu.memory_space<vmem>>, vector<16xi32>,
      %sub3A_1560 = arith.constant 504 : i32
      %sub3A_1561 = vector.broadcast %sub3A_1560 : i32 to vector<16xi32>
      %sub3A_1562 = arith.subi %get3A_1559, %sub3A_1561 : vector<16xi32>
      %ge3A_1563 = arith.constant 504 : i32
      %ge3A_1564 = vector.broadcast %ge3A_1563 : i32 to vector<16xi32>
      %ge3A_1565 = arith.cmpi sge, %get3A_1559, %ge3A_1564 : vector<16xi32>
      %lt3A_1566 = arith.constant 1000 : i32
      %lt3A_1567 = vector.broadcast %lt3A_1566 : i32 to vector<16xi32>
      %lt3A_1568 = arith.cmpi slt, %get3A_1559, %lt3A_1567 : vector<16xi32>
      %and3A_1569 = arith.andi %ge3A_1565, %lt3A_1568 : vector<16xi1>
      %add3A_1570 = arith.constant 80 : i32
      %add3A_1571 = vector.broadcast %add3A_1570 : i32 to vector<16xi32>
      %add3A_1572 = arith.addi %add3A_1571, %iota3A : vector<16xi32>
      tpu.vector_store_idx %arg6[%sub3A_1562, %add3A_1572], %broadcast_in_dim3A_223 masked %and3A_1569 : memref<496x128xf32, #tpu.memory_space<vmem>>[vector<16xi32>, vector<16xi32>], vector<16xf32>, vector<16xi1>
      %get3A_1573 = arith.constant 736 : index
      %get3A_1574 = tpu.vector_load %arg4[%get3A_1573] {strides = array<i32>} : memref<896xi32, #tpu.memory_space<vmem>>, vector<16xi32>,
      %sub3A_1575 = arith.constant 504 : i32
      %sub3A_1576 = vector.broadcast %sub3A_1575 : i32 to vector<16xi32>
      %sub3A_1577 = arith.subi %get3A_1574, %sub3A_1576 : vector<16xi32>
      %ge3A_1578 = arith.constant 504 : i32
      %ge3A_1579 = vector.broadcast %ge3A_1578 : i32 to vector<16xi32>
      %ge3A_1580 = arith.cmpi sge, %get3A_1574, %ge3A_1579 : vector<16xi32>
      %lt3A_1581 = arith.constant 1000 : i32
      %lt3A_1582 = vector.broadcast %lt3A_1581 : i32 to vector<16xi32>
      %lt3A_1583 = arith.cmpi slt, %get3A_1574, %lt3A_1582 : vector<16xi32>
      %and3A_1584 = arith.andi %ge3A_1580, %lt3A_1583 : vector<16xi1>
      %add3A_1585 = arith.constant 96 : i32
      %add3A_1586 = vector.broadcast %add3A_1585 : i32 to vector<16xi32>
      %add3A_1587 = arith.addi %add3A_1586, %iota3A : vector<16xi32>
      tpu.vector_store_idx %arg6[%sub3A_1577, %add3A_1587], %broadcast_in_dim3A_223 masked %and3A_1584 : memref<496x128xf32, #tpu.memory_space<vmem>>[vector<16xi32>, vector<16xi32>], vector<16xf32>, vector<16xi1>
      %get3A_1588 = arith.constant 752 : index
      %get3A_1589 = tpu.vector_load %arg4[%get3A_1588] {strides = array<i32>} : memref<896xi32, #tpu.memory_space<vmem>>, vector<16xi32>,
      %sub3A_1590 = arith.constant 504 : i32
      %sub3A_1591 = vector.broadcast %sub3A_1590 : i32 to vector<16xi32>
      %sub3A_1592 = arith.subi %get3A_1589, %sub3A_1591 : vector<16xi32>
      %ge3A_1593 = arith.constant 504 : i32
      %ge3A_1594 = vector.broadcast %ge3A_1593 : i32 to vector<16xi32>
      %ge3A_1595 = arith.cmpi sge, %get3A_1589, %ge3A_1594 : vector<16xi32>
      %lt3A_1596 = arith.constant 1000 : i32
      %lt3A_1597 = vector.broadcast %lt3A_1596 : i32 to vector<16xi32>
      %lt3A_1598 = arith.cmpi slt, %get3A_1589, %lt3A_1597 : vector<16xi32>
      %and3A_1599 = arith.andi %ge3A_1595, %lt3A_1598 : vector<16xi1>
      %add3A_1600 = arith.constant 112 : i32
      %add3A_1601 = vector.broadcast %add3A_1600 : i32 to vector<16xi32>
      %add3A_1602 = arith.addi %add3A_1601, %iota3A : vector<16xi32>
      tpu.vector_store_idx %arg6[%sub3A_1592, %add3A_1602], %broadcast_in_dim3A_223 masked %and3A_1599 : memref<496x128xf32, #tpu.memory_space<vmem>>[vector<16xi32>, vector<16xi32>], vector<16xf32>, vector<16xi1>
      %mul3A_1603 = arith.constant 128 : i32
      %mul3A_1604 = arith.muli %rem3A_906, %mul3A_1603 : i32
      %dma_start3A_1605 = arith.constant 504 : i32
      %dma_start3A_1606 = tpu.memref_slice %arg3[%select_n3A_904, %dma_start3A_1605, %mul3A_1604] : memref<26x1000x1024xf32, #tpu.memory_space<hbm>> -> memref<1x496x128xf32, #tpu.memory_space<hbm>>
      %dma_start3A_1607 = tpu.memref_squeeze %dma_start3A_1606 : memref<1x496x128xf32, #tpu.memory_space<hbm>> -> memref<496x128xf32, #tpu.memory_space<hbm>>
      %dma_start3A_1608 = arith.constant 504 : i32
      %dma_start3A_1609 = tpu.memref_slice %arg3[%select_n3A_904, %dma_start3A_1608, %mul3A_1604] : memref<26x1000x1024xf32, #tpu.memory_space<hbm>> -> memref<1x496x128xf32, #tpu.memory_space<hbm>>
      %dma_start3A_1610 = tpu.memref_squeeze %dma_start3A_1609 : memref<1x496x128xf32, #tpu.memory_space<hbm>> -> memref<496x128xf32, #tpu.memory_space<hbm>>
      tpu.enqueue_dma source(%arg6 : memref<496x128xf32, #tpu.memory_space<vmem>>) target(%dma_start3A_1610 : memref<496x128xf32, #tpu.memory_space<hbm>>) target_semaphore(%arg9 : memref<!tpu.dma_semaphore, #tpu.memory_space<semaphore_mem>>)
    } else {
    }
    %add3A_912 = arith.constant 192 : i32
    %add3A_913 = arith.addi %add3A, %add3A_912 : i32
    %jit3A_914 = arith.constant 8 : i32
    %div3A_915 = arith.divsi %add3A_913, %jit3A_914 : i32
    %sign3A_916 = arith.constant 0 : i32
    %sign3A_917 = arith.cmpi sgt, %add3A_913, %sign3A_916 : i32
    %sign3A_918 = arith.extui %sign3A_917 : i1 to i32
    %sign3A_919 = arith.constant 0 : i32
    %sign3A_920 = arith.cmpi slt, %add3A_913, %sign3A_919 : i32
    %sign3A_921 = arith.extui %sign3A_920 : i1 to i32
    %sign3A_922 = arith.subi %sign3A_918, %sign3A_921 : i32
    %sign3A_923 = arith.constant 0 : i32
    %sign3A_924 = arith.cmpi sgt, %jit3A_914, %sign3A_923 : i32
    %sign3A_925 = arith.extui %sign3A_924 : i1 to i32
    %sign3A_926 = arith.constant 0 : i32
    %sign3A_927 = arith.cmpi slt, %jit3A_914, %sign3A_926 : i32
    %sign3A_928 = arith.extui %sign3A_927 : i1 to i32
    %sign3A_929 = arith.subi %sign3A_925, %sign3A_928 : i32
    %ne3A_930 = arith.cmpi ne, %sign3A_922, %sign3A_929 : i32
    %rem3A_931 = arith.remsi %add3A_913, %jit3A_914 : i32
    %ne3A_932 = arith.constant 0 : i32
    %ne3A_933 = arith.cmpi ne, %rem3A_931, %ne3A_932 : i32
    %and3A_934 = arith.andi %ne3A_930, %ne3A_933 : i1
    %sub3A_935 = arith.constant 1 : i32
    %sub3A_936 = arith.subi %div3A_915, %sub3A_935 : i32
    %select_n3A_937 = arith.select %and3A_934, %sub3A_936, %div3A_915 : i32
    %rem3A_938 = arith.constant 8 : i32
    %rem3A_939 = arith.remsi %add3A_913, %rem3A_938 : i32
    %lt3A_940 = arith.constant 208 : i32
    %lt3A_941 = arith.cmpi slt, %add3A_913, %lt3A_940 : i32
    %convert_element_type3A_942 = arith.extui %lt3A_941 : i1 to i32
    %cond3A_943 = arith.constant 0 : i32
    %cond3A_944 = arith.cmpi ne, %convert_element_type3A_942, %cond3A_943 : i32
    scf.if %cond3A_944 {
      %add3A_1044 = arith.constant 160 : i32
      %add3A_1045 = arith.addi %add3A, %add3A_1044 : i32
      %jit3A_1046 = arith.constant 8 : i32
      %div3A_1047 = arith.divsi %add3A_1045, %jit3A_1046 : i32
      %sign3A_1048 = arith.constant 0 : i32
      %sign3A_1049 = arith.cmpi sgt, %add3A_1045, %sign3A_1048 : i32
      %sign3A_1050 = arith.extui %sign3A_1049 : i1 to i32
      %sign3A_1051 = arith.constant 0 : i32
      %sign3A_1052 = arith.cmpi slt, %add3A_1045, %sign3A_1051 : i32
      %sign3A_1053 = arith.extui %sign3A_1052 : i1 to i32
      %sign3A_1054 = arith.subi %sign3A_1050, %sign3A_1053 : i32
      %sign3A_1055 = arith.constant 0 : i32
      %sign3A_1056 = arith.cmpi sgt, %jit3A_1046, %sign3A_1055 : i32
      %sign3A_1057 = arith.extui %sign3A_1056 : i1 to i32
      %sign3A_1058 = arith.constant 0 : i32
      %sign3A_1059 = arith.cmpi slt, %jit3A_1046, %sign3A_1058 : i32
      %sign3A_1060 = arith.extui %sign3A_1059 : i1 to i32
      %sign3A_1061 = arith.subi %sign3A_1057, %sign3A_1060 : i32
      %ne3A_1062 = arith.cmpi ne, %sign3A_1054, %sign3A_1061 : i32
      %rem3A_1063 = arith.remsi %add3A_1045, %jit3A_1046 : i32
      %ne3A_1064 = arith.constant 0 : i32
      %ne3A_1065 = arith.cmpi ne, %rem3A_1063, %ne3A_1064 : i32
      %and3A_1066 = arith.andi %ne3A_1062, %ne3A_1065 : i1
      %sub3A_1067 = arith.constant 1 : i32
      %sub3A_1068 = arith.subi %div3A_1047, %sub3A_1067 : i32
      %select_n3A_1069 = arith.select %and3A_1066, %sub3A_1068, %div3A_1047 : i32
      %rem3A_1070 = arith.constant 8 : i32
      %rem3A_1071 = arith.remsi %add3A_1045, %rem3A_1070 : i32
      %mul3A_1072 = arith.constant 128 : i32
      %mul3A_1073 = arith.muli %rem3A_1071, %mul3A_1072 : i32
      %dma_wait3A = arith.constant 0 : i32
      %dma_wait3A_1074 = tpu.memref_slice %arg3[%select_n3A_1069, %dma_wait3A, %mul3A_1073] : memref<26x1000x1024xf32, #tpu.memory_space<hbm>> -> memref<1x504x128xf32, #tpu.memory_space<hbm>>
      %dma_wait3A_1075 = tpu.memref_squeeze %dma_wait3A_1074 : memref<1x504x128xf32, #tpu.memory_space<hbm>> -> memref<504x128xf32, #tpu.memory_space<hbm>>
      %dma_wait3A_1076 = arith.constant 0 : i32
      %dma_wait3A_1077 = tpu.memref_slice %arg3[%select_n3A_1069, %dma_wait3A_1076, %mul3A_1073] : memref<26x1000x1024xf32, #tpu.memory_space<hbm>> -> memref<1x504x128xf32, #tpu.memory_space<hbm>>
      %dma_wait3A_1078 = tpu.memref_squeeze %dma_wait3A_1077 : memref<1x504x128xf32, #tpu.memory_space<hbm>> -> memref<504x128xf32, #tpu.memory_space<hbm>>
      tpu.wait_dma2 semaphore(%arg8 : memref<!tpu.dma_semaphore, #tpu.memory_space<semaphore_mem>>) src(%arg5 : memref<504x128xf32, #tpu.memory_space<vmem>>) dst(%dma_wait3A_1078 : memref<504x128xf32, #tpu.memory_space<hbm>>)
      %get3A_1079 = arith.constant 640 : index
      %get3A_1080 = tpu.vector_load %arg4[%get3A_1079] {strides = array<i32>} : memref<896xi32, #tpu.memory_space<vmem>>, vector<16xi32>,
      %sub3A_1081 = arith.constant 0 : i32
      %sub3A_1082 = vector.broadcast %sub3A_1081 : i32 to vector<16xi32>
      %sub3A_1083 = arith.subi %get3A_1080, %sub3A_1082 : vector<16xi32>
      %ge3A_1084 = arith.constant 0 : i32
      %ge3A_1085 = vector.broadcast %ge3A_1084 : i32 to vector<16xi32>
      %ge3A_1086 = arith.cmpi sge, %get3A_1080, %ge3A_1085 : vector<16xi32>
      %lt3A_1087 = arith.constant 504 : i32
      %lt3A_1088 = vector.broadcast %lt3A_1087 : i32 to vector<16xi32>
      %lt3A_1089 = arith.cmpi slt, %get3A_1080, %lt3A_1088 : vector<16xi32>
      %and3A_1090 = arith.andi %ge3A_1086, %lt3A_1089 : vector<16xi1>
      %add3A_1091 = arith.constant 0 : i32
      %add3A_1092 = vector.broadcast %add3A_1091 : i32 to vector<16xi32>
      %add3A_1093 = arith.addi %add3A_1092, %iota3A : vector<16xi32>
      tpu.vector_store_idx %arg5[%sub3A_1083, %add3A_1093], %broadcast_in_dim3A_221 masked %and3A_1090 : memref<504x128xf32, #tpu.memory_space<vmem>>[vector<16xi32>, vector<16xi32>], vector<16xf32>, vector<16xi1>
      %get3A_1094 = arith.constant 656 : index
      %get3A_1095 = tpu.vector_load %arg4[%get3A_1094] {strides = array<i32>} : memref<896xi32, #tpu.memory_space<vmem>>, vector<16xi32>,
      %sub3A_1096 = arith.constant 0 : i32
      %sub3A_1097 = vector.broadcast %sub3A_1096 : i32 to vector<16xi32>
      %sub3A_1098 = arith.subi %get3A_1095, %sub3A_1097 : vector<16xi32>
      %ge3A_1099 = arith.constant 0 : i32
      %ge3A_1100 = vector.broadcast %ge3A_1099 : i32 to vector<16xi32>
      %ge3A_1101 = arith.cmpi sge, %get3A_1095, %ge3A_1100 : vector<16xi32>
      %lt3A_1102 = arith.constant 504 : i32
      %lt3A_1103 = vector.broadcast %lt3A_1102 : i32 to vector<16xi32>
      %lt3A_1104 = arith.cmpi slt, %get3A_1095, %lt3A_1103 : vector<16xi32>
      %and3A_1105 = arith.andi %ge3A_1101, %lt3A_1104 : vector<16xi1>
      %add3A_1106 = arith.constant 16 : i32
      %add3A_1107 = vector.broadcast %add3A_1106 : i32 to vector<16xi32>
      %add3A_1108 = arith.addi %add3A_1107, %iota3A : vector<16xi32>
      tpu.vector_store_idx %arg5[%sub3A_1098, %add3A_1108], %broadcast_in_dim3A_221 masked %and3A_1105 : memref<504x128xf32, #tpu.memory_space<vmem>>[vector<16xi32>, vector<16xi32>], vector<16xf32>, vector<16xi1>
      %get3A_1109 = arith.constant 672 : index
      %get3A_1110 = tpu.vector_load %arg4[%get3A_1109] {strides = array<i32>} : memref<896xi32, #tpu.memory_space<vmem>>, vector<16xi32>,
      %sub3A_1111 = arith.constant 0 : i32
      %sub3A_1112 = vector.broadcast %sub3A_1111 : i32 to vector<16xi32>
      %sub3A_1113 = arith.subi %get3A_1110, %sub3A_1112 : vector<16xi32>
      %ge3A_1114 = arith.constant 0 : i32
      %ge3A_1115 = vector.broadcast %ge3A_1114 : i32 to vector<16xi32>
      %ge3A_1116 = arith.cmpi sge, %get3A_1110, %ge3A_1115 : vector<16xi32>
      %lt3A_1117 = arith.constant 504 : i32
      %lt3A_1118 = vector.broadcast %lt3A_1117 : i32 to vector<16xi32>
      %lt3A_1119 = arith.cmpi slt, %get3A_1110, %lt3A_1118 : vector<16xi32>
      %and3A_1120 = arith.andi %ge3A_1116, %lt3A_1119 : vector<16xi1>
      %add3A_1121 = arith.constant 32 : i32
      %add3A_1122 = vector.broadcast %add3A_1121 : i32 to vector<16xi32>
      %add3A_1123 = arith.addi %add3A_1122, %iota3A : vector<16xi32>
      tpu.vector_store_idx %arg5[%sub3A_1113, %add3A_1123], %broadcast_in_dim3A_221 masked %and3A_1120 : memref<504x128xf32, #tpu.memory_space<vmem>>[vector<16xi32>, vector<16xi32>], vector<16xf32>, vector<16xi1>
      %get3A_1124 = arith.constant 688 : index
      %get3A_1125 = tpu.vector_load %arg4[%get3A_1124] {strides = array<i32>} : memref<896xi32, #tpu.memory_space<vmem>>, vector<16xi32>,
      %sub3A_1126 = arith.constant 0 : i32
      %sub3A_1127 = vector.broadcast %sub3A_1126 : i32 to vector<16xi32>
      %sub3A_1128 = arith.subi %get3A_1125, %sub3A_1127 : vector<16xi32>
      %ge3A_1129 = arith.constant 0 : i32
      %ge3A_1130 = vector.broadcast %ge3A_1129 : i32 to vector<16xi32>
      %ge3A_1131 = arith.cmpi sge, %get3A_1125, %ge3A_1130 : vector<16xi32>
      %lt3A_1132 = arith.constant 504 : i32
      %lt3A_1133 = vector.broadcast %lt3A_1132 : i32 to vector<16xi32>
      %lt3A_1134 = arith.cmpi slt, %get3A_1125, %lt3A_1133 : vector<16xi32>
      %and3A_1135 = arith.andi %ge3A_1131, %lt3A_1134 : vector<16xi1>
      %add3A_1136 = arith.constant 48 : i32
      %add3A_1137 = vector.broadcast %add3A_1136 : i32 to vector<16xi32>
      %add3A_1138 = arith.addi %add3A_1137, %iota3A : vector<16xi32>
      tpu.vector_store_idx %arg5[%sub3A_1128, %add3A_1138], %broadcast_in_dim3A_221 masked %and3A_1135 : memref<504x128xf32, #tpu.memory_space<vmem>>[vector<16xi32>, vector<16xi32>], vector<16xf32>, vector<16xi1>
      %get3A_1139 = arith.constant 704 : index
      %get3A_1140 = tpu.vector_load %arg4[%get3A_1139] {strides = array<i32>} : memref<896xi32, #tpu.memory_space<vmem>>, vector<16xi32>,
      %sub3A_1141 = arith.constant 0 : i32
      %sub3A_1142 = vector.broadcast %sub3A_1141 : i32 to vector<16xi32>
      %sub3A_1143 = arith.subi %get3A_1140, %sub3A_1142 : vector<16xi32>
      %ge3A_1144 = arith.constant 0 : i32
      %ge3A_1145 = vector.broadcast %ge3A_1144 : i32 to vector<16xi32>
      %ge3A_1146 = arith.cmpi sge, %get3A_1140, %ge3A_1145 : vector<16xi32>
      %lt3A_1147 = arith.constant 504 : i32
      %lt3A_1148 = vector.broadcast %lt3A_1147 : i32 to vector<16xi32>
      %lt3A_1149 = arith.cmpi slt, %get3A_1140, %lt3A_1148 : vector<16xi32>
      %and3A_1150 = arith.andi %ge3A_1146, %lt3A_1149 : vector<16xi1>
      %add3A_1151 = arith.constant 64 : i32
      %add3A_1152 = vector.broadcast %add3A_1151 : i32 to vector<16xi32>
      %add3A_1153 = arith.addi %add3A_1152, %iota3A : vector<16xi32>
      tpu.vector_store_idx %arg5[%sub3A_1143, %add3A_1153], %broadcast_in_dim3A_221 masked %and3A_1150 : memref<504x128xf32, #tpu.memory_space<vmem>>[vector<16xi32>, vector<16xi32>], vector<16xf32>, vector<16xi1>
      %get3A_1154 = arith.constant 720 : index
      %get3A_1155 = tpu.vector_load %arg4[%get3A_1154] {strides = array<i32>} : memref<896xi32, #tpu.memory_space<vmem>>, vector<16xi32>,
      %sub3A_1156 = arith.constant 0 : i32
      %sub3A_1157 = vector.broadcast %sub3A_1156 : i32 to vector<16xi32>
      %sub3A_1158 = arith.subi %get3A_1155, %sub3A_1157 : vector<16xi32>
      %ge3A_1159 = arith.constant 0 : i32
      %ge3A_1160 = vector.broadcast %ge3A_1159 : i32 to vector<16xi32>
      %ge3A_1161 = arith.cmpi sge, %get3A_1155, %ge3A_1160 : vector<16xi32>
      %lt3A_1162 = arith.constant 504 : i32
      %lt3A_1163 = vector.broadcast %lt3A_1162 : i32 to vector<16xi32>
      %lt3A_1164 = arith.cmpi slt, %get3A_1155, %lt3A_1163 : vector<16xi32>
      %and3A_1165 = arith.andi %ge3A_1161, %lt3A_1164 : vector<16xi1>
      %add3A_1166 = arith.constant 80 : i32
      %add3A_1167 = vector.broadcast %add3A_1166 : i32 to vector<16xi32>
      %add3A_1168 = arith.addi %add3A_1167, %iota3A : vector<16xi32>
      tpu.vector_store_idx %arg5[%sub3A_1158, %add3A_1168], %broadcast_in_dim3A_221 masked %and3A_1165 : memref<504x128xf32, #tpu.memory_space<vmem>>[vector<16xi32>, vector<16xi32>], vector<16xf32>, vector<16xi1>
      %get3A_1169 = arith.constant 736 : index
      %get3A_1170 = tpu.vector_load %arg4[%get3A_1169] {strides = array<i32>} : memref<896xi32, #tpu.memory_space<vmem>>, vector<16xi32>,
      %sub3A_1171 = arith.constant 0 : i32
      %sub3A_1172 = vector.broadcast %sub3A_1171 : i32 to vector<16xi32>
      %sub3A_1173 = arith.subi %get3A_1170, %sub3A_1172 : vector<16xi32>
      %ge3A_1174 = arith.constant 0 : i32
      %ge3A_1175 = vector.broadcast %ge3A_1174 : i32 to vector<16xi32>
      %ge3A_1176 = arith.cmpi sge, %get3A_1170, %ge3A_1175 : vector<16xi32>
      %lt3A_1177 = arith.constant 504 : i32
      %lt3A_1178 = vector.broadcast %lt3A_1177 : i32 to vector<16xi32>
      %lt3A_1179 = arith.cmpi slt, %get3A_1170, %lt3A_1178 : vector<16xi32>
      %and3A_1180 = arith.andi %ge3A_1176, %lt3A_1179 : vector<16xi1>
      %add3A_1181 = arith.constant 96 : i32
      %add3A_1182 = vector.broadcast %add3A_1181 : i32 to vector<16xi32>
      %add3A_1183 = arith.addi %add3A_1182, %iota3A : vector<16xi32>
      tpu.vector_store_idx %arg5[%sub3A_1173, %add3A_1183], %broadcast_in_dim3A_221 masked %and3A_1180 : memref<504x128xf32, #tpu.memory_space<vmem>>[vector<16xi32>, vector<16xi32>], vector<16xf32>, vector<16xi1>
      %get3A_1184 = arith.constant 752 : index
      %get3A_1185 = tpu.vector_load %arg4[%get3A_1184] {strides = array<i32>} : memref<896xi32, #tpu.memory_space<vmem>>, vector<16xi32>,
      %sub3A_1186 = arith.constant 0 : i32
      %sub3A_1187 = vector.broadcast %sub3A_1186 : i32 to vector<16xi32>
      %sub3A_1188 = arith.subi %get3A_1185, %sub3A_1187 : vector<16xi32>
      %ge3A_1189 = arith.constant 0 : i32
      %ge3A_1190 = vector.broadcast %ge3A_1189 : i32 to vector<16xi32>
      %ge3A_1191 = arith.cmpi sge, %get3A_1185, %ge3A_1190 : vector<16xi32>
      %lt3A_1192 = arith.constant 504 : i32
      %lt3A_1193 = vector.broadcast %lt3A_1192 : i32 to vector<16xi32>
      %lt3A_1194 = arith.cmpi slt, %get3A_1185, %lt3A_1193 : vector<16xi32>
      %and3A_1195 = arith.andi %ge3A_1191, %lt3A_1194 : vector<16xi1>
      %add3A_1196 = arith.constant 112 : i32
      %add3A_1197 = vector.broadcast %add3A_1196 : i32 to vector<16xi32>
      %add3A_1198 = arith.addi %add3A_1197, %iota3A : vector<16xi32>
      tpu.vector_store_idx %arg5[%sub3A_1188, %add3A_1198], %broadcast_in_dim3A_221 masked %and3A_1195 : memref<504x128xf32, #tpu.memory_space<vmem>>[vector<16xi32>, vector<16xi32>], vector<16xf32>, vector<16xi1>
      %get3A_1199 = arith.constant 768 : index
      %get3A_1200 = tpu.vector_load %arg4[%get3A_1199] {strides = array<i32>} : memref<896xi32, #tpu.memory_space<vmem>>, vector<16xi32>,
      %sub3A_1201 = arith.constant 0 : i32
      %sub3A_1202 = vector.broadcast %sub3A_1201 : i32 to vector<16xi32>
      %sub3A_1203 = arith.subi %get3A_1200, %sub3A_1202 : vector<16xi32>
      %ge3A_1204 = arith.constant 0 : i32
      %ge3A_1205 = vector.broadcast %ge3A_1204 : i32 to vector<16xi32>
      %ge3A_1206 = arith.cmpi sge, %get3A_1200, %ge3A_1205 : vector<16xi32>
      %lt3A_1207 = arith.constant 504 : i32
      %lt3A_1208 = vector.broadcast %lt3A_1207 : i32 to vector<16xi32>
      %lt3A_1209 = arith.cmpi slt, %get3A_1200, %lt3A_1208 : vector<16xi32>
      %and3A_1210 = arith.andi %ge3A_1206, %lt3A_1209 : vector<16xi1>
      %add3A_1211 = arith.constant 0 : i32
      %add3A_1212 = vector.broadcast %add3A_1211 : i32 to vector<16xi32>
      %add3A_1213 = arith.addi %add3A_1212, %iota3A : vector<16xi32>
      tpu.vector_store_idx %arg5[%sub3A_1203, %add3A_1213], %broadcast_in_dim3A_223 masked %and3A_1210 : memref<504x128xf32, #tpu.memory_space<vmem>>[vector<16xi32>, vector<16xi32>], vector<16xf32>, vector<16xi1>
      %get3A_1214 = arith.constant 784 : index
      %get3A_1215 = tpu.vector_load %arg4[%get3A_1214] {strides = array<i32>} : memref<896xi32, #tpu.memory_space<vmem>>, vector<16xi32>,
      %sub3A_1216 = arith.constant 0 : i32
      %sub3A_1217 = vector.broadcast %sub3A_1216 : i32 to vector<16xi32>
      %sub3A_1218 = arith.subi %get3A_1215, %sub3A_1217 : vector<16xi32>
      %ge3A_1219 = arith.constant 0 : i32
      %ge3A_1220 = vector.broadcast %ge3A_1219 : i32 to vector<16xi32>
      %ge3A_1221 = arith.cmpi sge, %get3A_1215, %ge3A_1220 : vector<16xi32>
      %lt3A_1222 = arith.constant 504 : i32
      %lt3A_1223 = vector.broadcast %lt3A_1222 : i32 to vector<16xi32>
      %lt3A_1224 = arith.cmpi slt, %get3A_1215, %lt3A_1223 : vector<16xi32>
      %and3A_1225 = arith.andi %ge3A_1221, %lt3A_1224 : vector<16xi1>
      %add3A_1226 = arith.constant 16 : i32
      %add3A_1227 = vector.broadcast %add3A_1226 : i32 to vector<16xi32>
      %add3A_1228 = arith.addi %add3A_1227, %iota3A : vector<16xi32>
      tpu.vector_store_idx %arg5[%sub3A_1218, %add3A_1228], %broadcast_in_dim3A_223 masked %and3A_1225 : memref<504x128xf32, #tpu.memory_space<vmem>>[vector<16xi32>, vector<16xi32>], vector<16xf32>, vector<16xi1>
      %get3A_1229 = arith.constant 800 : index
      %get3A_1230 = tpu.vector_load %arg4[%get3A_1229] {strides = array<i32>} : memref<896xi32, #tpu.memory_space<vmem>>, vector<16xi32>,
      %sub3A_1231 = arith.constant 0 : i32
      %sub3A_1232 = vector.broadcast %sub3A_1231 : i32 to vector<16xi32>
      %sub3A_1233 = arith.subi %get3A_1230, %sub3A_1232 : vector<16xi32>
      %ge3A_1234 = arith.constant 0 : i32
      %ge3A_1235 = vector.broadcast %ge3A_1234 : i32 to vector<16xi32>
      %ge3A_1236 = arith.cmpi sge, %get3A_1230, %ge3A_1235 : vector<16xi32>
      %lt3A_1237 = arith.constant 504 : i32
      %lt3A_1238 = vector.broadcast %lt3A_1237 : i32 to vector<16xi32>
      %lt3A_1239 = arith.cmpi slt, %get3A_1230, %lt3A_1238 : vector<16xi32>
      %and3A_1240 = arith.andi %ge3A_1236, %lt3A_1239 : vector<16xi1>
      %add3A_1241 = arith.constant 32 : i32
      %add3A_1242 = vector.broadcast %add3A_1241 : i32 to vector<16xi32>
      %add3A_1243 = arith.addi %add3A_1242, %iota3A : vector<16xi32>
      tpu.vector_store_idx %arg5[%sub3A_1233, %add3A_1243], %broadcast_in_dim3A_223 masked %and3A_1240 : memref<504x128xf32, #tpu.memory_space<vmem>>[vector<16xi32>, vector<16xi32>], vector<16xf32>, vector<16xi1>
      %get3A_1244 = arith.constant 816 : index
      %get3A_1245 = tpu.vector_load %arg4[%get3A_1244] {strides = array<i32>} : memref<896xi32, #tpu.memory_space<vmem>>, vector<16xi32>,
      %sub3A_1246 = arith.constant 0 : i32
      %sub3A_1247 = vector.broadcast %sub3A_1246 : i32 to vector<16xi32>
      %sub3A_1248 = arith.subi %get3A_1245, %sub3A_1247 : vector<16xi32>
      %ge3A_1249 = arith.constant 0 : i32
      %ge3A_1250 = vector.broadcast %ge3A_1249 : i32 to vector<16xi32>
      %ge3A_1251 = arith.cmpi sge, %get3A_1245, %ge3A_1250 : vector<16xi32>
      %lt3A_1252 = arith.constant 504 : i32
      %lt3A_1253 = vector.broadcast %lt3A_1252 : i32 to vector<16xi32>
      %lt3A_1254 = arith.cmpi slt, %get3A_1245, %lt3A_1253 : vector<16xi32>
      %and3A_1255 = arith.andi %ge3A_1251, %lt3A_1254 : vector<16xi1>
      %add3A_1256 = arith.constant 48 : i32
      %add3A_1257 = vector.broadcast %add3A_1256 : i32 to vector<16xi32>
      %add3A_1258 = arith.addi %add3A_1257, %iota3A : vector<16xi32>
      tpu.vector_store_idx %arg5[%sub3A_1248, %add3A_1258], %broadcast_in_dim3A_223 masked %and3A_1255 : memref<504x128xf32, #tpu.memory_space<vmem>>[vector<16xi32>, vector<16xi32>], vector<16xf32>, vector<16xi1>
      %get3A_1259 = arith.constant 832 : index
      %get3A_1260 = tpu.vector_load %arg4[%get3A_1259] {strides = array<i32>} : memref<896xi32, #tpu.memory_space<vmem>>, vector<16xi32>,
      %sub3A_1261 = arith.constant 0 : i32
      %sub3A_1262 = vector.broadcast %sub3A_1261 : i32 to vector<16xi32>
      %sub3A_1263 = arith.subi %get3A_1260, %sub3A_1262 : vector<16xi32>
      %ge3A_1264 = arith.constant 0 : i32
      %ge3A_1265 = vector.broadcast %ge3A_1264 : i32 to vector<16xi32>
      %ge3A_1266 = arith.cmpi sge, %get3A_1260, %ge3A_1265 : vector<16xi32>
      %lt3A_1267 = arith.constant 504 : i32
      %lt3A_1268 = vector.broadcast %lt3A_1267 : i32 to vector<16xi32>
      %lt3A_1269 = arith.cmpi slt, %get3A_1260, %lt3A_1268 : vector<16xi32>
      %and3A_1270 = arith.andi %ge3A_1266, %lt3A_1269 : vector<16xi1>
      %add3A_1271 = arith.constant 64 : i32
      %add3A_1272 = vector.broadcast %add3A_1271 : i32 to vector<16xi32>
      %add3A_1273 = arith.addi %add3A_1272, %iota3A : vector<16xi32>
      tpu.vector_store_idx %arg5[%sub3A_1263, %add3A_1273], %broadcast_in_dim3A_223 masked %and3A_1270 : memref<504x128xf32, #tpu.memory_space<vmem>>[vector<16xi32>, vector<16xi32>], vector<16xf32>, vector<16xi1>
      %get3A_1274 = arith.constant 848 : index
      %get3A_1275 = tpu.vector_load %arg4[%get3A_1274] {strides = array<i32>} : memref<896xi32, #tpu.memory_space<vmem>>, vector<16xi32>,
      %sub3A_1276 = arith.constant 0 : i32
      %sub3A_1277 = vector.broadcast %sub3A_1276 : i32 to vector<16xi32>
      %sub3A_1278 = arith.subi %get3A_1275, %sub3A_1277 : vector<16xi32>
      %ge3A_1279 = arith.constant 0 : i32
      %ge3A_1280 = vector.broadcast %ge3A_1279 : i32 to vector<16xi32>
      %ge3A_1281 = arith.cmpi sge, %get3A_1275, %ge3A_1280 : vector<16xi32>
      %lt3A_1282 = arith.constant 504 : i32
      %lt3A_1283 = vector.broadcast %lt3A_1282 : i32 to vector<16xi32>
      %lt3A_1284 = arith.cmpi slt, %get3A_1275, %lt3A_1283 : vector<16xi32>
      %and3A_1285 = arith.andi %ge3A_1281, %lt3A_1284 : vector<16xi1>
      %add3A_1286 = arith.constant 80 : i32
      %add3A_1287 = vector.broadcast %add3A_1286 : i32 to vector<16xi32>
      %add3A_1288 = arith.addi %add3A_1287, %iota3A : vector<16xi32>
      tpu.vector_store_idx %arg5[%sub3A_1278, %add3A_1288], %broadcast_in_dim3A_223 masked %and3A_1285 : memref<504x128xf32, #tpu.memory_space<vmem>>[vector<16xi32>, vector<16xi32>], vector<16xf32>, vector<16xi1>
      %get3A_1289 = arith.constant 864 : index
      %get3A_1290 = tpu.vector_load %arg4[%get3A_1289] {strides = array<i32>} : memref<896xi32, #tpu.memory_space<vmem>>, vector<16xi32>,
      %sub3A_1291 = arith.constant 0 : i32
      %sub3A_1292 = vector.broadcast %sub3A_1291 : i32 to vector<16xi32>
      %sub3A_1293 = arith.subi %get3A_1290, %sub3A_1292 : vector<16xi32>
      %ge3A_1294 = arith.constant 0 : i32
      %ge3A_1295 = vector.broadcast %ge3A_1294 : i32 to vector<16xi32>
      %ge3A_1296 = arith.cmpi sge, %get3A_1290, %ge3A_1295 : vector<16xi32>
      %lt3A_1297 = arith.constant 504 : i32
      %lt3A_1298 = vector.broadcast %lt3A_1297 : i32 to vector<16xi32>
      %lt3A_1299 = arith.cmpi slt, %get3A_1290, %lt3A_1298 : vector<16xi32>
      %and3A_1300 = arith.andi %ge3A_1296, %lt3A_1299 : vector<16xi1>
      %add3A_1301 = arith.constant 96 : i32
      %add3A_1302 = vector.broadcast %add3A_1301 : i32 to vector<16xi32>
      %add3A_1303 = arith.addi %add3A_1302, %iota3A : vector<16xi32>
      tpu.vector_store_idx %arg5[%sub3A_1293, %add3A_1303], %broadcast_in_dim3A_223 masked %and3A_1300 : memref<504x128xf32, #tpu.memory_space<vmem>>[vector<16xi32>, vector<16xi32>], vector<16xf32>, vector<16xi1>
      %get3A_1304 = arith.constant 880 : index
      %get3A_1305 = tpu.vector_load %arg4[%get3A_1304] {strides = array<i32>} : memref<896xi32, #tpu.memory_space<vmem>>, vector<16xi32>,
      %sub3A_1306 = arith.constant 0 : i32
      %sub3A_1307 = vector.broadcast %sub3A_1306 : i32 to vector<16xi32>
      %sub3A_1308 = arith.subi %get3A_1305, %sub3A_1307 : vector<16xi32>
      %ge3A_1309 = arith.constant 0 : i32
      %ge3A_1310 = vector.broadcast %ge3A_1309 : i32 to vector<16xi32>
      %ge3A_1311 = arith.cmpi sge, %get3A_1305, %ge3A_1310 : vector<16xi32>
      %lt3A_1312 = arith.constant 504 : i32
      %lt3A_1313 = vector.broadcast %lt3A_1312 : i32 to vector<16xi32>
      %lt3A_1314 = arith.cmpi slt, %get3A_1305, %lt3A_1313 : vector<16xi32>
      %and3A_1315 = arith.andi %ge3A_1311, %lt3A_1314 : vector<16xi1>
      %add3A_1316 = arith.constant 112 : i32
      %add3A_1317 = vector.broadcast %add3A_1316 : i32 to vector<16xi32>
      %add3A_1318 = arith.addi %add3A_1317, %iota3A : vector<16xi32>
      tpu.vector_store_idx %arg5[%sub3A_1308, %add3A_1318], %broadcast_in_dim3A_223 masked %and3A_1315 : memref<504x128xf32, #tpu.memory_space<vmem>>[vector<16xi32>, vector<16xi32>], vector<16xf32>, vector<16xi1>
      %mul3A_1319 = arith.constant 128 : i32
      %mul3A_1320 = arith.muli %rem3A_939, %mul3A_1319 : i32
      %dma_start3A_1321 = arith.constant 0 : i32
      %dma_start3A_1322 = tpu.memref_slice %arg3[%select_n3A_937, %dma_start3A_1321, %mul3A_1320] : memref<26x1000x1024xf32, #tpu.memory_space<hbm>> -> memref<1x504x128xf32, #tpu.memory_space<hbm>>
      %dma_start3A_1323 = tpu.memref_squeeze %dma_start3A_1322 : memref<1x504x128xf32, #tpu.memory_space<hbm>> -> memref<504x128xf32, #tpu.memory_space<hbm>>
      %dma_start3A_1324 = arith.constant 0 : i32
      %dma_start3A_1325 = tpu.memref_slice %arg3[%select_n3A_937, %dma_start3A_1324, %mul3A_1320] : memref<26x1000x1024xf32, #tpu.memory_space<hbm>> -> memref<1x504x128xf32, #tpu.memory_space<hbm>>
      %dma_start3A_1326 = tpu.memref_squeeze %dma_start3A_1325 : memref<1x504x128xf32, #tpu.memory_space<hbm>> -> memref<504x128xf32, #tpu.memory_space<hbm>>
      tpu.enqueue_dma source(%arg5 : memref<504x128xf32, #tpu.memory_space<vmem>>) target(%dma_start3A_1326 : memref<504x128xf32, #tpu.memory_space<hbm>>) target_semaphore(%arg8 : memref<!tpu.dma_semaphore, #tpu.memory_space<semaphore_mem>>)
      %add3A_1327 = arith.constant 160 : i32
      %add3A_1328 = arith.addi %add3A, %add3A_1327 : i32
      %jit3A_1329 = arith.constant 8 : i32
      %div3A_1330 = arith.divsi %add3A_1328, %jit3A_1329 : i32
      %sign3A_1331 = arith.constant 0 : i32
      %sign3A_1332 = arith.cmpi sgt, %add3A_1328, %sign3A_1331 : i32
      %sign3A_1333 = arith.extui %sign3A_1332 : i1 to i32
      %sign3A_1334 = arith.constant 0 : i32
      %sign3A_1335 = arith.cmpi slt, %add3A_1328, %sign3A_1334 : i32
      %sign3A_1336 = arith.extui %sign3A_1335 : i1 to i32
      %sign3A_1337 = arith.subi %sign3A_1333, %sign3A_1336 : i32
      %sign3A_1338 = arith.constant 0 : i32
      %sign3A_1339 = arith.cmpi sgt, %jit3A_1329, %sign3A_1338 : i32
      %sign3A_1340 = arith.extui %sign3A_1339 : i1 to i32
      %sign3A_1341 = arith.constant 0 : i32
      %sign3A_1342 = arith.cmpi slt, %jit3A_1329, %sign3A_1341 : i32
      %sign3A_1343 = arith.extui %sign3A_1342 : i1 to i32
      %sign3A_1344 = arith.subi %sign3A_1340, %sign3A_1343 : i32
      %ne3A_1345 = arith.cmpi ne, %sign3A_1337, %sign3A_1344 : i32
      %rem3A_1346 = arith.remsi %add3A_1328, %jit3A_1329 : i32
      %ne3A_1347 = arith.constant 0 : i32
      %ne3A_1348 = arith.cmpi ne, %rem3A_1346, %ne3A_1347 : i32
      %and3A_1349 = arith.andi %ne3A_1345, %ne3A_1348 : i1
      %sub3A_1350 = arith.constant 1 : i32
      %sub3A_1351 = arith.subi %div3A_1330, %sub3A_1350 : i32
      %select_n3A_1352 = arith.select %and3A_1349, %sub3A_1351, %div3A_1330 : i32
      %rem3A_1353 = arith.constant 8 : i32
      %rem3A_1354 = arith.remsi %add3A_1328, %rem3A_1353 : i32
      %mul3A_1355 = arith.constant 128 : i32
      %mul3A_1356 = arith.muli %rem3A_1354, %mul3A_1355 : i32
      %dma_wait3A_1357 = arith.constant 504 : i32
      %dma_wait3A_1358 = tpu.memref_slice %arg3[%select_n3A_1352, %dma_wait3A_1357, %mul3A_1356] : memref<26x1000x1024xf32, #tpu.memory_space<hbm>> -> memref<1x496x128xf32, #tpu.memory_space<hbm>>
      %dma_wait3A_1359 = tpu.memref_squeeze %dma_wait3A_1358 : memref<1x496x128xf32, #tpu.memory_space<hbm>> -> memref<496x128xf32, #tpu.memory_space<hbm>>
      %dma_wait3A_1360 = arith.constant 504 : i32
      %dma_wait3A_1361 = tpu.memref_slice %arg3[%select_n3A_1352, %dma_wait3A_1360, %mul3A_1356] : memref<26x1000x1024xf32, #tpu.memory_space<hbm>> -> memref<1x496x128xf32, #tpu.memory_space<hbm>>
      %dma_wait3A_1362 = tpu.memref_squeeze %dma_wait3A_1361 : memref<1x496x128xf32, #tpu.memory_space<hbm>> -> memref<496x128xf32, #tpu.memory_space<hbm>>
      tpu.wait_dma2 semaphore(%arg9 : memref<!tpu.dma_semaphore, #tpu.memory_space<semaphore_mem>>) src(%arg6 : memref<496x128xf32, #tpu.memory_space<vmem>>) dst(%dma_wait3A_1362 : memref<496x128xf32, #tpu.memory_space<hbm>>)
      %get3A_1363 = arith.constant 640 : index
      %get3A_1364 = tpu.vector_load %arg4[%get3A_1363] {strides = array<i32>} : memref<896xi32, #tpu.memory_space<vmem>>, vector<16xi32>,
      %sub3A_1365 = arith.constant 504 : i32
      %sub3A_1366 = vector.broadcast %sub3A_1365 : i32 to vector<16xi32>
      %sub3A_1367 = arith.subi %get3A_1364, %sub3A_1366 : vector<16xi32>
      %ge3A_1368 = arith.constant 504 : i32
      %ge3A_1369 = vector.broadcast %ge3A_1368 : i32 to vector<16xi32>
      %ge3A_1370 = arith.cmpi sge, %get3A_1364, %ge3A_1369 : vector<16xi32>
      %lt3A_1371 = arith.constant 1000 : i32
      %lt3A_1372 = vector.broadcast %lt3A_1371 : i32 to vector<16xi32>
      %lt3A_1373 = arith.cmpi slt, %get3A_1364, %lt3A_1372 : vector<16xi32>
      %and3A_1374 = arith.andi %ge3A_1370, %lt3A_1373 : vector<16xi1>
      %add3A_1375 = arith.constant 0 : i32
      %add3A_1376 = vector.broadcast %add3A_1375 : i32 to vector<16xi32>
      %add3A_1377 = arith.addi %add3A_1376, %iota3A : vector<16xi32>
      tpu.vector_store_idx %arg6[%sub3A_1367, %add3A_1377], %broadcast_in_dim3A_221 masked %and3A_1374 : memref<496x128xf32, #tpu.memory_space<vmem>>[vector<16xi32>, vector<16xi32>], vector<16xf32>, vector<16xi1>
      %get3A_1378 = arith.constant 656 : index
      %get3A_1379 = tpu.vector_load %arg4[%get3A_1378] {strides = array<i32>} : memref<896xi32, #tpu.memory_space<vmem>>, vector<16xi32>,
      %sub3A_1380 = arith.constant 504 : i32
      %sub3A_1381 = vector.broadcast %sub3A_1380 : i32 to vector<16xi32>
      %sub3A_1382 = arith.subi %get3A_1379, %sub3A_1381 : vector<16xi32>
      %ge3A_1383 = arith.constant 504 : i32
      %ge3A_1384 = vector.broadcast %ge3A_1383 : i32 to vector<16xi32>
      %ge3A_1385 = arith.cmpi sge, %get3A_1379, %ge3A_1384 : vector<16xi32>
      %lt3A_1386 = arith.constant 1000 : i32
      %lt3A_1387 = vector.broadcast %lt3A_1386 : i32 to vector<16xi32>
      %lt3A_1388 = arith.cmpi slt, %get3A_1379, %lt3A_1387 : vector<16xi32>
      %and3A_1389 = arith.andi %ge3A_1385, %lt3A_1388 : vector<16xi1>
      %add3A_1390 = arith.constant 16 : i32
      %add3A_1391 = vector.broadcast %add3A_1390 : i32 to vector<16xi32>
      %add3A_1392 = arith.addi %add3A_1391, %iota3A : vector<16xi32>
      tpu.vector_store_idx %arg6[%sub3A_1382, %add3A_1392], %broadcast_in_dim3A_221 masked %and3A_1389 : memref<496x128xf32, #tpu.memory_space<vmem>>[vector<16xi32>, vector<16xi32>], vector<16xf32>, vector<16xi1>
      %get3A_1393 = arith.constant 672 : index
      %get3A_1394 = tpu.vector_load %arg4[%get3A_1393] {strides = array<i32>} : memref<896xi32, #tpu.memory_space<vmem>>, vector<16xi32>,
      %sub3A_1395 = arith.constant 504 : i32
      %sub3A_1396 = vector.broadcast %sub3A_1395 : i32 to vector<16xi32>
      %sub3A_1397 = arith.subi %get3A_1394, %sub3A_1396 : vector<16xi32>
      %ge3A_1398 = arith.constant 504 : i32
      %ge3A_1399 = vector.broadcast %ge3A_1398 : i32 to vector<16xi32>
      %ge3A_1400 = arith.cmpi sge, %get3A_1394, %ge3A_1399 : vector<16xi32>
      %lt3A_1401 = arith.constant 1000 : i32
      %lt3A_1402 = vector.broadcast %lt3A_1401 : i32 to vector<16xi32>
      %lt3A_1403 = arith.cmpi slt, %get3A_1394, %lt3A_1402 : vector<16xi32>
      %and3A_1404 = arith.andi %ge3A_1400, %lt3A_1403 : vector<16xi1>
      %add3A_1405 = arith.constant 32 : i32
      %add3A_1406 = vector.broadcast %add3A_1405 : i32 to vector<16xi32>
      %add3A_1407 = arith.addi %add3A_1406, %iota3A : vector<16xi32>
      tpu.vector_store_idx %arg6[%sub3A_1397, %add3A_1407], %broadcast_in_dim3A_221 masked %and3A_1404 : memref<496x128xf32, #tpu.memory_space<vmem>>[vector<16xi32>, vector<16xi32>], vector<16xf32>, vector<16xi1>
      %get3A_1408 = arith.constant 688 : index
      %get3A_1409 = tpu.vector_load %arg4[%get3A_1408] {strides = array<i32>} : memref<896xi32, #tpu.memory_space<vmem>>, vector<16xi32>,
      %sub3A_1410 = arith.constant 504 : i32
      %sub3A_1411 = vector.broadcast %sub3A_1410 : i32 to vector<16xi32>
      %sub3A_1412 = arith.subi %get3A_1409, %sub3A_1411 : vector<16xi32>
      %ge3A_1413 = arith.constant 504 : i32
      %ge3A_1414 = vector.broadcast %ge3A_1413 : i32 to vector<16xi32>
      %ge3A_1415 = arith.cmpi sge, %get3A_1409, %ge3A_1414 : vector<16xi32>
      %lt3A_1416 = arith.constant 1000 : i32
      %lt3A_1417 = vector.broadcast %lt3A_1416 : i32 to vector<16xi32>
      %lt3A_1418 = arith.cmpi slt, %get3A_1409, %lt3A_1417 : vector<16xi32>
      %and3A_1419 = arith.andi %ge3A_1415, %lt3A_1418 : vector<16xi1>
      %add3A_1420 = arith.constant 48 : i32
      %add3A_1421 = vector.broadcast %add3A_1420 : i32 to vector<16xi32>
      %add3A_1422 = arith.addi %add3A_1421, %iota3A : vector<16xi32>
      tpu.vector_store_idx %arg6[%sub3A_1412, %add3A_1422], %broadcast_in_dim3A_221 masked %and3A_1419 : memref<496x128xf32, #tpu.memory_space<vmem>>[vector<16xi32>, vector<16xi32>], vector<16xf32>, vector<16xi1>
      %get3A_1423 = arith.constant 704 : index
      %get3A_1424 = tpu.vector_load %arg4[%get3A_1423] {strides = array<i32>} : memref<896xi32, #tpu.memory_space<vmem>>, vector<16xi32>,
      %sub3A_1425 = arith.constant 504 : i32
      %sub3A_1426 = vector.broadcast %sub3A_1425 : i32 to vector<16xi32>
      %sub3A_1427 = arith.subi %get3A_1424, %sub3A_1426 : vector<16xi32>
      %ge3A_1428 = arith.constant 504 : i32
      %ge3A_1429 = vector.broadcast %ge3A_1428 : i32 to vector<16xi32>
      %ge3A_1430 = arith.cmpi sge, %get3A_1424, %ge3A_1429 : vector<16xi32>
      %lt3A_1431 = arith.constant 1000 : i32
      %lt3A_1432 = vector.broadcast %lt3A_1431 : i32 to vector<16xi32>
      %lt3A_1433 = arith.cmpi slt, %get3A_1424, %lt3A_1432 : vector<16xi32>
      %and3A_1434 = arith.andi %ge3A_1430, %lt3A_1433 : vector<16xi1>
      %add3A_1435 = arith.constant 64 : i32
      %add3A_1436 = vector.broadcast %add3A_1435 : i32 to vector<16xi32>
      %add3A_1437 = arith.addi %add3A_1436, %iota3A : vector<16xi32>
      tpu.vector_store_idx %arg6[%sub3A_1427, %add3A_1437], %broadcast_in_dim3A_221 masked %and3A_1434 : memref<496x128xf32, #tpu.memory_space<vmem>>[vector<16xi32>, vector<16xi32>], vector<16xf32>, vector<16xi1>
      %get3A_1438 = arith.constant 720 : index
      %get3A_1439 = tpu.vector_load %arg4[%get3A_1438] {strides = array<i32>} : memref<896xi32, #tpu.memory_space<vmem>>, vector<16xi32>,
      %sub3A_1440 = arith.constant 504 : i32
      %sub3A_1441 = vector.broadcast %sub3A_1440 : i32 to vector<16xi32>
      %sub3A_1442 = arith.subi %get3A_1439, %sub3A_1441 : vector<16xi32>
      %ge3A_1443 = arith.constant 504 : i32
      %ge3A_1444 = vector.broadcast %ge3A_1443 : i32 to vector<16xi32>
      %ge3A_1445 = arith.cmpi sge, %get3A_1439, %ge3A_1444 : vector<16xi32>
      %lt3A_1446 = arith.constant 1000 : i32
      %lt3A_1447 = vector.broadcast %lt3A_1446 : i32 to vector<16xi32>
      %lt3A_1448 = arith.cmpi slt, %get3A_1439, %lt3A_1447 : vector<16xi32>
      %and3A_1449 = arith.andi %ge3A_1445, %lt3A_1448 : vector<16xi1>
      %add3A_1450 = arith.constant 80 : i32
      %add3A_1451 = vector.broadcast %add3A_1450 : i32 to vector<16xi32>
      %add3A_1452 = arith.addi %add3A_1451, %iota3A : vector<16xi32>
      tpu.vector_store_idx %arg6[%sub3A_1442, %add3A_1452], %broadcast_in_dim3A_221 masked %and3A_1449 : memref<496x128xf32, #tpu.memory_space<vmem>>[vector<16xi32>, vector<16xi32>], vector<16xf32>, vector<16xi1>
      %get3A_1453 = arith.constant 736 : index
      %get3A_1454 = tpu.vector_load %arg4[%get3A_1453] {strides = array<i32>} : memref<896xi32, #tpu.memory_space<vmem>>, vector<16xi32>,
      %sub3A_1455 = arith.constant 504 : i32
      %sub3A_1456 = vector.broadcast %sub3A_1455 : i32 to vector<16xi32>
      %sub3A_1457 = arith.subi %get3A_1454, %sub3A_1456 : vector<16xi32>
      %ge3A_1458 = arith.constant 504 : i32
      %ge3A_1459 = vector.broadcast %ge3A_1458 : i32 to vector<16xi32>
      %ge3A_1460 = arith.cmpi sge, %get3A_1454, %ge3A_1459 : vector<16xi32>
      %lt3A_1461 = arith.constant 1000 : i32
      %lt3A_1462 = vector.broadcast %lt3A_1461 : i32 to vector<16xi32>
      %lt3A_1463 = arith.cmpi slt, %get3A_1454, %lt3A_1462 : vector<16xi32>
      %and3A_1464 = arith.andi %ge3A_1460, %lt3A_1463 : vector<16xi1>
      %add3A_1465 = arith.constant 96 : i32
      %add3A_1466 = vector.broadcast %add3A_1465 : i32 to vector<16xi32>
      %add3A_1467 = arith.addi %add3A_1466, %iota3A : vector<16xi32>
      tpu.vector_store_idx %arg6[%sub3A_1457, %add3A_1467], %broadcast_in_dim3A_221 masked %and3A_1464 : memref<496x128xf32, #tpu.memory_space<vmem>>[vector<16xi32>, vector<16xi32>], vector<16xf32>, vector<16xi1>
      %get3A_1468 = arith.constant 752 : index
      %get3A_1469 = tpu.vector_load %arg4[%get3A_1468] {strides = array<i32>} : memref<896xi32, #tpu.memory_space<vmem>>, vector<16xi32>,
      %sub3A_1470 = arith.constant 504 : i32
      %sub3A_1471 = vector.broadcast %sub3A_1470 : i32 to vector<16xi32>
      %sub3A_1472 = arith.subi %get3A_1469, %sub3A_1471 : vector<16xi32>
      %ge3A_1473 = arith.constant 504 : i32
      %ge3A_1474 = vector.broadcast %ge3A_1473 : i32 to vector<16xi32>
      %ge3A_1475 = arith.cmpi sge, %get3A_1469, %ge3A_1474 : vector<16xi32>
      %lt3A_1476 = arith.constant 1000 : i32
      %lt3A_1477 = vector.broadcast %lt3A_1476 : i32 to vector<16xi32>
      %lt3A_1478 = arith.cmpi slt, %get3A_1469, %lt3A_1477 : vector<16xi32>
      %and3A_1479 = arith.andi %ge3A_1475, %lt3A_1478 : vector<16xi1>
      %add3A_1480 = arith.constant 112 : i32
      %add3A_1481 = vector.broadcast %add3A_1480 : i32 to vector<16xi32>
      %add3A_1482 = arith.addi %add3A_1481, %iota3A : vector<16xi32>
      tpu.vector_store_idx %arg6[%sub3A_1472, %add3A_1482], %broadcast_in_dim3A_221 masked %and3A_1479 : memref<496x128xf32, #tpu.memory_space<vmem>>[vector<16xi32>, vector<16xi32>], vector<16xf32>, vector<16xi1>
      %get3A_1483 = arith.constant 768 : index
      %get3A_1484 = tpu.vector_load %arg4[%get3A_1483] {strides = array<i32>} : memref<896xi32, #tpu.memory_space<vmem>>, vector<16xi32>,
      %sub3A_1485 = arith.constant 504 : i32
      %sub3A_1486 = vector.broadcast %sub3A_1485 : i32 to vector<16xi32>
      %sub3A_1487 = arith.subi %get3A_1484, %sub3A_1486 : vector<16xi32>
      %ge3A_1488 = arith.constant 504 : i32
      %ge3A_1489 = vector.broadcast %ge3A_1488 : i32 to vector<16xi32>
      %ge3A_1490 = arith.cmpi sge, %get3A_1484, %ge3A_1489 : vector<16xi32>
      %lt3A_1491 = arith.constant 1000 : i32
      %lt3A_1492 = vector.broadcast %lt3A_1491 : i32 to vector<16xi32>
      %lt3A_1493 = arith.cmpi slt, %get3A_1484, %lt3A_1492 : vector<16xi32>
      %and3A_1494 = arith.andi %ge3A_1490, %lt3A_1493 : vector<16xi1>
      %add3A_1495 = arith.constant 0 : i32
      %add3A_1496 = vector.broadcast %add3A_1495 : i32 to vector<16xi32>
      %add3A_1497 = arith.addi %add3A_1496, %iota3A : vector<16xi32>
      tpu.vector_store_idx %arg6[%sub3A_1487, %add3A_1497], %broadcast_in_dim3A_223 masked %and3A_1494 : memref<496x128xf32, #tpu.memory_space<vmem>>[vector<16xi32>, vector<16xi32>], vector<16xf32>, vector<16xi1>
      %get3A_1498 = arith.constant 784 : index
      %get3A_1499 = tpu.vector_load %arg4[%get3A_1498] {strides = array<i32>} : memref<896xi32, #tpu.memory_space<vmem>>, vector<16xi32>,
      %sub3A_1500 = arith.constant 504 : i32
      %sub3A_1501 = vector.broadcast %sub3A_1500 : i32 to vector<16xi32>
      %sub3A_1502 = arith.subi %get3A_1499, %sub3A_1501 : vector<16xi32>
      %ge3A_1503 = arith.constant 504 : i32
      %ge3A_1504 = vector.broadcast %ge3A_1503 : i32 to vector<16xi32>
      %ge3A_1505 = arith.cmpi sge, %get3A_1499, %ge3A_1504 : vector<16xi32>
      %lt3A_1506 = arith.constant 1000 : i32
      %lt3A_1507 = vector.broadcast %lt3A_1506 : i32 to vector<16xi32>
      %lt3A_1508 = arith.cmpi slt, %get3A_1499, %lt3A_1507 : vector<16xi32>
      %and3A_1509 = arith.andi %ge3A_1505, %lt3A_1508 : vector<16xi1>
      %add3A_1510 = arith.constant 16 : i32
      %add3A_1511 = vector.broadcast %add3A_1510 : i32 to vector<16xi32>
      %add3A_1512 = arith.addi %add3A_1511, %iota3A : vector<16xi32>
      tpu.vector_store_idx %arg6[%sub3A_1502, %add3A_1512], %broadcast_in_dim3A_223 masked %and3A_1509 : memref<496x128xf32, #tpu.memory_space<vmem>>[vector<16xi32>, vector<16xi32>], vector<16xf32>, vector<16xi1>
      %get3A_1513 = arith.constant 800 : index
      %get3A_1514 = tpu.vector_load %arg4[%get3A_1513] {strides = array<i32>} : memref<896xi32, #tpu.memory_space<vmem>>, vector<16xi32>,
      %sub3A_1515 = arith.constant 504 : i32
      %sub3A_1516 = vector.broadcast %sub3A_1515 : i32 to vector<16xi32>
      %sub3A_1517 = arith.subi %get3A_1514, %sub3A_1516 : vector<16xi32>
      %ge3A_1518 = arith.constant 504 : i32
      %ge3A_1519 = vector.broadcast %ge3A_1518 : i32 to vector<16xi32>
      %ge3A_1520 = arith.cmpi sge, %get3A_1514, %ge3A_1519 : vector<16xi32>
      %lt3A_1521 = arith.constant 1000 : i32
      %lt3A_1522 = vector.broadcast %lt3A_1521 : i32 to vector<16xi32>
      %lt3A_1523 = arith.cmpi slt, %get3A_1514, %lt3A_1522 : vector<16xi32>
      %and3A_1524 = arith.andi %ge3A_1520, %lt3A_1523 : vector<16xi1>
      %add3A_1525 = arith.constant 32 : i32
      %add3A_1526 = vector.broadcast %add3A_1525 : i32 to vector<16xi32>
      %add3A_1527 = arith.addi %add3A_1526, %iota3A : vector<16xi32>
      tpu.vector_store_idx %arg6[%sub3A_1517, %add3A_1527], %broadcast_in_dim3A_223 masked %and3A_1524 : memref<496x128xf32, #tpu.memory_space<vmem>>[vector<16xi32>, vector<16xi32>], vector<16xf32>, vector<16xi1>
      %get3A_1528 = arith.constant 816 : index
      %get3A_1529 = tpu.vector_load %arg4[%get3A_1528] {strides = array<i32>} : memref<896xi32, #tpu.memory_space<vmem>>, vector<16xi32>,
      %sub3A_1530 = arith.constant 504 : i32
      %sub3A_1531 = vector.broadcast %sub3A_1530 : i32 to vector<16xi32>
      %sub3A_1532 = arith.subi %get3A_1529, %sub3A_1531 : vector<16xi32>
      %ge3A_1533 = arith.constant 504 : i32
      %ge3A_1534 = vector.broadcast %ge3A_1533 : i32 to vector<16xi32>
      %ge3A_1535 = arith.cmpi sge, %get3A_1529, %ge3A_1534 : vector<16xi32>
      %lt3A_1536 = arith.constant 1000 : i32
      %lt3A_1537 = vector.broadcast %lt3A_1536 : i32 to vector<16xi32>
      %lt3A_1538 = arith.cmpi slt, %get3A_1529, %lt3A_1537 : vector<16xi32>
      %and3A_1539 = arith.andi %ge3A_1535, %lt3A_1538 : vector<16xi1>
      %add3A_1540 = arith.constant 48 : i32
      %add3A_1541 = vector.broadcast %add3A_1540 : i32 to vector<16xi32>
      %add3A_1542 = arith.addi %add3A_1541, %iota3A : vector<16xi32>
      tpu.vector_store_idx %arg6[%sub3A_1532, %add3A_1542], %broadcast_in_dim3A_223 masked %and3A_1539 : memref<496x128xf32, #tpu.memory_space<vmem>>[vector<16xi32>, vector<16xi32>], vector<16xf32>, vector<16xi1>
      %get3A_1543 = arith.constant 832 : index
      %get3A_1544 = tpu.vector_load %arg4[%get3A_1543] {strides = array<i32>} : memref<896xi32, #tpu.memory_space<vmem>>, vector<16xi32>,
      %sub3A_1545 = arith.constant 504 : i32
      %sub3A_1546 = vector.broadcast %sub3A_1545 : i32 to vector<16xi32>
      %sub3A_1547 = arith.subi %get3A_1544, %sub3A_1546 : vector<16xi32>
      %ge3A_1548 = arith.constant 504 : i32
      %ge3A_1549 = vector.broadcast %ge3A_1548 : i32 to vector<16xi32>
      %ge3A_1550 = arith.cmpi sge, %get3A_1544, %ge3A_1549 : vector<16xi32>
      %lt3A_1551 = arith.constant 1000 : i32
      %lt3A_1552 = vector.broadcast %lt3A_1551 : i32 to vector<16xi32>
      %lt3A_1553 = arith.cmpi slt, %get3A_1544, %lt3A_1552 : vector<16xi32>
      %and3A_1554 = arith.andi %ge3A_1550, %lt3A_1553 : vector<16xi1>
      %add3A_1555 = arith.constant 64 : i32
      %add3A_1556 = vector.broadcast %add3A_1555 : i32 to vector<16xi32>
      %add3A_1557 = arith.addi %add3A_1556, %iota3A : vector<16xi32>
      tpu.vector_store_idx %arg6[%sub3A_1547, %add3A_1557], %broadcast_in_dim3A_223 masked %and3A_1554 : memref<496x128xf32, #tpu.memory_space<vmem>>[vector<16xi32>, vector<16xi32>], vector<16xf32>, vector<16xi1>
      %get3A_1558 = arith.constant 848 : index
      %get3A_1559 = tpu.vector_load %arg4[%get3A_1558] {strides = array<i32>} : memref<896xi32, #tpu.memory_space<vmem>>, vector<16xi32>,
      %sub3A_1560 = arith.constant 504 : i32
      %sub3A_1561 = vector.broadcast %sub3A_1560 : i32 to vector<16xi32>
      %sub3A_1562 = arith.subi %get3A_1559, %sub3A_1561 : vector<16xi32>
      %ge3A_1563 = arith.constant 504 : i32
      %ge3A_1564 = vector.broadcast %ge3A_1563 : i32 to vector<16xi32>
      %ge3A_1565 = arith.cmpi sge, %get3A_1559, %ge3A_1564 : vector<16xi32>
      %lt3A_1566 = arith.constant 1000 : i32
      %lt3A_1567 = vector.broadcast %lt3A_1566 : i32 to vector<16xi32>
      %lt3A_1568 = arith.cmpi slt, %get3A_1559, %lt3A_1567 : vector<16xi32>
      %and3A_1569 = arith.andi %ge3A_1565, %lt3A_1568 : vector<16xi1>
      %add3A_1570 = arith.constant 80 : i32
      %add3A_1571 = vector.broadcast %add3A_1570 : i32 to vector<16xi32>
      %add3A_1572 = arith.addi %add3A_1571, %iota3A : vector<16xi32>
      tpu.vector_store_idx %arg6[%sub3A_1562, %add3A_1572], %broadcast_in_dim3A_223 masked %and3A_1569 : memref<496x128xf32, #tpu.memory_space<vmem>>[vector<16xi32>, vector<16xi32>], vector<16xf32>, vector<16xi1>
      %get3A_1573 = arith.constant 864 : index
      %get3A_1574 = tpu.vector_load %arg4[%get3A_1573] {strides = array<i32>} : memref<896xi32, #tpu.memory_space<vmem>>, vector<16xi32>,
      %sub3A_1575 = arith.constant 504 : i32
      %sub3A_1576 = vector.broadcast %sub3A_1575 : i32 to vector<16xi32>
      %sub3A_1577 = arith.subi %get3A_1574, %sub3A_1576 : vector<16xi32>
      %ge3A_1578 = arith.constant 504 : i32
      %ge3A_1579 = vector.broadcast %ge3A_1578 : i32 to vector<16xi32>
      %ge3A_1580 = arith.cmpi sge, %get3A_1574, %ge3A_1579 : vector<16xi32>
      %lt3A_1581 = arith.constant 1000 : i32
      %lt3A_1582 = vector.broadcast %lt3A_1581 : i32 to vector<16xi32>
      %lt3A_1583 = arith.cmpi slt, %get3A_1574, %lt3A_1582 : vector<16xi32>
      %and3A_1584 = arith.andi %ge3A_1580, %lt3A_1583 : vector<16xi1>
      %add3A_1585 = arith.constant 96 : i32
      %add3A_1586 = vector.broadcast %add3A_1585 : i32 to vector<16xi32>
      %add3A_1587 = arith.addi %add3A_1586, %iota3A : vector<16xi32>
      tpu.vector_store_idx %arg6[%sub3A_1577, %add3A_1587], %broadcast_in_dim3A_223 masked %and3A_1584 : memref<496x128xf32, #tpu.memory_space<vmem>>[vector<16xi32>, vector<16xi32>], vector<16xf32>, vector<16xi1>
      %get3A_1588 = arith.constant 880 : index
      %get3A_1589 = tpu.vector_load %arg4[%get3A_1588] {strides = array<i32>} : memref<896xi32, #tpu.memory_space<vmem>>, vector<16xi32>,
      %sub3A_1590 = arith.constant 504 : i32
      %sub3A_1591 = vector.broadcast %sub3A_1590 : i32 to vector<16xi32>
      %sub3A_1592 = arith.subi %get3A_1589, %sub3A_1591 : vector<16xi32>
      %ge3A_1593 = arith.constant 504 : i32
      %ge3A_1594 = vector.broadcast %ge3A_1593 : i32 to vector<16xi32>
      %ge3A_1595 = arith.cmpi sge, %get3A_1589, %ge3A_1594 : vector<16xi32>
      %lt3A_1596 = arith.constant 1000 : i32
      %lt3A_1597 = vector.broadcast %lt3A_1596 : i32 to vector<16xi32>
      %lt3A_1598 = arith.cmpi slt, %get3A_1589, %lt3A_1597 : vector<16xi32>
      %and3A_1599 = arith.andi %ge3A_1595, %lt3A_1598 : vector<16xi1>
      %add3A_1600 = arith.constant 112 : i32
      %add3A_1601 = vector.broadcast %add3A_1600 : i32 to vector<16xi32>
      %add3A_1602 = arith.addi %add3A_1601, %iota3A : vector<16xi32>
      tpu.vector_store_idx %arg6[%sub3A_1592, %add3A_1602], %broadcast_in_dim3A_223 masked %and3A_1599 : memref<496x128xf32, #tpu.memory_space<vmem>>[vector<16xi32>, vector<16xi32>], vector<16xf32>, vector<16xi1>
      %mul3A_1603 = arith.constant 128 : i32
      %mul3A_1604 = arith.muli %rem3A_939, %mul3A_1603 : i32
      %dma_start3A_1605 = arith.constant 504 : i32
      %dma_start3A_1606 = tpu.memref_slice %arg3[%select_n3A_937, %dma_start3A_1605, %mul3A_1604] : memref<26x1000x1024xf32, #tpu.memory_space<hbm>> -> memref<1x496x128xf32, #tpu.memory_space<hbm>>
      %dma_start3A_1607 = tpu.memref_squeeze %dma_start3A_1606 : memref<1x496x128xf32, #tpu.memory_space<hbm>> -> memref<496x128xf32, #tpu.memory_space<hbm>>
      %dma_start3A_1608 = arith.constant 504 : i32
      %dma_start3A_1609 = tpu.memref_slice %arg3[%select_n3A_937, %dma_start3A_1608, %mul3A_1604] : memref<26x1000x1024xf32, #tpu.memory_space<hbm>> -> memref<1x496x128xf32, #tpu.memory_space<hbm>>
      %dma_start3A_1610 = tpu.memref_squeeze %dma_start3A_1609 : memref<1x496x128xf32, #tpu.memory_space<hbm>> -> memref<496x128xf32, #tpu.memory_space<hbm>>
      tpu.enqueue_dma source(%arg6 : memref<496x128xf32, #tpu.memory_space<vmem>>) target(%dma_start3A_1610 : memref<496x128xf32, #tpu.memory_space<hbm>>) target_semaphore(%arg9 : memref<!tpu.dma_semaphore, #tpu.memory_space<semaphore_mem>>)
    } else {
    }
    %add3A_945 = arith.constant 160 : i32
    %add3A_946 = arith.addi %add3A, %add3A_945 : i32
    %jit3A_947 = arith.constant 8 : i32
    %div3A_948 = arith.divsi %add3A_946, %jit3A_947 : i32
    %sign3A_949 = arith.constant 0 : i32
    %sign3A_950 = arith.cmpi sgt, %add3A_946, %sign3A_949 : i32
    %sign3A_951 = arith.extui %sign3A_950 : i1 to i32
    %sign3A_952 = arith.constant 0 : i32
    %sign3A_953 = arith.cmpi slt, %add3A_946, %sign3A_952 : i32
    %sign3A_954 = arith.extui %sign3A_953 : i1 to i32
    %sign3A_955 = arith.subi %sign3A_951, %sign3A_954 : i32
    %sign3A_956 = arith.constant 0 : i32
    %sign3A_957 = arith.cmpi sgt, %jit3A_947, %sign3A_956 : i32
    %sign3A_958 = arith.extui %sign3A_957 : i1 to i32
    %sign3A_959 = arith.constant 0 : i32
    %sign3A_960 = arith.cmpi slt, %jit3A_947, %sign3A_959 : i32
    %sign3A_961 = arith.extui %sign3A_960 : i1 to i32
    %sign3A_962 = arith.subi %sign3A_958, %sign3A_961 : i32
    %ne3A_963 = arith.cmpi ne, %sign3A_955, %sign3A_962 : i32
    %rem3A_964 = arith.remsi %add3A_946, %jit3A_947 : i32
    %ne3A_965 = arith.constant 0 : i32
    %ne3A_966 = arith.cmpi ne, %rem3A_964, %ne3A_965 : i32
    %and3A_967 = arith.andi %ne3A_963, %ne3A_966 : i1
    %sub3A_968 = arith.constant 1 : i32
    %sub3A_969 = arith.subi %div3A_948, %sub3A_968 : i32
    %select_n3A_970 = arith.select %and3A_967, %sub3A_969, %div3A_948 : i32
    %rem3A_971 = arith.constant 8 : i32
    %rem3A_972 = arith.remsi %add3A_946, %rem3A_971 : i32
    %add3A_973 = arith.constant 192 : i32
    %add3A_974 = arith.addi %add3A, %add3A_973 : i32
    %jit3A_975 = arith.constant 8 : i32
    %div3A_976 = arith.divsi %add3A_974, %jit3A_975 : i32
    %sign3A_977 = arith.constant 0 : i32
    %sign3A_978 = arith.cmpi sgt, %add3A_974, %sign3A_977 : i32
    %sign3A_979 = arith.extui %sign3A_978 : i1 to i32
    %sign3A_980 = arith.constant 0 : i32
    %sign3A_981 = arith.cmpi slt, %add3A_974, %sign3A_980 : i32
    %sign3A_982 = arith.extui %sign3A_981 : i1 to i32
    %sign3A_983 = arith.subi %sign3A_979, %sign3A_982 : i32
    %sign3A_984 = arith.constant 0 : i32
    %sign3A_985 = arith.cmpi sgt, %jit3A_975, %sign3A_984 : i32
    %sign3A_986 = arith.extui %sign3A_985 : i1 to i32
    %sign3A_987 = arith.constant 0 : i32
    %sign3A_988 = arith.cmpi slt, %jit3A_975, %sign3A_987 : i32
    %sign3A_989 = arith.extui %sign3A_988 : i1 to i32
    %sign3A_990 = arith.subi %sign3A_986, %sign3A_989 : i32
    %ne3A_991 = arith.cmpi ne, %sign3A_983, %sign3A_990 : i32
    %rem3A_992 = arith.remsi %add3A_974, %jit3A_975 : i32
    %ne3A_993 = arith.constant 0 : i32
    %ne3A_994 = arith.cmpi ne, %rem3A_992, %ne3A_993 : i32
    %and3A_995 = arith.andi %ne3A_991, %ne3A_994 : i1
    %sub3A_996 = arith.constant 1 : i32
    %sub3A_997 = arith.subi %div3A_976, %sub3A_996 : i32
    %select_n3A_998 = arith.select %and3A_995, %sub3A_997, %div3A_976 : i32
    %rem3A_999 = arith.constant 8 : i32
    %rem3A_1000 = arith.remsi %add3A_974, %rem3A_999 : i32
    %lt3A_1001 = arith.constant 208 : i32
    %lt3A_1002 = arith.cmpi slt, %add3A_946, %lt3A_1001 : i32
    %ge3A_1003 = arith.constant 208 : i32
    %ge3A_1004 = arith.cmpi sge, %add3A_974, %ge3A_1003 : i32
    %and3A_1005 = arith.andi %lt3A_1002, %ge3A_1004 : i1
    %convert_element_type3A_1006 = arith.extui %and3A_1005 : i1 to i32
    %cond3A_1007 = arith.constant 0 : i32
    %cond3A_1008 = arith.cmpi ne, %convert_element_type3A_1006, %cond3A_1007 : i32
    scf.if %cond3A_1008 {
      %mul3A_1044 = arith.constant 128 : i32
      %mul3A_1045 = arith.muli %rem3A_972, %mul3A_1044 : i32
      %dma_wait3A = arith.constant 0 : i32
      %dma_wait3A_1046 = tpu.memref_slice %arg3[%select_n3A_970, %dma_wait3A, %mul3A_1045] : memref<26x1000x1024xf32, #tpu.memory_space<hbm>> -> memref<1x504x128xf32, #tpu.memory_space<hbm>>
      %dma_wait3A_1047 = tpu.memref_squeeze %dma_wait3A_1046 : memref<1x504x128xf32, #tpu.memory_space<hbm>> -> memref<504x128xf32, #tpu.memory_space<hbm>>
      %dma_wait3A_1048 = arith.constant 0 : i32
      %dma_wait3A_1049 = tpu.memref_slice %arg3[%select_n3A_970, %dma_wait3A_1048, %mul3A_1045] : memref<26x1000x1024xf32, #tpu.memory_space<hbm>> -> memref<1x504x128xf32, #tpu.memory_space<hbm>>
      %dma_wait3A_1050 = tpu.memref_squeeze %dma_wait3A_1049 : memref<1x504x128xf32, #tpu.memory_space<hbm>> -> memref<504x128xf32, #tpu.memory_space<hbm>>
      tpu.wait_dma2 semaphore(%arg8 : memref<!tpu.dma_semaphore, #tpu.memory_space<semaphore_mem>>) src(%arg5 : memref<504x128xf32, #tpu.memory_space<vmem>>) dst(%dma_wait3A_1050 : memref<504x128xf32, #tpu.memory_space<hbm>>)
      %mul3A_1051 = arith.constant 128 : i32
      %mul3A_1052 = arith.muli %rem3A_972, %mul3A_1051 : i32
      %dma_wait3A_1053 = arith.constant 504 : i32
      %dma_wait3A_1054 = tpu.memref_slice %arg3[%select_n3A_970, %dma_wait3A_1053, %mul3A_1052] : memref<26x1000x1024xf32, #tpu.memory_space<hbm>> -> memref<1x496x128xf32, #tpu.memory_space<hbm>>
      %dma_wait3A_1055 = tpu.memref_squeeze %dma_wait3A_1054 : memref<1x496x128xf32, #tpu.memory_space<hbm>> -> memref<496x128xf32, #tpu.memory_space<hbm>>
      %dma_wait3A_1056 = arith.constant 504 : i32
      %dma_wait3A_1057 = tpu.memref_slice %arg3[%select_n3A_970, %dma_wait3A_1056, %mul3A_1052] : memref<26x1000x1024xf32, #tpu.memory_space<hbm>> -> memref<1x496x128xf32, #tpu.memory_space<hbm>>
      %dma_wait3A_1058 = tpu.memref_squeeze %dma_wait3A_1057 : memref<1x496x128xf32, #tpu.memory_space<hbm>> -> memref<496x128xf32, #tpu.memory_space<hbm>>
      tpu.wait_dma2 semaphore(%arg9 : memref<!tpu.dma_semaphore, #tpu.memory_space<semaphore_mem>>) src(%arg6 : memref<496x128xf32, #tpu.memory_space<vmem>>) dst(%dma_wait3A_1058 : memref<496x128xf32, #tpu.memory_space<hbm>>)
    } else {
    }
    %add3A_1009 = arith.constant 192 : i32
    %add3A_1010 = arith.addi %add3A, %add3A_1009 : i32
    %jit3A_1011 = arith.constant 8 : i32
    %div3A_1012 = arith.divsi %add3A_1010, %jit3A_1011 : i32
    %sign3A_1013 = arith.constant 0 : i32
    %sign3A_1014 = arith.cmpi sgt, %add3A_1010, %sign3A_1013 : i32
    %sign3A_1015 = arith.extui %sign3A_1014 : i1 to i32
    %sign3A_1016 = arith.constant 0 : i32
    %sign3A_1017 = arith.cmpi slt, %add3A_1010, %sign3A_1016 : i32
    %sign3A_1018 = arith.extui %sign3A_1017 : i1 to i32
    %sign3A_1019 = arith.subi %sign3A_1015, %sign3A_1018 : i32
    %sign3A_1020 = arith.constant 0 : i32
    %sign3A_1021 = arith.cmpi sgt, %jit3A_1011, %sign3A_1020 : i32
    %sign3A_1022 = arith.extui %sign3A_1021 : i1 to i32
    %sign3A_1023 = arith.constant 0 : i32
    %sign3A_1024 = arith.cmpi slt, %jit3A_1011, %sign3A_1023 : i32
    %sign3A_1025 = arith.extui %sign3A_1024 : i1 to i32
    %sign3A_1026 = arith.subi %sign3A_1022, %sign3A_1025 : i32
    %ne3A_1027 = arith.cmpi ne, %sign3A_1019, %sign3A_1026 : i32
    %rem3A_1028 = arith.remsi %add3A_1010, %jit3A_1011 : i32
    %ne3A_1029 = arith.constant 0 : i32
    %ne3A_1030 = arith.cmpi ne, %rem3A_1028, %ne3A_1029 : i32
    %and3A_1031 = arith.andi %ne3A_1027, %ne3A_1030 : i1
    %sub3A_1032 = arith.constant 1 : i32
    %sub3A_1033 = arith.subi %div3A_1012, %sub3A_1032 : i32
    %select_n3A_1034 = arith.select %and3A_1031, %sub3A_1033, %div3A_1012 : i32
    %rem3A_1035 = arith.constant 8 : i32
    %rem3A_1036 = arith.remsi %add3A_1010, %rem3A_1035 : i32
    %lt3A_1037 = arith.constant 208 : i32
    %lt3A_1038 = arith.cmpi slt, %add3A_1010, %lt3A_1037 : i32
    %and3A_1039 = arith.constant true
    %and3A_1040 = arith.andi %lt3A_1038, %and3A_1039 : i1
    %convert_element_type3A_1041 = arith.extui %and3A_1040 : i1 to i32
    %cond3A_1042 = arith.constant 0 : i32
    %cond3A_1043 = arith.cmpi ne, %convert_element_type3A_1041, %cond3A_1042 : i32
    scf.if %cond3A_1043 {
      %mul3A_1044 = arith.constant 128 : i32
      %mul3A_1045 = arith.muli %rem3A_1036, %mul3A_1044 : i32
      %dma_wait3A = arith.constant 0 : i32
      %dma_wait3A_1046 = tpu.memref_slice %arg3[%select_n3A_1034, %dma_wait3A, %mul3A_1045] : memref<26x1000x1024xf32, #tpu.memory_space<hbm>> -> memref<1x504x128xf32, #tpu.memory_space<hbm>>
      %dma_wait3A_1047 = tpu.memref_squeeze %dma_wait3A_1046 : memref<1x504x128xf32, #tpu.memory_space<hbm>> -> memref<504x128xf32, #tpu.memory_space<hbm>>
      %dma_wait3A_1048 = arith.constant 0 : i32
      %dma_wait3A_1049 = tpu.memref_slice %arg3[%select_n3A_1034, %dma_wait3A_1048, %mul3A_1045] : memref<26x1000x1024xf32, #tpu.memory_space<hbm>> -> memref<1x504x128xf32, #tpu.memory_space<hbm>>
      %dma_wait3A_1050 = tpu.memref_squeeze %dma_wait3A_1049 : memref<1x504x128xf32, #tpu.memory_space<hbm>> -> memref<504x128xf32, #tpu.memory_space<hbm>>
      tpu.wait_dma2 semaphore(%arg8 : memref<!tpu.dma_semaphore, #tpu.memory_space<semaphore_mem>>) src(%arg5 : memref<504x128xf32, #tpu.memory_space<vmem>>) dst(%dma_wait3A_1050 : memref<504x128xf32, #tpu.memory_space<hbm>>)
      %mul3A_1051 = arith.constant 128 : i32
      %mul3A_1052 = arith.muli %rem3A_1036, %mul3A_1051 : i32
      %dma_wait3A_1053 = arith.constant 504 : i32
      %dma_wait3A_1054 = tpu.memref_slice %arg3[%select_n3A_1034, %dma_wait3A_1053, %mul3A_1052] : memref<26x1000x1024xf32, #tpu.memory_space<hbm>> -> memref<1x496x128xf32, #tpu.memory_space<hbm>>
      %dma_wait3A_1055 = tpu.memref_squeeze %dma_wait3A_1054 : memref<1x496x128xf32, #tpu.memory_space<hbm>> -> memref<496x128xf32, #tpu.memory_space<hbm>>
      %dma_wait3A_1056 = arith.constant 504 : i32
      %dma_wait3A_1057 = tpu.memref_slice %arg3[%select_n3A_1034, %dma_wait3A_1056, %mul3A_1052] : memref<26x1000x1024xf32, #tpu.memory_space<hbm>> -> memref<1x496x128xf32, #tpu.memory_space<hbm>>
      %dma_wait3A_1058 = tpu.memref_squeeze %dma_wait3A_1057 : memref<1x496x128xf32, #tpu.memory_space<hbm>> -> memref<496x128xf32, #tpu.memory_space<hbm>>
      tpu.wait_dma2 semaphore(%arg9 : memref<!tpu.dma_semaphore, #tpu.memory_space<semaphore_mem>>) src(%arg6 : memref<496x128xf32, #tpu.memory_space<vmem>>) dst(%dma_wait3A_1058 : memref<496x128xf32, #tpu.memory_space<hbm>>)
    } else {
    }
    return
  }
}

</mosaic_0001>

<sc_bundles>
// kernel: kernel.3.cloned.1.call-start
scs
__scs_entry_jumppad:
0x0: {  	(pc) =	sbr.rel $0x88, $3  }
0x1: {  	(tag) =	ssettag $0x0;
	lr =	simm.s32 $0x1  }
0x2: {  	[smem:$0x3FA0] =	sst lr;
	_ =	strace $0xD0000000  }
0x3: {  	_ = 	snop  }
0x4: {  	_ = 	snop  }
0x5: {  	_ = 	snop  }
0x6: {  	_ = 	snop  }
0x7: {  	_ = 	snop  }
__scs_overlays_trampoline_lowered:
0x8: {  	[smem:$0x3FAF] =	sst s0  }
0x9: {  	[smem:$0x3FB0] =	sst s1  }
0xa: {  	[smem:$0x3FB1] =	sst s2  }
0xb: {  	[smem:$0x3FB2] =	sst s3  }
0xc: {  	[smem:$0x3FB3] =	sst s4  }
0xd: {  	[smem:$0x3FB4] =	sst s5  }
0xe: {  	[smem:$0x3FB5] =	sst s6  }
0xf: {  	[smem:$0x3FB6] =	sst s7  }
0x10: {  	[smem:$0x3FB7] =	sst s8  }
0x11: {  	[smem:$0x3FB8] =	sst s9;
	s0 =	simm.s32 @!p0 $0x0  }
0x12: {  	s1 =	sld [smem:$0x3F9E];
	s0 =	simm.s32 @p0 $0x1  }
0x13: {  	[smem:$0x3FB9] =	sst s0;
	s0 =	simm.s32 @!p1 $0x0  }
0x14: {  	s2 =	sld [smem:$0x3F9D];
	s0 =	simm.s32 @p1 $0x1  }
0x15: {  	[smem:$0x3FBA] =	sst s0;
	s0 =	simm.s32 @!p2 $0x0  }
0x16: {  	s3 =	sld [smem:$0x3FDB];
	s0 =	simm.s32 @p2 $0x1  }
0x17: {  	s4 =	simm.s32 $0x1BF5;
	[smem:$0x3FBC] =	sst s0  }
0x18: {  	s0 =	sld [smem:$0x3F9F];
	_ =	swait.ge [sflag:s4], $0x0  }
0x19: {  	s7 =	sld [smem:$0x3FA0]  }
0x1a: {  	s8 =	sadd.s32 $0xFFFFE003, lr  }
0x1b: {  	s9 =	sadd.s32 $0xFFFFFEF7, lr;
	s5 =	simm.s32 $0xFFFFFFFF;
	p2 =	slt.u32 s8, $0xFFFFF086  }
0x1c: {  	p1 =	slt.u32 s9, $0xF7A;
	s5 =	simm.s32 @!p2 $0x0  }
0x1d: {  	s5 =	simm.s32 @p1 $0x1;
	p0 =	seq.s32 s7, s2  }
0x1e: {  	s7 =	smul.u32 @!p0 $0xF7A, s2;
	p2 =	seq.s32 @!p0 s5, $0x0  }
0x1f: {  	s9 =	smul.u32 $0xF7A, s1;
	s8 =	simm.s32 @!p0 $0x1BF5;
	p2 =	por !p2, p0  }
0x20: {  	[sflag:s8] =	ssyncset.s32 @!p0 $0xFFFFF086;
	s6 =	sadd.s32 @!p0 s3, s7;
	s7 =	simm.s32 @!p0 $0x108  }
0x21: {  	s3 =	sadd.s32 s3, s9;
	s6 =	sadd.s32 @!p0 $0x88, s6;
	s7 =	simm.s32 @p2 $0x1082  }
0x22: {  	[simem:s7], [sflag:s8] =	dma.local @!p0 [hbm:s6], $0xF7A  }
0x23: {  	s9 =	sor.u32 $0xD0000000, s2;
	s6 =	simm.s32 $0x108;
	_ =	swait.ge @!p0 [sflag:s8], $0x0  }
0x24: {  	s3 =	sadd.s32 $0x88, s3;
	s6 =	simm.s32 @!p1 $0x1082;
	[sflag:s4] =	ssyncset.s32 $0xFFFFF086  }
0x25: {  	[simem:s6], [sflag:s4] =	dma.local [hbm:s3], $0xF7A  }
0x26: {  	[smem:$0x3FA0] =	sst s1;
	(tag) =	ssettag s2;
	_ =	strace s9  }
0x27: {  	s1 =	sld [smem:$0x3FB0]  }
0x28: {  	s2 =	sld [smem:$0x3FB1]  }
0x29: {  	s4 =	sld [smem:$0x3FB3]  }
0x2a: {  	p0 =	seq.s32 s5, $0x0;
	s5 =	sld [smem:$0x3FB4]  }
0x2b: {  	s6 =	sld [smem:$0x3FB5]  }
0x2c: {  	s7 =	sld [smem:$0x3FB6]  }
0x2d: {  	s3 =	simm.s32 $0x108;
	s8 =	sld [smem:$0x3FB7]  }
0x2e: {  	s3 =	simm.s32 @!p0 $0x1082;
	s9 =	sld [smem:$0x3FB8]  }
0x2f: {  	lr =	sadd.s32 s0, s3;
	s0 =	sld [smem:$0x3FAF]  }
0x30: {  	s3 =	sld [smem:$0x3FB2]  }
0x31: {  	[smem:$0x3FBB] =	sst s10  }
0x32: {  	s10 =	sld [smem:$0x3FB9];
	_ =	sdelay $0x3  }
0x33: {  	p0 =	seq.s32 s10, $0x1;
	s10 =	sld [smem:$0x3FBB];
	_ =	sdelay $0x3  }
0x34: {  	[smem:$0x3FBB] =	sst s10  }
0x35: {  	s10 =	sld [smem:$0x3FBA];
	_ =	sdelay $0x3  }
0x36: {  	p1 =	seq.s32 s10, $0x1;
	s10 =	sld [smem:$0x3FBB];
	_ =	sdelay $0x3  }
0x37: {  	[smem:$0x3FBB] =	sst s10  }
0x38: {  	s10 =	sld [smem:$0x3FBC]  }
0x39: {  	_ = 	snop;
	(pc) =	sbr.ind lr, $3  }
0x3a: {  	_ = 	snop  }
0x3b: {  	_ = 	snop  }
0x3c: {  	p2 =	seq.s32 s10, $0x1;
	s10 =	sld [smem:$0x3FBB]  }
0x3d: {  	_ =	shalt  }
0x3e: {  	_ =	shalt  }
0x3f: {  	_ =	shalt  }
0x40: {  	_ =	shalt  }
0x41: {  	_ =	shalt  }
0x42: {  	_ =	shalt  }
0x43: {  	_ =	shalt  }
0x44: {  	_ =	shalt  }
0x45: {  	_ =	shalt  }
0x46: {  	_ =	shalt  }
0x47: {  	_ =	shalt  }
0x48: {  	_ =	shalt  }
0x49: {  	_ =	shalt  }
0x4a: {  	_ =	shalt  }
0x4b: {  	_ =	shalt  }
0x4c: {  	_ =	shalt  }
0x4d: {  	_ =	shalt  }
0x4e: {  	_ =	shalt  }
0x4f: {  	_ =	shalt  }
0x50: {  	_ =	shalt  }
0x51: {  	_ =	shalt  }
0x52: {  	_ =	shalt  }
0x53: {  	_ =	shalt  }
0x54: {  	_ =	shalt  }
0x55: {  	_ =	shalt  }
0x56: {  	_ =	shalt  }
0x57: {  	_ =	shalt  }
0x58: {  	_ =	shalt  }
0x59: {  	_ =	shalt  }
0x5a: {  	_ =	shalt  }
0x5b: {  	_ =	shalt  }
0x5c: {  	_ =	shalt  }
0x5d: {  	_ =	shalt  }
0x5e: {  	_ =	shalt  }
0x5f: {  	_ =	shalt  }
0x60: {  	_ =	shalt  }
0x61: {  	_ =	shalt  }
0x62: {  	_ =	shalt  }
0x63: {  	_ =	shalt  }
0x64: {  	_ =	shalt  }
0x65: {  	_ =	shalt  }
0x66: {  	_ =	shalt  }
0x67: {  	_ =	shalt  }
0x68: {  	_ =	shalt  }
0x69: {  	_ =	shalt  }
0x6a: {  	_ =	shalt  }
0x6b: {  	_ =	shalt  }
0x6c: {  	_ =	shalt  }
0x6d: {  	_ =	shalt  }
0x6e: {  	_ =	shalt  }
0x6f: {  	_ =	shalt  }
0x70: {  	_ =	shalt  }
0x71: {  	_ =	shalt  }
0x72: {  	_ =	shalt  }
0x73: {  	_ =	shalt  }
0x74: {  	_ =	shalt  }
0x75: {  	_ =	shalt  }
0x76: {  	_ =	shalt  }
0x77: {  	_ =	shalt  }
0x78: {  	_ =	shalt  }
0x79: {  	_ =	shalt  }
0x7a: {  	_ =	shalt  }
0x7b: {  	_ =	shalt  }
0x7c: {  	_ =	shalt  }
0x7d: {  	_ =	shalt  }
0x7e: {  	_ =	shalt  }
0x7f: {  	_ =	shalt  }
0x80: {  	_ =	shalt  }
0x81: {  	_ =	shalt  }
0x82: {  	_ =	shalt  }
0x83: {  	_ =	shalt  }
0x84: {  	_ =	shalt  }
0x85: {  	_ =	shalt  }
0x86: {  	_ =	shalt  }
0x87: {  	_ =	shalt  }
.Lfunc_end0:
.L_simem_size_0:
called_computation_lowered:
.L_overlay_start_0:
0x88: {  	s2 =	sld [smem:$0x3FD9]  }
0x89: {  	s3 =	sld [smem:$0x3FFE];
	_ =	sdelay $0x1  }
0x8a: {  	s1 =	srdreg.scid  }
0x8b: {  	s0 =	sand.u32 $0x1, s1  }
0x8c: {  	s18 =	sshll.u32 s0, $0xA;
	s2 =	sadd.s32 s3, s2  }
0x8d: {  	s2 =	sadd.s32 s2, s18  }
0x8e: {  	[smem:$0x3FC7] =	sst s2  }
0x8f: {  	_ = 	snop  }
0x90: {  	s2 =	sld [smem:$0x3FC9]  }
0x91: {  	s19 =	sld [smem:$0x3FD0];
	(tm) =	ssettm $0x1  }
0x92: {  	s4 =	sld [smem:$0x3FFB];
	_ =	sdelay $0x3  }
0x93: {  	_ =	strace s4  }
0x94: {  	s4 =	sld [smem:$0x3FFC];
	_ =	sdelay $0x3  }
0x95: {  	_ =	strace s4  }
0x96: {  	s4 =	sld [smem:$0x3FFD];
	_ =	sdelay $0x3  }
0x97: {  	_ =	strace s4  }
0x98: {  	_ =	strace $0x8FFFFFFF  }
0x99: {  	s20 =	sld [smem:$0x3FDB];
	_ =	sdelay $0x1  }
0x9a: {  	s5 =	simm.s32 $_scs_section_size  }
0x9b: {  	s6 =	simm.s32 $_size__tile_overlayer_lowered;
	s7 =	simm.s32 $_tile_overlayer_lowered  }
0x9c: {  	s23 =	simm.s32 $0x1BFF;
	s22 =	sshll.u32 s7, $0x1;
	s4 =	sadd.s32 s5, s20  }
0x9d: {  	s8 =	simm.s32 $0x0;
	s21 =	sshll.u32 s6, $0x1;
	s6 =	sadd.s32 s22, s4  }
0x9e: {  	[timem:s8], [sflag:s23] =	dma.local [hbm:s6], s21  }
0x9f: {  	_ =	swait.ge [sflag:s23], s21  }
0xa0: {  	s5 =	ssub.s32 $0x0, s21;
	[sflag:s23] =	ssyncset.done $0x0  }
0xa1: {  	[sflag:s23] =	ssyncadd.s32 s5;
	_ =	sdelay $0x1  }
0xa2: {  	s24 =	simm.s32 $0x1B8B  }
0xa3: {  	_ =	swait.ge [sflag:s24], $0x1  }
0xa4: {  	[sflag:s24] =	ssyncset.done $0x0  }
0xa5: {  	s25 =	simm.s32 $0x1B8E;
	[sflag:s24] =	ssyncadd.s32 $0xFFFFFFFF  }
0xa6: {  	s26 =	simm.s32 $execute0_lowered;
	[smem:$0x3FD2] =	sst s25  }
0xa7: {  	s5 =	sshll.u32 s26, $0x1;
	_ =	strace $0x80000046;
	[dreg:$0x1] =	wrdreg $0xFFFFFFFF  }
0xa8: {  	s28 =	simm.s32 $_size_execute0_lowered;
	s4 =	sadd.s32 s4, s5;
	[dreg:$0x0] =	wrdreg $0x0  }
0xa9: {  	s5 =	sshll.u32 s28, $0x1;
	[dreg:$0x2] =	wrdreg s4  }
0xaa: {  	[dreg:$0x3] =	wrdreg s5  }
0xab: {  	[dreg:$0x4] =	wrdreg $0xC0  }
0xac: {  	_ =	task [dreg:s8], $0x5FFFF  }
0xad: {  	[dreg:$0x1] =	wrdreg $0xFFFFFFFF  }
0xae: {  	[dreg:$0x0] =	wrdreg $0x60  }
0xaf: {  	[dreg:$0x2] =	wrdreg s2  }
0xb0: {  	[dreg:$0x3] =	wrdreg s19  }
0xb1: {  	[dreg:$0x4] =	wrdreg $0x9  }
0xb2: {  	_ =	task.clear_ibuf [dreg:s8], $0x5FFFF;
	_ =	strace $0x90000046  }
0xb3: {  	s29 =	simm.s32 $0x9;
	_ =	strace $0x80000048  }
0xb4: {  	_ =	swait.ge [sflag:s29], $0x1  }
0xb5: {  	[sflag:s29] =	ssyncadd.s32 $0xFFFFFFFF  }
0xb6: {  	_ =	strace $0x90000048  }
0xb7: {  	_ =	sfence  }
0xb8: {  	s30 =	sld [smem:$0x0];
	_ =	sdelay $0x2  }
0xb9: {  	s31 =	sshll.u32 s1, $0xD;
	s1 =	sshrl.u32 s1, $0x2  }
0xba: {  	s3 =	sand.u32 $0x4000, s31;
	s1 =	sadd.s32 s1, s30  }
0xbb: {  	s0 =	sor.u32 s3, s0;
	s1 =	sshll.u32 s1, $0x11  }
0xbc: {  	s0 =	sor.u32 s1, s0  }
0xbd: {  	s0 =	sadd.s32 $0x8F2B, s0  }
0xbe: {  	[sflag:s0] =	ssyncadd.remote.s32 $0x1  }
0xbf: {  	_ =	sfence.sel $0xFFFF  }
0xc0: {  	[dreg:$0x0] =	wrdreg $0xFFFFFFFF;
	(pc) =	sbr.abs _section_cstart, $3  }
0xc1: {  	[dreg:$0x1] =	wrdreg $0xFFFFFFFF  }
0xc2: {  	_ =	task.clear_ibuf [dreg:s8], $0x2FFFF;
	_ =	strace $0x9FFFFFFF  }
0xc3: {  	(tm) =	ssettm $0x7FFFFFFF  }
tec
execute0_lowered:
.L_overlay_start_1:
0x0: {  	(tag) =	ssettag $0x1  }
0x1: {  	s9 =	rddreg [dreg:$0x0]  }
0x2: {  	s0 =	rddreg [dreg:$0x1];
	s1 =	srdreg.scid;
	s2 =	simm.s32 $0x0  }
0x3: {  	s23 =	stileid.u32;
	s31 =	simm.s32 $0x1;
	s28 =	simm.s32 $0x2  }
0x4: {  	s29 =	simm.s32 $0x3;
	s30 =	simm.s32 $0x0;
	s3 =	sand.u32 $0x1, s1  }
0x5: {  	[smem:$0x7FF] =	sst s2;
	s4 =	sshll.u32 s23, $0x1;
	s6 =	sshrl.u32 s23, $0x2  }
0x6: {  	s22 =	sadd.s32 $0x400, s9;
	s24 =	sadd.s32 $0x800, s9;
	p0 =	sgt.u32 s23, $0x7  }
0x7: {  	s1 =	ssub.s32 $0x2, s3;
	_ =	strace $0x80000047;
	s4 =	sand.u32 $0x6, s4  }
0x8: {  	s18 =	sshll.u32 s6, $0x4;
	s10 =	sor.u32 $0x4, s6;
	s20 =	sshll.u32 s6, $0x7  }
0x9: {  	s11 =	sor.u32 $0xC, s6;
	s15 =	sor.u32 $0x14, s6;
	s14 =	smul.u32 $0xFA000, s6  }
0xa: {  	s5 =	sshrl.u32 s1, $0x1;
	s3 =	sor.u32 s3, s4;
	s7 =	sshll.u32 s10, $0x7  }
0xb: {  	s21 =	sshll.u32 s11, $0x7;
	s13 =	sshll.u32 s15, $0x7;
	s26 =	smul.u32 $0xFA000, s10  }
0xc: {  	s17 =	smul.u32 $0xFA000, s11;
	s1 =	ssub.s32 s1, s5;
	s4 =	sshll.u32 s3, $0x7  }
0xd: {  	s5 =	sadd.s32 s9, s18;
	s18 =	sshll.u32 s3, $0xA;
	s8 =	sand.u32 $0x380, s21  }
0xe: {  	s13 =	sand.u32 $0x380, s13;
	s3 =	sadd.s32 s4, s5;
	s19 =	sor.u32 s7, s18  }
0xf: {  	s5 =	sor.u32 s20, s18;
	s8 =	sor.u32 s8, s18;
	s13 =	sor.u32 s13, s18  }
0x10: {  	s20 =	sor.u32 s26, s18;
	s4 =	sshrl.u32 s19, $0x3;
	s12 =	sshrl.u32 s5, $0x3  }
0x11: {  	s8 =	sshrl.u32 s8, $0x3;
	s13 =	sshrl.u32 s13, $0x3;
	s19 =	sor.u32 s14, s18  }
0x12: {  	s4 =	sadd.s32 s9, s4;
	s5 =	sadd.s32 s12, s22;
	s6 =	sadd.s32 s8, s22  }
0x13: {  	s7 =	sadd.s32 s12, s24;
	s8 =	sadd.s32 s13, s24;
	s25 =	sshrl.u32 s19, $0x3  }
0x14: {  	s16 =	sadd.s32 s12, s9;
	s13 =	sshrl.u32 s20, $0x3;
	s21 =	sadd.s32 $0x7D0000, s19  }
0x15: {  	s20 =	smul.u32 $0xFA000, s15;
	s9 =	sadd.s32 s0, s25;
	s10 =	sadd.s32 $0xC00, s16  }
0x16: {  	s16 =	sor.u32 s17, s18;
	s12 =	sadd.s32 s0, s13;
	s22 =	sshrl.u32 s21, $0x3  }
0x17: {  	s21 =	sadd.s32 $0xFA0000, s19;
	s19 =	sadd.s32 $0x1770000, s19;
	s11 =	sadd.s32 $0xFC00, s9  }
0x18: {  	s24 =	sshrl.u32 s16, $0x3;
	s13 =	sadd.s32 s0, s22;
	s15 =	sadd.s32 $0xFC00, s12  }
0x19: {  	s18 =	sor.u32 s20, s18;
	s25 =	sshrl.u32 s21, $0x3;
	s22 =	sshrl.u32 s19, $0x3  }
0x1a: {  	v0 =	vimm.f32 $0.0e+00;
	v1 =	vlaneseq.u32;
	v2 =	vimm.f32 $1.000000000e+00;
	s14 =	sadd.s32 s0, s24;
	s16 =	sadd.s32 $0xFC00, s13;
	s26 =	sshrl.u32 s18, $0x3  }
.Ltmp0:
0x1b: {  	v3 =	vor.u32 $0x10, v1;
	v4 =	vor.u32 $0x20, v1;
	v5 =	vor.u32 $0x30, v1;
	s18 =	sadd.s32 s0, s25;
	s24 =	smax.u32 s1, $0x1;
	(pc) =	sbr.rel .LBB2_1-.Ltmp0, $4  }
0x1c: {  	v6 =	vor.u32 $0x40, v1;
	v7 =	vor.u32 $0x50, v1;
	v8 =	vor.u32 $0x60, v1;
	s1 =	simm.s32 $0x400;
	s25 =	simm.s32 $0x2000;
	s17 =	sadd.s32 $0xFC00, s14  }
0x1d: {  	v9 =	vor.u32 $0x70, v1;
	v10 =	vor.u32 $0xFFFF0400, v1;
	v11 =	vor.u32 $0xFFFF0410, v1;
	s19 =	sadd.s32 s0, s26;
	s0 =	sadd.s32 s0, s22;
	s21 =	sadd.s32 $0xFC00, s18  }
0x1e: {  	v12 =	vor.u32 $0xFFFF0420, v1;
	v13 =	vor.u32 $0xFFFF0430, v1;
	v14 =	vor.u32 $0xFFFF0440, v1;
	s26 =	simm.s32 $0xFF80;
	[dreg:$0x3] =	wrdreg s0;
	s0 =	sadd.s32 $0xFC00, s0  }
0x1f: {  	v15 =	vor.u32 $0xFFFF0450, v1;
	v16 =	vor.u32 $0xFFFF0460, v1;
	v17 =	vor.u32 $0xFFFF0470, v1;
	s22 =	sadd.s32 $0xFC00, s19;
	[dreg:$0x4] =	wrdreg s0;
	s0 =	simm.s32 $0x380  }
.LBB2_7:
0x20: {  	s30 =	sadd.s32 $0x1, s30  }
0x21: {  	p1 =	sne.s32 s30, s24  }
.Ltmp1:
0x22: {  	_ = 	snop;
	(pc) =	sbr.rel @!p1 .LBB2_8-.Ltmp1, $4  }
0x23: {  	_ = 	snop  }
0x24: {  	_ =	swait.ge [sflag:s29], $0xF800  }
0x25: {  	[sflag:s29] =	ssyncset.done $0x0  }
0x26: {  	[sflag:s29] =	ssyncadd.s32 $0xFFFF0800  }
.LBB2_1:
0x27: {  	[tilespmem:s2], [sflag:$0x1] =	stream.linear.gather [hbm4b:s3+s2], $0x80, $0x38;
	[tilespmem:$0x1F780] =	vst v63  }
0x28: {  	s20 =	simm.s32 $0x80  }
0x29: {  	[tilespmem:s20], [sflag:$0x1] =	stream.linear.gather [hbm4b:s4+s2], $0x80, $0x38;
	[tilespmem:$0x1F780] =	vst v63  }
0x2a: {  	s23 =	simm.s32 $0x100  }
0x2b: {  	[tilespmem:s23], [sflag:$0x1] =	stream.linear.gather [hbm4b:s5+s2], $0x80, $0x38;
	[tilespmem:$0x1F780] =	vst v63  }
0x2c: {  	s23 =	simm.s32 $0x180  }
0x2d: {  	[tilespmem:s23], [sflag:$0x1] =	stream.linear.gather [hbm4b:s6+s2], $0x80, $0x38;
	[tilespmem:$0x1F780] =	vst v63  }
0x2e: {  	s23 =	simm.s32 $0x200  }
0x2f: {  	[tilespmem:s23], [sflag:$0x1] =	stream.linear.gather [hbm4b:s7+s2], $0x80, $0x38;
	[tilespmem:$0x1F780] =	vst v63  }
0x30: {  	s23 =	simm.s32 $0x280  }
0x31: {  	[tilespmem:s23], [sflag:$0x1] =	stream.linear.gather [hbm4b:s8+s2], $0x80, $0x38;
	[tilespmem:$0x1F780] =	vst v63  }
0x32: {  	s20 =	simm.s32 @!p0 $0x0;
	s23 =	simm.s32 @!p0 $0x300  }
0x33: {  	[tilespmem:s23], [sflag:$0x1] =	stream.linear.gather @!p0 [hbm4b:s10+s20], $0x80, $0x38;
	[tilespmem:$0x1F780] =	vst v63  }
0x34: {  	s23 =	simm.s32 $0x0;
	s20 =	simm.s32 $0x200  }
.LBB2_2:
0x35: {  	p1 =	sne.s32 s20, $0x3EE00;
	[tilespmem:s23+$0x3F0] =	vst v0  }
0x36: {  	[tilespmem:s23+$0x380] =	vst v0  }
0x37: {  	[tilespmem:s23+$0x390] =	vst v0  }
.Ltmp2:
0x38: {  	[tilespmem:s23+$0x3A0] =	vst v0;
	(pc) =	sbr.rel @p1 .LBB2_2-.Ltmp2, $4  }
0x39: {  	[tilespmem:s23+$0x3B0] =	vst v0  }
0x3a: {  	[tilespmem:s23+$0x3C0] =	vst v0  }
0x3b: {  	[tilespmem:s23+$0x3D0] =	vst v0  }
0x3c: {  	[tilespmem:s23+$0x3E0] =	vst v0;
	s23 =	sshra.s32 s20, $0x2;
	s20 =	sadd.s32 $0x200, s20  }
0x3d: {  	[tilespmem:s23+$0x3F0] =	vst v0  }
0x3e: {  	[tilespmem:s23+$0x380] =	vst v0  }
0x3f: {  	[tilespmem:s23+$0x390] =	vst v0  }
0x40: {  	[tilespmem:s23+$0x3A0] =	vst v0  }
0x41: {  	[tilespmem:s23+$0x3B0] =	vst v0  }
0x42: {  	[tilespmem:s23+$0x3C0] =	vst v0  }
0x43: {  	[tilespmem:s23+$0x3D0] =	vst v0  }
0x44: {  	[tilespmem:s23+$0x3E0] =	vst v0  }
0x45: {  	_ =	swait.ge [sflag:s31], $0x80  }
0x46: {  	[sflag:s31] =	ssyncset.done $0x0  }
0x47: {  	[sflag:s31] =	ssyncadd.s32 $0xFFFFFF80  }
0x48: {  	_ =	swait.ge [sflag:s31], $0x80  }
0x49: {  	[sflag:s31] =	ssyncset.done $0x0  }
0x4a: {  	[sflag:s31] =	ssyncadd.s32 $0xFFFFFF80  }
0x4b: {  	_ =	swait.ge [sflag:s31], $0x80  }
0x4c: {  	[sflag:s31] =	ssyncset.done $0x0  }
0x4d: {  	[sflag:s31] =	ssyncadd.s32 $0xFFFFFF80  }
0x4e: {  	_ =	swait.ge [sflag:s31], $0x80  }
0x4f: {  	[sflag:s31] =	ssyncset.done $0x0  }
0x50: {  	[sflag:s31] =	ssyncadd.s32 $0xFFFFFF80  }
0x51: {  	_ =	swait.ge [sflag:s31], $0x80  }
0x52: {  	[sflag:s31] =	ssyncset.done $0x0  }
0x53: {  	[sflag:s31] =	ssyncadd.s32 $0xFFFFFF80  }
0x54: {  	_ =	swait.ge [sflag:s31], $0x80  }
0x55: {  	[sflag:s31] =	ssyncset.done $0x0  }
0x56: {  	s20 =	simm.s32 @!p0 $0x1;
	[sflag:s31] =	ssyncadd.s32 $0xFFFFFF80  }
0x57: {  	_ =	swait.ge @!p0 [sflag:s20], $0x80  }
0x58: {  	[sflag:s20] =	ssyncset.done @!p0 $0x0  }
0x59: {  	[sflag:s20] =	ssyncadd.s32 @!p0 $0xFFFFFF80  }
0x5a: {  	v18 =	vld [tilespmem:$0x0];
	_ =	sdelay $0x4  }
0x5b: {  	vm0 =	vlt.u32 v18, $0x1F8;
	v18 =	vshll.u32 v18, $0x7  }
0x5c: {  	v18 =	vor.u32 v1, v18;
	_ =	sdelay $0x4  }
0x5d: {  	[tilespmem:v18+s0+$0x0] =	vst.idx.msk vm0, v2  }
0x5e: {  	v18 =	vld [tilespmem:$0x10];
	_ =	sdelay $0x4  }
0x5f: {  	vm9 =	vlt.u32 v18, $0x1F8;
	v18 =	vshll.u32 v18, $0x7  }
0x60: {  	v18 =	vor.u32 v3, v18;
	_ =	sdelay $0x4  }
0x61: {  	[tilespmem:v18+s0+$0x0] =	vst.idx.msk vm9, v2  }
0x62: {  	v18 =	vld [tilespmem:$0x20];
	_ =	sdelay $0x4  }
0x63: {  	vm10 =	vlt.u32 v18, $0x1F8;
	v18 =	vshll.u32 v18, $0x7  }
0x64: {  	v18 =	vor.u32 v4, v18;
	_ =	sdelay $0x4  }
0x65: {  	[tilespmem:v18+s0+$0x0] =	vst.idx.msk vm10, v2  }
0x66: {  	v18 =	vld [tilespmem:$0x30];
	_ =	sdelay $0x4  }
0x67: {  	vm11 =	vlt.u32 v18, $0x1F8;
	v18 =	vshll.u32 v18, $0x7  }
0x68: {  	v18 =	vor.u32 v5, v18;
	_ =	sdelay $0x4  }
0x69: {  	[tilespmem:v18+s0+$0x0] =	vst.idx.msk vm11, v2  }
0x6a: {  	v18 =	vld [tilespmem:$0x40];
	_ =	sdelay $0x4  }
0x6b: {  	vm12 =	vlt.u32 v18, $0x1F8;
	v18 =	vshll.u32 v18, $0x7  }
0x6c: {  	v18 =	vor.u32 v6, v18;
	_ =	sdelay $0x4  }
0x6d: {  	[tilespmem:v18+s0+$0x0] =	vst.idx.msk vm12, v2  }
0x6e: {  	v18 =	vld [tilespmem:$0x50];
	_ =	sdelay $0x4  }
0x6f: {  	vm13 =	vlt.u32 v18, $0x1F8;
	v18 =	vshll.u32 v18, $0x7  }
0x70: {  	v18 =	vor.u32 v7, v18;
	_ =	sdelay $0x4  }
0x71: {  	[tilespmem:v18+s0+$0x0] =	vst.idx.msk vm13, v2  }
0x72: {  	v18 =	vld [tilespmem:$0x60];
	_ =	sdelay $0x4  }
0x73: {  	vm14 =	vlt.u32 v18, $0x1F8;
	v18 =	vshll.u32 v18, $0x7  }
0x74: {  	v18 =	vor.u32 v8, v18;
	_ =	sdelay $0x4  }
0x75: {  	[tilespmem:v18+s0+$0x0] =	vst.idx.msk vm14, v2  }
0x76: {  	v18 =	vld [tilespmem:$0x70];
	_ =	sdelay $0x4  }
0x77: {  	vm15 =	vlt.u32 v18, $0x1F8;
	v18 =	vshll.u32 v18, $0x7  }
0x78: {  	v18 =	vor.u32 v9, v18;
	_ =	sdelay $0x4  }
0x79: {  	s23 =	simm.s32 $0x0;
	s20 =	simm.s32 $0x200;
	[tilespmem:v18+s0+$0x0] =	vst.idx.msk vm15, v2  }
0x7a: {  	[hbm4b:s9+s1] =	stream.strided.scatter [tilespmem:s0], [sflag:$0x2], $0xFC00, s25, s1, $0x38;
	[tilespmem:$0x1F780] =	vst v63  }
.LBB2_4:
0x7b: {  	p1 =	sne.s32 s20, $0x3DE00;
	[tilespmem:s23+$0xFFF0] =	vst v0  }
0x7c: {  	[tilespmem:s23+$0xFF80] =	vst v0  }
0x7d: {  	[tilespmem:s23+$0xFF90] =	vst v0  }
.Ltmp3:
0x7e: {  	[tilespmem:s23+$0xFFA0] =	vst v0;
	(pc) =	sbr.rel @p1 .LBB2_4-.Ltmp3, $4  }
0x7f: {  	[tilespmem:s23+$0xFFB0] =	vst v0  }
0x80: {  	[tilespmem:s23+$0xFFC0] =	vst v0  }
0x81: {  	[tilespmem:s23+$0xFFD0] =	vst v0  }
0x82: {  	[tilespmem:s23+$0xFFE0] =	vst v0;
	s23 =	sshra.s32 s20, $0x2;
	s20 =	sadd.s32 $0x200, s20  }
0x83: {  	[tilespmem:s23+$0xFFF0] =	vst v0  }
0x84: {  	[tilespmem:s23+$0xFF80] =	vst v0  }
0x85: {  	[tilespmem:s23+$0xFF90] =	vst v0  }
0x86: {  	[tilespmem:s23+$0xFFA0] =	vst v0  }
0x87: {  	[tilespmem:s23+$0xFFB0] =	vst v0  }
0x88: {  	[tilespmem:s23+$0xFFC0] =	vst v0  }
0x89: {  	[tilespmem:s23+$0xFFD0] =	vst v0  }
0x8a: {  	[tilespmem:s23+$0xFFE0] =	vst v0  }
0x8b: {  	v18 =	vld [tilespmem:$0x0];
	_ =	sdelay $0x4  }
0x8c: {  	v19 =	vadd.s32 $0xFFFFFE08, v18  }
0x8d: {  	v18 =	vshll.u32 v18, $0x7;
	vm0 =	vlt.u32 v19, $0x1F0  }
0x8e: {  	v18 =	vadd.s32 v10, v18;
	_ =	sdelay $0x4  }
0x8f: {  	[tilespmem:v18+s26+$0x0] =	vst.idx.msk vm0, v2  }
0x90: {  	v18 =	vld [tilespmem:$0x10];
	_ =	sdelay $0x4  }
0x91: {  	v19 =	vadd.s32 $0xFFFFFE08, v18  }
0x92: {  	v18 =	vshll.u32 v18, $0x7;
	vm5 =	vlt.u32 v19, $0x1F0  }
0x93: {  	v18 =	vadd.s32 v11, v18;
	_ =	sdelay $0x4  }
0x94: {  	[tilespmem:v18+s26+$0x0] =	vst.idx.msk vm5, v2  }
0x95: {  	v18 =	vld [tilespmem:$0x20];
	_ =	sdelay $0x4  }
0x96: {  	v19 =	vadd.s32 $0xFFFFFE08, v18  }
0x97: {  	v18 =	vshll.u32 v18, $0x7;
	vm6 =	vlt.u32 v19, $0x1F0  }
0x98: {  	v18 =	vadd.s32 v12, v18;
	_ =	sdelay $0x4  }
0x99: {  	[tilespmem:v18+s26+$0x0] =	vst.idx.msk vm6, v2  }
0x9a: {  	v18 =	vld [tilespmem:$0x30];
	_ =	sdelay $0x4  }
0x9b: {  	v19 =	vadd.s32 $0xFFFFFE08, v18  }
0x9c: {  	v18 =	vshll.u32 v18, $0x7;
	vm7 =	vlt.u32 v19, $0x1F0  }
0x9d: {  	v18 =	vadd.s32 v13, v18;
	_ =	sdelay $0x4  }
0x9e: {  	[tilespmem:v18+s26+$0x0] =	vst.idx.msk vm7, v2  }
0x9f: {  	v18 =	vld [tilespmem:$0x40];
	_ =	sdelay $0x4  }
0xa0: {  	v19 =	vadd.s32 $0xFFFFFE08, v18  }
0xa1: {  	v18 =	vshll.u32 v18, $0x7;
	vm8 =	vlt.u32 v19, $0x1F0  }
0xa2: {  	v18 =	vadd.s32 v14, v18;
	_ =	sdelay $0x4  }
0xa3: {  	[tilespmem:v18+s26+$0x0] =	vst.idx.msk vm8, v2  }
0xa4: {  	v18 =	vld [tilespmem:$0x50];
	_ =	sdelay $0x4  }
0xa5: {  	v19 =	vadd.s32 $0xFFFFFE08, v18  }
0xa6: {  	v18 =	vshll.u32 v18, $0x7;
	vm9 =	vlt.u32 v19, $0x1F0  }
0xa7: {  	v18 =	vadd.s32 v15, v18;
	_ =	sdelay $0x4  }
0xa8: {  	[tilespmem:v18+s26+$0x0] =	vst.idx.msk vm9, v2  }
0xa9: {  	v18 =	vld [tilespmem:$0x60];
	_ =	sdelay $0x4  }
0xaa: {  	v19 =	vadd.s32 $0xFFFFFE08, v18  }
0xab: {  	v18 =	vshll.u32 v18, $0x7;
	vm10 =	vlt.u32 v19, $0x1F0  }
0xac: {  	v18 =	vadd.s32 v16, v18;
	_ =	sdelay $0x4  }
0xad: {  	[tilespmem:v18+s26+$0x0] =	vst.idx.msk vm10, v2  }
0xae: {  	v18 =	vld [tilespmem:$0x70];
	_ =	sdelay $0x4  }
0xaf: {  	v19 =	vadd.s32 $0xFFFFFE08, v18  }
0xb0: {  	v18 =	vshll.u32 v18, $0x7;
	vm11 =	vlt.u32 v19, $0x1F0  }
0xb1: {  	v18 =	vadd.s32 v17, v18;
	_ =	sdelay $0x4  }
0xb2: {  	[tilespmem:v18+s26+$0x0] =	vst.idx.msk vm11, v2  }
0xb3: {  	[hbm4b:s11+s1] =	stream.strided.scatter [tilespmem:s26], [sflag:$0x3], $0xF800, s25, s1, $0x38;
	[tilespmem:$0x1F780] =	vst v63  }
0xb4: {  	_ =	swait.ge [sflag:s28], $0xFC00  }
0xb5: {  	[sflag:s28] =	ssyncset.done $0x0  }
0xb6: {  	[sflag:s28] =	ssyncadd.s32 $0xFFFF0400  }
0xb7: {  	v18 =	vld [tilespmem:$0x0];
	_ =	sdelay $0x4  }
0xb8: {  	vm12 =	vlt.u32 v18, $0x1F8;
	v18 =	vshll.u32 v18, $0x7  }
0xb9: {  	v18 =	vor.u32 v1, v18;
	_ =	sdelay $0x4  }
0xba: {  	[tilespmem:v18+s0+$0x0] =	vst.idx.msk vm12, v0  }
0xbb: {  	v18 =	vld [tilespmem:$0x10];
	_ =	sdelay $0x4  }
0xbc: {  	vm13 =	vlt.u32 v18, $0x1F8;
	v18 =	vshll.u32 v18, $0x7  }
0xbd: {  	v18 =	vor.u32 v3, v18;
	_ =	sdelay $0x4  }
0xbe: {  	[tilespmem:v18+s0+$0x0] =	vst.idx.msk vm13, v0  }
0xbf: {  	v18 =	vld [tilespmem:$0x20];
	_ =	sdelay $0x4  }
0xc0: {  	vm14 =	vlt.u32 v18, $0x1F8;
	v18 =	vshll.u32 v18, $0x7  }
0xc1: {  	v18 =	vor.u32 v4, v18;
	_ =	sdelay $0x4  }
0xc2: {  	[tilespmem:v18+s0+$0x0] =	vst.idx.msk vm14, v0  }
0xc3: {  	v18 =	vld [tilespmem:$0x30];
	_ =	sdelay $0x4  }
0xc4: {  	vm15 =	vlt.u32 v18, $0x1F8;
	v18 =	vshll.u32 v18, $0x7  }
0xc5: {  	v18 =	vor.u32 v5, v18;
	_ =	sdelay $0x4  }
0xc6: {  	[tilespmem:v18+s0+$0x0] =	vst.idx.msk vm15, v0  }
0xc7: {  	v18 =	vld [tilespmem:$0x40];
	_ =	sdelay $0x4  }
0xc8: {  	vm4 =	vlt.u32 v18, $0x1F8;
	v18 =	vshll.u32 v18, $0x7  }
0xc9: {  	v18 =	vor.u32 v6, v18;
	_ =	sdelay $0x4  }
0xca: {  	[tilespmem:v18+s0+$0x0] =	vst.idx.msk vm4, v0  }
0xcb: {  	v18 =	vld [tilespmem:$0x50];
	_ =	sdelay $0x4  }
0xcc: {  	vm5 =	vlt.u32 v18, $0x1F8;
	v18 =	vshll.u32 v18, $0x7  }
0xcd: {  	v18 =	vor.u32 v7, v18;
	_ =	sdelay $0x4  }
0xce: {  	[tilespmem:v18+s0+$0x0] =	vst.idx.msk vm5, v0  }
0xcf: {  	v18 =	vld [tilespmem:$0x60];
	_ =	sdelay $0x4  }
0xd0: {  	vm6 =	vlt.u32 v18, $0x1F8;
	v18 =	vshll.u32 v18, $0x7  }
0xd1: {  	v18 =	vor.u32 v8, v18;
	_ =	sdelay $0x4  }
0xd2: {  	[tilespmem:v18+s0+$0x0] =	vst.idx.msk vm6, v0  }
0xd3: {  	v18 =	vld [tilespmem:$0x70];
	_ =	sdelay $0x4  }
0xd4: {  	vm7 =	vlt.u32 v18, $0x1F8;
	v18 =	vshll.u32 v18, $0x7  }
0xd5: {  	v18 =	vor.u32 v9, v18;
	_ =	sdelay $0x4  }
0xd6: {  	[tilespmem:v18+s0+$0x0] =	vst.idx.msk vm7, v0  }
0xd7: {  	v18 =	vld [tilespmem:$0x80];
	_ =	sdelay $0x4  }
0xd8: {  	vm8 =	vlt.u32 v18, $0x1F8;
	v18 =	vshll.u32 v18, $0x7  }
0xd9: {  	v18 =	vor.u32 v1, v18;
	_ =	sdelay $0x4  }
0xda: {  	[tilespmem:v18+s0+$0x0] =	vst.idx.msk vm8, v2  }
0xdb: {  	v18 =	vld [tilespmem:$0x90];
	_ =	sdelay $0x4  }
0xdc: {  	vm9 =	vlt.u32 v18, $0x1F8;
	v18 =	vshll.u32 v18, $0x7  }
0xdd: {  	v18 =	vor.u32 v3, v18;
	_ =	sdelay $0x4  }
0xde: {  	[tilespmem:v18+s0+$0x0] =	vst.idx.msk vm9, v2  }
0xdf: {  	v18 =	vld [tilespmem:$0xA0];
	_ =	sdelay $0x4  }
0xe0: {  	vm10 =	vlt.u32 v18, $0x1F8;
	v18 =	vshll.u32 v18, $0x7  }
0xe1: {  	v18 =	vor.u32 v4, v18;
	_ =	sdelay $0x4  }
0xe2: {  	[tilespmem:v18+s0+$0x0] =	vst.idx.msk vm10, v2  }
0xe3: {  	v18 =	vld [tilespmem:$0xB0];
	_ =	sdelay $0x4  }
0xe4: {  	vm11 =	vlt.u32 v18, $0x1F8;
	v18 =	vshll.u32 v18, $0x7  }
0xe5: {  	v18 =	vor.u32 v5, v18;
	_ =	sdelay $0x4  }
0xe6: {  	[tilespmem:v18+s0+$0x0] =	vst.idx.msk vm11, v2  }
0xe7: {  	v18 =	vld [tilespmem:$0xC0];
	_ =	sdelay $0x4  }
0xe8: {  	vm12 =	vlt.u32 v18, $0x1F8;
	v18 =	vshll.u32 v18, $0x7  }
0xe9: {  	v18 =	vor.u32 v6, v18;
	_ =	sdelay $0x4  }
0xea: {  	[tilespmem:v18+s0+$0x0] =	vst.idx.msk vm12, v2  }
0xeb: {  	v18 =	vld [tilespmem:$0xD0];
	_ =	sdelay $0x4  }
0xec: {  	vm13 =	vlt.u32 v18, $0x1F8;
	v18 =	vshll.u32 v18, $0x7  }
0xed: {  	v18 =	vor.u32 v7, v18;
	_ =	sdelay $0x4  }
0xee: {  	[tilespmem:v18+s0+$0x0] =	vst.idx.msk vm13, v2  }
0xef: {  	v18 =	vld [tilespmem:$0xE0];
	_ =	sdelay $0x4  }
0xf0: {  	vm14 =	vlt.u32 v18, $0x1F8;
	v18 =	vshll.u32 v18, $0x7  }
0xf1: {  	v18 =	vor.u32 v8, v18;
	_ =	sdelay $0x4  }
0xf2: {  	[tilespmem:v18+s0+$0x0] =	vst.idx.msk vm14, v2  }
0xf3: {  	v18 =	vld [tilespmem:$0xF0];
	_ =	sdelay $0x4  }
0xf4: {  	vm15 =	vlt.u32 v18, $0x1F8;
	v18 =	vshll.u32 v18, $0x7  }
0xf5: {  	v18 =	vor.u32 v9, v18;
	_ =	sdelay $0x4  }
0xf6: {  	[tilespmem:v18+s0+$0x0] =	vst.idx.msk vm15, v2  }
0xf7: {  	[hbm4b:s12+s1] =	stream.strided.scatter [tilespmem:s0], [sflag:$0x2], $0xFC00, s25, s1, $0x38;
	[tilespmem:$0x1F780] =	vst v63  }
0xf8: {  	_ =	swait.ge [sflag:s29], $0xF800  }
0xf9: {  	[sflag:s29] =	ssyncset.done $0x0  }
0xfa: {  	[sflag:s29] =	ssyncadd.s32 $0xFFFF0800  }
0xfb: {  	v18 =	vld [tilespmem:$0x0];
	_ =	sdelay $0x4  }
0xfc: {  	v19 =	vadd.s32 $0xFFFFFE08, v18  }
0xfd: {  	v18 =	vshll.u32 v18, $0x7;
	vm4 =	vlt.u32 v19, $0x1F0  }
0xfe: {  	v18 =	vadd.s32 v10, v18;
	_ =	sdelay $0x4  }
0xff: {  	[tilespmem:v18+s26+$0x0] =	vst.idx.msk vm4, v0  }
0x100: {  	v18 =	vld [tilespmem:$0x10];
	_ =	sdelay $0x4  }
0x101: {  	v19 =	vadd.s32 $0xFFFFFE08, v18  }
0x102: {  	v18 =	vshll.u32 v18, $0x7;
	vm5 =	vlt.u32 v19, $0x1F0  }
0x103: {  	v18 =	vadd.s32 v11, v18;
	_ =	sdelay $0x4  }
0x104: {  	[tilespmem:v18+s26+$0x0] =	vst.idx.msk vm5, v0  }
0x105: {  	v18 =	vld [tilespmem:$0x20];
	_ =	sdelay $0x4  }
0x106: {  	v19 =	vadd.s32 $0xFFFFFE08, v18  }
0x107: {  	v18 =	vshll.u32 v18, $0x7;
	vm6 =	vlt.u32 v19, $0x1F0  }
0x108: {  	v18 =	vadd.s32 v12, v18;
	_ =	sdelay $0x4  }
0x109: {  	[tilespmem:v18+s26+$0x0] =	vst.idx.msk vm6, v0  }
0x10a: {  	v18 =	vld [tilespmem:$0x30];
	_ =	sdelay $0x4  }
0x10b: {  	v19 =	vadd.s32 $0xFFFFFE08, v18  }
0x10c: {  	v18 =	vshll.u32 v18, $0x7;
	vm7 =	vlt.u32 v19, $0x1F0  }
0x10d: {  	v18 =	vadd.s32 v13, v18;
	_ =	sdelay $0x4  }
0x10e: {  	[tilespmem:v18+s26+$0x0] =	vst.idx.msk vm7, v0  }
0x10f: {  	v18 =	vld [tilespmem:$0x40];
	_ =	sdelay $0x4  }
0x110: {  	v19 =	vadd.s32 $0xFFFFFE08, v18  }
0x111: {  	v18 =	vshll.u32 v18, $0x7;
	vm8 =	vlt.u32 v19, $0x1F0  }
0x112: {  	v18 =	vadd.s32 v14, v18;
	_ =	sdelay $0x4  }
0x113: {  	[tilespmem:v18+s26+$0x0] =	vst.idx.msk vm8, v0  }
0x114: {  	v18 =	vld [tilespmem:$0x50];
	_ =	sdelay $0x4  }
0x115: {  	v19 =	vadd.s32 $0xFFFFFE08, v18  }
0x116: {  	v18 =	vshll.u32 v18, $0x7;
	vm9 =	vlt.u32 v19, $0x1F0  }
0x117: {  	v18 =	vadd.s32 v15, v18;
	_ =	sdelay $0x4  }
0x118: {  	[tilespmem:v18+s26+$0x0] =	vst.idx.msk vm9, v0  }
0x119: {  	v18 =	vld [tilespmem:$0x60];
	_ =	sdelay $0x4  }
0x11a: {  	v19 =	vadd.s32 $0xFFFFFE08, v18  }
0x11b: {  	v18 =	vshll.u32 v18, $0x7;
	vm10 =	vlt.u32 v19, $0x1F0  }
0x11c: {  	v18 =	vadd.s32 v16, v18;
	_ =	sdelay $0x4  }
0x11d: {  	[tilespmem:v18+s26+$0x0] =	vst.idx.msk vm10, v0  }
0x11e: {  	v18 =	vld [tilespmem:$0x70];
	_ =	sdelay $0x4  }
0x11f: {  	v19 =	vadd.s32 $0xFFFFFE08, v18  }
0x120: {  	v18 =	vshll.u32 v18, $0x7;
	vm11 =	vlt.u32 v19, $0x1F0  }
0x121: {  	v18 =	vadd.s32 v17, v18;
	_ =	sdelay $0x4  }
0x122: {  	[tilespmem:v18+s26+$0x0] =	vst.idx.msk vm11, v0  }
0x123: {  	v18 =	vld [tilespmem:$0x80];
	_ =	sdelay $0x4  }
0x124: {  	v19 =	vadd.s32 $0xFFFFFE08, v18  }
0x125: {  	v18 =	vshll.u32 v18, $0x7;
	vm12 =	vlt.u32 v19, $0x1F0  }
0x126: {  	v18 =	vadd.s32 v10, v18;
	_ =	sdelay $0x4  }
0x127: {  	[tilespmem:v18+s26+$0x0] =	vst.idx.msk vm12, v2  }
0x128: {  	v18 =	vld [tilespmem:$0x90];
	_ =	sdelay $0x4  }
0x129: {  	v19 =	vadd.s32 $0xFFFFFE08, v18  }
0x12a: {  	v18 =	vshll.u32 v18, $0x7;
	vm13 =	vlt.u32 v19, $0x1F0  }
0x12b: {  	v18 =	vadd.s32 v11, v18;
	_ =	sdelay $0x4  }
0x12c: {  	[tilespmem:v18+s26+$0x0] =	vst.idx.msk vm13, v2  }
0x12d: {  	v18 =	vld [tilespmem:$0xA0];
	_ =	sdelay $0x4  }
0x12e: {  	v19 =	vadd.s32 $0xFFFFFE08, v18  }
0x12f: {  	v18 =	vshll.u32 v18, $0x7;
	vm14 =	vlt.u32 v19, $0x1F0  }
0x130: {  	v18 =	vadd.s32 v12, v18;
	_ =	sdelay $0x4  }
0x131: {  	[tilespmem:v18+s26+$0x0] =	vst.idx.msk vm14, v2  }
0x132: {  	v18 =	vld [tilespmem:$0xB0];
	_ =	sdelay $0x4  }
0x133: {  	v19 =	vadd.s32 $0xFFFFFE08, v18  }
0x134: {  	v18 =	vshll.u32 v18, $0x7;
	vm15 =	vlt.u32 v19, $0x1F0  }
0x135: {  	v18 =	vadd.s32 v13, v18;
	_ =	sdelay $0x4  }
0x136: {  	[tilespmem:v18+s26+$0x0] =	vst.idx.msk vm15, v2  }
0x137: {  	v18 =	vld [tilespmem:$0xC0];
	_ =	sdelay $0x4  }
0x138: {  	v19 =	vadd.s32 $0xFFFFFE08, v18  }
0x139: {  	v18 =	vshll.u32 v18, $0x7;
	vm4 =	vlt.u32 v19, $0x1F0  }
0x13a: {  	v18 =	vadd.s32 v14, v18;
	_ =	sdelay $0x4  }
0x13b: {  	[tilespmem:v18+s26+$0x0] =	vst.idx.msk vm4, v2  }
0x13c: {  	v18 =	vld [tilespmem:$0xD0];
	_ =	sdelay $0x4  }
0x13d: {  	v19 =	vadd.s32 $0xFFFFFE08, v18  }
0x13e: {  	v18 =	vshll.u32 v18, $0x7;
	vm5 =	vlt.u32 v19, $0x1F0  }
0x13f: {  	v18 =	vadd.s32 v15, v18;
	_ =	sdelay $0x4  }
0x140: {  	[tilespmem:v18+s26+$0x0] =	vst.idx.msk vm5, v2  }
0x141: {  	v18 =	vld [tilespmem:$0xE0];
	_ =	sdelay $0x4  }
0x142: {  	v19 =	vadd.s32 $0xFFFFFE08, v18  }
0x143: {  	v18 =	vshll.u32 v18, $0x7;
	vm6 =	vlt.u32 v19, $0x1F0  }
0x144: {  	v18 =	vadd.s32 v16, v18;
	_ =	sdelay $0x4  }
0x145: {  	[tilespmem:v18+s26+$0x0] =	vst.idx.msk vm6, v2  }
0x146: {  	v18 =	vld [tilespmem:$0xF0];
	_ =	sdelay $0x4  }
0x147: {  	v19 =	vadd.s32 $0xFFFFFE08, v18  }
0x148: {  	v18 =	vshll.u32 v18, $0x7;
	vm7 =	vlt.u32 v19, $0x1F0  }
0x149: {  	v18 =	vadd.s32 v17, v18;
	_ =	sdelay $0x4  }
0x14a: {  	[tilespmem:v18+s26+$0x0] =	vst.idx.msk vm7, v2  }
0x14b: {  	[hbm4b:s15+s1] =	stream.strided.scatter [tilespmem:s26], [sflag:$0x3], $0xF800, s25, s1, $0x38;
	[tilespmem:$0x1F780] =	vst v63  }
0x14c: {  	_ =	swait.ge [sflag:s28], $0xFC00  }
0x14d: {  	[sflag:s28] =	ssyncset.done $0x0  }
0x14e: {  	[sflag:s28] =	ssyncadd.s32 $0xFFFF0400  }
0x14f: {  	v18 =	vld [tilespmem:$0x80];
	_ =	sdelay $0x4  }
0x150: {  	vm8 =	vlt.u32 v18, $0x1F8;
	v18 =	vshll.u32 v18, $0x7  }
0x151: {  	v18 =	vor.u32 v1, v18;
	_ =	sdelay $0x4  }
0x152: {  	[tilespmem:v18+s0+$0x0] =	vst.idx.msk vm8, v0  }
0x153: {  	v18 =	vld [tilespmem:$0x90];
	_ =	sdelay $0x4  }
0x154: {  	vm9 =	vlt.u32 v18, $0x1F8;
	v18 =	vshll.u32 v18, $0x7  }
0x155: {  	v18 =	vor.u32 v3, v18;
	_ =	sdelay $0x4  }
0x156: {  	[tilespmem:v18+s0+$0x0] =	vst.idx.msk vm9, v0  }
0x157: {  	v18 =	vld [tilespmem:$0xA0];
	_ =	sdelay $0x4  }
0x158: {  	vm10 =	vlt.u32 v18, $0x1F8;
	v18 =	vshll.u32 v18, $0x7  }
0x159: {  	v18 =	vor.u32 v4, v18;
	_ =	sdelay $0x4  }
0x15a: {  	[tilespmem:v18+s0+$0x0] =	vst.idx.msk vm10, v0  }
0x15b: {  	v18 =	vld [tilespmem:$0xB0];
	_ =	sdelay $0x4  }
0x15c: {  	vm11 =	vlt.u32 v18, $0x1F8;
	v18 =	vshll.u32 v18, $0x7  }
0x15d: {  	v18 =	vor.u32 v5, v18;
	_ =	sdelay $0x4  }
0x15e: {  	[tilespmem:v18+s0+$0x0] =	vst.idx.msk vm11, v0  }
0x15f: {  	v18 =	vld [tilespmem:$0xC0];
	_ =	sdelay $0x4  }
0x160: {  	vm12 =	vlt.u32 v18, $0x1F8;
	v18 =	vshll.u32 v18, $0x7  }
0x161: {  	v18 =	vor.u32 v6, v18;
	_ =	sdelay $0x4  }
0x162: {  	[tilespmem:v18+s0+$0x0] =	vst.idx.msk vm12, v0  }
0x163: {  	v18 =	vld [tilespmem:$0xD0];
	_ =	sdelay $0x4  }
0x164: {  	vm13 =	vlt.u32 v18, $0x1F8;
	v18 =	vshll.u32 v18, $0x7  }
0x165: {  	v18 =	vor.u32 v7, v18;
	_ =	sdelay $0x4  }
0x166: {  	[tilespmem:v18+s0+$0x0] =	vst.idx.msk vm13, v0  }
0x167: {  	v18 =	vld [tilespmem:$0xE0];
	_ =	sdelay $0x4  }
0x168: {  	vm14 =	vlt.u32 v18, $0x1F8;
	v18 =	vshll.u32 v18, $0x7  }
0x169: {  	v18 =	vor.u32 v8, v18;
	_ =	sdelay $0x4  }
0x16a: {  	[tilespmem:v18+s0+$0x0] =	vst.idx.msk vm14, v0  }
0x16b: {  	v18 =	vld [tilespmem:$0xF0];
	_ =	sdelay $0x4  }
0x16c: {  	vm15 =	vlt.u32 v18, $0x1F8;
	v18 =	vshll.u32 v18, $0x7  }
0x16d: {  	v18 =	vor.u32 v9, v18;
	_ =	sdelay $0x4  }
0x16e: {  	[tilespmem:v18+s0+$0x0] =	vst.idx.msk vm15, v0  }
0x16f: {  	v18 =	vld [tilespmem:$0x100];
	_ =	sdelay $0x4  }
0x170: {  	vm4 =	vlt.u32 v18, $0x1F8;
	v18 =	vshll.u32 v18, $0x7  }
0x171: {  	v18 =	vor.u32 v1, v18;
	_ =	sdelay $0x4  }
0x172: {  	[tilespmem:v18+s0+$0x0] =	vst.idx.msk vm4, v2  }
0x173: {  	v18 =	vld [tilespmem:$0x110];
	_ =	sdelay $0x4  }
0x174: {  	vm5 =	vlt.u32 v18, $0x1F8;
	v18 =	vshll.u32 v18, $0x7  }
0x175: {  	v18 =	vor.u32 v3, v18;
	_ =	sdelay $0x4  }
0x176: {  	[tilespmem:v18+s0+$0x0] =	vst.idx.msk vm5, v2  }
0x177: {  	v18 =	vld [tilespmem:$0x120];
	_ =	sdelay $0x4  }
0x178: {  	vm6 =	vlt.u32 v18, $0x1F8;
	v18 =	vshll.u32 v18, $0x7  }
0x179: {  	v18 =	vor.u32 v4, v18;
	_ =	sdelay $0x4  }
0x17a: {  	[tilespmem:v18+s0+$0x0] =	vst.idx.msk vm6, v2  }
0x17b: {  	v18 =	vld [tilespmem:$0x130];
	_ =	sdelay $0x4  }
0x17c: {  	vm7 =	vlt.u32 v18, $0x1F8;
	v18 =	vshll.u32 v18, $0x7  }
0x17d: {  	v18 =	vor.u32 v5, v18;
	_ =	sdelay $0x4  }
0x17e: {  	[tilespmem:v18+s0+$0x0] =	vst.idx.msk vm7, v2  }
0x17f: {  	v18 =	vld [tilespmem:$0x140];
	_ =	sdelay $0x4  }
0x180: {  	vm8 =	vlt.u32 v18, $0x1F8;
	v18 =	vshll.u32 v18, $0x7  }
0x181: {  	v18 =	vor.u32 v6, v18;
	_ =	sdelay $0x4  }
0x182: {  	[tilespmem:v18+s0+$0x0] =	vst.idx.msk vm8, v2  }
0x183: {  	v18 =	vld [tilespmem:$0x150];
	_ =	sdelay $0x4  }
0x184: {  	vm9 =	vlt.u32 v18, $0x1F8;
	v18 =	vshll.u32 v18, $0x7  }
0x185: {  	v18 =	vor.u32 v7, v18;
	_ =	sdelay $0x4  }
0x186: {  	[tilespmem:v18+s0+$0x0] =	vst.idx.msk vm9, v2  }
0x187: {  	v18 =	vld [tilespmem:$0x160];
	_ =	sdelay $0x4  }
0x188: {  	vm10 =	vlt.u32 v18, $0x1F8;
	v18 =	vshll.u32 v18, $0x7  }
0x189: {  	v18 =	vor.u32 v8, v18;
	_ =	sdelay $0x4  }
0x18a: {  	[tilespmem:v18+s0+$0x0] =	vst.idx.msk vm10, v2  }
0x18b: {  	v18 =	vld [tilespmem:$0x170];
	_ =	sdelay $0x4  }
0x18c: {  	vm11 =	vlt.u32 v18, $0x1F8;
	v18 =	vshll.u32 v18, $0x7  }
0x18d: {  	v18 =	vor.u32 v9, v18;
	_ =	sdelay $0x4  }
0x18e: {  	[tilespmem:v18+s0+$0x0] =	vst.idx.msk vm11, v2  }
0x18f: {  	[hbm4b:s13+s1] =	stream.strided.scatter [tilespmem:s0], [sflag:$0x2], $0xFC00, s25, s1, $0x38;
	[tilespmem:$0x1F780] =	vst v63  }
0x190: {  	_ =	swait.ge [sflag:s29], $0xF800  }
0x191: {  	[sflag:s29] =	ssyncset.done $0x0  }
0x192: {  	[sflag:s29] =	ssyncadd.s32 $0xFFFF0800  }
0x193: {  	v18 =	vld [tilespmem:$0x80];
	_ =	sdelay $0x4  }
0x194: {  	v19 =	vadd.s32 $0xFFFFFE08, v18  }
0x195: {  	v18 =	vshll.u32 v18, $0x7;
	vm12 =	vlt.u32 v19, $0x1F0  }
0x196: {  	v18 =	vadd.s32 v10, v18;
	_ =	sdelay $0x4  }
0x197: {  	[tilespmem:v18+s26+$0x0] =	vst.idx.msk vm12, v0  }
0x198: {  	v18 =	vld [tilespmem:$0x90];
	_ =	sdelay $0x4  }
0x199: {  	v19 =	vadd.s32 $0xFFFFFE08, v18  }
0x19a: {  	v18 =	vshll.u32 v18, $0x7;
	vm13 =	vlt.u32 v19, $0x1F0  }
0x19b: {  	v18 =	vadd.s32 v11, v18;
	_ =	sdelay $0x4  }
0x19c: {  	[tilespmem:v18+s26+$0x0] =	vst.idx.msk vm13, v0  }
0x19d: {  	v18 =	vld [tilespmem:$0xA0];
	_ =	sdelay $0x4  }
0x19e: {  	v19 =	vadd.s32 $0xFFFFFE08, v18  }
0x19f: {  	v18 =	vshll.u32 v18, $0x7;
	vm14 =	vlt.u32 v19, $0x1F0  }
0x1a0: {  	v18 =	vadd.s32 v12, v18;
	_ =	sdelay $0x4  }
0x1a1: {  	[tilespmem:v18+s26+$0x0] =	vst.idx.msk vm14, v0  }
0x1a2: {  	v18 =	vld [tilespmem:$0xB0];
	_ =	sdelay $0x4  }
0x1a3: {  	v19 =	vadd.s32 $0xFFFFFE08, v18  }
0x1a4: {  	v18 =	vshll.u32 v18, $0x7;
	vm15 =	vlt.u32 v19, $0x1F0  }
0x1a5: {  	v18 =	vadd.s32 v13, v18;
	_ =	sdelay $0x4  }
0x1a6: {  	[tilespmem:v18+s26+$0x0] =	vst.idx.msk vm15, v0  }
0x1a7: {  	v18 =	vld [tilespmem:$0xC0];
	_ =	sdelay $0x4  }
0x1a8: {  	v19 =	vadd.s32 $0xFFFFFE08, v18  }
0x1a9: {  	v18 =	vshll.u32 v18, $0x7;
	vm4 =	vlt.u32 v19, $0x1F0  }
0x1aa: {  	v18 =	vadd.s32 v14, v18;
	_ =	sdelay $0x4  }
0x1ab: {  	[tilespmem:v18+s26+$0x0] =	vst.idx.msk vm4, v0  }
0x1ac: {  	v18 =	vld [tilespmem:$0xD0];
	_ =	sdelay $0x4  }
0x1ad: {  	v19 =	vadd.s32 $0xFFFFFE08, v18  }
0x1ae: {  	v18 =	vshll.u32 v18, $0x7;
	vm5 =	vlt.u32 v19, $0x1F0  }
0x1af: {  	v18 =	vadd.s32 v15, v18;
	_ =	sdelay $0x4  }
0x1b0: {  	[tilespmem:v18+s26+$0x0] =	vst.idx.msk vm5, v0  }
0x1b1: {  	v18 =	vld [tilespmem:$0xE0];
	_ =	sdelay $0x4  }
0x1b2: {  	v19 =	vadd.s32 $0xFFFFFE08, v18  }
0x1b3: {  	v18 =	vshll.u32 v18, $0x7;
	vm6 =	vlt.u32 v19, $0x1F0  }
0x1b4: {  	v18 =	vadd.s32 v16, v18;
	_ =	sdelay $0x4  }
0x1b5: {  	[tilespmem:v18+s26+$0x0] =	vst.idx.msk vm6, v0  }
0x1b6: {  	v18 =	vld [tilespmem:$0xF0];
	_ =	sdelay $0x4  }
0x1b7: {  	v19 =	vadd.s32 $0xFFFFFE08, v18  }
0x1b8: {  	v18 =	vshll.u32 v18, $0x7;
	vm7 =	vlt.u32 v19, $0x1F0  }
0x1b9: {  	v18 =	vadd.s32 v17, v18;
	_ =	sdelay $0x4  }
0x1ba: {  	[tilespmem:v18+s26+$0x0] =	vst.idx.msk vm7, v0  }
0x1bb: {  	v18 =	vld [tilespmem:$0x100];
	_ =	sdelay $0x4  }
0x1bc: {  	v19 =	vadd.s32 $0xFFFFFE08, v18  }
0x1bd: {  	v18 =	vshll.u32 v18, $0x7;
	vm8 =	vlt.u32 v19, $0x1F0  }
0x1be: {  	v18 =	vadd.s32 v10, v18;
	_ =	sdelay $0x4  }
0x1bf: {  	[tilespmem:v18+s26+$0x0] =	vst.idx.msk vm8, v2  }
0x1c0: {  	v18 =	vld [tilespmem:$0x110];
	_ =	sdelay $0x4  }
0x1c1: {  	v19 =	vadd.s32 $0xFFFFFE08, v18  }
0x1c2: {  	v18 =	vshll.u32 v18, $0x7;
	vm9 =	vlt.u32 v19, $0x1F0  }
0x1c3: {  	v18 =	vadd.s32 v11, v18;
	_ =	sdelay $0x4  }
0x1c4: {  	[tilespmem:v18+s26+$0x0] =	vst.idx.msk vm9, v2  }
0x1c5: {  	v18 =	vld [tilespmem:$0x120];
	_ =	sdelay $0x4  }
0x1c6: {  	v19 =	vadd.s32 $0xFFFFFE08, v18  }
0x1c7: {  	v18 =	vshll.u32 v18, $0x7;
	vm10 =	vlt.u32 v19, $0x1F0  }
0x1c8: {  	v18 =	vadd.s32 v12, v18;
	_ =	sdelay $0x4  }
0x1c9: {  	[tilespmem:v18+s26+$0x0] =	vst.idx.msk vm10, v2  }
0x1ca: {  	v18 =	vld [tilespmem:$0x130];
	_ =	sdelay $0x4  }
0x1cb: {  	v19 =	vadd.s32 $0xFFFFFE08, v18  }
0x1cc: {  	v18 =	vshll.u32 v18, $0x7;
	vm11 =	vlt.u32 v19, $0x1F0  }
0x1cd: {  	v18 =	vadd.s32 v13, v18;
	_ =	sdelay $0x4  }
0x1ce: {  	[tilespmem:v18+s26+$0x0] =	vst.idx.msk vm11, v2  }
0x1cf: {  	v18 =	vld [tilespmem:$0x140];
	_ =	sdelay $0x4  }
0x1d0: {  	v19 =	vadd.s32 $0xFFFFFE08, v18  }
0x1d1: {  	v18 =	vshll.u32 v18, $0x7;
	vm12 =	vlt.u32 v19, $0x1F0  }
0x1d2: {  	v18 =	vadd.s32 v14, v18;
	_ =	sdelay $0x4  }
0x1d3: {  	[tilespmem:v18+s26+$0x0] =	vst.idx.msk vm12, v2  }
0x1d4: {  	v18 =	vld [tilespmem:$0x150];
	_ =	sdelay $0x4  }
0x1d5: {  	v19 =	vadd.s32 $0xFFFFFE08, v18  }
0x1d6: {  	v18 =	vshll.u32 v18, $0x7;
	vm13 =	vlt.u32 v19, $0x1F0  }
0x1d7: {  	v18 =	vadd.s32 v15, v18;
	_ =	sdelay $0x4  }
0x1d8: {  	[tilespmem:v18+s26+$0x0] =	vst.idx.msk vm13, v2  }
0x1d9: {  	v18 =	vld [tilespmem:$0x160];
	_ =	sdelay $0x4  }
0x1da: {  	v19 =	vadd.s32 $0xFFFFFE08, v18  }
0x1db: {  	v18 =	vshll.u32 v18, $0x7;
	vm14 =	vlt.u32 v19, $0x1F0  }
0x1dc: {  	v18 =	vadd.s32 v16, v18;
	_ =	sdelay $0x4  }
0x1dd: {  	[tilespmem:v18+s26+$0x0] =	vst.idx.msk vm14, v2  }
0x1de: {  	v18 =	vld [tilespmem:$0x170];
	_ =	sdelay $0x4  }
0x1df: {  	v19 =	vadd.s32 $0xFFFFFE08, v18  }
0x1e0: {  	v18 =	vshll.u32 v18, $0x7;
	vm15 =	vlt.u32 v19, $0x1F0  }
0x1e1: {  	v18 =	vadd.s32 v17, v18;
	_ =	sdelay $0x4  }
0x1e2: {  	[tilespmem:v18+s26+$0x0] =	vst.idx.msk vm15, v2  }
0x1e3: {  	[hbm4b:s16+s1] =	stream.strided.scatter [tilespmem:s26], [sflag:$0x3], $0xF800, s25, s1, $0x38;
	[tilespmem:$0x1F780] =	vst v63  }
0x1e4: {  	_ =	swait.ge [sflag:s28], $0xFC00  }
0x1e5: {  	[sflag:s28] =	ssyncset.done $0x0  }
0x1e6: {  	[sflag:s28] =	ssyncadd.s32 $0xFFFF0400  }
0x1e7: {  	v18 =	vld [tilespmem:$0x100];
	_ =	sdelay $0x4  }
0x1e8: {  	vm4 =	vlt.u32 v18, $0x1F8;
	v18 =	vshll.u32 v18, $0x7  }
0x1e9: {  	v18 =	vor.u32 v1, v18;
	_ =	sdelay $0x4  }
0x1ea: {  	[tilespmem:v18+s0+$0x0] =	vst.idx.msk vm4, v0  }
0x1eb: {  	v18 =	vld [tilespmem:$0x110];
	_ =	sdelay $0x4  }
0x1ec: {  	vm5 =	vlt.u32 v18, $0x1F8;
	v18 =	vshll.u32 v18, $0x7  }
0x1ed: {  	v18 =	vor.u32 v3, v18;
	_ =	sdelay $0x4  }
0x1ee: {  	[tilespmem:v18+s0+$0x0] =	vst.idx.msk vm5, v0  }
0x1ef: {  	v18 =	vld [tilespmem:$0x120];
	_ =	sdelay $0x4  }
0x1f0: {  	vm6 =	vlt.u32 v18, $0x1F8;
	v18 =	vshll.u32 v18, $0x7  }
0x1f1: {  	v18 =	vor.u32 v4, v18;
	_ =	sdelay $0x4  }
0x1f2: {  	[tilespmem:v18+s0+$0x0] =	vst.idx.msk vm6, v0  }
0x1f3: {  	v18 =	vld [tilespmem:$0x130];
	_ =	sdelay $0x4  }
0x1f4: {  	vm7 =	vlt.u32 v18, $0x1F8;
	v18 =	vshll.u32 v18, $0x7  }
0x1f5: {  	v18 =	vor.u32 v5, v18;
	_ =	sdelay $0x4  }
0x1f6: {  	[tilespmem:v18+s0+$0x0] =	vst.idx.msk vm7, v0  }
0x1f7: {  	v18 =	vld [tilespmem:$0x140];
	_ =	sdelay $0x4  }
0x1f8: {  	vm8 =	vlt.u32 v18, $0x1F8;
	v18 =	vshll.u32 v18, $0x7  }
0x1f9: {  	v18 =	vor.u32 v6, v18;
	_ =	sdelay $0x4  }
0x1fa: {  	[tilespmem:v18+s0+$0x0] =	vst.idx.msk vm8, v0  }
0x1fb: {  	v18 =	vld [tilespmem:$0x150];
	_ =	sdelay $0x4  }
0x1fc: {  	vm9 =	vlt.u32 v18, $0x1F8;
	v18 =	vshll.u32 v18, $0x7  }
0x1fd: {  	v18 =	vor.u32 v7, v18;
	_ =	sdelay $0x4  }
0x1fe: {  	[tilespmem:v18+s0+$0x0] =	vst.idx.msk vm9, v0  }
0x1ff: {  	v18 =	vld [tilespmem:$0x160];
	_ =	sdelay $0x4  }
0x200: {  	vm10 =	vlt.u32 v18, $0x1F8;
	v18 =	vshll.u32 v18, $0x7  }
0x201: {  	v18 =	vor.u32 v8, v18;
	_ =	sdelay $0x4  }
0x202: {  	[tilespmem:v18+s0+$0x0] =	vst.idx.msk vm10, v0  }
0x203: {  	v18 =	vld [tilespmem:$0x170];
	_ =	sdelay $0x4  }
0x204: {  	vm11 =	vlt.u32 v18, $0x1F8;
	v18 =	vshll.u32 v18, $0x7  }
0x205: {  	v18 =	vor.u32 v9, v18;
	_ =	sdelay $0x4  }
0x206: {  	[tilespmem:v18+s0+$0x0] =	vst.idx.msk vm11, v0  }
0x207: {  	v18 =	vld [tilespmem:$0x180];
	_ =	sdelay $0x4  }
0x208: {  	vm12 =	vlt.u32 v18, $0x1F8;
	v18 =	vshll.u32 v18, $0x7  }
0x209: {  	v18 =	vor.u32 v1, v18;
	_ =	sdelay $0x4  }
0x20a: {  	[tilespmem:v18+s0+$0x0] =	vst.idx.msk vm12, v2  }
0x20b: {  	v18 =	vld [tilespmem:$0x190];
	_ =	sdelay $0x4  }
0x20c: {  	vm13 =	vlt.u32 v18, $0x1F8;
	v18 =	vshll.u32 v18, $0x7  }
0x20d: {  	v18 =	vor.u32 v3, v18;
	_ =	sdelay $0x4  }
0x20e: {  	[tilespmem:v18+s0+$0x0] =	vst.idx.msk vm13, v2  }
0x20f: {  	v18 =	vld [tilespmem:$0x1A0];
	_ =	sdelay $0x4  }
0x210: {  	vm14 =	vlt.u32 v18, $0x1F8;
	v18 =	vshll.u32 v18, $0x7  }
0x211: {  	v18 =	vor.u32 v4, v18;
	_ =	sdelay $0x4  }
0x212: {  	[tilespmem:v18+s0+$0x0] =	vst.idx.msk vm14, v2  }
0x213: {  	v18 =	vld [tilespmem:$0x1B0];
	_ =	sdelay $0x4  }
0x214: {  	vm15 =	vlt.u32 v18, $0x1F8;
	v18 =	vshll.u32 v18, $0x7  }
0x215: {  	v18 =	vor.u32 v5, v18;
	_ =	sdelay $0x4  }
0x216: {  	[tilespmem:v18+s0+$0x0] =	vst.idx.msk vm15, v2  }
0x217: {  	v18 =	vld [tilespmem:$0x1C0];
	_ =	sdelay $0x4  }
0x218: {  	vm4 =	vlt.u32 v18, $0x1F8;
	v18 =	vshll.u32 v18, $0x7  }
0x219: {  	v18 =	vor.u32 v6, v18;
	_ =	sdelay $0x4  }
0x21a: {  	[tilespmem:v18+s0+$0x0] =	vst.idx.msk vm4, v2  }
0x21b: {  	v18 =	vld [tilespmem:$0x1D0];
	_ =	sdelay $0x4  }
0x21c: {  	vm5 =	vlt.u32 v18, $0x1F8;
	v18 =	vshll.u32 v18, $0x7  }
0x21d: {  	v18 =	vor.u32 v7, v18;
	_ =	sdelay $0x4  }
0x21e: {  	[tilespmem:v18+s0+$0x0] =	vst.idx.msk vm5, v2  }
0x21f: {  	v18 =	vld [tilespmem:$0x1E0];
	_ =	sdelay $0x4  }
0x220: {  	vm6 =	vlt.u32 v18, $0x1F8;
	v18 =	vshll.u32 v18, $0x7  }
0x221: {  	v18 =	vor.u32 v8, v18;
	_ =	sdelay $0x4  }
0x222: {  	[tilespmem:v18+s0+$0x0] =	vst.idx.msk vm6, v2  }
0x223: {  	v18 =	vld [tilespmem:$0x1F0];
	_ =	sdelay $0x4  }
0x224: {  	vm7 =	vlt.u32 v18, $0x1F8;
	v18 =	vshll.u32 v18, $0x7  }
0x225: {  	v18 =	vor.u32 v9, v18;
	_ =	sdelay $0x4  }
0x226: {  	[tilespmem:v18+s0+$0x0] =	vst.idx.msk vm7, v2  }
0x227: {  	[hbm4b:s14+s1] =	stream.strided.scatter [tilespmem:s0], [sflag:$0x2], $0xFC00, s25, s1, $0x38;
	[tilespmem:$0x1F780] =	vst v63  }
0x228: {  	_ =	swait.ge [sflag:s29], $0xF800  }
0x229: {  	[sflag:s29] =	ssyncset.done $0x0  }
0x22a: {  	[sflag:s29] =	ssyncadd.s32 $0xFFFF0800  }
0x22b: {  	v18 =	vld [tilespmem:$0x100];
	_ =	sdelay $0x4  }
0x22c: {  	v19 =	vadd.s32 $0xFFFFFE08, v18  }
0x22d: {  	v18 =	vshll.u32 v18, $0x7;
	vm8 =	vlt.u32 v19, $0x1F0  }
0x22e: {  	v18 =	vadd.s32 v10, v18;
	_ =	sdelay $0x4  }
0x22f: {  	[tilespmem:v18+s26+$0x0] =	vst.idx.msk vm8, v0  }
0x230: {  	v18 =	vld [tilespmem:$0x110];
	_ =	sdelay $0x4  }
0x231: {  	v19 =	vadd.s32 $0xFFFFFE08, v18  }
0x232: {  	v18 =	vshll.u32 v18, $0x7;
	vm9 =	vlt.u32 v19, $0x1F0  }
0x233: {  	v18 =	vadd.s32 v11, v18;
	_ =	sdelay $0x4  }
0x234: {  	[tilespmem:v18+s26+$0x0] =	vst.idx.msk vm9, v0  }
0x235: {  	v18 =	vld [tilespmem:$0x120];
	_ =	sdelay $0x4  }
0x236: {  	v19 =	vadd.s32 $0xFFFFFE08, v18  }
0x237: {  	v18 =	vshll.u32 v18, $0x7;
	vm10 =	vlt.u32 v19, $0x1F0  }
0x238: {  	v18 =	vadd.s32 v12, v18;
	_ =	sdelay $0x4  }
0x239: {  	[tilespmem:v18+s26+$0x0] =	vst.idx.msk vm10, v0  }
0x23a: {  	v18 =	vld [tilespmem:$0x130];
	_ =	sdelay $0x4  }
0x23b: {  	v19 =	vadd.s32 $0xFFFFFE08, v18  }
0x23c: {  	v18 =	vshll.u32 v18, $0x7;
	vm11 =	vlt.u32 v19, $0x1F0  }
0x23d: {  	v18 =	vadd.s32 v13, v18;
	_ =	sdelay $0x4  }
0x23e: {  	[tilespmem:v18+s26+$0x0] =	vst.idx.msk vm11, v0  }
0x23f: {  	v18 =	vld [tilespmem:$0x140];
	_ =	sdelay $0x4  }
0x240: {  	v19 =	vadd.s32 $0xFFFFFE08, v18  }
0x241: {  	v18 =	vshll.u32 v18, $0x7;
	vm12 =	vlt.u32 v19, $0x1F0  }
0x242: {  	v18 =	vadd.s32 v14, v18;
	_ =	sdelay $0x4  }
0x243: {  	[tilespmem:v18+s26+$0x0] =	vst.idx.msk vm12, v0  }
0x244: {  	v18 =	vld [tilespmem:$0x150];
	_ =	sdelay $0x4  }
0x245: {  	v19 =	vadd.s32 $0xFFFFFE08, v18  }
0x246: {  	v18 =	vshll.u32 v18, $0x7;
	vm13 =	vlt.u32 v19, $0x1F0  }
0x247: {  	v18 =	vadd.s32 v15, v18;
	_ =	sdelay $0x4  }
0x248: {  	[tilespmem:v18+s26+$0x0] =	vst.idx.msk vm13, v0  }
0x249: {  	v18 =	vld [tilespmem:$0x160];
	_ =	sdelay $0x4  }
0x24a: {  	v19 =	vadd.s32 $0xFFFFFE08, v18  }
0x24b: {  	v18 =	vshll.u32 v18, $0x7;
	vm14 =	vlt.u32 v19, $0x1F0  }
0x24c: {  	v18 =	vadd.s32 v16, v18;
	_ =	sdelay $0x4  }
0x24d: {  	[tilespmem:v18+s26+$0x0] =	vst.idx.msk vm14, v0  }
0x24e: {  	v18 =	vld [tilespmem:$0x170];
	_ =	sdelay $0x4  }
0x24f: {  	v19 =	vadd.s32 $0xFFFFFE08, v18  }
0x250: {  	v18 =	vshll.u32 v18, $0x7;
	vm15 =	vlt.u32 v19, $0x1F0  }
0x251: {  	v18 =	vadd.s32 v17, v18;
	_ =	sdelay $0x4  }
0x252: {  	[tilespmem:v18+s26+$0x0] =	vst.idx.msk vm15, v0  }
0x253: {  	v18 =	vld [tilespmem:$0x180];
	_ =	sdelay $0x4  }
0x254: {  	v19 =	vadd.s32 $0xFFFFFE08, v18  }
0x255: {  	v18 =	vshll.u32 v18, $0x7;
	vm4 =	vlt.u32 v19, $0x1F0  }
0x256: {  	v18 =	vadd.s32 v10, v18;
	_ =	sdelay $0x4  }
0x257: {  	[tilespmem:v18+s26+$0x0] =	vst.idx.msk vm4, v2  }
0x258: {  	v18 =	vld [tilespmem:$0x190];
	_ =	sdelay $0x4  }
0x259: {  	v19 =	vadd.s32 $0xFFFFFE08, v18  }
0x25a: {  	v18 =	vshll.u32 v18, $0x7;
	vm5 =	vlt.u32 v19, $0x1F0  }
0x25b: {  	v18 =	vadd.s32 v11, v18;
	_ =	sdelay $0x4  }
0x25c: {  	[tilespmem:v18+s26+$0x0] =	vst.idx.msk vm5, v2  }
0x25d: {  	v18 =	vld [tilespmem:$0x1A0];
	_ =	sdelay $0x4  }
0x25e: {  	v19 =	vadd.s32 $0xFFFFFE08, v18  }
0x25f: {  	v18 =	vshll.u32 v18, $0x7;
	vm6 =	vlt.u32 v19, $0x1F0  }
0x260: {  	v18 =	vadd.s32 v12, v18;
	_ =	sdelay $0x4  }
0x261: {  	[tilespmem:v18+s26+$0x0] =	vst.idx.msk vm6, v2  }
0x262: {  	v18 =	vld [tilespmem:$0x1B0];
	_ =	sdelay $0x4  }
0x263: {  	v19 =	vadd.s32 $0xFFFFFE08, v18  }
0x264: {  	v18 =	vshll.u32 v18, $0x7;
	vm7 =	vlt.u32 v19, $0x1F0  }
0x265: {  	v18 =	vadd.s32 v13, v18;
	_ =	sdelay $0x4  }
0x266: {  	[tilespmem:v18+s26+$0x0] =	vst.idx.msk vm7, v2  }
0x267: {  	v18 =	vld [tilespmem:$0x1C0];
	_ =	sdelay $0x4  }
0x268: {  	v19 =	vadd.s32 $0xFFFFFE08, v18  }
0x269: {  	v18 =	vshll.u32 v18, $0x7;
	vm8 =	vlt.u32 v19, $0x1F0  }
0x26a: {  	v18 =	vadd.s32 v14, v18;
	_ =	sdelay $0x4  }
0x26b: {  	[tilespmem:v18+s26+$0x0] =	vst.idx.msk vm8, v2  }
0x26c: {  	v18 =	vld [tilespmem:$0x1D0];
	_ =	sdelay $0x4  }
0x26d: {  	v19 =	vadd.s32 $0xFFFFFE08, v18  }
0x26e: {  	v18 =	vshll.u32 v18, $0x7;
	vm9 =	vlt.u32 v19, $0x1F0  }
0x26f: {  	v18 =	vadd.s32 v15, v18;
	_ =	sdelay $0x4  }
0x270: {  	[tilespmem:v18+s26+$0x0] =	vst.idx.msk vm9, v2  }
0x271: {  	v18 =	vld [tilespmem:$0x1E0];
	_ =	sdelay $0x4  }
0x272: {  	v19 =	vadd.s32 $0xFFFFFE08, v18  }
0x273: {  	v18 =	vshll.u32 v18, $0x7;
	vm10 =	vlt.u32 v19, $0x1F0  }
0x274: {  	v18 =	vadd.s32 v16, v18;
	_ =	sdelay $0x4  }
0x275: {  	[tilespmem:v18+s26+$0x0] =	vst.idx.msk vm10, v2  }
0x276: {  	v18 =	vld [tilespmem:$0x1F0];
	_ =	sdelay $0x4  }
0x277: {  	v19 =	vadd.s32 $0xFFFFFE08, v18  }
0x278: {  	v18 =	vshll.u32 v18, $0x7;
	vm11 =	vlt.u32 v19, $0x1F0  }
0x279: {  	v18 =	vadd.s32 v17, v18;
	_ =	sdelay $0x4  }
0x27a: {  	[tilespmem:v18+s26+$0x0] =	vst.idx.msk vm11, v2  }
0x27b: {  	[hbm4b:s17+s1] =	stream.strided.scatter [tilespmem:s26], [sflag:$0x3], $0xF800, s25, s1, $0x38;
	[tilespmem:$0x1F780] =	vst v63  }
0x27c: {  	_ =	swait.ge [sflag:s28], $0xFC00  }
0x27d: {  	[sflag:s28] =	ssyncset.done $0x0  }
0x27e: {  	[sflag:s28] =	ssyncadd.s32 $0xFFFF0400  }
0x27f: {  	v18 =	vld [tilespmem:$0x180];
	_ =	sdelay $0x4  }
0x280: {  	vm12 =	vlt.u32 v18, $0x1F8;
	v18 =	vshll.u32 v18, $0x7  }
0x281: {  	v18 =	vor.u32 v1, v18;
	_ =	sdelay $0x4  }
0x282: {  	[tilespmem:v18+s0+$0x0] =	vst.idx.msk vm12, v0  }
0x283: {  	v18 =	vld [tilespmem:$0x190];
	_ =	sdelay $0x4  }
0x284: {  	vm13 =	vlt.u32 v18, $0x1F8;
	v18 =	vshll.u32 v18, $0x7  }
0x285: {  	v18 =	vor.u32 v3, v18;
	_ =	sdelay $0x4  }
0x286: {  	[tilespmem:v18+s0+$0x0] =	vst.idx.msk vm13, v0  }
0x287: {  	v18 =	vld [tilespmem:$0x1A0];
	_ =	sdelay $0x4  }
0x288: {  	vm14 =	vlt.u32 v18, $0x1F8;
	v18 =	vshll.u32 v18, $0x7  }
0x289: {  	v18 =	vor.u32 v4, v18;
	_ =	sdelay $0x4  }
0x28a: {  	[tilespmem:v18+s0+$0x0] =	vst.idx.msk vm14, v0  }
0x28b: {  	v18 =	vld [tilespmem:$0x1B0];
	_ =	sdelay $0x4  }
0x28c: {  	vm15 =	vlt.u32 v18, $0x1F8;
	v18 =	vshll.u32 v18, $0x7  }
0x28d: {  	v18 =	vor.u32 v5, v18;
	_ =	sdelay $0x4  }
0x28e: {  	[tilespmem:v18+s0+$0x0] =	vst.idx.msk vm15, v0  }
0x28f: {  	v18 =	vld [tilespmem:$0x1C0];
	_ =	sdelay $0x4  }
0x290: {  	vm4 =	vlt.u32 v18, $0x1F8;
	v18 =	vshll.u32 v18, $0x7  }
0x291: {  	v18 =	vor.u32 v6, v18;
	_ =	sdelay $0x4  }
0x292: {  	[tilespmem:v18+s0+$0x0] =	vst.idx.msk vm4, v0  }
0x293: {  	v18 =	vld [tilespmem:$0x1D0];
	_ =	sdelay $0x4  }
0x294: {  	vm5 =	vlt.u32 v18, $0x1F8;
	v18 =	vshll.u32 v18, $0x7  }
0x295: {  	v18 =	vor.u32 v7, v18;
	_ =	sdelay $0x4  }
0x296: {  	[tilespmem:v18+s0+$0x0] =	vst.idx.msk vm5, v0  }
0x297: {  	v18 =	vld [tilespmem:$0x1E0];
	_ =	sdelay $0x4  }
0x298: {  	vm6 =	vlt.u32 v18, $0x1F8;
	v18 =	vshll.u32 v18, $0x7  }
0x299: {  	v18 =	vor.u32 v8, v18;
	_ =	sdelay $0x4  }
0x29a: {  	[tilespmem:v18+s0+$0x0] =	vst.idx.msk vm6, v0  }
0x29b: {  	v18 =	vld [tilespmem:$0x1F0];
	_ =	sdelay $0x4  }
0x29c: {  	vm7 =	vlt.u32 v18, $0x1F8;
	v18 =	vshll.u32 v18, $0x7  }
0x29d: {  	v18 =	vor.u32 v9, v18;
	_ =	sdelay $0x4  }
0x29e: {  	[tilespmem:v18+s0+$0x0] =	vst.idx.msk vm7, v0  }
0x29f: {  	v18 =	vld [tilespmem:$0x200];
	_ =	sdelay $0x4  }
0x2a0: {  	vm8 =	vlt.u32 v18, $0x1F8;
	v18 =	vshll.u32 v18, $0x7  }
0x2a1: {  	v18 =	vor.u32 v1, v18;
	_ =	sdelay $0x4  }
0x2a2: {  	[tilespmem:v18+s0+$0x0] =	vst.idx.msk vm8, v2  }
0x2a3: {  	v18 =	vld [tilespmem:$0x210];
	_ =	sdelay $0x4  }
0x2a4: {  	vm9 =	vlt.u32 v18, $0x1F8;
	v18 =	vshll.u32 v18, $0x7  }
0x2a5: {  	v18 =	vor.u32 v3, v18;
	_ =	sdelay $0x4  }
0x2a6: {  	[tilespmem:v18+s0+$0x0] =	vst.idx.msk vm9, v2  }
0x2a7: {  	v18 =	vld [tilespmem:$0x220];
	_ =	sdelay $0x4  }
0x2a8: {  	vm10 =	vlt.u32 v18, $0x1F8;
	v18 =	vshll.u32 v18, $0x7  }
0x2a9: {  	v18 =	vor.u32 v4, v18;
	_ =	sdelay $0x4  }
0x2aa: {  	[tilespmem:v18+s0+$0x0] =	vst.idx.msk vm10, v2  }
0x2ab: {  	v18 =	vld [tilespmem:$0x230];
	_ =	sdelay $0x4  }
0x2ac: {  	vm11 =	vlt.u32 v18, $0x1F8;
	v18 =	vshll.u32 v18, $0x7  }
0x2ad: {  	v18 =	vor.u32 v5, v18;
	_ =	sdelay $0x4  }
0x2ae: {  	[tilespmem:v18+s0+$0x0] =	vst.idx.msk vm11, v2  }
0x2af: {  	v18 =	vld [tilespmem:$0x240];
	_ =	sdelay $0x4  }
0x2b0: {  	vm12 =	vlt.u32 v18, $0x1F8;
	v18 =	vshll.u32 v18, $0x7  }
0x2b1: {  	v18 =	vor.u32 v6, v18;
	_ =	sdelay $0x4  }
0x2b2: {  	[tilespmem:v18+s0+$0x0] =	vst.idx.msk vm12, v2  }
0x2b3: {  	v18 =	vld [tilespmem:$0x250];
	_ =	sdelay $0x4  }
0x2b4: {  	vm13 =	vlt.u32 v18, $0x1F8;
	v18 =	vshll.u32 v18, $0x7  }
0x2b5: {  	v18 =	vor.u32 v7, v18;
	_ =	sdelay $0x4  }
0x2b6: {  	[tilespmem:v18+s0+$0x0] =	vst.idx.msk vm13, v2  }
0x2b7: {  	v18 =	vld [tilespmem:$0x260];
	_ =	sdelay $0x4  }
0x2b8: {  	vm14 =	vlt.u32 v18, $0x1F8;
	v18 =	vshll.u32 v18, $0x7  }
0x2b9: {  	v18 =	vor.u32 v8, v18;
	_ =	sdelay $0x4  }
0x2ba: {  	[tilespmem:v18+s0+$0x0] =	vst.idx.msk vm14, v2  }
0x2bb: {  	v18 =	vld [tilespmem:$0x270];
	_ =	sdelay $0x4  }
0x2bc: {  	vm15 =	vlt.u32 v18, $0x1F8;
	v18 =	vshll.u32 v18, $0x7  }
0x2bd: {  	v18 =	vor.u32 v9, v18;
	_ =	sdelay $0x4  }
0x2be: {  	[tilespmem:v18+s0+$0x0] =	vst.idx.msk vm15, v2  }
0x2bf: {  	[hbm4b:s18+s1] =	stream.strided.scatter [tilespmem:s0], [sflag:$0x2], $0xFC00, s25, s1, $0x38;
	[tilespmem:$0x1F780] =	vst v63  }
0x2c0: {  	_ =	swait.ge [sflag:s29], $0xF800  }
0x2c1: {  	[sflag:s29] =	ssyncset.done $0x0  }
0x2c2: {  	[sflag:s29] =	ssyncadd.s32 $0xFFFF0800  }
0x2c3: {  	v18 =	vld [tilespmem:$0x180];
	_ =	sdelay $0x4  }
0x2c4: {  	v19 =	vadd.s32 $0xFFFFFE08, v18  }
0x2c5: {  	v18 =	vshll.u32 v18, $0x7;
	vm4 =	vlt.u32 v19, $0x1F0  }
0x2c6: {  	v18 =	vadd.s32 v10, v18;
	_ =	sdelay $0x4  }
0x2c7: {  	[tilespmem:v18+s26+$0x0] =	vst.idx.msk vm4, v0  }
0x2c8: {  	v18 =	vld [tilespmem:$0x190];
	_ =	sdelay $0x4  }
0x2c9: {  	v19 =	vadd.s32 $0xFFFFFE08, v18  }
0x2ca: {  	v18 =	vshll.u32 v18, $0x7;
	vm5 =	vlt.u32 v19, $0x1F0  }
0x2cb: {  	v18 =	vadd.s32 v11, v18;
	_ =	sdelay $0x4  }
0x2cc: {  	[tilespmem:v18+s26+$0x0] =	vst.idx.msk vm5, v0  }
0x2cd: {  	v18 =	vld [tilespmem:$0x1A0];
	_ =	sdelay $0x4  }
0x2ce: {  	v19 =	vadd.s32 $0xFFFFFE08, v18  }
0x2cf: {  	v18 =	vshll.u32 v18, $0x7;
	vm6 =	vlt.u32 v19, $0x1F0  }
0x2d0: {  	v18 =	vadd.s32 v12, v18;
	_ =	sdelay $0x4  }
0x2d1: {  	[tilespmem:v18+s26+$0x0] =	vst.idx.msk vm6, v0  }
0x2d2: {  	v18 =	vld [tilespmem:$0x1B0];
	_ =	sdelay $0x4  }
0x2d3: {  	v19 =	vadd.s32 $0xFFFFFE08, v18  }
0x2d4: {  	v18 =	vshll.u32 v18, $0x7;
	vm7 =	vlt.u32 v19, $0x1F0  }
0x2d5: {  	v18 =	vadd.s32 v13, v18;
	_ =	sdelay $0x4  }
0x2d6: {  	[tilespmem:v18+s26+$0x0] =	vst.idx.msk vm7, v0  }
0x2d7: {  	v18 =	vld [tilespmem:$0x1C0];
	_ =	sdelay $0x4  }
0x2d8: {  	v19 =	vadd.s32 $0xFFFFFE08, v18  }
0x2d9: {  	v18 =	vshll.u32 v18, $0x7;
	vm8 =	vlt.u32 v19, $0x1F0  }
0x2da: {  	v18 =	vadd.s32 v14, v18;
	_ =	sdelay $0x4  }
0x2db: {  	[tilespmem:v18+s26+$0x0] =	vst.idx.msk vm8, v0  }
0x2dc: {  	v18 =	vld [tilespmem:$0x1D0];
	_ =	sdelay $0x4  }
0x2dd: {  	v19 =	vadd.s32 $0xFFFFFE08, v18  }
0x2de: {  	v18 =	vshll.u32 v18, $0x7;
	vm9 =	vlt.u32 v19, $0x1F0  }
0x2df: {  	v18 =	vadd.s32 v15, v18;
	_ =	sdelay $0x4  }
0x2e0: {  	[tilespmem:v18+s26+$0x0] =	vst.idx.msk vm9, v0  }
0x2e1: {  	v18 =	vld [tilespmem:$0x1E0];
	_ =	sdelay $0x4  }
0x2e2: {  	v19 =	vadd.s32 $0xFFFFFE08, v18  }
0x2e3: {  	v18 =	vshll.u32 v18, $0x7;
	vm10 =	vlt.u32 v19, $0x1F0  }
0x2e4: {  	v18 =	vadd.s32 v16, v18;
	_ =	sdelay $0x4  }
0x2e5: {  	[tilespmem:v18+s26+$0x0] =	vst.idx.msk vm10, v0  }
0x2e6: {  	v18 =	vld [tilespmem:$0x1F0];
	_ =	sdelay $0x4  }
0x2e7: {  	v19 =	vadd.s32 $0xFFFFFE08, v18  }
0x2e8: {  	v18 =	vshll.u32 v18, $0x7;
	vm11 =	vlt.u32 v19, $0x1F0  }
0x2e9: {  	v18 =	vadd.s32 v17, v18;
	_ =	sdelay $0x4  }
0x2ea: {  	[tilespmem:v18+s26+$0x0] =	vst.idx.msk vm11, v0  }
0x2eb: {  	v18 =	vld [tilespmem:$0x200];
	_ =	sdelay $0x4  }
0x2ec: {  	v19 =	vadd.s32 $0xFFFFFE08, v18  }
0x2ed: {  	v18 =	vshll.u32 v18, $0x7;
	vm12 =	vlt.u32 v19, $0x1F0  }
0x2ee: {  	v18 =	vadd.s32 v10, v18;
	_ =	sdelay $0x4  }
0x2ef: {  	[tilespmem:v18+s26+$0x0] =	vst.idx.msk vm12, v2  }
0x2f0: {  	v18 =	vld [tilespmem:$0x210];
	_ =	sdelay $0x4  }
0x2f1: {  	v19 =	vadd.s32 $0xFFFFFE08, v18  }
0x2f2: {  	v18 =	vshll.u32 v18, $0x7;
	vm13 =	vlt.u32 v19, $0x1F0  }
0x2f3: {  	v18 =	vadd.s32 v11, v18;
	_ =	sdelay $0x4  }
0x2f4: {  	[tilespmem:v18+s26+$0x0] =	vst.idx.msk vm13, v2  }
0x2f5: {  	v18 =	vld [tilespmem:$0x220];
	_ =	sdelay $0x4  }
0x2f6: {  	v19 =	vadd.s32 $0xFFFFFE08, v18  }
0x2f7: {  	v18 =	vshll.u32 v18, $0x7;
	vm14 =	vlt.u32 v19, $0x1F0  }
0x2f8: {  	v18 =	vadd.s32 v12, v18;
	_ =	sdelay $0x4  }
0x2f9: {  	[tilespmem:v18+s26+$0x0] =	vst.idx.msk vm14, v2  }
0x2fa: {  	v18 =	vld [tilespmem:$0x230];
	_ =	sdelay $0x4  }
0x2fb: {  	v19 =	vadd.s32 $0xFFFFFE08, v18  }
0x2fc: {  	v18 =	vshll.u32 v18, $0x7;
	vm15 =	vlt.u32 v19, $0x1F0  }
0x2fd: {  	v18 =	vadd.s32 v13, v18;
	_ =	sdelay $0x4  }
0x2fe: {  	[tilespmem:v18+s26+$0x0] =	vst.idx.msk vm15, v2  }
0x2ff: {  	v18 =	vld [tilespmem:$0x240];
	_ =	sdelay $0x4  }
0x300: {  	v19 =	vadd.s32 $0xFFFFFE08, v18  }
0x301: {  	v18 =	vshll.u32 v18, $0x7;
	vm4 =	vlt.u32 v19, $0x1F0  }
0x302: {  	v18 =	vadd.s32 v14, v18;
	_ =	sdelay $0x4  }
0x303: {  	[tilespmem:v18+s26+$0x0] =	vst.idx.msk vm4, v2  }
0x304: {  	v18 =	vld [tilespmem:$0x250];
	_ =	sdelay $0x4  }
0x305: {  	v19 =	vadd.s32 $0xFFFFFE08, v18  }
0x306: {  	v18 =	vshll.u32 v18, $0x7;
	vm5 =	vlt.u32 v19, $0x1F0  }
0x307: {  	v18 =	vadd.s32 v15, v18;
	_ =	sdelay $0x4  }
0x308: {  	[tilespmem:v18+s26+$0x0] =	vst.idx.msk vm5, v2  }
0x309: {  	v18 =	vld [tilespmem:$0x260];
	_ =	sdelay $0x4  }
0x30a: {  	v19 =	vadd.s32 $0xFFFFFE08, v18  }
0x30b: {  	v18 =	vshll.u32 v18, $0x7;
	vm6 =	vlt.u32 v19, $0x1F0  }
0x30c: {  	v18 =	vadd.s32 v16, v18;
	_ =	sdelay $0x4  }
0x30d: {  	[tilespmem:v18+s26+$0x0] =	vst.idx.msk vm6, v2  }
0x30e: {  	v18 =	vld [tilespmem:$0x270];
	_ =	sdelay $0x4  }
0x30f: {  	v19 =	vadd.s32 $0xFFFFFE08, v18  }
0x310: {  	v18 =	vshll.u32 v18, $0x7;
	vm7 =	vlt.u32 v19, $0x1F0  }
0x311: {  	v18 =	vadd.s32 v17, v18;
	_ =	sdelay $0x4  }
0x312: {  	[tilespmem:v18+s26+$0x0] =	vst.idx.msk vm7, v2  }
0x313: {  	[hbm4b:s21+s1] =	stream.strided.scatter [tilespmem:s26], [sflag:$0x3], $0xF800, s25, s1, $0x38;
	[tilespmem:$0x1F780] =	vst v63  }
0x314: {  	_ =	swait.ge [sflag:s28], $0xFC00  }
0x315: {  	[sflag:s28] =	ssyncset.done $0x0  }
0x316: {  	[sflag:s28] =	ssyncadd.s32 $0xFFFF0400  }
0x317: {  	v18 =	vld [tilespmem:$0x200];
	_ =	sdelay $0x4  }
0x318: {  	vm8 =	vlt.u32 v18, $0x1F8;
	v18 =	vshll.u32 v18, $0x7  }
0x319: {  	v18 =	vor.u32 v1, v18;
	_ =	sdelay $0x4  }
0x31a: {  	[tilespmem:v18+s0+$0x0] =	vst.idx.msk vm8, v0  }
0x31b: {  	v18 =	vld [tilespmem:$0x210];
	_ =	sdelay $0x4  }
0x31c: {  	vm9 =	vlt.u32 v18, $0x1F8;
	v18 =	vshll.u32 v18, $0x7  }
0x31d: {  	v18 =	vor.u32 v3, v18;
	_ =	sdelay $0x4  }
0x31e: {  	[tilespmem:v18+s0+$0x0] =	vst.idx.msk vm9, v0  }
0x31f: {  	v18 =	vld [tilespmem:$0x220];
	_ =	sdelay $0x4  }
0x320: {  	vm10 =	vlt.u32 v18, $0x1F8;
	v18 =	vshll.u32 v18, $0x7  }
0x321: {  	v18 =	vor.u32 v4, v18;
	_ =	sdelay $0x4  }
0x322: {  	[tilespmem:v18+s0+$0x0] =	vst.idx.msk vm10, v0  }
0x323: {  	v18 =	vld [tilespmem:$0x230];
	_ =	sdelay $0x4  }
0x324: {  	vm11 =	vlt.u32 v18, $0x1F8;
	v18 =	vshll.u32 v18, $0x7  }
0x325: {  	v18 =	vor.u32 v5, v18;
	_ =	sdelay $0x4  }
0x326: {  	[tilespmem:v18+s0+$0x0] =	vst.idx.msk vm11, v0  }
0x327: {  	v18 =	vld [tilespmem:$0x240];
	_ =	sdelay $0x4  }
0x328: {  	vm12 =	vlt.u32 v18, $0x1F8;
	v18 =	vshll.u32 v18, $0x7  }
0x329: {  	v18 =	vor.u32 v6, v18;
	_ =	sdelay $0x4  }
0x32a: {  	[tilespmem:v18+s0+$0x0] =	vst.idx.msk vm12, v0  }
0x32b: {  	v18 =	vld [tilespmem:$0x250];
	_ =	sdelay $0x4  }
0x32c: {  	vm13 =	vlt.u32 v18, $0x1F8;
	v18 =	vshll.u32 v18, $0x7  }
0x32d: {  	v18 =	vor.u32 v7, v18;
	_ =	sdelay $0x4  }
0x32e: {  	[tilespmem:v18+s0+$0x0] =	vst.idx.msk vm13, v0  }
0x32f: {  	v18 =	vld [tilespmem:$0x260];
	_ =	sdelay $0x4  }
0x330: {  	vm14 =	vlt.u32 v18, $0x1F8;
	v18 =	vshll.u32 v18, $0x7  }
0x331: {  	v18 =	vor.u32 v8, v18;
	_ =	sdelay $0x4  }
0x332: {  	[tilespmem:v18+s0+$0x0] =	vst.idx.msk vm14, v0  }
0x333: {  	v18 =	vld [tilespmem:$0x270];
	_ =	sdelay $0x4  }
0x334: {  	vm15 =	vlt.u32 v18, $0x1F8;
	v18 =	vshll.u32 v18, $0x7  }
0x335: {  	v18 =	vor.u32 v9, v18;
	_ =	sdelay $0x4  }
0x336: {  	[tilespmem:v18+s0+$0x0] =	vst.idx.msk vm15, v0  }
0x337: {  	v18 =	vld [tilespmem:$0x280];
	_ =	sdelay $0x4  }
0x338: {  	vm4 =	vlt.u32 v18, $0x1F8;
	v18 =	vshll.u32 v18, $0x7  }
0x339: {  	v18 =	vor.u32 v1, v18;
	_ =	sdelay $0x4  }
0x33a: {  	[tilespmem:v18+s0+$0x0] =	vst.idx.msk vm4, v2  }
0x33b: {  	v18 =	vld [tilespmem:$0x290];
	_ =	sdelay $0x4  }
0x33c: {  	vm5 =	vlt.u32 v18, $0x1F8;
	v18 =	vshll.u32 v18, $0x7  }
0x33d: {  	v18 =	vor.u32 v3, v18;
	_ =	sdelay $0x4  }
0x33e: {  	[tilespmem:v18+s0+$0x0] =	vst.idx.msk vm5, v2  }
0x33f: {  	v18 =	vld [tilespmem:$0x2A0];
	_ =	sdelay $0x4  }
0x340: {  	vm6 =	vlt.u32 v18, $0x1F8;
	v18 =	vshll.u32 v18, $0x7  }
0x341: {  	v18 =	vor.u32 v4, v18;
	_ =	sdelay $0x4  }
0x342: {  	[tilespmem:v18+s0+$0x0] =	vst.idx.msk vm6, v2  }
0x343: {  	v18 =	vld [tilespmem:$0x2B0];
	_ =	sdelay $0x4  }
0x344: {  	vm7 =	vlt.u32 v18, $0x1F8;
	v18 =	vshll.u32 v18, $0x7  }
0x345: {  	v18 =	vor.u32 v5, v18;
	_ =	sdelay $0x4  }
0x346: {  	[tilespmem:v18+s0+$0x0] =	vst.idx.msk vm7, v2  }
0x347: {  	v18 =	vld [tilespmem:$0x2C0];
	_ =	sdelay $0x4  }
0x348: {  	vm8 =	vlt.u32 v18, $0x1F8;
	v18 =	vshll.u32 v18, $0x7  }
0x349: {  	v18 =	vor.u32 v6, v18;
	_ =	sdelay $0x4  }
0x34a: {  	[tilespmem:v18+s0+$0x0] =	vst.idx.msk vm8, v2  }
0x34b: {  	v18 =	vld [tilespmem:$0x2D0];
	_ =	sdelay $0x4  }
0x34c: {  	vm9 =	vlt.u32 v18, $0x1F8;
	v18 =	vshll.u32 v18, $0x7  }
0x34d: {  	v18 =	vor.u32 v7, v18;
	_ =	sdelay $0x4  }
0x34e: {  	[tilespmem:v18+s0+$0x0] =	vst.idx.msk vm9, v2  }
0x34f: {  	v18 =	vld [tilespmem:$0x2E0];
	_ =	sdelay $0x4  }
0x350: {  	vm10 =	vlt.u32 v18, $0x1F8;
	v18 =	vshll.u32 v18, $0x7  }
0x351: {  	v18 =	vor.u32 v8, v18;
	_ =	sdelay $0x4  }
0x352: {  	[tilespmem:v18+s0+$0x0] =	vst.idx.msk vm10, v2  }
0x353: {  	v18 =	vld [tilespmem:$0x2F0];
	_ =	sdelay $0x4  }
0x354: {  	vm11 =	vlt.u32 v18, $0x1F8;
	v18 =	vshll.u32 v18, $0x7  }
0x355: {  	v18 =	vor.u32 v9, v18;
	_ =	sdelay $0x4  }
0x356: {  	[tilespmem:v18+s0+$0x0] =	vst.idx.msk vm11, v2  }
0x357: {  	[hbm4b:s19+s1] =	stream.strided.scatter [tilespmem:s0], [sflag:$0x2], $0xFC00, s25, s1, $0x38;
	[tilespmem:$0x1F780] =	vst v63  }
0x358: {  	_ =	swait.ge [sflag:s29], $0xF800  }
0x359: {  	[sflag:s29] =	ssyncset.done $0x0  }
0x35a: {  	[sflag:s29] =	ssyncadd.s32 $0xFFFF0800  }
0x35b: {  	v18 =	vld [tilespmem:$0x200];
	_ =	sdelay $0x4  }
0x35c: {  	v19 =	vadd.s32 $0xFFFFFE08, v18  }
0x35d: {  	v18 =	vshll.u32 v18, $0x7;
	vm12 =	vlt.u32 v19, $0x1F0  }
0x35e: {  	v18 =	vadd.s32 v10, v18;
	_ =	sdelay $0x4  }
0x35f: {  	[tilespmem:v18+s26+$0x0] =	vst.idx.msk vm12, v0  }
0x360: {  	v18 =	vld [tilespmem:$0x210];
	_ =	sdelay $0x4  }
0x361: {  	v19 =	vadd.s32 $0xFFFFFE08, v18  }
0x362: {  	v18 =	vshll.u32 v18, $0x7;
	vm13 =	vlt.u32 v19, $0x1F0  }
0x363: {  	v18 =	vadd.s32 v11, v18;
	_ =	sdelay $0x4  }
0x364: {  	[tilespmem:v18+s26+$0x0] =	vst.idx.msk vm13, v0  }
0x365: {  	v18 =	vld [tilespmem:$0x220];
	_ =	sdelay $0x4  }
0x366: {  	v19 =	vadd.s32 $0xFFFFFE08, v18  }
0x367: {  	v18 =	vshll.u32 v18, $0x7;
	vm14 =	vlt.u32 v19, $0x1F0  }
0x368: {  	v18 =	vadd.s32 v12, v18;
	_ =	sdelay $0x4  }
0x369: {  	[tilespmem:v18+s26+$0x0] =	vst.idx.msk vm14, v0  }
0x36a: {  	v18 =	vld [tilespmem:$0x230];
	_ =	sdelay $0x4  }
0x36b: {  	v19 =	vadd.s32 $0xFFFFFE08, v18  }
0x36c: {  	v18 =	vshll.u32 v18, $0x7;
	vm15 =	vlt.u32 v19, $0x1F0  }
0x36d: {  	v18 =	vadd.s32 v13, v18;
	_ =	sdelay $0x4  }
0x36e: {  	[tilespmem:v18+s26+$0x0] =	vst.idx.msk vm15, v0  }
0x36f: {  	v18 =	vld [tilespmem:$0x240];
	_ =	sdelay $0x4  }
0x370: {  	v19 =	vadd.s32 $0xFFFFFE08, v18  }
0x371: {  	v18 =	vshll.u32 v18, $0x7;
	vm4 =	vlt.u32 v19, $0x1F0  }
0x372: {  	v18 =	vadd.s32 v14, v18;
	_ =	sdelay $0x4  }
0x373: {  	[tilespmem:v18+s26+$0x0] =	vst.idx.msk vm4, v0  }
0x374: {  	v18 =	vld [tilespmem:$0x250];
	_ =	sdelay $0x4  }
0x375: {  	v19 =	vadd.s32 $0xFFFFFE08, v18  }
0x376: {  	v18 =	vshll.u32 v18, $0x7;
	vm5 =	vlt.u32 v19, $0x1F0  }
0x377: {  	v18 =	vadd.s32 v15, v18;
	_ =	sdelay $0x4  }
0x378: {  	[tilespmem:v18+s26+$0x0] =	vst.idx.msk vm5, v0  }
0x379: {  	v18 =	vld [tilespmem:$0x260];
	_ =	sdelay $0x4  }
0x37a: {  	v19 =	vadd.s32 $0xFFFFFE08, v18  }
0x37b: {  	v18 =	vshll.u32 v18, $0x7;
	vm6 =	vlt.u32 v19, $0x1F0  }
0x37c: {  	v18 =	vadd.s32 v16, v18;
	_ =	sdelay $0x4  }
0x37d: {  	[tilespmem:v18+s26+$0x0] =	vst.idx.msk vm6, v0  }
0x37e: {  	v18 =	vld [tilespmem:$0x270];
	_ =	sdelay $0x4  }
0x37f: {  	v19 =	vadd.s32 $0xFFFFFE08, v18  }
0x380: {  	v18 =	vshll.u32 v18, $0x7;
	vm7 =	vlt.u32 v19, $0x1F0  }
0x381: {  	v18 =	vadd.s32 v17, v18;
	_ =	sdelay $0x4  }
0x382: {  	[tilespmem:v18+s26+$0x0] =	vst.idx.msk vm7, v0  }
0x383: {  	v18 =	vld [tilespmem:$0x280];
	_ =	sdelay $0x4  }
0x384: {  	v19 =	vadd.s32 $0xFFFFFE08, v18  }
0x385: {  	v18 =	vshll.u32 v18, $0x7;
	vm8 =	vlt.u32 v19, $0x1F0  }
0x386: {  	v18 =	vadd.s32 v10, v18;
	_ =	sdelay $0x4  }
0x387: {  	[tilespmem:v18+s26+$0x0] =	vst.idx.msk vm8, v2  }
0x388: {  	v18 =	vld [tilespmem:$0x290];
	_ =	sdelay $0x4  }
0x389: {  	v19 =	vadd.s32 $0xFFFFFE08, v18  }
0x38a: {  	v18 =	vshll.u32 v18, $0x7;
	vm9 =	vlt.u32 v19, $0x1F0  }
0x38b: {  	v18 =	vadd.s32 v11, v18;
	_ =	sdelay $0x4  }
0x38c: {  	[tilespmem:v18+s26+$0x0] =	vst.idx.msk vm9, v2  }
0x38d: {  	v18 =	vld [tilespmem:$0x2A0];
	_ =	sdelay $0x4  }
0x38e: {  	v19 =	vadd.s32 $0xFFFFFE08, v18  }
0x38f: {  	v18 =	vshll.u32 v18, $0x7;
	vm10 =	vlt.u32 v19, $0x1F0  }
0x390: {  	v18 =	vadd.s32 v12, v18;
	_ =	sdelay $0x4  }
0x391: {  	[tilespmem:v18+s26+$0x0] =	vst.idx.msk vm10, v2  }
0x392: {  	v18 =	vld [tilespmem:$0x2B0];
	_ =	sdelay $0x4  }
0x393: {  	v19 =	vadd.s32 $0xFFFFFE08, v18  }
0x394: {  	v18 =	vshll.u32 v18, $0x7;
	vm11 =	vlt.u32 v19, $0x1F0  }
0x395: {  	v18 =	vadd.s32 v13, v18;
	_ =	sdelay $0x4  }
0x396: {  	[tilespmem:v18+s26+$0x0] =	vst.idx.msk vm11, v2  }
0x397: {  	v18 =	vld [tilespmem:$0x2C0];
	_ =	sdelay $0x4  }
0x398: {  	v19 =	vadd.s32 $0xFFFFFE08, v18  }
0x399: {  	v18 =	vshll.u32 v18, $0x7;
	vm12 =	vlt.u32 v19, $0x1F0  }
0x39a: {  	v18 =	vadd.s32 v14, v18;
	_ =	sdelay $0x4  }
0x39b: {  	[tilespmem:v18+s26+$0x0] =	vst.idx.msk vm12, v2  }
0x39c: {  	v18 =	vld [tilespmem:$0x2D0];
	_ =	sdelay $0x4  }
0x39d: {  	v19 =	vadd.s32 $0xFFFFFE08, v18  }
0x39e: {  	v18 =	vshll.u32 v18, $0x7;
	vm13 =	vlt.u32 v19, $0x1F0  }
0x39f: {  	v18 =	vadd.s32 v15, v18;
	_ =	sdelay $0x4  }
0x3a0: {  	[tilespmem:v18+s26+$0x0] =	vst.idx.msk vm13, v2  }
0x3a1: {  	v18 =	vld [tilespmem:$0x2E0];
	_ =	sdelay $0x4  }
0x3a2: {  	v19 =	vadd.s32 $0xFFFFFE08, v18  }
0x3a3: {  	v18 =	vshll.u32 v18, $0x7;
	vm14 =	vlt.u32 v19, $0x1F0  }
0x3a4: {  	v18 =	vadd.s32 v16, v18;
	_ =	sdelay $0x4  }
0x3a5: {  	[tilespmem:v18+s26+$0x0] =	vst.idx.msk vm14, v2  }
0x3a6: {  	v18 =	vld [tilespmem:$0x2F0];
	_ =	sdelay $0x4  }
0x3a7: {  	v19 =	vadd.s32 $0xFFFFFE08, v18  }
0x3a8: {  	v18 =	vshll.u32 v18, $0x7;
	vm15 =	vlt.u32 v19, $0x1F0  }
0x3a9: {  	v18 =	vadd.s32 v17, v18;
	_ =	sdelay $0x4  }
.Ltmp4:
0x3aa: {  	[tilespmem:v18+s26+$0x0] =	vst.idx.msk vm15, v2;
	(pc) =	sbr.rel @p0 .LBB2_7-.Ltmp4, $4  }
0x3ab: {  	[hbm4b:s22+s1] =	stream.strided.scatter [tilespmem:s26], [sflag:$0x3], $0xF800, s25, s1, $0x38;
	[tilespmem:$0x1F780] =	vst v63  }
0x3ac: {  	_ =	swait.ge [sflag:s28], $0xFC00  }
0x3ad: {  	[sflag:s28] =	ssyncset.done $0x0  }
0x3ae: {  	[sflag:s28] =	ssyncadd.s32 $0xFFFF0400  }
0x3af: {  	v18 =	vld [tilespmem:$0x280];
	_ =	sdelay $0x4  }
0x3b0: {  	vm0 =	vlt.u32 v18, $0x1F8;
	v18 =	vshll.u32 v18, $0x7  }
0x3b1: {  	v18 =	vor.u32 v1, v18;
	_ =	sdelay $0x4  }
0x3b2: {  	[tilespmem:v18+s0+$0x0] =	vst.idx.msk vm0, v0  }
0x3b3: {  	v18 =	vld [tilespmem:$0x290];
	_ =	sdelay $0x4  }
0x3b4: {  	vm9 =	vlt.u32 v18, $0x1F8;
	v18 =	vshll.u32 v18, $0x7  }
0x3b5: {  	v18 =	vor.u32 v3, v18;
	_ =	sdelay $0x4  }
0x3b6: {  	[tilespmem:v18+s0+$0x0] =	vst.idx.msk vm9, v0  }
0x3b7: {  	v18 =	vld [tilespmem:$0x2A0];
	_ =	sdelay $0x4  }
0x3b8: {  	vm10 =	vlt.u32 v18, $0x1F8;
	v18 =	vshll.u32 v18, $0x7  }
0x3b9: {  	v18 =	vor.u32 v4, v18;
	_ =	sdelay $0x4  }
0x3ba: {  	[tilespmem:v18+s0+$0x0] =	vst.idx.msk vm10, v0  }
0x3bb: {  	v18 =	vld [tilespmem:$0x2B0];
	_ =	sdelay $0x4  }
0x3bc: {  	vm11 =	vlt.u32 v18, $0x1F8;
	v18 =	vshll.u32 v18, $0x7  }
0x3bd: {  	v18 =	vor.u32 v5, v18;
	_ =	sdelay $0x4  }
0x3be: {  	[tilespmem:v18+s0+$0x0] =	vst.idx.msk vm11, v0  }
0x3bf: {  	v18 =	vld [tilespmem:$0x2C0];
	_ =	sdelay $0x4  }
0x3c0: {  	vm12 =	vlt.u32 v18, $0x1F8;
	v18 =	vshll.u32 v18, $0x7  }
0x3c1: {  	v18 =	vor.u32 v6, v18;
	_ =	sdelay $0x4  }
0x3c2: {  	[tilespmem:v18+s0+$0x0] =	vst.idx.msk vm12, v0  }
0x3c3: {  	v18 =	vld [tilespmem:$0x2D0];
	_ =	sdelay $0x4  }
0x3c4: {  	vm13 =	vlt.u32 v18, $0x1F8;
	v18 =	vshll.u32 v18, $0x7  }
0x3c5: {  	v18 =	vor.u32 v7, v18;
	_ =	sdelay $0x4  }
0x3c6: {  	[tilespmem:v18+s0+$0x0] =	vst.idx.msk vm13, v0  }
0x3c7: {  	v18 =	vld [tilespmem:$0x2E0];
	_ =	sdelay $0x4  }
0x3c8: {  	vm14 =	vlt.u32 v18, $0x1F8;
	v18 =	vshll.u32 v18, $0x7  }
0x3c9: {  	v18 =	vor.u32 v8, v18;
	_ =	sdelay $0x4  }
0x3ca: {  	[tilespmem:v18+s0+$0x0] =	vst.idx.msk vm14, v0  }
0x3cb: {  	v18 =	vld [tilespmem:$0x2F0];
	_ =	sdelay $0x4  }
0x3cc: {  	vm15 =	vlt.u32 v18, $0x1F8;
	v18 =	vshll.u32 v18, $0x7  }
0x3cd: {  	v18 =	vor.u32 v9, v18;
	_ =	sdelay $0x4  }
0x3ce: {  	[tilespmem:v18+s0+$0x0] =	vst.idx.msk vm15, v0  }
0x3cf: {  	v18 =	vld [tilespmem:$0x300];
	_ =	sdelay $0x4  }
0x3d0: {  	vm4 =	vlt.u32 v18, $0x1F8;
	v18 =	vshll.u32 v18, $0x7  }
0x3d1: {  	v18 =	vor.u32 v1, v18;
	_ =	sdelay $0x4  }
0x3d2: {  	[tilespmem:v18+s0+$0x0] =	vst.idx.msk vm4, v2  }
0x3d3: {  	v18 =	vld [tilespmem:$0x310];
	_ =	sdelay $0x4  }
0x3d4: {  	vm5 =	vlt.u32 v18, $0x1F8;
	v18 =	vshll.u32 v18, $0x7  }
0x3d5: {  	v18 =	vor.u32 v3, v18;
	_ =	sdelay $0x4  }
0x3d6: {  	[tilespmem:v18+s0+$0x0] =	vst.idx.msk vm5, v2  }
0x3d7: {  	v18 =	vld [tilespmem:$0x320];
	_ =	sdelay $0x4  }
0x3d8: {  	vm6 =	vlt.u32 v18, $0x1F8;
	v18 =	vshll.u32 v18, $0x7  }
0x3d9: {  	v18 =	vor.u32 v4, v18;
	_ =	sdelay $0x4  }
0x3da: {  	[tilespmem:v18+s0+$0x0] =	vst.idx.msk vm6, v2  }
0x3db: {  	v18 =	vld [tilespmem:$0x330];
	_ =	sdelay $0x4  }
0x3dc: {  	vm7 =	vlt.u32 v18, $0x1F8;
	v18 =	vshll.u32 v18, $0x7  }
0x3dd: {  	v18 =	vor.u32 v5, v18;
	_ =	sdelay $0x4  }
0x3de: {  	[tilespmem:v18+s0+$0x0] =	vst.idx.msk vm7, v2  }
0x3df: {  	v18 =	vld [tilespmem:$0x340];
	_ =	sdelay $0x4  }
0x3e0: {  	vm8 =	vlt.u32 v18, $0x1F8;
	v18 =	vshll.u32 v18, $0x7  }
0x3e1: {  	v18 =	vor.u32 v6, v18;
	_ =	sdelay $0x4  }
0x3e2: {  	[tilespmem:v18+s0+$0x0] =	vst.idx.msk vm8, v2  }
0x3e3: {  	v18 =	vld [tilespmem:$0x350];
	_ =	sdelay $0x4  }
0x3e4: {  	vm9 =	vlt.u32 v18, $0x1F8;
	v18 =	vshll.u32 v18, $0x7  }
0x3e5: {  	v18 =	vor.u32 v7, v18;
	_ =	sdelay $0x4  }
0x3e6: {  	[tilespmem:v18+s0+$0x0] =	vst.idx.msk vm9, v2  }
0x3e7: {  	v18 =	vld [tilespmem:$0x360];
	_ =	sdelay $0x4  }
0x3e8: {  	vm10 =	vlt.u32 v18, $0x1F8;
	v18 =	vshll.u32 v18, $0x7  }
0x3e9: {  	v18 =	vor.u32 v8, v18;
	_ =	sdelay $0x4  }
0x3ea: {  	[tilespmem:v18+s0+$0x0] =	vst.idx.msk vm10, v2  }
0x3eb: {  	v18 =	vld [tilespmem:$0x370];
	_ =	sdelay $0x4  }
0x3ec: {  	vm11 =	vlt.u32 v18, $0x1F8;
	v18 =	vshll.u32 v18, $0x7  }
0x3ed: {  	v18 =	vor.u32 v9, v18;
	_ =	sdelay $0x4  }
0x3ee: {  	s20 =	rddreg [dreg:$0x3];
	[tilespmem:v18+s0+$0x0] =	vst.idx.msk vm11, v2  }
0x3ef: {  	[hbm4b:s20+s1] =	stream.strided.scatter [tilespmem:s0], [sflag:$0x2], $0xFC00, s25, s1, $0x38;
	[tilespmem:$0x1F780] =	vst v63  }
0x3f0: {  	_ =	swait.ge [sflag:s29], $0xF800  }
0x3f1: {  	[sflag:s29] =	ssyncset.done $0x0  }
0x3f2: {  	[sflag:s29] =	ssyncadd.s32 $0xFFFF0800  }
0x3f3: {  	v18 =	vld [tilespmem:$0x280];
	_ =	sdelay $0x4  }
0x3f4: {  	v19 =	vadd.s32 $0xFFFFFE08, v18  }
0x3f5: {  	v18 =	vshll.u32 v18, $0x7;
	vm12 =	vlt.u32 v19, $0x1F0  }
0x3f6: {  	v18 =	vadd.s32 v10, v18;
	_ =	sdelay $0x4  }
0x3f7: {  	[tilespmem:v18+s26+$0x0] =	vst.idx.msk vm12, v0  }
0x3f8: {  	v18 =	vld [tilespmem:$0x290];
	_ =	sdelay $0x4  }
0x3f9: {  	v19 =	vadd.s32 $0xFFFFFE08, v18  }
0x3fa: {  	v18 =	vshll.u32 v18, $0x7;
	vm13 =	vlt.u32 v19, $0x1F0  }
0x3fb: {  	v18 =	vadd.s32 v11, v18;
	_ =	sdelay $0x4  }
0x3fc: {  	[tilespmem:v18+s26+$0x0] =	vst.idx.msk vm13, v0  }
0x3fd: {  	v18 =	vld [tilespmem:$0x2A0];
	_ =	sdelay $0x4  }
0x3fe: {  	v19 =	vadd.s32 $0xFFFFFE08, v18  }
0x3ff: {  	v18 =	vshll.u32 v18, $0x7;
	vm14 =	vlt.u32 v19, $0x1F0  }
0x400: {  	v18 =	vadd.s32 v12, v18;
	_ =	sdelay $0x4  }
0x401: {  	[tilespmem:v18+s26+$0x0] =	vst.idx.msk vm14, v0  }
0x402: {  	v18 =	vld [tilespmem:$0x2B0];
	_ =	sdelay $0x4  }
0x403: {  	v19 =	vadd.s32 $0xFFFFFE08, v18  }
0x404: {  	v18 =	vshll.u32 v18, $0x7;
	vm15 =	vlt.u32 v19, $0x1F0  }
0x405: {  	v18 =	vadd.s32 v13, v18;
	_ =	sdelay $0x4  }
0x406: {  	[tilespmem:v18+s26+$0x0] =	vst.idx.msk vm15, v0  }
0x407: {  	v18 =	vld [tilespmem:$0x2C0];
	_ =	sdelay $0x4  }
0x408: {  	v19 =	vadd.s32 $0xFFFFFE08, v18  }
0x409: {  	v18 =	vshll.u32 v18, $0x7;
	vm4 =	vlt.u32 v19, $0x1F0  }
0x40a: {  	v18 =	vadd.s32 v14, v18;
	_ =	sdelay $0x4  }
0x40b: {  	[tilespmem:v18+s26+$0x0] =	vst.idx.msk vm4, v0  }
0x40c: {  	v18 =	vld [tilespmem:$0x2D0];
	_ =	sdelay $0x4  }
0x40d: {  	v19 =	vadd.s32 $0xFFFFFE08, v18  }
0x40e: {  	v18 =	vshll.u32 v18, $0x7;
	vm5 =	vlt.u32 v19, $0x1F0  }
0x40f: {  	v18 =	vadd.s32 v15, v18;
	_ =	sdelay $0x4  }
0x410: {  	[tilespmem:v18+s26+$0x0] =	vst.idx.msk vm5, v0  }
0x411: {  	v18 =	vld [tilespmem:$0x2E0];
	_ =	sdelay $0x4  }
0x412: {  	v19 =	vadd.s32 $0xFFFFFE08, v18  }
0x413: {  	v18 =	vshll.u32 v18, $0x7;
	vm6 =	vlt.u32 v19, $0x1F0  }
0x414: {  	v18 =	vadd.s32 v16, v18;
	_ =	sdelay $0x4  }
0x415: {  	[tilespmem:v18+s26+$0x0] =	vst.idx.msk vm6, v0  }
0x416: {  	v18 =	vld [tilespmem:$0x2F0];
	_ =	sdelay $0x4  }
0x417: {  	v19 =	vadd.s32 $0xFFFFFE08, v18  }
0x418: {  	v18 =	vshll.u32 v18, $0x7;
	vm7 =	vlt.u32 v19, $0x1F0  }
0x419: {  	v18 =	vadd.s32 v17, v18;
	_ =	sdelay $0x4  }
0x41a: {  	[tilespmem:v18+s26+$0x0] =	vst.idx.msk vm7, v0  }
0x41b: {  	v18 =	vld [tilespmem:$0x300];
	_ =	sdelay $0x4  }
0x41c: {  	v19 =	vadd.s32 $0xFFFFFE08, v18  }
0x41d: {  	v18 =	vshll.u32 v18, $0x7;
	vm8 =	vlt.u32 v19, $0x1F0  }
0x41e: {  	v18 =	vadd.s32 v10, v18;
	_ =	sdelay $0x4  }
0x41f: {  	[tilespmem:v18+s26+$0x0] =	vst.idx.msk vm8, v2  }
0x420: {  	v18 =	vld [tilespmem:$0x310];
	_ =	sdelay $0x4  }
0x421: {  	v19 =	vadd.s32 $0xFFFFFE08, v18  }
0x422: {  	v18 =	vshll.u32 v18, $0x7;
	vm9 =	vlt.u32 v19, $0x1F0  }
0x423: {  	v18 =	vadd.s32 v11, v18;
	_ =	sdelay $0x4  }
0x424: {  	[tilespmem:v18+s26+$0x0] =	vst.idx.msk vm9, v2  }
0x425: {  	v18 =	vld [tilespmem:$0x320];
	_ =	sdelay $0x4  }
0x426: {  	v19 =	vadd.s32 $0xFFFFFE08, v18  }
0x427: {  	v18 =	vshll.u32 v18, $0x7;
	vm10 =	vlt.u32 v19, $0x1F0  }
0x428: {  	v18 =	vadd.s32 v12, v18;
	_ =	sdelay $0x4  }
0x429: {  	[tilespmem:v18+s26+$0x0] =	vst.idx.msk vm10, v2  }
0x42a: {  	v18 =	vld [tilespmem:$0x330];
	_ =	sdelay $0x4  }
0x42b: {  	v19 =	vadd.s32 $0xFFFFFE08, v18  }
0x42c: {  	v18 =	vshll.u32 v18, $0x7;
	vm11 =	vlt.u32 v19, $0x1F0  }
0x42d: {  	v18 =	vadd.s32 v13, v18;
	_ =	sdelay $0x4  }
0x42e: {  	[tilespmem:v18+s26+$0x0] =	vst.idx.msk vm11, v2  }
0x42f: {  	v18 =	vld [tilespmem:$0x340];
	_ =	sdelay $0x4  }
0x430: {  	v19 =	vadd.s32 $0xFFFFFE08, v18  }
0x431: {  	v18 =	vshll.u32 v18, $0x7;
	vm12 =	vlt.u32 v19, $0x1F0  }
0x432: {  	v18 =	vadd.s32 v14, v18;
	_ =	sdelay $0x4  }
0x433: {  	[tilespmem:v18+s26+$0x0] =	vst.idx.msk vm12, v2  }
0x434: {  	v18 =	vld [tilespmem:$0x350];
	_ =	sdelay $0x4  }
0x435: {  	v19 =	vadd.s32 $0xFFFFFE08, v18  }
0x436: {  	v18 =	vshll.u32 v18, $0x7;
	vm13 =	vlt.u32 v19, $0x1F0  }
0x437: {  	v18 =	vadd.s32 v15, v18;
	_ =	sdelay $0x4  }
0x438: {  	[tilespmem:v18+s26+$0x0] =	vst.idx.msk vm13, v2  }
0x439: {  	v18 =	vld [tilespmem:$0x360];
	_ =	sdelay $0x4  }
0x43a: {  	v19 =	vadd.s32 $0xFFFFFE08, v18  }
0x43b: {  	v18 =	vshll.u32 v18, $0x7;
	vm14 =	vlt.u32 v19, $0x1F0  }
0x43c: {  	v18 =	vadd.s32 v16, v18;
	_ =	sdelay $0x4  }
0x43d: {  	[tilespmem:v18+s26+$0x0] =	vst.idx.msk vm14, v2  }
0x43e: {  	v18 =	vld [tilespmem:$0x370];
	_ =	sdelay $0x4  }
0x43f: {  	v19 =	vadd.s32 $0xFFFFFE08, v18  }
0x440: {  	v18 =	vshll.u32 v18, $0x7;
	vm15 =	vlt.u32 v19, $0x1F0  }
0x441: {  	v18 =	vadd.s32 v17, v18;
	_ =	sdelay $0x4  }
.Ltmp5:
0x442: {  	s23 =	rddreg [dreg:$0x4];
	[tilespmem:v18+s26+$0x0] =	vst.idx.msk vm15, v2;
	(pc) =	sbr.rel .LBB2_7-.Ltmp5, $4  }
0x443: {  	[hbm4b:s23+s1] =	stream.strided.scatter [tilespmem:s26], [sflag:$0x3], $0xF800, s25, s1, $0x38;
	[tilespmem:$0x1F780] =	vst v63  }
0x444: {  	_ =	swait.ge [sflag:s28], $0xFC00  }
0x445: {  	[sflag:s28] =	ssyncset.done $0x0  }
0x446: {  	[sflag:s28] =	ssyncadd.s32 $0xFFFF0400  }
.LBB2_8:
0x447: {  	_ =	sfence.sel $0x180000  }
0x448: {  	[bflag:$0x0] =	sbarrier.arrive $0xFFFF  }
0x449: {  	_ =	strace $0x90000047  }
0x44a: {  	s0 =	stileid.u32;
	[bflag:$0x2] =	sbarrier.arrive $0xFFFF  }
0x44b: {  	p0 =	sne.s32 s0, $0x0;
	s0 =	rddreg [dreg:$0x2]  }
0x44c: {  	s0 =	sadd.s32 @!p0 $0x100000, s0  }
0x44d: {  	[sflag:s0] =	ssyncadd.tile.s32 @!p0 $0x1;
	_ =	shalt  }
.Lfunc_end2:
_tile_overlayer_lowered:
.L_overlay_start_2:
0x44e: {  	(tag) =	ssettag $0x2  }
0x44f: {  	s0 =	rddreg [dreg:$0x0];
	s2 =	stileid.u32  }
0x450: {  	s1 =	rddreg [dreg:$0x1];
	p0 =	sne.s32 s2, $0x0  }
0x451: {  	s3 =	rddreg [dreg:$0x2];
	[bflag:$0x3] =	sbarrier.arrive $0xFFFF;
	s2 =	simm.s32 @!p0 $0x1C04  }
0x452: {  	[timem:s3], [sflag:s2] =	dma.local @!p0 [hbm:s0], s1  }
0x453: {  	s0 =	simm.s32 @!p0 $0x4  }
0x454: {  	_ =	swait.ge @!p0 [sflag:s0], s1  }
0x455: {  	s1 =	ssub.s32 @!p0 $0x0, s1;
	[sflag:s0] =	ssyncset.done @!p0 $0x0  }
0x456: {  	[sflag:s0] =	ssyncadd.s32 @!p0 s1  }
0x457: {  	[bflag:$0x3] =	sbarrier.arrive $0xFFFF  }
0x458: {  	_ =	shalt  }

</sc_bundles>
